<compile_context>
chip_gen: v7x
topology: tpu7x:2x2x1
jax: 0.10.2.dev20260603
libtpu: 0.0.44.dev20260713+nightly
codegen_flags: <defaults>
</compile_context>

<pallas_src>
import functools

import jax
import jax.numpy as jnp
from jax import lax
from jax.experimental import pallas as pl
from jax.experimental.pallas import tpu as pltpu
from jax.experimental.pallas import tpu_sc as plsc

N_NODES = 10000
N_SRC = 5000
N_EDGES = 320000
HIDDEN = 128
HEADS = 8
DH = 16

NW = 32
EPW = 10240
EPAD = NW * EPW
CH = 128
NCH = EPW // CH
PD = 5120
RPT = PD // 16
NEG_SLOPE = 0.2


def _dense_body(x_ref, w_ref, alr_ref, feat_ref, elr_ref):
    feat = jnp.dot(x_ref[...], w_ref[...], preferred_element_type=jnp.float32)
    feat_ref[...] = feat
    elr_ref[...] = jnp.dot(feat, alr_ref[...], preferred_element_type=jnp.float32)


def _dense(x, W, ALR):
    blk = 1000
    return pl.pallas_call(
        _dense_body,
        grid=(N_NODES // blk,),
        in_specs=[
            pl.BlockSpec((blk, HIDDEN), lambda i: (i, 0)),
            pl.BlockSpec((HIDDEN, HIDDEN), lambda i: (0, 0)),
            pl.BlockSpec((HIDDEN, HIDDEN), lambda i: (0, 0)),
        ],
        out_specs=[
            pl.BlockSpec((blk, HIDDEN), lambda i: (i, 0)),
            pl.BlockSpec((blk, HIDDEN), lambda i: (i, 0)),
        ],
        out_shape=[
            jax.ShapeDtypeStruct((N_NODES, HIDDEN), jnp.float32),
            jax.ShapeDtypeStruct((N_NODES, HIDDEN), jnp.float32),
        ],
    )(x, W, ALR)


def _edge_body(ei_ref, s_ref, d_ref):
    i = pl.program_id(0)
    f = (i * 16384
         + lax.broadcasted_iota(jnp.int32, (128, 128), 0) * 128
         + lax.broadcasted_iota(jnp.int32, (128, 128), 1))
    real = f < N_EDGES
    e0 = ei_ref[0]
    e1 = ei_ref[1]
    s_ref[...] = jnp.where(real, e0 % N_SRC, f % N_SRC)
    d_ref[...] = jnp.where(real, e1 % N_SRC, N_SRC + f % (PD - N_SRC))


def _edges(ei3):
    rows = EPAD // 128
    return pl.pallas_call(
        _edge_body,
        grid=(rows // 128,),
        in_specs=[pl.BlockSpec((2, 128, 128), lambda i: (0, i, 0))],
        out_specs=[
            pl.BlockSpec((128, 128), lambda i: (i, 0)),
            pl.BlockSpec((128, 128), lambda i: (i, 0)),
        ],
        out_shape=[
            jax.ShapeDtypeStruct((rows, 128), jnp.int32),
            jax.ShapeDtypeStruct((rows, 128), jnp.int32),
        ],
    )(ei3)


def _sc_body(elr_hbm, feat_hbm, sidx_hbm, didx_hbm,
             rst_out, denx_out,
             sidx_v, didx_v, featbuf, msgbuf, wbuf, elbuf, erbuf, elbuf2,
             erbuf2, den_v, el_sh, er_sh, rst_sh, den_sh,
             seme, semf, semd, semr):
    cid = lax.axis_index("c")
    sid = lax.axis_index("s")

    w = cid * 16 + sid
    pltpu.sync_copy(sidx_hbm.at[pl.ds(w * NCH, NCH)], sidx_v)
    pltpu.sync_copy(didx_hbm.at[pl.ds(w * NCH, NCH)], didx_v)

    rows_fill = N_SRC // 8

    @pl.when(sid < 8)
    def _fill_el():
        pltpu.sync_copy(
            elr_hbm.at[pl.ds(sid * rows_fill, rows_fill), pl.ds(0, HEADS)],
            el_sh.at[pl.ds(sid * rows_fill, rows_fill)])

    @pl.when(sid >= 8)
    def _fill_er():
        pltpu.sync_copy(
            elr_hbm.at[pl.ds(N_SRC + (sid - 8) * rows_fill, rows_fill),
                       pl.ds(HEADS, HEADS)],
            er_sh.at[pl.ds((sid - 8) * rows_fill, rows_fill)])

    zf = jnp.zeros((16,), jnp.float32)
    i16 = lax.broadcasted_iota(jnp.int32, (16,), 0)

    @plsc.parallel_loop(0, CH, 1, unroll=4)
    def _zrow(i):
        for j in range(HIDDEN // 16):
            featbuf[i, pl.ds(j * 16, 16)] = zf

    @plsc.parallel_loop(0, CH * HEADS // 16, 1, unroll=4)
    def _zw(k):
        kk = k * 16 + i16
        plsc.store_scatter(wbuf, [kk // HEADS, kk % HEADS], zf)

    base = sid * RPT
    pltpu.sync_copy(featbuf, rst_sh.at[pl.ds(base, CH)])
    pltpu.sync_copy(featbuf, rst_sh.at[pl.ds(base + CH, CH)])
    pltpu.sync_copy(featbuf.at[pl.ds(0, RPT - 2 * CH)],
                    rst_sh.at[pl.ds(base + 2 * CH, RPT - 2 * CH)])
    pltpu.sync_copy(wbuf, den_sh.at[pl.ds(base, CH)])
    pltpu.sync_copy(wbuf, den_sh.at[pl.ds(base + CH, CH)])
    pltpu.sync_copy(wbuf.at[pl.ds(0, RPT - 2 * CH)],
                    den_sh.at[pl.ds(base + 2 * CH, RPT - 2 * CH)])

    @pl.when(sid == 15)
    def _zero_er_pad():
        pltpu.sync_copy(wbuf.at[pl.ds(0, PD - N_SRC)],
                        er_sh.at[pl.ds(N_SRC, PD - N_SRC)])

    plsc.subcore_barrier()

    elbufs = (elbuf, elbuf2)
    erbufs = (erbuf, erbuf2)

    pltpu.async_copy(el_sh.at[sidx_v.at[0]], elbufs[0], seme)
    pltpu.async_copy(er_sh.at[didx_v.at[0]], erbufs[0], seme)
    pltpu.async_copy(feat_hbm.at[sidx_v.at[0]], featbuf, semf)

    def _chunk(c, par):
        elb, erb = elbufs[par], erbufs[par]
        pltpu.make_async_copy(el_sh.at[sidx_v.at[c]], elb, seme).wait()
        pltpu.make_async_copy(er_sh.at[didx_v.at[c]], erb, seme).wait()

        @pl.when(c >= 1)
        def _wait_den():
            pltpu.make_async_copy(wbuf, den_sh.at[didx_v.at[0]], semd).wait()

        @plsc.parallel_loop(0, CH * HEADS // 16, 1, unroll=4)
        def _wcalc(p):
            fl = p * 16 + i16
            rows = fl // HEADS
            cols = fl % HEADS
            z = (plsc.load_gather(elb, [rows, cols])
                 + plsc.load_gather(erb, [rows, cols]))
            wv = jnp.exp(jnp.where(z > 0, z, z * NEG_SLOPE))
            plsc.store_scatter(wbuf, [rows, cols], wv)

        pltpu.async_copy(wbuf, den_sh.at[didx_v.at[c]], semd, add=True)

        @pl.when(c + 1 < NCH)
        def _prefetch():
            pltpu.async_copy(el_sh.at[sidx_v.at[c + 1]], elbufs[1 - par], seme)
            pltpu.async_copy(er_sh.at[didx_v.at[c + 1]], erbufs[1 - par], seme)

        pltpu.make_async_copy(feat_hbm.at[sidx_v.at[c]], featbuf, semf).wait()

        @pl.when(c >= 1)
        def _wait_rst():
            pltpu.make_async_copy(msgbuf, rst_sh.at[didx_v.at[0]], semr).wait()

        @plsc.parallel_loop(0, CH // 2, 1, unroll=2)
        def _scale(p):
            fl = p * 16 + i16
            wrow = plsc.load_gather(wbuf, [fl // HEADS, fl % HEADS])
            for h in range(HEADS):
                sl = pl.ds(h * DH, DH)
                msgbuf[2 * p, sl] = featbuf[2 * p, sl] * wrow[h]
                msgbuf[2 * p + 1, sl] = featbuf[2 * p + 1, sl] * wrow[HEADS + h]

        @pl.when(c + 1 < NCH)
        def _prefetch_feat():
            pltpu.async_copy(feat_hbm.at[sidx_v.at[c + 1]], featbuf, semf)

        pltpu.async_copy(msgbuf, rst_sh.at[didx_v.at[c]], semr, add=True)

    def _chunk2(cc, _):
        _chunk(2 * cc, 0)
        _chunk(2 * cc + 1, 1)
        return 0

    lax.fori_loop(0, NCH // 2, _chunk2, 0)
    pltpu.make_async_copy(wbuf, den_sh.at[didx_v.at[0]], semd).wait()
    pltpu.make_async_copy(msgbuf, rst_sh.at[didx_v.at[0]], semr).wait()
    plsc.subcore_barrier()

    pltpu.sync_copy(rst_sh.at[pl.ds(base, RPT)],
                    rst_out.at[cid, pl.ds(base, RPT)])

    pltpu.sync_copy(den_sh.at[pl.ds(base, RPT)], den_v)
    for g in range(3):
        rows = CH if g < 2 else RPT - 2 * CH

        @plsc.parallel_loop(0, rows, 1, unroll=2)
        def _exp(r):
            for h in range(HEADS):
                val = plsc.load_gather(
                    den_v, [jnp.full((16,), g * CH + r, jnp.int32),
                            jnp.full((16,), h, jnp.int32)])
                featbuf[r, pl.ds(h * DH, DH)] = val
        pltpu.sync_copy(featbuf.at[pl.ds(0, rows)],
                        denx_out.at[cid, pl.ds(base + g * CH, rows)])


def _sc_pass(elr, feat, sidx, didx):
    mesh = plsc.VectorSubcoreMesh(core_axis_name="c", subcore_axis_name="s")
    fn = functools.partial(
        pl.kernel,
        mesh=mesh,
        compiler_params=pltpu.CompilerParams(needs_layout_passes=False,
                                             use_tc_tiling_on_sc=False),
        out_type=[
            jax.ShapeDtypeStruct((2, PD, HIDDEN), jnp.float32),
            jax.ShapeDtypeStruct((2, PD, HIDDEN), jnp.float32),
        ],
        scratch_types=[
            pltpu.VMEM((NCH, CH), jnp.int32),
            pltpu.VMEM((NCH, CH), jnp.int32),
            pltpu.VMEM((CH, HIDDEN), jnp.float32),
            pltpu.VMEM((CH, HIDDEN), jnp.float32),
            pltpu.VMEM((CH, HEADS), jnp.float32),
            pltpu.VMEM((CH, HEADS), jnp.float32),
            pltpu.VMEM((CH, HEADS), jnp.float32),
            pltpu.VMEM((CH, HEADS), jnp.float32),
            pltpu.VMEM((CH, HEADS), jnp.float32),
            pltpu.VMEM((RPT, HEADS), jnp.float32),
            pltpu.VMEM_SHARED((N_SRC, HEADS), jnp.float32),
            pltpu.VMEM_SHARED((PD, HEADS), jnp.float32),
            pltpu.VMEM_SHARED((PD, HIDDEN), jnp.float32),
            pltpu.VMEM_SHARED((PD, HEADS), jnp.float32),
            pltpu.SemaphoreType.DMA,
            pltpu.SemaphoreType.DMA,
            pltpu.SemaphoreType.DMA,
            pltpu.SemaphoreType.DMA,
        ],
    )(_sc_body)
    return fn(elr, feat, sidx, didx)


def _combine_body(r0_ref, r1_ref, d0_ref, d1_ref, elr_ref, feat_ref,
                  bias_ref, out_ref):
    el = elr_ref[:, 0:HEADS]
    er = elr_ref[:, HEADS:2 * HEADS]
    zs = el + er
    wself = jnp.exp(jnp.where(zs > 0, zs, zs * NEG_SLOPE))
    b = bias_ref[...]
    for h in range(HEADS):
        sl = slice(h * DH, (h + 1) * DH)
        wcol = wself[:, h:h + 1]
        num = r0_ref[0][:, sl] + r1_ref[0][:, sl] + wcol * feat_ref[:, sl]
        den = d0_ref[0][:, sl] + d1_ref[0][:, sl] + wcol + 1e-9
        out_ref[:, sl] = num / den + b[:, sl]


def _combine(rstp, denxp, elr, feat, bias2d):
    blk = 1000
    return pl.pallas_call(
        _combine_body,
        grid=(N_SRC // blk,),
        in_specs=[
            pl.BlockSpec((1, blk, HIDDEN), lambda i: (0, i, 0)),
            pl.BlockSpec((1, blk, HIDDEN), lambda i: (1, i, 0)),
            pl.BlockSpec((1, blk, HIDDEN), lambda i: (0, i, 0)),
            pl.BlockSpec((1, blk, HIDDEN), lambda i: (1, i, 0)),
            pl.BlockSpec((blk, HIDDEN), lambda i: (i + N_SRC // blk, 0)),
            pl.BlockSpec((blk, HIDDEN), lambda i: (i + N_SRC // blk, 0)),
            pl.BlockSpec((1, HIDDEN), lambda i: (0, 0)),
        ],
        out_specs=pl.BlockSpec((blk, HIDDEN), lambda i: (i, 0)),
        out_shape=jax.ShapeDtypeStruct((N_SRC, HIDDEN), jnp.float32),
    )(rstp, rstp, denxp, denxp, elr, feat, bias2d)


def kernel(x, edge_index, W, attn_l, attn_r, bias):
    alf = attn_l.reshape(HIDDEN)
    arf = attn_r.reshape(HIDDEN)
    sel = (jnp.arange(HIDDEN)[:, None] // DH
           == jnp.arange(HEADS)[None, :]).astype(jnp.float32)
    ALR = jnp.concatenate([alf[:, None] * sel, arf[:, None] * sel], axis=1)
    ALR = jnp.pad(ALR, ((0, 0), (0, HIDDEN - 2 * HEADS)))

    feat, elr = _dense(x, W, ALR)

    ei3 = edge_index.astype(jnp.int32).reshape(2, N_EDGES // 128, 128)
    sidx, didx = _edges(ei3)

    rstp, denxp = _sc_pass(elr, feat, sidx, didx)

    bias2d = bias.reshape(1, HIDDEN)
    return _combine(rstp, denxp, elr, feat, bias2d)

# --- scband reference (transcript-rebuilt; emitter-appended) ---
"""Pipeline reference for scband-bi-graph-contrast-layer-2911987826804 (READ-ONLY COPY).

The authoritative reference and input builder live on the scoring server;
editing this copy changes nothing except your own understanding.
"""

import jax, jax.numpy as jnp
import numpy as np

N_NODES = 10000
N_SRC = 5000
N_EDGES = 320000
IN_DIM = 128
HIDDEN = 128
HEADS = 8
DH = HIDDEN // HEADS


def setup_inputs(seed: int = 0) -> dict:
    key = jax.random.key(seed)
    k1, k2, k3, k4, k5, k6 = jax.random.split(key, 6)
    x = jax.random.normal(k1, (N_NODES, IN_DIM), dtype=jnp.float32)
    edge_index = jax.random.randint(k2, (2, N_EDGES), 0, N_NODES, dtype=jnp.int64)
    W = jax.random.normal(k3, (IN_DIM, HIDDEN), dtype=jnp.float32) * (1.0 / np.sqrt(IN_DIM))
    attn_l = jax.random.normal(k4, (HEADS, DH), dtype=jnp.float32) * 0.1
    attn_r = jax.random.normal(k5, (HEADS, DH), dtype=jnp.float32) * 0.1
    bias = jnp.zeros((HIDDEN,), dtype=jnp.float32)
    return {"x": x, "edge_index": edge_index, "W": W, "attn_l": attn_l, "attn_r": attn_r, "bias": bias}


def reference(x, edge_index, W, attn_l, attn_r, bias):
    N = x.shape[0]
    n_src = N_SRC
    # bipartite structure: src-type nodes [0, n_src), dst-type nodes [n_src, N)
    src = edge_index[0] % n_src
    dst = n_src + (edge_index[1] % (N - n_src))
    # dgl.add_self_loop on the homogeneous graph
    loop = jnp.arange(N, dtype=src.dtype)
    src = jnp.concatenate([src, loop])
    dst = jnp.concatenate([dst, loop])
    # GATConv: shared linear projection, multi-head
    feat = (x @ W).reshape(N, HEADS, DH)  # [N, H, dh]
    el = (feat * attn_l[None, :, :]).sum(-1)  # [N, H]
    er = (feat * attn_r[None, :, :]).sum(-1)  # [N, H]
    e = jax.nn.leaky_relu(el[src] + er[dst], negative_slope=0.2)  # [E, H]
    # edge softmax over incoming edges of each dst node
    m = jax.ops.segment_max(e, dst, num_segments=N)
    m = jnp.where(jnp.isfinite(m), m, 0.0)
    e_exp = jnp.exp(e - jax.lax.stop_gradient(m)[dst])
    denom = jax.ops.segment_sum(e_exp, dst, num_segments=N)
    alpha = e_exp / (denom[dst] + 1e-9)  # attn_drop=0.5 disabled (eval mode)
    msg = feat[src] * alpha[:, :, None]  # [E, H, dh]
    rst = jax.ops.segment_sum(msg, dst, num_segments=N)  # [N, H, dh]
    h = rst.reshape(N, HEADS * DH) + bias  # flatten(start_dim=1)
    # filter nodes of predict_type (dst type)
    return h[n_src:]


if False:  # reference __main__ guard neutralized (emitter)
    out = reference(**setup_inputs())
    print(out.shape)

if __name__ == "__main__":
    import jax
    _d = setup_inputs()
    print(jax.jit(kernel)(*tuple(_d.values())))

</pallas_src>

<mosaic_0001>
#map = affine_map<(d0, d1) -> (0, 0)>
#map1 = affine_map<(d0, d1) -> (0, 0, 0)>
module attributes {stable_mosaic.version = 14 : i64} {
  func.func @_sc_body(%arg0: i32, %arg1: i32, %arg2: memref<10000x128xf32, #tpu.memory_space<hbm>>, %arg3: memref<10000x128xf32, #tpu.memory_space<hbm>>, %arg4: memref<2560x128xi32, #tpu.memory_space<hbm>>, %arg5: memref<2560x128xi32, #tpu.memory_space<hbm>>, %arg6: memref<2x5120x128xf32, #tpu.memory_space<hbm>>, %arg7: memref<2x5120x128xf32, #tpu.memory_space<hbm>>, %arg8: memref<80x128xi32, #tpu.memory_space<vmem>>, %arg9: memref<80x128xi32, #tpu.memory_space<vmem>>, %arg10: memref<128x128xf32, #tpu.memory_space<vmem>>, %arg11: memref<128x128xf32, #tpu.memory_space<vmem>>, %arg12: memref<128x8xf32, #tpu.memory_space<vmem>>, %arg13: memref<128x8xf32, #tpu.memory_space<vmem>>, %arg14: memref<128x8xf32, #tpu.memory_space<vmem>>, %arg15: memref<128x8xf32, #tpu.memory_space<vmem>>, %arg16: memref<128x8xf32, #tpu.memory_space<vmem>>, %arg17: memref<320x8xf32, #tpu.memory_space<vmem>>, %arg18: memref<5000x8xf32, #tpu.memory_space<vmem_shared>>, %arg19: memref<5120x8xf32, #tpu.memory_space<vmem_shared>>, %arg20: memref<5120x128xf32, #tpu.memory_space<vmem_shared>>, %arg21: memref<5120x8xf32, #tpu.memory_space<vmem_shared>>, %arg22: memref<!tpu.dma_semaphore, #tpu.memory_space<semaphore_mem>>, %arg23: memref<!tpu.dma_semaphore, #tpu.memory_space<semaphore_mem>>, %arg24: memref<!tpu.dma_semaphore, #tpu.memory_space<semaphore_mem>>, %arg25: memref<!tpu.dma_semaphore, #tpu.memory_space<semaphore_mem>>) attributes {dimension_semantics = [#tpu.dimension_semantics<core_parallel>, #tpu.dimension_semantics<subcore_parallel>], iteration_bounds = array<i64: 2, 16>, scalar_prefetch = 0 : i64, scratch_operands = 18 : i64, tpu.core_type = #tpu.core_type<sc_vector_subcore>, window_params = [{transform_indices = #map}, {transform_indices = #map}, {transform_indices = #map}, {transform_indices = #map}, {transform_indices = #map1}, {transform_indices = #map1}]} {
    %mul3A = arith.constant 16 : i32
    %mul3A_0 = arith.muli %arg0, %mul3A : i32
    %add3A = arith.addi %mul3A_0, %arg1 : i32
    %mul3A_1 = arith.constant 80 : i32
    %mul3A_2 = arith.muli %add3A, %mul3A_1 : i32
    "tpu.region"() ({
      %run_scoped3A = tpu.sem_alloc : memref<!tpu.dma_semaphore, #tpu.memory_space<semaphore_mem>>
      %dma_start3A_86 = arith.constant 0 : i32
      %dma_start3A_87 = tpu.memref_slice %arg4[%mul3A_2, %dma_start3A_86] : memref<2560x128xi32, #tpu.memory_space<hbm>> -> memref<80x128xi32, #tpu.memory_space<hbm>>
      %dma_start3A_88 = arith.constant 0 : i32
      %dma_start3A_89 = tpu.memref_slice %arg4[%mul3A_2, %dma_start3A_88] : memref<2560x128xi32, #tpu.memory_space<hbm>> -> memref<80x128xi32, #tpu.memory_space<hbm>>
      tpu.enqueue_dma source(%dma_start3A_89 : memref<80x128xi32, #tpu.memory_space<hbm>>) target(%arg8 : memref<80x128xi32, #tpu.memory_space<vmem>>) target_semaphore(%run_scoped3A : memref<!tpu.dma_semaphore, #tpu.memory_space<semaphore_mem>>)
      %dma_wait3A_90 = arith.constant 0 : i32
      %dma_wait3A_91 = tpu.memref_slice %arg4[%mul3A_2, %dma_wait3A_90] : memref<2560x128xi32, #tpu.memory_space<hbm>> -> memref<80x128xi32, #tpu.memory_space<hbm>>
      %dma_wait3A_92 = arith.constant 0 : i32
      %dma_wait3A_93 = tpu.memref_slice %arg4[%mul3A_2, %dma_wait3A_92] : memref<2560x128xi32, #tpu.memory_space<hbm>> -> memref<80x128xi32, #tpu.memory_space<hbm>>
      tpu.wait_dma2 semaphore(%run_scoped3A : memref<!tpu.dma_semaphore, #tpu.memory_space<semaphore_mem>>) src(%dma_wait3A_93 : memref<80x128xi32, #tpu.memory_space<hbm>>) dst(%arg8 : memref<80x128xi32, #tpu.memory_space<vmem>>)
      tpu.yield
    }) : () -> ()
    %mul3A_3 = arith.constant 80 : i32
    %mul3A_4 = arith.muli %add3A, %mul3A_3 : i32
    "tpu.region"() ({
      %run_scoped3A = tpu.sem_alloc : memref<!tpu.dma_semaphore, #tpu.memory_space<semaphore_mem>>
      %dma_start3A_86 = arith.constant 0 : i32
      %dma_start3A_87 = tpu.memref_slice %arg5[%mul3A_4, %dma_start3A_86] : memref<2560x128xi32, #tpu.memory_space<hbm>> -> memref<80x128xi32, #tpu.memory_space<hbm>>
      %dma_start3A_88 = arith.constant 0 : i32
      %dma_start3A_89 = tpu.memref_slice %arg5[%mul3A_4, %dma_start3A_88] : memref<2560x128xi32, #tpu.memory_space<hbm>> -> memref<80x128xi32, #tpu.memory_space<hbm>>
      tpu.enqueue_dma source(%dma_start3A_89 : memref<80x128xi32, #tpu.memory_space<hbm>>) target(%arg9 : memref<80x128xi32, #tpu.memory_space<vmem>>) target_semaphore(%run_scoped3A : memref<!tpu.dma_semaphore, #tpu.memory_space<semaphore_mem>>)
      %dma_wait3A_90 = arith.constant 0 : i32
      %dma_wait3A_91 = tpu.memref_slice %arg5[%mul3A_4, %dma_wait3A_90] : memref<2560x128xi32, #tpu.memory_space<hbm>> -> memref<80x128xi32, #tpu.memory_space<hbm>>
      %dma_wait3A_92 = arith.constant 0 : i32
      %dma_wait3A_93 = tpu.memref_slice %arg5[%mul3A_4, %dma_wait3A_92] : memref<2560x128xi32, #tpu.memory_space<hbm>> -> memref<80x128xi32, #tpu.memory_space<hbm>>
      tpu.wait_dma2 semaphore(%run_scoped3A : memref<!tpu.dma_semaphore, #tpu.memory_space<semaphore_mem>>) src(%dma_wait3A_93 : memref<80x128xi32, #tpu.memory_space<hbm>>) dst(%arg9 : memref<80x128xi32, #tpu.memory_space<vmem>>)
      tpu.yield
    }) : () -> ()
    %lt3A = arith.constant 8 : i32
    %lt3A_5 = arith.cmpi slt, %arg1, %lt3A : i32
    %convert_element_type3A = arith.extui %lt3A_5 : i1 to i32
    %cond3A = arith.constant 0 : i32
    %cond3A_6 = arith.cmpi ne, %convert_element_type3A, %cond3A : i32
    scf.if %cond3A_6 {
      %mul3A_86 = arith.constant 625 : i32
      %mul3A_87 = arith.muli %arg1, %mul3A_86 : i32
      %mul3A_88 = arith.constant 625 : i32
      %mul3A_89 = arith.muli %arg1, %mul3A_88 : i32
      "tpu.region"() ({
        %run_scoped3A = tpu.sem_alloc : memref<!tpu.dma_semaphore, #tpu.memory_space<semaphore_mem>>
        %dma_start3A_90 = arith.constant 0 : i32
        %dma_start3A_91 = tpu.memref_slice %arg18[%mul3A_89, %dma_start3A_90] : memref<5000x8xf32, #tpu.memory_space<vmem_shared>> -> memref<625x8xf32, #tpu.memory_space<vmem_shared>>
        %dma_start3A_92 = arith.constant 0 : i32
        %dma_start3A_93 = tpu.memref_slice %arg2[%mul3A_87, %dma_start3A_92] : memref<10000x128xf32, #tpu.memory_space<hbm>> -> memref<625x8xf32, #tpu.memory_space<hbm>>
        tpu.enqueue_dma source(%dma_start3A_93 : memref<625x8xf32, #tpu.memory_space<hbm>>) target(%dma_start3A_91 : memref<625x8xf32, #tpu.memory_space<vmem_shared>>) target_semaphore(%run_scoped3A : memref<!tpu.dma_semaphore, #tpu.memory_space<semaphore_mem>>)
        %dma_wait3A_94 = arith.constant 0 : i32
        %dma_wait3A_95 = tpu.memref_slice %arg18[%mul3A_89, %dma_wait3A_94] : memref<5000x8xf32, #tpu.memory_space<vmem_shared>> -> memref<625x8xf32, #tpu.memory_space<vmem_shared>>
        %dma_wait3A_96 = arith.constant 0 : i32
        %dma_wait3A_97 = tpu.memref_slice %arg2[%mul3A_87, %dma_wait3A_96] : memref<10000x128xf32, #tpu.memory_space<hbm>> -> memref<625x8xf32, #tpu.memory_space<hbm>>
        tpu.wait_dma2 semaphore(%run_scoped3A : memref<!tpu.dma_semaphore, #tpu.memory_space<semaphore_mem>>) src(%dma_wait3A_97 : memref<625x8xf32, #tpu.memory_space<hbm>>) dst(%dma_wait3A_95 : memref<625x8xf32, #tpu.memory_space<vmem_shared>>)
        tpu.yield
      }) : () -> ()
    } else {
    }
    %ge3A = arith.constant 8 : i32
    %ge3A_7 = arith.cmpi sge, %arg1, %ge3A : i32
    %convert_element_type3A_8 = arith.extui %ge3A_7 : i1 to i32
    %cond3A_9 = arith.constant 0 : i32
    %cond3A_10 = arith.cmpi ne, %convert_element_type3A_8, %cond3A_9 : i32
    scf.if %cond3A_10 {
      %sub3A = arith.constant 8 : i32
      %sub3A_86 = arith.subi %arg1, %sub3A : i32
      %mul3A_87 = arith.constant 625 : i32
      %mul3A_88 = arith.muli %sub3A_86, %mul3A_87 : i32
      %add3A_89 = arith.constant 5000 : i32
      %add3A_90 = arith.addi %add3A_89, %mul3A_88 : i32
      %sub3A_91 = arith.constant 8 : i32
      %sub3A_92 = arith.subi %arg1, %sub3A_91 : i32
      %mul3A_93 = arith.constant 625 : i32
      %mul3A_94 = arith.muli %sub3A_92, %mul3A_93 : i32
      "tpu.region"() ({
        %run_scoped3A = tpu.sem_alloc : memref<!tpu.dma_semaphore, #tpu.memory_space<semaphore_mem>>
        %dma_start3A_95 = arith.constant 0 : i32
        %dma_start3A_96 = tpu.memref_slice %arg19[%mul3A_94, %dma_start3A_95] : memref<5120x8xf32, #tpu.memory_space<vmem_shared>> -> memref<625x8xf32, #tpu.memory_space<vmem_shared>>
        %dma_start3A_97 = arith.constant 8 : i32
        %dma_start3A_98 = tpu.memref_slice %arg2[%add3A_90, %dma_start3A_97] : memref<10000x128xf32, #tpu.memory_space<hbm>> -> memref<625x8xf32, #tpu.memory_space<hbm>>
        tpu.enqueue_dma source(%dma_start3A_98 : memref<625x8xf32, #tpu.memory_space<hbm>>) target(%dma_start3A_96 : memref<625x8xf32, #tpu.memory_space<vmem_shared>>) target_semaphore(%run_scoped3A : memref<!tpu.dma_semaphore, #tpu.memory_space<semaphore_mem>>)
        %dma_wait3A_99 = arith.constant 0 : i32
        %dma_wait3A_100 = tpu.memref_slice %arg19[%mul3A_94, %dma_wait3A_99] : memref<5120x8xf32, #tpu.memory_space<vmem_shared>> -> memref<625x8xf32, #tpu.memory_space<vmem_shared>>
        %dma_wait3A_101 = arith.constant 8 : i32
        %dma_wait3A_102 = tpu.memref_slice %arg2[%add3A_90, %dma_wait3A_101] : memref<10000x128xf32, #tpu.memory_space<hbm>> -> memref<625x8xf32, #tpu.memory_space<hbm>>
        tpu.wait_dma2 semaphore(%run_scoped3A : memref<!tpu.dma_semaphore, #tpu.memory_space<semaphore_mem>>) src(%dma_wait3A_102 : memref<625x8xf32, #tpu.memory_space<hbm>>) dst(%dma_wait3A_100 : memref<625x8xf32, #tpu.memory_space<vmem_shared>>)
        tpu.yield
      }) : () -> ()
    } else {
    }
    %broadcast_in_dim3A = arith.constant 0.000000e+00 : f32
    %broadcast_in_dim3A_11 = vector.broadcast %broadcast_in_dim3A : f32 to vector<16xf32>
    %iota3A = tpu.iota {dimensions = array<i32: 0>} : vector<16xi32>
    %parallel_loop3A = arith.constant 0 : i32
    %parallel_loop3A_12 = arith.constant 128 : i32
    %parallel_loop3A_13 = arith.constant 1 : i32
    scf.for %parallel_loop3A_86 = %parallel_loop3A to %parallel_loop3A_12 step %parallel_loop3A_13  : i32 {
      %parallel_loop3A_87 = arith.index_cast %parallel_loop3A_86 : i32 to index
      %parallel_loop3A_88 = arith.constant 0 : index
      %parallel_loop3A_89 = tpu.vector_load %arg10[%parallel_loop3A_87, %parallel_loop3A_88] {strides = array<i32>} : memref<128x128xf32, #tpu.memory_space<vmem>>, vector<16xf32>,
      tpu.vector_store %arg10[%parallel_loop3A_87, %parallel_loop3A_88], %broadcast_in_dim3A_11 {strides = array<i32>} : memref<128x128xf32, #tpu.memory_space<vmem>>, vector<16xf32>,
      %parallel_loop3A_90 = arith.index_cast %parallel_loop3A_86 : i32 to index
      %parallel_loop3A_91 = arith.constant 16 : index
      %parallel_loop3A_92 = tpu.vector_load %arg10[%parallel_loop3A_90, %parallel_loop3A_91] {strides = array<i32>} : memref<128x128xf32, #tpu.memory_space<vmem>>, vector<16xf32>,
      tpu.vector_store %arg10[%parallel_loop3A_90, %parallel_loop3A_91], %broadcast_in_dim3A_11 {strides = array<i32>} : memref<128x128xf32, #tpu.memory_space<vmem>>, vector<16xf32>,
      %parallel_loop3A_93 = arith.index_cast %parallel_loop3A_86 : i32 to index
      %parallel_loop3A_94 = arith.constant 32 : index
      %parallel_loop3A_95 = tpu.vector_load %arg10[%parallel_loop3A_93, %parallel_loop3A_94] {strides = array<i32>} : memref<128x128xf32, #tpu.memory_space<vmem>>, vector<16xf32>,
      tpu.vector_store %arg10[%parallel_loop3A_93, %parallel_loop3A_94], %broadcast_in_dim3A_11 {strides = array<i32>} : memref<128x128xf32, #tpu.memory_space<vmem>>, vector<16xf32>,
      %parallel_loop3A_96 = arith.index_cast %parallel_loop3A_86 : i32 to index
      %parallel_loop3A_97 = arith.constant 48 : index
      %parallel_loop3A_98 = tpu.vector_load %arg10[%parallel_loop3A_96, %parallel_loop3A_97] {strides = array<i32>} : memref<128x128xf32, #tpu.memory_space<vmem>>, vector<16xf32>,
      tpu.vector_store %arg10[%parallel_loop3A_96, %parallel_loop3A_97], %broadcast_in_dim3A_11 {strides = array<i32>} : memref<128x128xf32, #tpu.memory_space<vmem>>, vector<16xf32>,
      %parallel_loop3A_99 = arith.index_cast %parallel_loop3A_86 : i32 to index
      %parallel_loop3A_100 = arith.constant 64 : index
      %parallel_loop3A_101 = tpu.vector_load %arg10[%parallel_loop3A_99, %parallel_loop3A_100] {strides = array<i32>} : memref<128x128xf32, #tpu.memory_space<vmem>>, vector<16xf32>,
      tpu.vector_store %arg10[%parallel_loop3A_99, %parallel_loop3A_100], %broadcast_in_dim3A_11 {strides = array<i32>} : memref<128x128xf32, #tpu.memory_space<vmem>>, vector<16xf32>,
      %parallel_loop3A_102 = arith.index_cast %parallel_loop3A_86 : i32 to index
      %parallel_loop3A_103 = arith.constant 80 : index
      %parallel_loop3A_104 = tpu.vector_load %arg10[%parallel_loop3A_102, %parallel_loop3A_103] {strides = array<i32>} : memref<128x128xf32, #tpu.memory_space<vmem>>, vector<16xf32>,
      tpu.vector_store %arg10[%parallel_loop3A_102, %parallel_loop3A_103], %broadcast_in_dim3A_11 {strides = array<i32>} : memref<128x128xf32, #tpu.memory_space<vmem>>, vector<16xf32>,
      %parallel_loop3A_105 = arith.index_cast %parallel_loop3A_86 : i32 to index
      %parallel_loop3A_106 = arith.constant 96 : index
      %parallel_loop3A_107 = tpu.vector_load %arg10[%parallel_loop3A_105, %parallel_loop3A_106] {strides = array<i32>} : memref<128x128xf32, #tpu.memory_space<vmem>>, vector<16xf32>,
      tpu.vector_store %arg10[%parallel_loop3A_105, %parallel_loop3A_106], %broadcast_in_dim3A_11 {strides = array<i32>} : memref<128x128xf32, #tpu.memory_space<vmem>>, vector<16xf32>,
      %parallel_loop3A_108 = arith.index_cast %parallel_loop3A_86 : i32 to index
      %parallel_loop3A_109 = arith.constant 112 : index
      %parallel_loop3A_110 = tpu.vector_load %arg10[%parallel_loop3A_108, %parallel_loop3A_109] {strides = array<i32>} : memref<128x128xf32, #tpu.memory_space<vmem>>, vector<16xf32>,
      tpu.vector_store %arg10[%parallel_loop3A_108, %parallel_loop3A_109], %broadcast_in_dim3A_11 {strides = array<i32>} : memref<128x128xf32, #tpu.memory_space<vmem>>, vector<16xf32>,
    } {sc.loop_unroll_factor = 4 : i64, sc.parallel_access}
    %parallel_loop3A_14 = arith.constant 0 : i32
    %parallel_loop3A_15 = arith.constant 64 : i32
    %parallel_loop3A_16 = arith.constant 1 : i32
    scf.for %parallel_loop3A_86 = %parallel_loop3A_14 to %parallel_loop3A_15 step %parallel_loop3A_16  : i32 {
      %parallel_loop3A_87 = arith.constant 16 : i32
      %parallel_loop3A_88 = arith.muli %parallel_loop3A_86, %parallel_loop3A_87 : i32
      %parallel_loop3A_89 = vector.broadcast %parallel_loop3A_88 : i32 to vector<16xi32>
      %parallel_loop3A_90 = arith.addi %parallel_loop3A_89, %iota3A : vector<16xi32>
      %parallel_loop3A_91 = arith.constant 8 : i32
      %parallel_loop3A_92 = vector.broadcast %parallel_loop3A_91 : i32 to vector<16xi32>
      %parallel_loop3A_93 = arith.divsi %parallel_loop3A_90, %parallel_loop3A_92 : vector<16xi32>
      %parallel_loop3A_94 = arith.constant 0 : i32
      %parallel_loop3A_95 = vector.broadcast %parallel_loop3A_94 : i32 to vector<16xi32>
      %parallel_loop3A_96 = arith.cmpi sgt, %parallel_loop3A_90, %parallel_loop3A_95 : vector<16xi32>
      %parallel_loop3A_97 = arith.extui %parallel_loop3A_96 : vector<16xi1> to vector<16xi32>
      %parallel_loop3A_98 = arith.constant 0 : i32
      %parallel_loop3A_99 = vector.broadcast %parallel_loop3A_98 : i32 to vector<16xi32>
      %parallel_loop3A_100 = arith.cmpi slt, %parallel_loop3A_90, %parallel_loop3A_99 : vector<16xi32>
      %parallel_loop3A_101 = arith.extui %parallel_loop3A_100 : vector<16xi1> to vector<16xi32>
      %parallel_loop3A_102 = arith.subi %parallel_loop3A_97, %parallel_loop3A_101 : vector<16xi32>
      %parallel_loop3A_103 = arith.constant 0 : i32
      %parallel_loop3A_104 = arith.cmpi sgt, %parallel_loop3A_91, %parallel_loop3A_103 : i32
      %parallel_loop3A_105 = arith.extui %parallel_loop3A_104 : i1 to i32
      %parallel_loop3A_106 = arith.constant 0 : i32
      %parallel_loop3A_107 = arith.cmpi slt, %parallel_loop3A_91, %parallel_loop3A_106 : i32
      %parallel_loop3A_108 = arith.extui %parallel_loop3A_107 : i1 to i32
      %parallel_loop3A_109 = arith.subi %parallel_loop3A_105, %parallel_loop3A_108 : i32
      %parallel_loop3A_110 = vector.broadcast %parallel_loop3A_109 : i32 to vector<16xi32>
      %parallel_loop3A_111 = arith.cmpi ne, %parallel_loop3A_102, %parallel_loop3A_110 : vector<16xi32>
      %parallel_loop3A_112 = vector.broadcast %parallel_loop3A_91 : i32 to vector<16xi32>
      %parallel_loop3A_113 = arith.remsi %parallel_loop3A_90, %parallel_loop3A_112 : vector<16xi32>
      %parallel_loop3A_114 = arith.constant 0 : i32
      %parallel_loop3A_115 = vector.broadcast %parallel_loop3A_114 : i32 to vector<16xi32>
      %parallel_loop3A_116 = arith.cmpi ne, %parallel_loop3A_113, %parallel_loop3A_115 : vector<16xi32>
      %parallel_loop3A_117 = arith.andi %parallel_loop3A_111, %parallel_loop3A_116 : vector<16xi1>
      %parallel_loop3A_118 = arith.constant 1 : i32
      %parallel_loop3A_119 = vector.broadcast %parallel_loop3A_118 : i32 to vector<16xi32>
      %parallel_loop3A_120 = arith.subi %parallel_loop3A_93, %parallel_loop3A_119 : vector<16xi32>
      %parallel_loop3A_121 = arith.select %parallel_loop3A_117, %parallel_loop3A_120, %parallel_loop3A_93 : vector<16xi1>, vector<16xi32>
      %parallel_loop3A_122 = arith.constant 8 : i32
      %parallel_loop3A_123 = arith.constant 0 : i32
      %parallel_loop3A_124 = arith.cmpi eq, %parallel_loop3A_122, %parallel_loop3A_123 : i32
      %parallel_loop3A_125 = arith.constant 1 : i32
      %parallel_loop3A_126 = arith.select %parallel_loop3A_124, %parallel_loop3A_125, %parallel_loop3A_122 : i32
      %parallel_loop3A_127 = vector.broadcast %parallel_loop3A_126 : i32 to vector<16xi32>
      %parallel_loop3A_128 = arith.remsi %parallel_loop3A_90, %parallel_loop3A_127 : vector<16xi32>
      %parallel_loop3A_129 = arith.constant 0 : i32
      %parallel_loop3A_130 = vector.broadcast %parallel_loop3A_129 : i32 to vector<16xi32>
      %parallel_loop3A_131 = arith.cmpi ne, %parallel_loop3A_128, %parallel_loop3A_130 : vector<16xi32>
      %parallel_loop3A_132 = arith.constant 0 : i32
      %parallel_loop3A_133 = vector.broadcast %parallel_loop3A_132 : i32 to vector<16xi32>
      %parallel_loop3A_134 = arith.cmpi slt, %parallel_loop3A_128, %parallel_loop3A_133 : vector<16xi32>
      %parallel_loop3A_135 = arith.constant 0 : i32
      %parallel_loop3A_136 = arith.cmpi slt, %parallel_loop3A_126, %parallel_loop3A_135 : i32
      %parallel_loop3A_137 = vector.broadcast %parallel_loop3A_136 : i1 to vector<16xi1>
      %parallel_loop3A_138 = vector.broadcast %parallel_loop3A_137 : vector<16xi1> to vector<16xi1>
      %parallel_loop3A_139 = arith.xori %parallel_loop3A_134, %parallel_loop3A_138 : vector<16xi1>
      %parallel_loop3A_140 = arith.andi %parallel_loop3A_139, %parallel_loop3A_131 : vector<16xi1>
      %parallel_loop3A_141 = vector.broadcast %parallel_loop3A_126 : i32 to vector<16xi32>
      %parallel_loop3A_142 = arith.addi %parallel_loop3A_128, %parallel_loop3A_141 : vector<16xi32>
      %parallel_loop3A_143 = arith.select %parallel_loop3A_140, %parallel_loop3A_142, %parallel_loop3A_128 : vector<16xi1>, vector<16xi32>
      tpu.vector_store_idx %arg12[%parallel_loop3A_121, %parallel_loop3A_143], %broadcast_in_dim3A_11 : memref<128x8xf32, #tpu.memory_space<vmem>>[vector<16xi32>, vector<16xi32>], vector<16xf32>,
    } {sc.loop_unroll_factor = 4 : i64, sc.parallel_access}
    %mul3A_17 = arith.constant 320 : i32
    %mul3A_18 = arith.muli %arg1, %mul3A_17 : i32
    "tpu.region"() ({
      %run_scoped3A = tpu.sem_alloc : memref<!tpu.dma_semaphore, #tpu.memory_space<semaphore_mem>>
      %dma_start3A_86 = arith.constant 0 : i32
      %dma_start3A_87 = tpu.memref_slice %arg20[%mul3A_18, %dma_start3A_86] : memref<5120x128xf32, #tpu.memory_space<vmem_shared>> -> memref<128x128xf32, #tpu.memory_space<vmem_shared>>
      %dma_start3A_88 = arith.constant 0 : i32
      %dma_start3A_89 = tpu.memref_slice %arg20[%mul3A_18, %dma_start3A_88] : memref<5120x128xf32, #tpu.memory_space<vmem_shared>> -> memref<128x128xf32, #tpu.memory_space<vmem_shared>>
      tpu.enqueue_dma source(%arg10 : memref<128x128xf32, #tpu.memory_space<vmem>>) target(%dma_start3A_89 : memref<128x128xf32, #tpu.memory_space<vmem_shared>>) target_semaphore(%run_scoped3A : memref<!tpu.dma_semaphore, #tpu.memory_space<semaphore_mem>>)
      %dma_wait3A_90 = arith.constant 0 : i32
      %dma_wait3A_91 = tpu.memref_slice %arg20[%mul3A_18, %dma_wait3A_90] : memref<5120x128xf32, #tpu.memory_space<vmem_shared>> -> memref<128x128xf32, #tpu.memory_space<vmem_shared>>
      %dma_wait3A_92 = arith.constant 0 : i32
      %dma_wait3A_93 = tpu.memref_slice %arg20[%mul3A_18, %dma_wait3A_92] : memref<5120x128xf32, #tpu.memory_space<vmem_shared>> -> memref<128x128xf32, #tpu.memory_space<vmem_shared>>
      tpu.wait_dma2 semaphore(%run_scoped3A : memref<!tpu.dma_semaphore, #tpu.memory_space<semaphore_mem>>) src(%arg10 : memref<128x128xf32, #tpu.memory_space<vmem>>) dst(%dma_wait3A_93 : memref<128x128xf32, #tpu.memory_space<vmem_shared>>)
      tpu.yield
    }) : () -> ()
    %add3A_19 = arith.constant 128 : i32
    %add3A_20 = arith.addi %mul3A_18, %add3A_19 : i32
    "tpu.region"() ({
      %run_scoped3A = tpu.sem_alloc : memref<!tpu.dma_semaphore, #tpu.memory_space<semaphore_mem>>
      %dma_start3A_86 = arith.constant 0 : i32
      %dma_start3A_87 = tpu.memref_slice %arg20[%add3A_20, %dma_start3A_86] : memref<5120x128xf32, #tpu.memory_space<vmem_shared>> -> memref<128x128xf32, #tpu.memory_space<vmem_shared>>
      %dma_start3A_88 = arith.constant 0 : i32
      %dma_start3A_89 = tpu.memref_slice %arg20[%add3A_20, %dma_start3A_88] : memref<5120x128xf32, #tpu.memory_space<vmem_shared>> -> memref<128x128xf32, #tpu.memory_space<vmem_shared>>
      tpu.enqueue_dma source(%arg10 : memref<128x128xf32, #tpu.memory_space<vmem>>) target(%dma_start3A_89 : memref<128x128xf32, #tpu.memory_space<vmem_shared>>) target_semaphore(%run_scoped3A : memref<!tpu.dma_semaphore, #tpu.memory_space<semaphore_mem>>)
      %dma_wait3A_90 = arith.constant 0 : i32
      %dma_wait3A_91 = tpu.memref_slice %arg20[%add3A_20, %dma_wait3A_90] : memref<5120x128xf32, #tpu.memory_space<vmem_shared>> -> memref<128x128xf32, #tpu.memory_space<vmem_shared>>
      %dma_wait3A_92 = arith.constant 0 : i32
      %dma_wait3A_93 = tpu.memref_slice %arg20[%add3A_20, %dma_wait3A_92] : memref<5120x128xf32, #tpu.memory_space<vmem_shared>> -> memref<128x128xf32, #tpu.memory_space<vmem_shared>>
      tpu.wait_dma2 semaphore(%run_scoped3A : memref<!tpu.dma_semaphore, #tpu.memory_space<semaphore_mem>>) src(%arg10 : memref<128x128xf32, #tpu.memory_space<vmem>>) dst(%dma_wait3A_93 : memref<128x128xf32, #tpu.memory_space<vmem_shared>>)
      tpu.yield
    }) : () -> ()
    %add3A_21 = arith.constant 256 : i32
    %add3A_22 = arith.addi %mul3A_18, %add3A_21 : i32
    "tpu.region"() ({
      %run_scoped3A = tpu.sem_alloc : memref<!tpu.dma_semaphore, #tpu.memory_space<semaphore_mem>>
      %dma_start3A_86 = arith.constant 0 : i32
      %dma_start3A_87 = arith.constant 0 : i32
      %dma_start3A_88 = tpu.memref_slice %arg10[%dma_start3A_86, %dma_start3A_87] : memref<128x128xf32, #tpu.memory_space<vmem>> -> memref<64x128xf32, #tpu.memory_space<vmem>>
      %dma_start3A_89 = arith.constant 0 : i32
      %dma_start3A_90 = tpu.memref_slice %arg20[%add3A_22, %dma_start3A_89] : memref<5120x128xf32, #tpu.memory_space<vmem_shared>> -> memref<64x128xf32, #tpu.memory_space<vmem_shared>>
      %dma_start3A_91 = arith.constant 0 : i32
      %dma_start3A_92 = tpu.memref_slice %arg20[%add3A_22, %dma_start3A_91] : memref<5120x128xf32, #tpu.memory_space<vmem_shared>> -> memref<64x128xf32, #tpu.memory_space<vmem_shared>>
      %dma_start3A_93 = arith.constant 0 : i32
      %dma_start3A_94 = arith.constant 0 : i32
      %dma_start3A_95 = tpu.memref_slice %arg10[%dma_start3A_93, %dma_start3A_94] : memref<128x128xf32, #tpu.memory_space<vmem>> -> memref<64x128xf32, #tpu.memory_space<vmem>>
      tpu.enqueue_dma source(%dma_start3A_95 : memref<64x128xf32, #tpu.memory_space<vmem>>) target(%dma_start3A_92 : memref<64x128xf32, #tpu.memory_space<vmem_shared>>) target_semaphore(%run_scoped3A : memref<!tpu.dma_semaphore, #tpu.memory_space<semaphore_mem>>)
      %dma_wait3A_96 = arith.constant 0 : i32
      %dma_wait3A_97 = arith.constant 0 : i32
      %dma_wait3A_98 = tpu.memref_slice %arg10[%dma_wait3A_96, %dma_wait3A_97] : memref<128x128xf32, #tpu.memory_space<vmem>> -> memref<64x128xf32, #tpu.memory_space<vmem>>
      %dma_wait3A_99 = arith.constant 0 : i32
      %dma_wait3A_100 = tpu.memref_slice %arg20[%add3A_22, %dma_wait3A_99] : memref<5120x128xf32, #tpu.memory_space<vmem_shared>> -> memref<64x128xf32, #tpu.memory_space<vmem_shared>>
      %dma_wait3A_101 = arith.constant 0 : i32
      %dma_wait3A_102 = tpu.memref_slice %arg20[%add3A_22, %dma_wait3A_101] : memref<5120x128xf32, #tpu.memory_space<vmem_shared>> -> memref<64x128xf32, #tpu.memory_space<vmem_shared>>
      %dma_wait3A_103 = arith.constant 0 : i32
      %dma_wait3A_104 = arith.constant 0 : i32
      %dma_wait3A_105 = tpu.memref_slice %arg10[%dma_wait3A_103, %dma_wait3A_104] : memref<128x128xf32, #tpu.memory_space<vmem>> -> memref<64x128xf32, #tpu.memory_space<vmem>>
      tpu.wait_dma2 semaphore(%run_scoped3A : memref<!tpu.dma_semaphore, #tpu.memory_space<semaphore_mem>>) src(%dma_wait3A_105 : memref<64x128xf32, #tpu.memory_space<vmem>>) dst(%dma_wait3A_102 : memref<64x128xf32, #tpu.memory_space<vmem_shared>>)
      tpu.yield
    }) : () -> ()
    "tpu.region"() ({
      %run_scoped3A = tpu.sem_alloc : memref<!tpu.dma_semaphore, #tpu.memory_space<semaphore_mem>>
      %dma_start3A_86 = arith.constant 0 : i32
      %dma_start3A_87 = tpu.memref_slice %arg21[%mul3A_18, %dma_start3A_86] : memref<5120x8xf32, #tpu.memory_space<vmem_shared>> -> memref<128x8xf32, #tpu.memory_space<vmem_shared>>
      %dma_start3A_88 = arith.constant 0 : i32
      %dma_start3A_89 = tpu.memref_slice %arg21[%mul3A_18, %dma_start3A_88] : memref<5120x8xf32, #tpu.memory_space<vmem_shared>> -> memref<128x8xf32, #tpu.memory_space<vmem_shared>>
      tpu.enqueue_dma source(%arg12 : memref<128x8xf32, #tpu.memory_space<vmem>>) target(%dma_start3A_89 : memref<128x8xf32, #tpu.memory_space<vmem_shared>>) target_semaphore(%run_scoped3A : memref<!tpu.dma_semaphore, #tpu.memory_space<semaphore_mem>>)
      %dma_wait3A_90 = arith.constant 0 : i32
      %dma_wait3A_91 = tpu.memref_slice %arg21[%mul3A_18, %dma_wait3A_90] : memref<5120x8xf32, #tpu.memory_space<vmem_shared>> -> memref<128x8xf32, #tpu.memory_space<vmem_shared>>
      %dma_wait3A_92 = arith.constant 0 : i32
      %dma_wait3A_93 = tpu.memref_slice %arg21[%mul3A_18, %dma_wait3A_92] : memref<5120x8xf32, #tpu.memory_space<vmem_shared>> -> memref<128x8xf32, #tpu.memory_space<vmem_shared>>
      tpu.wait_dma2 semaphore(%run_scoped3A : memref<!tpu.dma_semaphore, #tpu.memory_space<semaphore_mem>>) src(%arg12 : memref<128x8xf32, #tpu.memory_space<vmem>>) dst(%dma_wait3A_93 : memref<128x8xf32, #tpu.memory_space<vmem_shared>>)
      tpu.yield
    }) : () -> ()
    %add3A_23 = arith.constant 128 : i32
    %add3A_24 = arith.addi %mul3A_18, %add3A_23 : i32
    "tpu.region"() ({
      %run_scoped3A = tpu.sem_alloc : memref<!tpu.dma_semaphore, #tpu.memory_space<semaphore_mem>>
      %dma_start3A_86 = arith.constant 0 : i32
      %dma_start3A_87 = tpu.memref_slice %arg21[%add3A_24, %dma_start3A_86] : memref<5120x8xf32, #tpu.memory_space<vmem_shared>> -> memref<128x8xf32, #tpu.memory_space<vmem_shared>>
      %dma_start3A_88 = arith.constant 0 : i32
      %dma_start3A_89 = tpu.memref_slice %arg21[%add3A_24, %dma_start3A_88] : memref<5120x8xf32, #tpu.memory_space<vmem_shared>> -> memref<128x8xf32, #tpu.memory_space<vmem_shared>>
      tpu.enqueue_dma source(%arg12 : memref<128x8xf32, #tpu.memory_space<vmem>>) target(%dma_start3A_89 : memref<128x8xf32, #tpu.memory_space<vmem_shared>>) target_semaphore(%run_scoped3A : memref<!tpu.dma_semaphore, #tpu.memory_space<semaphore_mem>>)
      %dma_wait3A_90 = arith.constant 0 : i32
      %dma_wait3A_91 = tpu.memref_slice %arg21[%add3A_24, %dma_wait3A_90] : memref<5120x8xf32, #tpu.memory_space<vmem_shared>> -> memref<128x8xf32, #tpu.memory_space<vmem_shared>>
      %dma_wait3A_92 = arith.constant 0 : i32
      %dma_wait3A_93 = tpu.memref_slice %arg21[%add3A_24, %dma_wait3A_92] : memref<5120x8xf32, #tpu.memory_space<vmem_shared>> -> memref<128x8xf32, #tpu.memory_space<vmem_shared>>
      tpu.wait_dma2 semaphore(%run_scoped3A : memref<!tpu.dma_semaphore, #tpu.memory_space<semaphore_mem>>) src(%arg12 : memref<128x8xf32, #tpu.memory_space<vmem>>) dst(%dma_wait3A_93 : memref<128x8xf32, #tpu.memory_space<vmem_shared>>)
      tpu.yield
    }) : () -> ()
    %add3A_25 = arith.constant 256 : i32
    %add3A_26 = arith.addi %mul3A_18, %add3A_25 : i32
    "tpu.region"() ({
      %run_scoped3A = tpu.sem_alloc : memref<!tpu.dma_semaphore, #tpu.memory_space<semaphore_mem>>
      %dma_start3A_86 = arith.constant 0 : i32
      %dma_start3A_87 = arith.constant 0 : i32
      %dma_start3A_88 = tpu.memref_slice %arg12[%dma_start3A_86, %dma_start3A_87] : memref<128x8xf32, #tpu.memory_space<vmem>> -> memref<64x8xf32, #tpu.memory_space<vmem>>
      %dma_start3A_89 = arith.constant 0 : i32
      %dma_start3A_90 = tpu.memref_slice %arg21[%add3A_26, %dma_start3A_89] : memref<5120x8xf32, #tpu.memory_space<vmem_shared>> -> memref<64x8xf32, #tpu.memory_space<vmem_shared>>
      %dma_start3A_91 = arith.constant 0 : i32
      %dma_start3A_92 = tpu.memref_slice %arg21[%add3A_26, %dma_start3A_91] : memref<5120x8xf32, #tpu.memory_space<vmem_shared>> -> memref<64x8xf32, #tpu.memory_space<vmem_shared>>
      %dma_start3A_93 = arith.constant 0 : i32
      %dma_start3A_94 = arith.constant 0 : i32
      %dma_start3A_95 = tpu.memref_slice %arg12[%dma_start3A_93, %dma_start3A_94] : memref<128x8xf32, #tpu.memory_space<vmem>> -> memref<64x8xf32, #tpu.memory_space<vmem>>
      tpu.enqueue_dma source(%dma_start3A_95 : memref<64x8xf32, #tpu.memory_space<vmem>>) target(%dma_start3A_92 : memref<64x8xf32, #tpu.memory_space<vmem_shared>>) target_semaphore(%run_scoped3A : memref<!tpu.dma_semaphore, #tpu.memory_space<semaphore_mem>>)
      %dma_wait3A_96 = arith.constant 0 : i32
      %dma_wait3A_97 = arith.constant 0 : i32
      %dma_wait3A_98 = tpu.memref_slice %arg12[%dma_wait3A_96, %dma_wait3A_97] : memref<128x8xf32, #tpu.memory_space<vmem>> -> memref<64x8xf32, #tpu.memory_space<vmem>>
      %dma_wait3A_99 = arith.constant 0 : i32
      %dma_wait3A_100 = tpu.memref_slice %arg21[%add3A_26, %dma_wait3A_99] : memref<5120x8xf32, #tpu.memory_space<vmem_shared>> -> memref<64x8xf32, #tpu.memory_space<vmem_shared>>
      %dma_wait3A_101 = arith.constant 0 : i32
      %dma_wait3A_102 = tpu.memref_slice %arg21[%add3A_26, %dma_wait3A_101] : memref<5120x8xf32, #tpu.memory_space<vmem_shared>> -> memref<64x8xf32, #tpu.memory_space<vmem_shared>>
      %dma_wait3A_103 = arith.constant 0 : i32
      %dma_wait3A_104 = arith.constant 0 : i32
      %dma_wait3A_105 = tpu.memref_slice %arg12[%dma_wait3A_103, %dma_wait3A_104] : memref<128x8xf32, #tpu.memory_space<vmem>> -> memref<64x8xf32, #tpu.memory_space<vmem>>
      tpu.wait_dma2 semaphore(%run_scoped3A : memref<!tpu.dma_semaphore, #tpu.memory_space<semaphore_mem>>) src(%dma_wait3A_105 : memref<64x8xf32, #tpu.memory_space<vmem>>) dst(%dma_wait3A_102 : memref<64x8xf32, #tpu.memory_space<vmem_shared>>)
      tpu.yield
    }) : () -> ()
    %eq3A = arith.constant 15 : i32
    %eq3A_27 = arith.cmpi eq, %arg1, %eq3A : i32
    %convert_element_type3A_28 = arith.extui %eq3A_27 : i1 to i32
    %cond3A_29 = arith.constant 0 : i32
    %cond3A_30 = arith.cmpi ne, %convert_element_type3A_28, %cond3A_29 : i32
    scf.if %cond3A_30 {
      "tpu.region"() ({
        %run_scoped3A = tpu.sem_alloc : memref<!tpu.dma_semaphore, #tpu.memory_space<semaphore_mem>>
        %dma_start3A_86 = arith.constant 0 : i32
        %dma_start3A_87 = arith.constant 0 : i32
        %dma_start3A_88 = tpu.memref_slice %arg12[%dma_start3A_86, %dma_start3A_87] : memref<128x8xf32, #tpu.memory_space<vmem>> -> memref<120x8xf32, #tpu.memory_space<vmem>>
        %dma_start3A_89 = arith.constant 5000 : i32
        %dma_start3A_90 = arith.constant 0 : i32
        %dma_start3A_91 = tpu.memref_slice %arg19[%dma_start3A_89, %dma_start3A_90] : memref<5120x8xf32, #tpu.memory_space<vmem_shared>> -> memref<120x8xf32, #tpu.memory_space<vmem_shared>>
        %dma_start3A_92 = arith.constant 5000 : i32
        %dma_start3A_93 = arith.constant 0 : i32
        %dma_start3A_94 = tpu.memref_slice %arg19[%dma_start3A_92, %dma_start3A_93] : memref<5120x8xf32, #tpu.memory_space<vmem_shared>> -> memref<120x8xf32, #tpu.memory_space<vmem_shared>>
        %dma_start3A_95 = arith.constant 0 : i32
        %dma_start3A_96 = arith.constant 0 : i32
        %dma_start3A_97 = tpu.memref_slice %arg12[%dma_start3A_95, %dma_start3A_96] : memref<128x8xf32, #tpu.memory_space<vmem>> -> memref<120x8xf32, #tpu.memory_space<vmem>>
        tpu.enqueue_dma source(%dma_start3A_97 : memref<120x8xf32, #tpu.memory_space<vmem>>) target(%dma_start3A_94 : memref<120x8xf32, #tpu.memory_space<vmem_shared>>) target_semaphore(%run_scoped3A : memref<!tpu.dma_semaphore, #tpu.memory_space<semaphore_mem>>)
        %dma_wait3A_98 = arith.constant 0 : i32
        %dma_wait3A_99 = arith.constant 0 : i32
        %dma_wait3A_100 = tpu.memref_slice %arg12[%dma_wait3A_98, %dma_wait3A_99] : memref<128x8xf32, #tpu.memory_space<vmem>> -> memref<120x8xf32, #tpu.memory_space<vmem>>
        %dma_wait3A_101 = arith.constant 5000 : i32
        %dma_wait3A_102 = arith.constant 0 : i32
        %dma_wait3A_103 = tpu.memref_slice %arg19[%dma_wait3A_101, %dma_wait3A_102] : memref<5120x8xf32, #tpu.memory_space<vmem_shared>> -> memref<120x8xf32, #tpu.memory_space<vmem_shared>>
        %dma_wait3A_104 = arith.constant 5000 : i32
        %dma_wait3A_105 = arith.constant 0 : i32
        %dma_wait3A_106 = tpu.memref_slice %arg19[%dma_wait3A_104, %dma_wait3A_105] : memref<5120x8xf32, #tpu.memory_space<vmem_shared>> -> memref<120x8xf32, #tpu.memory_space<vmem_shared>>
        %dma_wait3A_107 = arith.constant 0 : i32
        %dma_wait3A_108 = arith.constant 0 : i32
        %dma_wait3A_109 = tpu.memref_slice %arg12[%dma_wait3A_107, %dma_wait3A_108] : memref<128x8xf32, #tpu.memory_space<vmem>> -> memref<120x8xf32, #tpu.memory_space<vmem>>
        tpu.wait_dma2 semaphore(%run_scoped3A : memref<!tpu.dma_semaphore, #tpu.memory_space<semaphore_mem>>) src(%dma_wait3A_109 : memref<120x8xf32, #tpu.memory_space<vmem>>) dst(%dma_wait3A_106 : memref<120x8xf32, #tpu.memory_space<vmem_shared>>)
        tpu.yield
      }) : () -> ()
    } else {
    }
    %barrier3A = arith.constant 0 : index
    tpu.barrier barrier_id(%barrier3A)
    %dma_start3A = arith.constant 0 : i32
    %dma_start3A_31 = arith.constant 0 : i32
    %dma_start3A_32 = tpu.memref_slice %arg8[%dma_start3A, %dma_start3A_31] : memref<80x128xi32, #tpu.memory_space<vmem>> -> memref<1x128xi32, #tpu.memory_space<vmem>>
    %dma_start3A_33 = tpu.memref_squeeze %dma_start3A_32 : memref<1x128xi32, #tpu.memory_space<vmem>> -> memref<128xi32, #tpu.memory_space<vmem>>
    %dma_start3A_34 = arith.constant 0 : i32
    %dma_start3A_35 = arith.constant 0 : i32
    %dma_start3A_36 = tpu.memref_slice %arg18[%dma_start3A_34, %dma_start3A_35] : memref<5000x8xf32, #tpu.memory_space<vmem_shared>> -> memref<5000x8xf32, #tpu.memory_space<vmem_shared>>
    tpu.enqueue_indirect_dma source(%dma_start3A_36 : memref<5000x8xf32, #tpu.memory_space<vmem_shared>>) target(%arg13 : memref<128x8xf32, #tpu.memory_space<vmem>>) offsets(%dma_start3A_33 : memref<128xi32, #tpu.memory_space<vmem>>) semaphore(%arg22 : memref<!tpu.dma_semaphore, #tpu.memory_space<semaphore_mem>>)
    %dma_start3A_37 = arith.constant 0 : i32
    %dma_start3A_38 = arith.constant 0 : i32
    %dma_start3A_39 = tpu.memref_slice %arg9[%dma_start3A_37, %dma_start3A_38] : memref<80x128xi32, #tpu.memory_space<vmem>> -> memref<1x128xi32, #tpu.memory_space<vmem>>
    %dma_start3A_40 = tpu.memref_squeeze %dma_start3A_39 : memref<1x128xi32, #tpu.memory_space<vmem>> -> memref<128xi32, #tpu.memory_space<vmem>>
    %dma_start3A_41 = arith.constant 0 : i32
    %dma_start3A_42 = arith.constant 0 : i32
    %dma_start3A_43 = tpu.memref_slice %arg19[%dma_start3A_41, %dma_start3A_42] : memref<5120x8xf32, #tpu.memory_space<vmem_shared>> -> memref<5120x8xf32, #tpu.memory_space<vmem_shared>>
    tpu.enqueue_indirect_dma source(%dma_start3A_43 : memref<5120x8xf32, #tpu.memory_space<vmem_shared>>) target(%arg14 : memref<128x8xf32, #tpu.memory_space<vmem>>) offsets(%dma_start3A_40 : memref<128xi32, #tpu.memory_space<vmem>>) semaphore(%arg22 : memref<!tpu.dma_semaphore, #tpu.memory_space<semaphore_mem>>)
    %dma_start3A_44 = arith.constant 0 : i32
    %dma_start3A_45 = arith.constant 0 : i32
    %dma_start3A_46 = tpu.memref_slice %arg8[%dma_start3A_44, %dma_start3A_45] : memref<80x128xi32, #tpu.memory_space<vmem>> -> memref<1x128xi32, #tpu.memory_space<vmem>>
    %dma_start3A_47 = tpu.memref_squeeze %dma_start3A_46 : memref<1x128xi32, #tpu.memory_space<vmem>> -> memref<128xi32, #tpu.memory_space<vmem>>
    %dma_start3A_48 = arith.constant 0 : i32
    %dma_start3A_49 = arith.constant 0 : i32
    %dma_start3A_50 = tpu.memref_slice %arg3[%dma_start3A_48, %dma_start3A_49] : memref<10000x128xf32, #tpu.memory_space<hbm>> -> memref<10000x128xf32, #tpu.memory_space<hbm>>
    tpu.enqueue_indirect_dma source(%dma_start3A_50 : memref<10000x128xf32, #tpu.memory_space<hbm>>) target(%arg10 : memref<128x128xf32, #tpu.memory_space<vmem>>) offsets(%dma_start3A_47 : memref<128xi32, #tpu.memory_space<vmem>>) semaphore(%arg23 : memref<!tpu.dma_semaphore, #tpu.memory_space<semaphore_mem>>)
    %scan3A = arith.constant 0 : i32
    %scan3A_51 = arith.constant 0 : i32
    %scan3A_52 = arith.constant 40 : i32
    %scan3A_53 = arith.addi %scan3A_51, %scan3A_52 : i32
    %scan3A_54 = arith.constant 1 : i32
    %scan3A_55 = scf.for %scan3A_86 = %scan3A_51 to %scan3A_53 step %scan3A_54 iter_args(%scan3A_87 = %scan3A) -> (i32)  : i32 {
      %mul3A_88 = arith.constant 2 : i32
      %mul3A_89 = arith.muli %mul3A_88, %scan3A_86 : i32
      %dma_wait3A_90 = arith.constant 0 : i32
      %dma_wait3A_91 = tpu.memref_slice %arg8[%mul3A_89, %dma_wait3A_90] : memref<80x128xi32, #tpu.memory_space<vmem>> -> memref<1x128xi32, #tpu.memory_space<vmem>>
      %dma_wait3A_92 = tpu.memref_squeeze %dma_wait3A_91 : memref<1x128xi32, #tpu.memory_space<vmem>> -> memref<128xi32, #tpu.memory_space<vmem>>
      %dma_wait3A_93 = arith.constant 0 : i32
      %dma_wait3A_94 = arith.constant 0 : i32
      %dma_wait3A_95 = tpu.memref_slice %arg18[%dma_wait3A_93, %dma_wait3A_94] : memref<5000x8xf32, #tpu.memory_space<vmem_shared>> -> memref<5000x8xf32, #tpu.memory_space<vmem_shared>>
      tpu.wait_indirect_dma semaphore(%arg22 : memref<!tpu.dma_semaphore, #tpu.memory_space<semaphore_mem>>) src(%dma_wait3A_95 : memref<5000x8xf32, #tpu.memory_space<vmem_shared>>) dst(%arg13 : memref<128x8xf32, #tpu.memory_space<vmem>>)
      %dma_wait3A_96 = arith.constant 0 : i32
      %dma_wait3A_97 = tpu.memref_slice %arg9[%mul3A_89, %dma_wait3A_96] : memref<80x128xi32, #tpu.memory_space<vmem>> -> memref<1x128xi32, #tpu.memory_space<vmem>>
      %dma_wait3A_98 = tpu.memref_squeeze %dma_wait3A_97 : memref<1x128xi32, #tpu.memory_space<vmem>> -> memref<128xi32, #tpu.memory_space<vmem>>
      %dma_wait3A_99 = arith.constant 0 : i32
      %dma_wait3A_100 = arith.constant 0 : i32
      %dma_wait3A_101 = tpu.memref_slice %arg19[%dma_wait3A_99, %dma_wait3A_100] : memref<5120x8xf32, #tpu.memory_space<vmem_shared>> -> memref<5120x8xf32, #tpu.memory_space<vmem_shared>>
      tpu.wait_indirect_dma semaphore(%arg22 : memref<!tpu.dma_semaphore, #tpu.memory_space<semaphore_mem>>) src(%dma_wait3A_101 : memref<5120x8xf32, #tpu.memory_space<vmem_shared>>) dst(%arg14 : memref<128x8xf32, #tpu.memory_space<vmem>>)
      %ge3A_102 = arith.constant 1 : i32
      %ge3A_103 = arith.cmpi sge, %mul3A_89, %ge3A_102 : i32
      %convert_element_type3A_104 = arith.extui %ge3A_103 : i1 to i32
      %cond3A_105 = arith.constant 0 : i32
      %cond3A_106 = arith.cmpi ne, %convert_element_type3A_104, %cond3A_105 : i32
      scf.if %cond3A_106 {
        %dma_wait3A_215 = arith.constant 0 : i32
        %dma_wait3A_216 = arith.constant 0 : i32
        %dma_wait3A_217 = tpu.memref_slice %arg9[%dma_wait3A_215, %dma_wait3A_216] : memref<80x128xi32, #tpu.memory_space<vmem>> -> memref<1x128xi32, #tpu.memory_space<vmem>>
        %dma_wait3A_218 = tpu.memref_squeeze %dma_wait3A_217 : memref<1x128xi32, #tpu.memory_space<vmem>> -> memref<128xi32, #tpu.memory_space<vmem>>
        %dma_wait3A_219 = arith.constant 0 : i32
        %dma_wait3A_220 = arith.constant 0 : i32
        %dma_wait3A_221 = tpu.memref_slice %arg21[%dma_wait3A_219, %dma_wait3A_220] : memref<5120x8xf32, #tpu.memory_space<vmem_shared>> -> memref<5120x8xf32, #tpu.memory_space<vmem_shared>>
        tpu.wait_indirect_dma semaphore(%arg24 : memref<!tpu.dma_semaphore, #tpu.memory_space<semaphore_mem>>) src(%arg12 : memref<128x8xf32, #tpu.memory_space<vmem>>) dst(%dma_wait3A_221 : memref<5120x8xf32, #tpu.memory_space<vmem_shared>>)
      } else {
      }
      %parallel_loop3A_107 = arith.constant 0 : i32
      %parallel_loop3A_108 = arith.constant 64 : i32
      %parallel_loop3A_109 = arith.constant 1 : i32
      scf.for %parallel_loop3A_215 = %parallel_loop3A_107 to %parallel_loop3A_108 step %parallel_loop3A_109  : i32 {
        %parallel_loop3A_216 = arith.constant 16 : i32
        %parallel_loop3A_217 = arith.muli %parallel_loop3A_215, %parallel_loop3A_216 : i32
        %parallel_loop3A_218 = vector.broadcast %parallel_loop3A_217 : i32 to vector<16xi32>
        %parallel_loop3A_219 = arith.addi %parallel_loop3A_218, %iota3A : vector<16xi32>
        %parallel_loop3A_220 = arith.constant 8 : i32
        %parallel_loop3A_221 = vector.broadcast %parallel_loop3A_220 : i32 to vector<16xi32>
        %parallel_loop3A_222 = arith.divsi %parallel_loop3A_219, %parallel_loop3A_221 : vector<16xi32>
        %parallel_loop3A_223 = arith.constant 0 : i32
        %parallel_loop3A_224 = vector.broadcast %parallel_loop3A_223 : i32 to vector<16xi32>
        %parallel_loop3A_225 = arith.cmpi sgt, %parallel_loop3A_219, %parallel_loop3A_224 : vector<16xi32>
        %parallel_loop3A_226 = arith.extui %parallel_loop3A_225 : vector<16xi1> to vector<16xi32>
        %parallel_loop3A_227 = arith.constant 0 : i32
        %parallel_loop3A_228 = vector.broadcast %parallel_loop3A_227 : i32 to vector<16xi32>
        %parallel_loop3A_229 = arith.cmpi slt, %parallel_loop3A_219, %parallel_loop3A_228 : vector<16xi32>
        %parallel_loop3A_230 = arith.extui %parallel_loop3A_229 : vector<16xi1> to vector<16xi32>
        %parallel_loop3A_231 = arith.subi %parallel_loop3A_226, %parallel_loop3A_230 : vector<16xi32>
        %parallel_loop3A_232 = arith.constant 0 : i32
        %parallel_loop3A_233 = arith.cmpi sgt, %parallel_loop3A_220, %parallel_loop3A_232 : i32
        %parallel_loop3A_234 = arith.extui %parallel_loop3A_233 : i1 to i32
        %parallel_loop3A_235 = arith.constant 0 : i32
        %parallel_loop3A_236 = arith.cmpi slt, %parallel_loop3A_220, %parallel_loop3A_235 : i32
        %parallel_loop3A_237 = arith.extui %parallel_loop3A_236 : i1 to i32
        %parallel_loop3A_238 = arith.subi %parallel_loop3A_234, %parallel_loop3A_237 : i32
        %parallel_loop3A_239 = vector.broadcast %parallel_loop3A_238 : i32 to vector<16xi32>
        %parallel_loop3A_240 = arith.cmpi ne, %parallel_loop3A_231, %parallel_loop3A_239 : vector<16xi32>
        %parallel_loop3A_241 = vector.broadcast %parallel_loop3A_220 : i32 to vector<16xi32>
        %parallel_loop3A_242 = arith.remsi %parallel_loop3A_219, %parallel_loop3A_241 : vector<16xi32>
        %parallel_loop3A_243 = arith.constant 0 : i32
        %parallel_loop3A_244 = vector.broadcast %parallel_loop3A_243 : i32 to vector<16xi32>
        %parallel_loop3A_245 = arith.cmpi ne, %parallel_loop3A_242, %parallel_loop3A_244 : vector<16xi32>
        %parallel_loop3A_246 = arith.andi %parallel_loop3A_240, %parallel_loop3A_245 : vector<16xi1>
        %parallel_loop3A_247 = arith.constant 1 : i32
        %parallel_loop3A_248 = vector.broadcast %parallel_loop3A_247 : i32 to vector<16xi32>
        %parallel_loop3A_249 = arith.subi %parallel_loop3A_222, %parallel_loop3A_248 : vector<16xi32>
        %parallel_loop3A_250 = arith.select %parallel_loop3A_246, %parallel_loop3A_249, %parallel_loop3A_222 : vector<16xi1>, vector<16xi32>
        %parallel_loop3A_251 = arith.constant 8 : i32
        %parallel_loop3A_252 = arith.constant 0 : i32
        %parallel_loop3A_253 = arith.cmpi eq, %parallel_loop3A_251, %parallel_loop3A_252 : i32
        %parallel_loop3A_254 = arith.constant 1 : i32
        %parallel_loop3A_255 = arith.select %parallel_loop3A_253, %parallel_loop3A_254, %parallel_loop3A_251 : i32
        %parallel_loop3A_256 = vector.broadcast %parallel_loop3A_255 : i32 to vector<16xi32>
        %parallel_loop3A_257 = arith.remsi %parallel_loop3A_219, %parallel_loop3A_256 : vector<16xi32>
        %parallel_loop3A_258 = arith.constant 0 : i32
        %parallel_loop3A_259 = vector.broadcast %parallel_loop3A_258 : i32 to vector<16xi32>
        %parallel_loop3A_260 = arith.cmpi ne, %parallel_loop3A_257, %parallel_loop3A_259 : vector<16xi32>
        %parallel_loop3A_261 = arith.constant 0 : i32
        %parallel_loop3A_262 = vector.broadcast %parallel_loop3A_261 : i32 to vector<16xi32>
        %parallel_loop3A_263 = arith.cmpi slt, %parallel_loop3A_257, %parallel_loop3A_262 : vector<16xi32>
        %parallel_loop3A_264 = arith.constant 0 : i32
        %parallel_loop3A_265 = arith.cmpi slt, %parallel_loop3A_255, %parallel_loop3A_264 : i32
        %parallel_loop3A_266 = vector.broadcast %parallel_loop3A_265 : i1 to vector<16xi1>
        %parallel_loop3A_267 = vector.broadcast %parallel_loop3A_266 : vector<16xi1> to vector<16xi1>
        %parallel_loop3A_268 = arith.xori %parallel_loop3A_263, %parallel_loop3A_267 : vector<16xi1>
        %parallel_loop3A_269 = arith.andi %parallel_loop3A_268, %parallel_loop3A_260 : vector<16xi1>
        %parallel_loop3A_270 = vector.broadcast %parallel_loop3A_255 : i32 to vector<16xi32>
        %parallel_loop3A_271 = arith.addi %parallel_loop3A_257, %parallel_loop3A_270 : vector<16xi32>
        %parallel_loop3A_272 = arith.select %parallel_loop3A_269, %parallel_loop3A_271, %parallel_loop3A_257 : vector<16xi1>, vector<16xi32>
        %parallel_loop3A_273 = tpu.vector_load_idx %arg13[%parallel_loop3A_250, %parallel_loop3A_272] : memref<128x8xf32, #tpu.memory_space<vmem>>[vector<16xi32>, vector<16xi32>], vector<16xf32>,
        %parallel_loop3A_274 = tpu.vector_load_idx %arg14[%parallel_loop3A_250, %parallel_loop3A_272] : memref<128x8xf32, #tpu.memory_space<vmem>>[vector<16xi32>, vector<16xi32>], vector<16xf32>,
        %parallel_loop3A_275 = arith.addf %parallel_loop3A_273, %parallel_loop3A_274 : vector<16xf32>
        %parallel_loop3A_276 = arith.constant 0.000000e+00 : f32
        %parallel_loop3A_277 = vector.broadcast %parallel_loop3A_276 : f32 to vector<16xf32>
        %parallel_loop3A_278 = arith.cmpf ogt, %parallel_loop3A_275, %parallel_loop3A_277 : vector<16xf32>
        %parallel_loop3A_279 = arith.constant 2.000000e-01 : f32
        %parallel_loop3A_280 = vector.broadcast %parallel_loop3A_279 : f32 to vector<16xf32>
        %parallel_loop3A_281 = arith.mulf %parallel_loop3A_275, %parallel_loop3A_280 : vector<16xf32>
        %parallel_loop3A_282 = arith.select %parallel_loop3A_278, %parallel_loop3A_275, %parallel_loop3A_281 : vector<16xi1>, vector<16xf32>
        %parallel_loop3A_283 = math.exp %parallel_loop3A_282 : vector<16xf32>
        tpu.vector_store_idx %arg12[%parallel_loop3A_250, %parallel_loop3A_272], %parallel_loop3A_283 : memref<128x8xf32, #tpu.memory_space<vmem>>[vector<16xi32>, vector<16xi32>], vector<16xf32>,
      } {sc.loop_unroll_factor = 4 : i64, sc.parallel_access}
      %dma_start3A_110 = arith.constant 0 : i32
      %dma_start3A_111 = tpu.memref_slice %arg9[%mul3A_89, %dma_start3A_110] : memref<80x128xi32, #tpu.memory_space<vmem>> -> memref<1x128xi32, #tpu.memory_space<vmem>>
      %dma_start3A_112 = tpu.memref_squeeze %dma_start3A_111 : memref<1x128xi32, #tpu.memory_space<vmem>> -> memref<128xi32, #tpu.memory_space<vmem>>
      %dma_start3A_113 = arith.constant 0 : i32
      %dma_start3A_114 = arith.constant 0 : i32
      %dma_start3A_115 = tpu.memref_slice %arg21[%dma_start3A_113, %dma_start3A_114] : memref<5120x8xf32, #tpu.memory_space<vmem_shared>> -> memref<5120x8xf32, #tpu.memory_space<vmem_shared>>
      tpu.enqueue_indirect_dma source(%arg12 : memref<128x8xf32, #tpu.memory_space<vmem>>) target(%dma_start3A_115 : memref<5120x8xf32, #tpu.memory_space<vmem_shared>>) offsets(%dma_start3A_112 : memref<128xi32, #tpu.memory_space<vmem>>) semaphore(%arg24 : memref<!tpu.dma_semaphore, #tpu.memory_space<semaphore_mem>>) {add = true}
      %add3A_116 = arith.constant 1 : i32
      %add3A_117 = arith.addi %mul3A_89, %add3A_116 : i32
      %lt3A_118 = arith.constant 80 : i32
      %lt3A_119 = arith.cmpi slt, %add3A_117, %lt3A_118 : i32
      %convert_element_type3A_120 = arith.extui %lt3A_119 : i1 to i32
      %cond3A_121 = arith.constant 0 : i32
      %cond3A_122 = arith.cmpi ne, %convert_element_type3A_120, %cond3A_121 : i32
      scf.if %cond3A_122 {
        %add3A_215 = arith.constant 1 : i32
        %add3A_216 = arith.addi %mul3A_89, %add3A_215 : i32
        %dma_start3A_217 = arith.constant 0 : i32
        %dma_start3A_218 = tpu.memref_slice %arg8[%add3A_216, %dma_start3A_217] : memref<80x128xi32, #tpu.memory_space<vmem>> -> memref<1x128xi32, #tpu.memory_space<vmem>>
        %dma_start3A_219 = tpu.memref_squeeze %dma_start3A_218 : memref<1x128xi32, #tpu.memory_space<vmem>> -> memref<128xi32, #tpu.memory_space<vmem>>
        %dma_start3A_220 = arith.constant 0 : i32
        %dma_start3A_221 = arith.constant 0 : i32
        %dma_start3A_222 = tpu.memref_slice %arg18[%dma_start3A_220, %dma_start3A_221] : memref<5000x8xf32, #tpu.memory_space<vmem_shared>> -> memref<5000x8xf32, #tpu.memory_space<vmem_shared>>
        tpu.enqueue_indirect_dma source(%dma_start3A_222 : memref<5000x8xf32, #tpu.memory_space<vmem_shared>>) target(%arg15 : memref<128x8xf32, #tpu.memory_space<vmem>>) offsets(%dma_start3A_219 : memref<128xi32, #tpu.memory_space<vmem>>) semaphore(%arg22 : memref<!tpu.dma_semaphore, #tpu.memory_space<semaphore_mem>>)
        %add3A_223 = arith.constant 1 : i32
        %add3A_224 = arith.addi %mul3A_89, %add3A_223 : i32
        %dma_start3A_225 = arith.constant 0 : i32
        %dma_start3A_226 = tpu.memref_slice %arg9[%add3A_224, %dma_start3A_225] : memref<80x128xi32, #tpu.memory_space<vmem>> -> memref<1x128xi32, #tpu.memory_space<vmem>>
        %dma_start3A_227 = tpu.memref_squeeze %dma_start3A_226 : memref<1x128xi32, #tpu.memory_space<vmem>> -> memref<128xi32, #tpu.memory_space<vmem>>
        %dma_start3A_228 = arith.constant 0 : i32
        %dma_start3A_229 = arith.constant 0 : i32
        %dma_start3A_230 = tpu.memref_slice %arg19[%dma_start3A_228, %dma_start3A_229] : memref<5120x8xf32, #tpu.memory_space<vmem_shared>> -> memref<5120x8xf32, #tpu.memory_space<vmem_shared>>
        tpu.enqueue_indirect_dma source(%dma_start3A_230 : memref<5120x8xf32, #tpu.memory_space<vmem_shared>>) target(%arg16 : memref<128x8xf32, #tpu.memory_space<vmem>>) offsets(%dma_start3A_227 : memref<128xi32, #tpu.memory_space<vmem>>) semaphore(%arg22 : memref<!tpu.dma_semaphore, #tpu.memory_space<semaphore_mem>>)
      } else {
      }
      %dma_wait3A_123 = arith.constant 0 : i32
      %dma_wait3A_124 = tpu.memref_slice %arg8[%mul3A_89, %dma_wait3A_123] : memref<80x128xi32, #tpu.memory_space<vmem>> -> memref<1x128xi32, #tpu.memory_space<vmem>>
      %dma_wait3A_125 = tpu.memref_squeeze %dma_wait3A_124 : memref<1x128xi32, #tpu.memory_space<vmem>> -> memref<128xi32, #tpu.memory_space<vmem>>
      %dma_wait3A_126 = arith.constant 0 : i32
      %dma_wait3A_127 = arith.constant 0 : i32
      %dma_wait3A_128 = tpu.memref_slice %arg3[%dma_wait3A_126, %dma_wait3A_127] : memref<10000x128xf32, #tpu.memory_space<hbm>> -> memref<10000x128xf32, #tpu.memory_space<hbm>>
      tpu.wait_indirect_dma semaphore(%arg23 : memref<!tpu.dma_semaphore, #tpu.memory_space<semaphore_mem>>) src(%dma_wait3A_128 : memref<10000x128xf32, #tpu.memory_space<hbm>>) dst(%arg10 : memref<128x128xf32, #tpu.memory_space<vmem>>)
      %ge3A_129 = arith.constant 1 : i32
      %ge3A_130 = arith.cmpi sge, %mul3A_89, %ge3A_129 : i32
      %convert_element_type3A_131 = arith.extui %ge3A_130 : i1 to i32
      %cond3A_132 = arith.constant 0 : i32
      %cond3A_133 = arith.cmpi ne, %convert_element_type3A_131, %cond3A_132 : i32
      scf.if %cond3A_133 {
        %dma_wait3A_215 = arith.constant 0 : i32
        %dma_wait3A_216 = arith.constant 0 : i32
        %dma_wait3A_217 = tpu.memref_slice %arg9[%dma_wait3A_215, %dma_wait3A_216] : memref<80x128xi32, #tpu.memory_space<vmem>> -> memref<1x128xi32, #tpu.memory_space<vmem>>
        %dma_wait3A_218 = tpu.memref_squeeze %dma_wait3A_217 : memref<1x128xi32, #tpu.memory_space<vmem>> -> memref<128xi32, #tpu.memory_space<vmem>>
        %dma_wait3A_219 = arith.constant 0 : i32
        %dma_wait3A_220 = arith.constant 0 : i32
        %dma_wait3A_221 = tpu.memref_slice %arg20[%dma_wait3A_219, %dma_wait3A_220] : memref<5120x128xf32, #tpu.memory_space<vmem_shared>> -> memref<5120x128xf32, #tpu.memory_space<vmem_shared>>
        tpu.wait_indirect_dma semaphore(%arg25 : memref<!tpu.dma_semaphore, #tpu.memory_space<semaphore_mem>>) src(%arg11 : memref<128x128xf32, #tpu.memory_space<vmem>>) dst(%dma_wait3A_221 : memref<5120x128xf32, #tpu.memory_space<vmem_shared>>)
      } else {
      }
      %parallel_loop3A_134 = arith.constant 0 : i32
      %parallel_loop3A_135 = arith.constant 64 : i32
      %parallel_loop3A_136 = arith.constant 1 : i32
      scf.for %parallel_loop3A_215 = %parallel_loop3A_134 to %parallel_loop3A_135 step %parallel_loop3A_136  : i32 {
        %parallel_loop3A_216 = arith.constant 16 : i32
        %parallel_loop3A_217 = arith.muli %parallel_loop3A_215, %parallel_loop3A_216 : i32
        %parallel_loop3A_218 = vector.broadcast %parallel_loop3A_217 : i32 to vector<16xi32>
        %parallel_loop3A_219 = arith.addi %parallel_loop3A_218, %iota3A : vector<16xi32>
        %parallel_loop3A_220 = arith.constant 8 : i32
        %parallel_loop3A_221 = vector.broadcast %parallel_loop3A_220 : i32 to vector<16xi32>
        %parallel_loop3A_222 = arith.divsi %parallel_loop3A_219, %parallel_loop3A_221 : vector<16xi32>
        %parallel_loop3A_223 = arith.constant 0 : i32
        %parallel_loop3A_224 = vector.broadcast %parallel_loop3A_223 : i32 to vector<16xi32>
        %parallel_loop3A_225 = arith.cmpi sgt, %parallel_loop3A_219, %parallel_loop3A_224 : vector<16xi32>
        %parallel_loop3A_226 = arith.extui %parallel_loop3A_225 : vector<16xi1> to vector<16xi32>
        %parallel_loop3A_227 = arith.constant 0 : i32
        %parallel_loop3A_228 = vector.broadcast %parallel_loop3A_227 : i32 to vector<16xi32>
        %parallel_loop3A_229 = arith.cmpi slt, %parallel_loop3A_219, %parallel_loop3A_228 : vector<16xi32>
        %parallel_loop3A_230 = arith.extui %parallel_loop3A_229 : vector<16xi1> to vector<16xi32>
        %parallel_loop3A_231 = arith.subi %parallel_loop3A_226, %parallel_loop3A_230 : vector<16xi32>
        %parallel_loop3A_232 = arith.constant 0 : i32
        %parallel_loop3A_233 = arith.cmpi sgt, %parallel_loop3A_220, %parallel_loop3A_232 : i32
        %parallel_loop3A_234 = arith.extui %parallel_loop3A_233 : i1 to i32
        %parallel_loop3A_235 = arith.constant 0 : i32
        %parallel_loop3A_236 = arith.cmpi slt, %parallel_loop3A_220, %parallel_loop3A_235 : i32
        %parallel_loop3A_237 = arith.extui %parallel_loop3A_236 : i1 to i32
        %parallel_loop3A_238 = arith.subi %parallel_loop3A_234, %parallel_loop3A_237 : i32
        %parallel_loop3A_239 = vector.broadcast %parallel_loop3A_238 : i32 to vector<16xi32>
        %parallel_loop3A_240 = arith.cmpi ne, %parallel_loop3A_231, %parallel_loop3A_239 : vector<16xi32>
        %parallel_loop3A_241 = vector.broadcast %parallel_loop3A_220 : i32 to vector<16xi32>
        %parallel_loop3A_242 = arith.remsi %parallel_loop3A_219, %parallel_loop3A_241 : vector<16xi32>
        %parallel_loop3A_243 = arith.constant 0 : i32
        %parallel_loop3A_244 = vector.broadcast %parallel_loop3A_243 : i32 to vector<16xi32>
        %parallel_loop3A_245 = arith.cmpi ne, %parallel_loop3A_242, %parallel_loop3A_244 : vector<16xi32>
        %parallel_loop3A_246 = arith.andi %parallel_loop3A_240, %parallel_loop3A_245 : vector<16xi1>
        %parallel_loop3A_247 = arith.constant 1 : i32
        %parallel_loop3A_248 = vector.broadcast %parallel_loop3A_247 : i32 to vector<16xi32>
        %parallel_loop3A_249 = arith.subi %parallel_loop3A_222, %parallel_loop3A_248 : vector<16xi32>
        %parallel_loop3A_250 = arith.select %parallel_loop3A_246, %parallel_loop3A_249, %parallel_loop3A_222 : vector<16xi1>, vector<16xi32>
        %parallel_loop3A_251 = arith.constant 8 : i32
        %parallel_loop3A_252 = arith.constant 0 : i32
        %parallel_loop3A_253 = arith.cmpi eq, %parallel_loop3A_251, %parallel_loop3A_252 : i32
        %parallel_loop3A_254 = arith.constant 1 : i32
        %parallel_loop3A_255 = arith.select %parallel_loop3A_253, %parallel_loop3A_254, %parallel_loop3A_251 : i32
        %parallel_loop3A_256 = vector.broadcast %parallel_loop3A_255 : i32 to vector<16xi32>
        %parallel_loop3A_257 = arith.remsi %parallel_loop3A_219, %parallel_loop3A_256 : vector<16xi32>
        %parallel_loop3A_258 = arith.constant 0 : i32
        %parallel_loop3A_259 = vector.broadcast %parallel_loop3A_258 : i32 to vector<16xi32>
        %parallel_loop3A_260 = arith.cmpi ne, %parallel_loop3A_257, %parallel_loop3A_259 : vector<16xi32>
        %parallel_loop3A_261 = arith.constant 0 : i32
        %parallel_loop3A_262 = vector.broadcast %parallel_loop3A_261 : i32 to vector<16xi32>
        %parallel_loop3A_263 = arith.cmpi slt, %parallel_loop3A_257, %parallel_loop3A_262 : vector<16xi32>
        %parallel_loop3A_264 = arith.constant 0 : i32
        %parallel_loop3A_265 = arith.cmpi slt, %parallel_loop3A_255, %parallel_loop3A_264 : i32
        %parallel_loop3A_266 = vector.broadcast %parallel_loop3A_265 : i1 to vector<16xi1>
        %parallel_loop3A_267 = vector.broadcast %parallel_loop3A_266 : vector<16xi1> to vector<16xi1>
        %parallel_loop3A_268 = arith.xori %parallel_loop3A_263, %parallel_loop3A_267 : vector<16xi1>
        %parallel_loop3A_269 = arith.andi %parallel_loop3A_268, %parallel_loop3A_260 : vector<16xi1>
        %parallel_loop3A_270 = vector.broadcast %parallel_loop3A_255 : i32 to vector<16xi32>
        %parallel_loop3A_271 = arith.addi %parallel_loop3A_257, %parallel_loop3A_270 : vector<16xi32>
        %parallel_loop3A_272 = arith.select %parallel_loop3A_269, %parallel_loop3A_271, %parallel_loop3A_257 : vector<16xi1>, vector<16xi32>
        %parallel_loop3A_273 = tpu.vector_load_idx %arg12[%parallel_loop3A_250, %parallel_loop3A_272] : memref<128x8xf32, #tpu.memory_space<vmem>>[vector<16xi32>, vector<16xi32>], vector<16xf32>,
        %parallel_loop3A_274 = arith.constant 2 : i32
        %parallel_loop3A_275 = arith.muli %parallel_loop3A_274, %parallel_loop3A_215 : i32
        %parallel_loop3A_276 = arith.index_cast %parallel_loop3A_275 : i32 to index
        %parallel_loop3A_277 = arith.constant 0 : index
        %parallel_loop3A_278 = tpu.vector_load %arg10[%parallel_loop3A_276, %parallel_loop3A_277] {strides = array<i32>} : memref<128x128xf32, #tpu.memory_space<vmem>>, vector<16xf32>,
        %parallel_loop3A_279 = vector.extract_strided_slice %parallel_loop3A_273 {offsets = [0], sizes = [1], strides = [1]} : vector<16xf32> to vector<1xf32>
        %parallel_loop3A_280 = vector.extract %parallel_loop3A_279[0] : f32 from vector<1xf32>
        %parallel_loop3A_281 = vector.broadcast %parallel_loop3A_280 : f32 to vector<16xf32>
        %parallel_loop3A_282 = arith.mulf %parallel_loop3A_278, %parallel_loop3A_281 : vector<16xf32>
        %parallel_loop3A_283 = arith.constant 2 : i32
        %parallel_loop3A_284 = arith.muli %parallel_loop3A_283, %parallel_loop3A_215 : i32
        %parallel_loop3A_285 = arith.index_cast %parallel_loop3A_284 : i32 to index
        %parallel_loop3A_286 = arith.constant 0 : index
        %parallel_loop3A_287 = tpu.vector_load %arg11[%parallel_loop3A_285, %parallel_loop3A_286] {strides = array<i32>} : memref<128x128xf32, #tpu.memory_space<vmem>>, vector<16xf32>,
        tpu.vector_store %arg11[%parallel_loop3A_285, %parallel_loop3A_286], %parallel_loop3A_282 {strides = array<i32>} : memref<128x128xf32, #tpu.memory_space<vmem>>, vector<16xf32>,
        %parallel_loop3A_288 = arith.constant 2 : i32
        %parallel_loop3A_289 = arith.muli %parallel_loop3A_288, %parallel_loop3A_215 : i32
        %parallel_loop3A_290 = arith.constant 1 : i32
        %parallel_loop3A_291 = arith.addi %parallel_loop3A_289, %parallel_loop3A_290 : i32
        %parallel_loop3A_292 = arith.index_cast %parallel_loop3A_291 : i32 to index
        %parallel_loop3A_293 = arith.constant 0 : index
        %parallel_loop3A_294 = tpu.vector_load %arg10[%parallel_loop3A_292, %parallel_loop3A_293] {strides = array<i32>} : memref<128x128xf32, #tpu.memory_space<vmem>>, vector<16xf32>,
        %parallel_loop3A_295 = vector.extract_strided_slice %parallel_loop3A_273 {offsets = [8], sizes = [1], strides = [1]} : vector<16xf32> to vector<1xf32>
        %parallel_loop3A_296 = vector.extract %parallel_loop3A_295[0] : f32 from vector<1xf32>
        %parallel_loop3A_297 = vector.broadcast %parallel_loop3A_296 : f32 to vector<16xf32>
        %parallel_loop3A_298 = arith.mulf %parallel_loop3A_294, %parallel_loop3A_297 : vector<16xf32>
        %parallel_loop3A_299 = arith.constant 2 : i32
        %parallel_loop3A_300 = arith.muli %parallel_loop3A_299, %parallel_loop3A_215 : i32
        %parallel_loop3A_301 = arith.constant 1 : i32
        %parallel_loop3A_302 = arith.addi %parallel_loop3A_300, %parallel_loop3A_301 : i32
        %parallel_loop3A_303 = arith.index_cast %parallel_loop3A_302 : i32 to index
        %parallel_loop3A_304 = arith.constant 0 : index
        %parallel_loop3A_305 = tpu.vector_load %arg11[%parallel_loop3A_303, %parallel_loop3A_304] {strides = array<i32>} : memref<128x128xf32, #tpu.memory_space<vmem>>, vector<16xf32>,
        tpu.vector_store %arg11[%parallel_loop3A_303, %parallel_loop3A_304], %parallel_loop3A_298 {strides = array<i32>} : memref<128x128xf32, #tpu.memory_space<vmem>>, vector<16xf32>,
        %parallel_loop3A_306 = arith.constant 2 : i32
        %parallel_loop3A_307 = arith.muli %parallel_loop3A_306, %parallel_loop3A_215 : i32
        %parallel_loop3A_308 = arith.index_cast %parallel_loop3A_307 : i32 to index
        %parallel_loop3A_309 = arith.constant 16 : index
        %parallel_loop3A_310 = tpu.vector_load %arg10[%parallel_loop3A_308, %parallel_loop3A_309] {strides = array<i32>} : memref<128x128xf32, #tpu.memory_space<vmem>>, vector<16xf32>,
        %parallel_loop3A_311 = vector.extract_strided_slice %parallel_loop3A_273 {offsets = [1], sizes = [1], strides = [1]} : vector<16xf32> to vector<1xf32>
        %parallel_loop3A_312 = vector.extract %parallel_loop3A_311[0] : f32 from vector<1xf32>
        %parallel_loop3A_313 = vector.broadcast %parallel_loop3A_312 : f32 to vector<16xf32>
        %parallel_loop3A_314 = arith.mulf %parallel_loop3A_310, %parallel_loop3A_313 : vector<16xf32>
        %parallel_loop3A_315 = arith.constant 2 : i32
        %parallel_loop3A_316 = arith.muli %parallel_loop3A_315, %parallel_loop3A_215 : i32
        %parallel_loop3A_317 = arith.index_cast %parallel_loop3A_316 : i32 to index
        %parallel_loop3A_318 = arith.constant 16 : index
        %parallel_loop3A_319 = tpu.vector_load %arg11[%parallel_loop3A_317, %parallel_loop3A_318] {strides = array<i32>} : memref<128x128xf32, #tpu.memory_space<vmem>>, vector<16xf32>,
        tpu.vector_store %arg11[%parallel_loop3A_317, %parallel_loop3A_318], %parallel_loop3A_314 {strides = array<i32>} : memref<128x128xf32, #tpu.memory_space<vmem>>, vector<16xf32>,
        %parallel_loop3A_320 = arith.constant 2 : i32
        %parallel_loop3A_321 = arith.muli %parallel_loop3A_320, %parallel_loop3A_215 : i32
        %parallel_loop3A_322 = arith.constant 1 : i32
        %parallel_loop3A_323 = arith.addi %parallel_loop3A_321, %parallel_loop3A_322 : i32
        %parallel_loop3A_324 = arith.index_cast %parallel_loop3A_323 : i32 to index
        %parallel_loop3A_325 = arith.constant 16 : index
        %parallel_loop3A_326 = tpu.vector_load %arg10[%parallel_loop3A_324, %parallel_loop3A_325] {strides = array<i32>} : memref<128x128xf32, #tpu.memory_space<vmem>>, vector<16xf32>,
        %parallel_loop3A_327 = vector.extract_strided_slice %parallel_loop3A_273 {offsets = [9], sizes = [1], strides = [1]} : vector<16xf32> to vector<1xf32>
        %parallel_loop3A_328 = vector.extract %parallel_loop3A_327[0] : f32 from vector<1xf32>
        %parallel_loop3A_329 = vector.broadcast %parallel_loop3A_328 : f32 to vector<16xf32>
        %parallel_loop3A_330 = arith.mulf %parallel_loop3A_326, %parallel_loop3A_329 : vector<16xf32>
        %parallel_loop3A_331 = arith.constant 2 : i32
        %parallel_loop3A_332 = arith.muli %parallel_loop3A_331, %parallel_loop3A_215 : i32
        %parallel_loop3A_333 = arith.constant 1 : i32
        %parallel_loop3A_334 = arith.addi %parallel_loop3A_332, %parallel_loop3A_333 : i32
        %parallel_loop3A_335 = arith.index_cast %parallel_loop3A_334 : i32 to index
        %parallel_loop3A_336 = arith.constant 16 : index
        %parallel_loop3A_337 = tpu.vector_load %arg11[%parallel_loop3A_335, %parallel_loop3A_336] {strides = array<i32>} : memref<128x128xf32, #tpu.memory_space<vmem>>, vector<16xf32>,
        tpu.vector_store %arg11[%parallel_loop3A_335, %parallel_loop3A_336], %parallel_loop3A_330 {strides = array<i32>} : memref<128x128xf32, #tpu.memory_space<vmem>>, vector<16xf32>,
        %parallel_loop3A_338 = arith.constant 2 : i32
        %parallel_loop3A_339 = arith.muli %parallel_loop3A_338, %parallel_loop3A_215 : i32
        %parallel_loop3A_340 = arith.index_cast %parallel_loop3A_339 : i32 to index
        %parallel_loop3A_341 = arith.constant 32 : index
        %parallel_loop3A_342 = tpu.vector_load %arg10[%parallel_loop3A_340, %parallel_loop3A_341] {strides = array<i32>} : memref<128x128xf32, #tpu.memory_space<vmem>>, vector<16xf32>,
        %parallel_loop3A_343 = vector.extract_strided_slice %parallel_loop3A_273 {offsets = [2], sizes = [1], strides = [1]} : vector<16xf32> to vector<1xf32>
        %parallel_loop3A_344 = vector.extract %parallel_loop3A_343[0] : f32 from vector<1xf32>
        %parallel_loop3A_345 = vector.broadcast %parallel_loop3A_344 : f32 to vector<16xf32>
        %parallel_loop3A_346 = arith.mulf %parallel_loop3A_342, %parallel_loop3A_345 : vector<16xf32>
        %parallel_loop3A_347 = arith.constant 2 : i32
        %parallel_loop3A_348 = arith.muli %parallel_loop3A_347, %parallel_loop3A_215 : i32
        %parallel_loop3A_349 = arith.index_cast %parallel_loop3A_348 : i32 to index
        %parallel_loop3A_350 = arith.constant 32 : index
        %parallel_loop3A_351 = tpu.vector_load %arg11[%parallel_loop3A_349, %parallel_loop3A_350] {strides = array<i32>} : memref<128x128xf32, #tpu.memory_space<vmem>>, vector<16xf32>,
        tpu.vector_store %arg11[%parallel_loop3A_349, %parallel_loop3A_350], %parallel_loop3A_346 {strides = array<i32>} : memref<128x128xf32, #tpu.memory_space<vmem>>, vector<16xf32>,
        %parallel_loop3A_352 = arith.constant 2 : i32
        %parallel_loop3A_353 = arith.muli %parallel_loop3A_352, %parallel_loop3A_215 : i32
        %parallel_loop3A_354 = arith.constant 1 : i32
        %parallel_loop3A_355 = arith.addi %parallel_loop3A_353, %parallel_loop3A_354 : i32
        %parallel_loop3A_356 = arith.index_cast %parallel_loop3A_355 : i32 to index
        %parallel_loop3A_357 = arith.constant 32 : index
        %parallel_loop3A_358 = tpu.vector_load %arg10[%parallel_loop3A_356, %parallel_loop3A_357] {strides = array<i32>} : memref<128x128xf32, #tpu.memory_space<vmem>>, vector<16xf32>,
        %parallel_loop3A_359 = vector.extract_strided_slice %parallel_loop3A_273 {offsets = [10], sizes = [1], strides = [1]} : vector<16xf32> to vector<1xf32>
        %parallel_loop3A_360 = vector.extract %parallel_loop3A_359[0] : f32 from vector<1xf32>
        %parallel_loop3A_361 = vector.broadcast %parallel_loop3A_360 : f32 to vector<16xf32>
        %parallel_loop3A_362 = arith.mulf %parallel_loop3A_358, %parallel_loop3A_361 : vector<16xf32>
        %parallel_loop3A_363 = arith.constant 2 : i32
        %parallel_loop3A_364 = arith.muli %parallel_loop3A_363, %parallel_loop3A_215 : i32
        %parallel_loop3A_365 = arith.constant 1 : i32
        %parallel_loop3A_366 = arith.addi %parallel_loop3A_364, %parallel_loop3A_365 : i32
        %parallel_loop3A_367 = arith.index_cast %parallel_loop3A_366 : i32 to index
        %parallel_loop3A_368 = arith.constant 32 : index
        %parallel_loop3A_369 = tpu.vector_load %arg11[%parallel_loop3A_367, %parallel_loop3A_368] {strides = array<i32>} : memref<128x128xf32, #tpu.memory_space<vmem>>, vector<16xf32>,
        tpu.vector_store %arg11[%parallel_loop3A_367, %parallel_loop3A_368], %parallel_loop3A_362 {strides = array<i32>} : memref<128x128xf32, #tpu.memory_space<vmem>>, vector<16xf32>,
        %parallel_loop3A_370 = arith.constant 2 : i32
        %parallel_loop3A_371 = arith.muli %parallel_loop3A_370, %parallel_loop3A_215 : i32
        %parallel_loop3A_372 = arith.index_cast %parallel_loop3A_371 : i32 to index
        %parallel_loop3A_373 = arith.constant 48 : index
        %parallel_loop3A_374 = tpu.vector_load %arg10[%parallel_loop3A_372, %parallel_loop3A_373] {strides = array<i32>} : memref<128x128xf32, #tpu.memory_space<vmem>>, vector<16xf32>,
        %parallel_loop3A_375 = vector.extract_strided_slice %parallel_loop3A_273 {offsets = [3], sizes = [1], strides = [1]} : vector<16xf32> to vector<1xf32>
        %parallel_loop3A_376 = vector.extract %parallel_loop3A_375[0] : f32 from vector<1xf32>
        %parallel_loop3A_377 = vector.broadcast %parallel_loop3A_376 : f32 to vector<16xf32>
        %parallel_loop3A_378 = arith.mulf %parallel_loop3A_374, %parallel_loop3A_377 : vector<16xf32>
        %parallel_loop3A_379 = arith.constant 2 : i32
        %parallel_loop3A_380 = arith.muli %parallel_loop3A_379, %parallel_loop3A_215 : i32
        %parallel_loop3A_381 = arith.index_cast %parallel_loop3A_380 : i32 to index
        %parallel_loop3A_382 = arith.constant 48 : index
        %parallel_loop3A_383 = tpu.vector_load %arg11[%parallel_loop3A_381, %parallel_loop3A_382] {strides = array<i32>} : memref<128x128xf32, #tpu.memory_space<vmem>>, vector<16xf32>,
        tpu.vector_store %arg11[%parallel_loop3A_381, %parallel_loop3A_382], %parallel_loop3A_378 {strides = array<i32>} : memref<128x128xf32, #tpu.memory_space<vmem>>, vector<16xf32>,
        %parallel_loop3A_384 = arith.constant 2 : i32
        %parallel_loop3A_385 = arith.muli %parallel_loop3A_384, %parallel_loop3A_215 : i32
        %parallel_loop3A_386 = arith.constant 1 : i32
        %parallel_loop3A_387 = arith.addi %parallel_loop3A_385, %parallel_loop3A_386 : i32
        %parallel_loop3A_388 = arith.index_cast %parallel_loop3A_387 : i32 to index
        %parallel_loop3A_389 = arith.constant 48 : index
        %parallel_loop3A_390 = tpu.vector_load %arg10[%parallel_loop3A_388, %parallel_loop3A_389] {strides = array<i32>} : memref<128x128xf32, #tpu.memory_space<vmem>>, vector<16xf32>,
        %parallel_loop3A_391 = vector.extract_strided_slice %parallel_loop3A_273 {offsets = [11], sizes = [1], strides = [1]} : vector<16xf32> to vector<1xf32>
        %parallel_loop3A_392 = vector.extract %parallel_loop3A_391[0] : f32 from vector<1xf32>
        %parallel_loop3A_393 = vector.broadcast %parallel_loop3A_392 : f32 to vector<16xf32>
        %parallel_loop3A_394 = arith.mulf %parallel_loop3A_390, %parallel_loop3A_393 : vector<16xf32>
        %parallel_loop3A_395 = arith.constant 2 : i32
        %parallel_loop3A_396 = arith.muli %parallel_loop3A_395, %parallel_loop3A_215 : i32
        %parallel_loop3A_397 = arith.constant 1 : i32
        %parallel_loop3A_398 = arith.addi %parallel_loop3A_396, %parallel_loop3A_397 : i32
        %parallel_loop3A_399 = arith.index_cast %parallel_loop3A_398 : i32 to index
        %parallel_loop3A_400 = arith.constant 48 : index
        %parallel_loop3A_401 = tpu.vector_load %arg11[%parallel_loop3A_399, %parallel_loop3A_400] {strides = array<i32>} : memref<128x128xf32, #tpu.memory_space<vmem>>, vector<16xf32>,
        tpu.vector_store %arg11[%parallel_loop3A_399, %parallel_loop3A_400], %parallel_loop3A_394 {strides = array<i32>} : memref<128x128xf32, #tpu.memory_space<vmem>>, vector<16xf32>,
        %parallel_loop3A_402 = arith.constant 2 : i32
        %parallel_loop3A_403 = arith.muli %parallel_loop3A_402, %parallel_loop3A_215 : i32
        %parallel_loop3A_404 = arith.index_cast %parallel_loop3A_403 : i32 to index
        %parallel_loop3A_405 = arith.constant 64 : index
        %parallel_loop3A_406 = tpu.vector_load %arg10[%parallel_loop3A_404, %parallel_loop3A_405] {strides = array<i32>} : memref<128x128xf32, #tpu.memory_space<vmem>>, vector<16xf32>,
        %parallel_loop3A_407 = vector.extract_strided_slice %parallel_loop3A_273 {offsets = [4], sizes = [1], strides = [1]} : vector<16xf32> to vector<1xf32>
        %parallel_loop3A_408 = vector.extract %parallel_loop3A_407[0] : f32 from vector<1xf32>
        %parallel_loop3A_409 = vector.broadcast %parallel_loop3A_408 : f32 to vector<16xf32>
        %parallel_loop3A_410 = arith.mulf %parallel_loop3A_406, %parallel_loop3A_409 : vector<16xf32>
        %parallel_loop3A_411 = arith.constant 2 : i32
        %parallel_loop3A_412 = arith.muli %parallel_loop3A_411, %parallel_loop3A_215 : i32
        %parallel_loop3A_413 = arith.index_cast %parallel_loop3A_412 : i32 to index
        %parallel_loop3A_414 = arith.constant 64 : index
        %parallel_loop3A_415 = tpu.vector_load %arg11[%parallel_loop3A_413, %parallel_loop3A_414] {strides = array<i32>} : memref<128x128xf32, #tpu.memory_space<vmem>>, vector<16xf32>,
        tpu.vector_store %arg11[%parallel_loop3A_413, %parallel_loop3A_414], %parallel_loop3A_410 {strides = array<i32>} : memref<128x128xf32, #tpu.memory_space<vmem>>, vector<16xf32>,
        %parallel_loop3A_416 = arith.constant 2 : i32
        %parallel_loop3A_417 = arith.muli %parallel_loop3A_416, %parallel_loop3A_215 : i32
        %parallel_loop3A_418 = arith.constant 1 : i32
        %parallel_loop3A_419 = arith.addi %parallel_loop3A_417, %parallel_loop3A_418 : i32
        %parallel_loop3A_420 = arith.index_cast %parallel_loop3A_419 : i32 to index
        %parallel_loop3A_421 = arith.constant 64 : index
        %parallel_loop3A_422 = tpu.vector_load %arg10[%parallel_loop3A_420, %parallel_loop3A_421] {strides = array<i32>} : memref<128x128xf32, #tpu.memory_space<vmem>>, vector<16xf32>,
        %parallel_loop3A_423 = vector.extract_strided_slice %parallel_loop3A_273 {offsets = [12], sizes = [1], strides = [1]} : vector<16xf32> to vector<1xf32>
        %parallel_loop3A_424 = vector.extract %parallel_loop3A_423[0] : f32 from vector<1xf32>
        %parallel_loop3A_425 = vector.broadcast %parallel_loop3A_424 : f32 to vector<16xf32>
        %parallel_loop3A_426 = arith.mulf %parallel_loop3A_422, %parallel_loop3A_425 : vector<16xf32>
        %parallel_loop3A_427 = arith.constant 2 : i32
        %parallel_loop3A_428 = arith.muli %parallel_loop3A_427, %parallel_loop3A_215 : i32
        %parallel_loop3A_429 = arith.constant 1 : i32
        %parallel_loop3A_430 = arith.addi %parallel_loop3A_428, %parallel_loop3A_429 : i32
        %parallel_loop3A_431 = arith.index_cast %parallel_loop3A_430 : i32 to index
        %parallel_loop3A_432 = arith.constant 64 : index
        %parallel_loop3A_433 = tpu.vector_load %arg11[%parallel_loop3A_431, %parallel_loop3A_432] {strides = array<i32>} : memref<128x128xf32, #tpu.memory_space<vmem>>, vector<16xf32>,
        tpu.vector_store %arg11[%parallel_loop3A_431, %parallel_loop3A_432], %parallel_loop3A_426 {strides = array<i32>} : memref<128x128xf32, #tpu.memory_space<vmem>>, vector<16xf32>,
        %parallel_loop3A_434 = arith.constant 2 : i32
        %parallel_loop3A_435 = arith.muli %parallel_loop3A_434, %parallel_loop3A_215 : i32
        %parallel_loop3A_436 = arith.index_cast %parallel_loop3A_435 : i32 to index
        %parallel_loop3A_437 = arith.constant 80 : index
        %parallel_loop3A_438 = tpu.vector_load %arg10[%parallel_loop3A_436, %parallel_loop3A_437] {strides = array<i32>} : memref<128x128xf32, #tpu.memory_space<vmem>>, vector<16xf32>,
        %parallel_loop3A_439 = vector.extract_strided_slice %parallel_loop3A_273 {offsets = [5], sizes = [1], strides = [1]} : vector<16xf32> to vector<1xf32>
        %parallel_loop3A_440 = vector.extract %parallel_loop3A_439[0] : f32 from vector<1xf32>
        %parallel_loop3A_441 = vector.broadcast %parallel_loop3A_440 : f32 to vector<16xf32>
        %parallel_loop3A_442 = arith.mulf %parallel_loop3A_438, %parallel_loop3A_441 : vector<16xf32>
        %parallel_loop3A_443 = arith.constant 2 : i32
        %parallel_loop3A_444 = arith.muli %parallel_loop3A_443, %parallel_loop3A_215 : i32
        %parallel_loop3A_445 = arith.index_cast %parallel_loop3A_444 : i32 to index
        %parallel_loop3A_446 = arith.constant 80 : index
        %parallel_loop3A_447 = tpu.vector_load %arg11[%parallel_loop3A_445, %parallel_loop3A_446] {strides = array<i32>} : memref<128x128xf32, #tpu.memory_space<vmem>>, vector<16xf32>,
        tpu.vector_store %arg11[%parallel_loop3A_445, %parallel_loop3A_446], %parallel_loop3A_442 {strides = array<i32>} : memref<128x128xf32, #tpu.memory_space<vmem>>, vector<16xf32>,
        %parallel_loop3A_448 = arith.constant 2 : i32
        %parallel_loop3A_449 = arith.muli %parallel_loop3A_448, %parallel_loop3A_215 : i32
        %parallel_loop3A_450 = arith.constant 1 : i32
        %parallel_loop3A_451 = arith.addi %parallel_loop3A_449, %parallel_loop3A_450 : i32
        %parallel_loop3A_452 = arith.index_cast %parallel_loop3A_451 : i32 to index
        %parallel_loop3A_453 = arith.constant 80 : index
        %parallel_loop3A_454 = tpu.vector_load %arg10[%parallel_loop3A_452, %parallel_loop3A_453] {strides = array<i32>} : memref<128x128xf32, #tpu.memory_space<vmem>>, vector<16xf32>,
        %parallel_loop3A_455 = vector.extract_strided_slice %parallel_loop3A_273 {offsets = [13], sizes = [1], strides = [1]} : vector<16xf32> to vector<1xf32>
        %parallel_loop3A_456 = vector.extract %parallel_loop3A_455[0] : f32 from vector<1xf32>
        %parallel_loop3A_457 = vector.broadcast %parallel_loop3A_456 : f32 to vector<16xf32>
        %parallel_loop3A_458 = arith.mulf %parallel_loop3A_454, %parallel_loop3A_457 : vector<16xf32>
        %parallel_loop3A_459 = arith.constant 2 : i32
        %parallel_loop3A_460 = arith.muli %parallel_loop3A_459, %parallel_loop3A_215 : i32
        %parallel_loop3A_461 = arith.constant 1 : i32
        %parallel_loop3A_462 = arith.addi %parallel_loop3A_460, %parallel_loop3A_461 : i32
        %parallel_loop3A_463 = arith.index_cast %parallel_loop3A_462 : i32 to index
        %parallel_loop3A_464 = arith.constant 80 : index
        %parallel_loop3A_465 = tpu.vector_load %arg11[%parallel_loop3A_463, %parallel_loop3A_464] {strides = array<i32>} : memref<128x128xf32, #tpu.memory_space<vmem>>, vector<16xf32>,
        tpu.vector_store %arg11[%parallel_loop3A_463, %parallel_loop3A_464], %parallel_loop3A_458 {strides = array<i32>} : memref<128x128xf32, #tpu.memory_space<vmem>>, vector<16xf32>,
        %parallel_loop3A_466 = arith.constant 2 : i32
        %parallel_loop3A_467 = arith.muli %parallel_loop3A_466, %parallel_loop3A_215 : i32
        %parallel_loop3A_468 = arith.index_cast %parallel_loop3A_467 : i32 to index
        %parallel_loop3A_469 = arith.constant 96 : index
        %parallel_loop3A_470 = tpu.vector_load %arg10[%parallel_loop3A_468, %parallel_loop3A_469] {strides = array<i32>} : memref<128x128xf32, #tpu.memory_space<vmem>>, vector<16xf32>,
        %parallel_loop3A_471 = vector.extract_strided_slice %parallel_loop3A_273 {offsets = [6], sizes = [1], strides = [1]} : vector<16xf32> to vector<1xf32>
        %parallel_loop3A_472 = vector.extract %parallel_loop3A_471[0] : f32 from vector<1xf32>
        %parallel_loop3A_473 = vector.broadcast %parallel_loop3A_472 : f32 to vector<16xf32>
        %parallel_loop3A_474 = arith.mulf %parallel_loop3A_470, %parallel_loop3A_473 : vector<16xf32>
        %parallel_loop3A_475 = arith.constant 2 : i32
        %parallel_loop3A_476 = arith.muli %parallel_loop3A_475, %parallel_loop3A_215 : i32
        %parallel_loop3A_477 = arith.index_cast %parallel_loop3A_476 : i32 to index
        %parallel_loop3A_478 = arith.constant 96 : index
        %parallel_loop3A_479 = tpu.vector_load %arg11[%parallel_loop3A_477, %parallel_loop3A_478] {strides = array<i32>} : memref<128x128xf32, #tpu.memory_space<vmem>>, vector<16xf32>,
        tpu.vector_store %arg11[%parallel_loop3A_477, %parallel_loop3A_478], %parallel_loop3A_474 {strides = array<i32>} : memref<128x128xf32, #tpu.memory_space<vmem>>, vector<16xf32>,
        %parallel_loop3A_480 = arith.constant 2 : i32
        %parallel_loop3A_481 = arith.muli %parallel_loop3A_480, %parallel_loop3A_215 : i32
        %parallel_loop3A_482 = arith.constant 1 : i32
        %parallel_loop3A_483 = arith.addi %parallel_loop3A_481, %parallel_loop3A_482 : i32
        %parallel_loop3A_484 = arith.index_cast %parallel_loop3A_483 : i32 to index
        %parallel_loop3A_485 = arith.constant 96 : index
        %parallel_loop3A_486 = tpu.vector_load %arg10[%parallel_loop3A_484, %parallel_loop3A_485] {strides = array<i32>} : memref<128x128xf32, #tpu.memory_space<vmem>>, vector<16xf32>,
        %parallel_loop3A_487 = vector.extract_strided_slice %parallel_loop3A_273 {offsets = [14], sizes = [1], strides = [1]} : vector<16xf32> to vector<1xf32>
        %parallel_loop3A_488 = vector.extract %parallel_loop3A_487[0] : f32 from vector<1xf32>
        %parallel_loop3A_489 = vector.broadcast %parallel_loop3A_488 : f32 to vector<16xf32>
        %parallel_loop3A_490 = arith.mulf %parallel_loop3A_486, %parallel_loop3A_489 : vector<16xf32>
        %parallel_loop3A_491 = arith.constant 2 : i32
        %parallel_loop3A_492 = arith.muli %parallel_loop3A_491, %parallel_loop3A_215 : i32
        %parallel_loop3A_493 = arith.constant 1 : i32
        %parallel_loop3A_494 = arith.addi %parallel_loop3A_492, %parallel_loop3A_493 : i32
        %parallel_loop3A_495 = arith.index_cast %parallel_loop3A_494 : i32 to index
        %parallel_loop3A_496 = arith.constant 96 : index
        %parallel_loop3A_497 = tpu.vector_load %arg11[%parallel_loop3A_495, %parallel_loop3A_496] {strides = array<i32>} : memref<128x128xf32, #tpu.memory_space<vmem>>, vector<16xf32>,
        tpu.vector_store %arg11[%parallel_loop3A_495, %parallel_loop3A_496], %parallel_loop3A_490 {strides = array<i32>} : memref<128x128xf32, #tpu.memory_space<vmem>>, vector<16xf32>,
        %parallel_loop3A_498 = arith.constant 2 : i32
        %parallel_loop3A_499 = arith.muli %parallel_loop3A_498, %parallel_loop3A_215 : i32
        %parallel_loop3A_500 = arith.index_cast %parallel_loop3A_499 : i32 to index
        %parallel_loop3A_501 = arith.constant 112 : index
        %parallel_loop3A_502 = tpu.vector_load %arg10[%parallel_loop3A_500, %parallel_loop3A_501] {strides = array<i32>} : memref<128x128xf32, #tpu.memory_space<vmem>>, vector<16xf32>,
        %parallel_loop3A_503 = vector.extract_strided_slice %parallel_loop3A_273 {offsets = [7], sizes = [1], strides = [1]} : vector<16xf32> to vector<1xf32>
        %parallel_loop3A_504 = vector.extract %parallel_loop3A_503[0] : f32 from vector<1xf32>
        %parallel_loop3A_505 = vector.broadcast %parallel_loop3A_504 : f32 to vector<16xf32>
        %parallel_loop3A_506 = arith.mulf %parallel_loop3A_502, %parallel_loop3A_505 : vector<16xf32>
        %parallel_loop3A_507 = arith.constant 2 : i32
        %parallel_loop3A_508 = arith.muli %parallel_loop3A_507, %parallel_loop3A_215 : i32
        %parallel_loop3A_509 = arith.index_cast %parallel_loop3A_508 : i32 to index
        %parallel_loop3A_510 = arith.constant 112 : index
        %parallel_loop3A_511 = tpu.vector_load %arg11[%parallel_loop3A_509, %parallel_loop3A_510] {strides = array<i32>} : memref<128x128xf32, #tpu.memory_space<vmem>>, vector<16xf32>,
        tpu.vector_store %arg11[%parallel_loop3A_509, %parallel_loop3A_510], %parallel_loop3A_506 {strides = array<i32>} : memref<128x128xf32, #tpu.memory_space<vmem>>, vector<16xf32>,
        %parallel_loop3A_512 = arith.constant 2 : i32
        %parallel_loop3A_513 = arith.muli %parallel_loop3A_512, %parallel_loop3A_215 : i32
        %parallel_loop3A_514 = arith.constant 1 : i32
        %parallel_loop3A_515 = arith.addi %parallel_loop3A_513, %parallel_loop3A_514 : i32
        %parallel_loop3A_516 = arith.index_cast %parallel_loop3A_515 : i32 to index
        %parallel_loop3A_517 = arith.constant 112 : index
        %parallel_loop3A_518 = tpu.vector_load %arg10[%parallel_loop3A_516, %parallel_loop3A_517] {strides = array<i32>} : memref<128x128xf32, #tpu.memory_space<vmem>>, vector<16xf32>,
        %parallel_loop3A_519 = vector.extract_strided_slice %parallel_loop3A_273 {offsets = [15], sizes = [1], strides = [1]} : vector<16xf32> to vector<1xf32>
        %parallel_loop3A_520 = vector.extract %parallel_loop3A_519[0] : f32 from vector<1xf32>
        %parallel_loop3A_521 = vector.broadcast %parallel_loop3A_520 : f32 to vector<16xf32>
        %parallel_loop3A_522 = arith.mulf %parallel_loop3A_518, %parallel_loop3A_521 : vector<16xf32>
        %parallel_loop3A_523 = arith.constant 2 : i32
        %parallel_loop3A_524 = arith.muli %parallel_loop3A_523, %parallel_loop3A_215 : i32
        %parallel_loop3A_525 = arith.constant 1 : i32
        %parallel_loop3A_526 = arith.addi %parallel_loop3A_524, %parallel_loop3A_525 : i32
        %parallel_loop3A_527 = arith.index_cast %parallel_loop3A_526 : i32 to index
        %parallel_loop3A_528 = arith.constant 112 : index
        %parallel_loop3A_529 = tpu.vector_load %arg11[%parallel_loop3A_527, %parallel_loop3A_528] {strides = array<i32>} : memref<128x128xf32, #tpu.memory_space<vmem>>, vector<16xf32>,
        tpu.vector_store %arg11[%parallel_loop3A_527, %parallel_loop3A_528], %parallel_loop3A_522 {strides = array<i32>} : memref<128x128xf32, #tpu.memory_space<vmem>>, vector<16xf32>,
      } {sc.loop_unroll_factor = 2 : i64, sc.parallel_access}
      %add3A_137 = arith.constant 1 : i32
      %add3A_138 = arith.addi %mul3A_89, %add3A_137 : i32
      %lt3A_139 = arith.constant 80 : i32
      %lt3A_140 = arith.cmpi slt, %add3A_138, %lt3A_139 : i32
      %convert_element_type3A_141 = arith.extui %lt3A_140 : i1 to i32
      %cond3A_142 = arith.constant 0 : i32
      %cond3A_143 = arith.cmpi ne, %convert_element_type3A_141, %cond3A_142 : i32
      scf.if %cond3A_143 {
        %add3A_215 = arith.constant 1 : i32
        %add3A_216 = arith.addi %mul3A_89, %add3A_215 : i32
        %dma_start3A_217 = arith.constant 0 : i32
        %dma_start3A_218 = tpu.memref_slice %arg8[%add3A_216, %dma_start3A_217] : memref<80x128xi32, #tpu.memory_space<vmem>> -> memref<1x128xi32, #tpu.memory_space<vmem>>
        %dma_start3A_219 = tpu.memref_squeeze %dma_start3A_218 : memref<1x128xi32, #tpu.memory_space<vmem>> -> memref<128xi32, #tpu.memory_space<vmem>>
        %dma_start3A_220 = arith.constant 0 : i32
        %dma_start3A_221 = arith.constant 0 : i32
        %dma_start3A_222 = tpu.memref_slice %arg3[%dma_start3A_220, %dma_start3A_221] : memref<10000x128xf32, #tpu.memory_space<hbm>> -> memref<10000x128xf32, #tpu.memory_space<hbm>>
        tpu.enqueue_indirect_dma source(%dma_start3A_222 : memref<10000x128xf32, #tpu.memory_space<hbm>>) target(%arg10 : memref<128x128xf32, #tpu.memory_space<vmem>>) offsets(%dma_start3A_219 : memref<128xi32, #tpu.memory_space<vmem>>) semaphore(%arg23 : memref<!tpu.dma_semaphore, #tpu.memory_space<semaphore_mem>>)
      } else {
      }
      %dma_start3A_144 = arith.constant 0 : i32
      %dma_start3A_145 = tpu.memref_slice %arg9[%mul3A_89, %dma_start3A_144] : memref<80x128xi32, #tpu.memory_space<vmem>> -> memref<1x128xi32, #tpu.memory_space<vmem>>
      %dma_start3A_146 = tpu.memref_squeeze %dma_start3A_145 : memref<1x128xi32, #tpu.memory_space<vmem>> -> memref<128xi32, #tpu.memory_space<vmem>>
      %dma_start3A_147 = arith.constant 0 : i32
      %dma_start3A_148 = arith.constant 0 : i32
      %dma_start3A_149 = tpu.memref_slice %arg20[%dma_start3A_147, %dma_start3A_148] : memref<5120x128xf32, #tpu.memory_space<vmem_shared>> -> memref<5120x128xf32, #tpu.memory_space<vmem_shared>>
      tpu.enqueue_indirect_dma source(%arg11 : memref<128x128xf32, #tpu.memory_space<vmem>>) target(%dma_start3A_149 : memref<5120x128xf32, #tpu.memory_space<vmem_shared>>) offsets(%dma_start3A_146 : memref<128xi32, #tpu.memory_space<vmem>>) semaphore(%arg25 : memref<!tpu.dma_semaphore, #tpu.memory_space<semaphore_mem>>) {add = true}
      %mul3A_150 = arith.constant 2 : i32
      %mul3A_151 = arith.muli %mul3A_150, %scan3A_86 : i32
      %add3A_152 = arith.constant 1 : i32
      %add3A_153 = arith.addi %mul3A_151, %add3A_152 : i32
      %dma_wait3A_154 = arith.constant 0 : i32
      %dma_wait3A_155 = tpu.memref_slice %arg8[%add3A_153, %dma_wait3A_154] : memref<80x128xi32, #tpu.memory_space<vmem>> -> memref<1x128xi32, #tpu.memory_space<vmem>>
      %dma_wait3A_156 = tpu.memref_squeeze %dma_wait3A_155 : memref<1x128xi32, #tpu.memory_space<vmem>> -> memref<128xi32, #tpu.memory_space<vmem>>
      %dma_wait3A_157 = arith.constant 0 : i32
      %dma_wait3A_158 = arith.constant 0 : i32
      %dma_wait3A_159 = tpu.memref_slice %arg18[%dma_wait3A_157, %dma_wait3A_158] : memref<5000x8xf32, #tpu.memory_space<vmem_shared>> -> memref<5000x8xf32, #tpu.memory_space<vmem_shared>>
      tpu.wait_indirect_dma semaphore(%arg22 : memref<!tpu.dma_semaphore, #tpu.memory_space<semaphore_mem>>) src(%dma_wait3A_159 : memref<5000x8xf32, #tpu.memory_space<vmem_shared>>) dst(%arg15 : memref<128x8xf32, #tpu.memory_space<vmem>>)
      %dma_wait3A_160 = arith.constant 0 : i32
      %dma_wait3A_161 = tpu.memref_slice %arg9[%add3A_153, %dma_wait3A_160] : memref<80x128xi32, #tpu.memory_space<vmem>> -> memref<1x128xi32, #tpu.memory_space<vmem>>
      %dma_wait3A_162 = tpu.memref_squeeze %dma_wait3A_161 : memref<1x128xi32, #tpu.memory_space<vmem>> -> memref<128xi32, #tpu.memory_space<vmem>>
      %dma_wait3A_163 = arith.constant 0 : i32
      %dma_wait3A_164 = arith.constant 0 : i32
      %dma_wait3A_165 = tpu.memref_slice %arg19[%dma_wait3A_163, %dma_wait3A_164] : memref<5120x8xf32, #tpu.memory_space<vmem_shared>> -> memref<5120x8xf32, #tpu.memory_space<vmem_shared>>
      tpu.wait_indirect_dma semaphore(%arg22 : memref<!tpu.dma_semaphore, #tpu.memory_space<semaphore_mem>>) src(%dma_wait3A_165 : memref<5120x8xf32, #tpu.memory_space<vmem_shared>>) dst(%arg16 : memref<128x8xf32, #tpu.memory_space<vmem>>)
      %ge3A_166 = arith.constant 1 : i32
      %ge3A_167 = arith.cmpi sge, %add3A_153, %ge3A_166 : i32
      %convert_element_type3A_168 = arith.extui %ge3A_167 : i1 to i32
      %cond3A_169 = arith.constant 0 : i32
      %cond3A_170 = arith.cmpi ne, %convert_element_type3A_168, %cond3A_169 : i32
      scf.if %cond3A_170 {
        %dma_wait3A_215 = arith.constant 0 : i32
        %dma_wait3A_216 = arith.constant 0 : i32
        %dma_wait3A_217 = tpu.memref_slice %arg9[%dma_wait3A_215, %dma_wait3A_216] : memref<80x128xi32, #tpu.memory_space<vmem>> -> memref<1x128xi32, #tpu.memory_space<vmem>>
        %dma_wait3A_218 = tpu.memref_squeeze %dma_wait3A_217 : memref<1x128xi32, #tpu.memory_space<vmem>> -> memref<128xi32, #tpu.memory_space<vmem>>
        %dma_wait3A_219 = arith.constant 0 : i32
        %dma_wait3A_220 = arith.constant 0 : i32
        %dma_wait3A_221 = tpu.memref_slice %arg21[%dma_wait3A_219, %dma_wait3A_220] : memref<5120x8xf32, #tpu.memory_space<vmem_shared>> -> memref<5120x8xf32, #tpu.memory_space<vmem_shared>>
        tpu.wait_indirect_dma semaphore(%arg24 : memref<!tpu.dma_semaphore, #tpu.memory_space<semaphore_mem>>) src(%arg12 : memref<128x8xf32, #tpu.memory_space<vmem>>) dst(%dma_wait3A_221 : memref<5120x8xf32, #tpu.memory_space<vmem_shared>>)
      } else {
      }
      %parallel_loop3A_171 = arith.constant 0 : i32
      %parallel_loop3A_172 = arith.constant 64 : i32
      %parallel_loop3A_173 = arith.constant 1 : i32
      scf.for %parallel_loop3A_215 = %parallel_loop3A_171 to %parallel_loop3A_172 step %parallel_loop3A_173  : i32 {
        %parallel_loop3A_216 = arith.constant 16 : i32
        %parallel_loop3A_217 = arith.muli %parallel_loop3A_215, %parallel_loop3A_216 : i32
        %parallel_loop3A_218 = vector.broadcast %parallel_loop3A_217 : i32 to vector<16xi32>
        %parallel_loop3A_219 = arith.addi %parallel_loop3A_218, %iota3A : vector<16xi32>
        %parallel_loop3A_220 = arith.constant 8 : i32
        %parallel_loop3A_221 = vector.broadcast %parallel_loop3A_220 : i32 to vector<16xi32>
        %parallel_loop3A_222 = arith.divsi %parallel_loop3A_219, %parallel_loop3A_221 : vector<16xi32>
        %parallel_loop3A_223 = arith.constant 0 : i32
        %parallel_loop3A_224 = vector.broadcast %parallel_loop3A_223 : i32 to vector<16xi32>
        %parallel_loop3A_225 = arith.cmpi sgt, %parallel_loop3A_219, %parallel_loop3A_224 : vector<16xi32>
        %parallel_loop3A_226 = arith.extui %parallel_loop3A_225 : vector<16xi1> to vector<16xi32>
        %parallel_loop3A_227 = arith.constant 0 : i32
        %parallel_loop3A_228 = vector.broadcast %parallel_loop3A_227 : i32 to vector<16xi32>
        %parallel_loop3A_229 = arith.cmpi slt, %parallel_loop3A_219, %parallel_loop3A_228 : vector<16xi32>
        %parallel_loop3A_230 = arith.extui %parallel_loop3A_229 : vector<16xi1> to vector<16xi32>
        %parallel_loop3A_231 = arith.subi %parallel_loop3A_226, %parallel_loop3A_230 : vector<16xi32>
        %parallel_loop3A_232 = arith.constant 0 : i32
        %parallel_loop3A_233 = arith.cmpi sgt, %parallel_loop3A_220, %parallel_loop3A_232 : i32
        %parallel_loop3A_234 = arith.extui %parallel_loop3A_233 : i1 to i32
        %parallel_loop3A_235 = arith.constant 0 : i32
        %parallel_loop3A_236 = arith.cmpi slt, %parallel_loop3A_220, %parallel_loop3A_235 : i32
        %parallel_loop3A_237 = arith.extui %parallel_loop3A_236 : i1 to i32
        %parallel_loop3A_238 = arith.subi %parallel_loop3A_234, %parallel_loop3A_237 : i32
        %parallel_loop3A_239 = vector.broadcast %parallel_loop3A_238 : i32 to vector<16xi32>
        %parallel_loop3A_240 = arith.cmpi ne, %parallel_loop3A_231, %parallel_loop3A_239 : vector<16xi32>
        %parallel_loop3A_241 = vector.broadcast %parallel_loop3A_220 : i32 to vector<16xi32>
        %parallel_loop3A_242 = arith.remsi %parallel_loop3A_219, %parallel_loop3A_241 : vector<16xi32>
        %parallel_loop3A_243 = arith.constant 0 : i32
        %parallel_loop3A_244 = vector.broadcast %parallel_loop3A_243 : i32 to vector<16xi32>
        %parallel_loop3A_245 = arith.cmpi ne, %parallel_loop3A_242, %parallel_loop3A_244 : vector<16xi32>
        %parallel_loop3A_246 = arith.andi %parallel_loop3A_240, %parallel_loop3A_245 : vector<16xi1>
        %parallel_loop3A_247 = arith.constant 1 : i32
        %parallel_loop3A_248 = vector.broadcast %parallel_loop3A_247 : i32 to vector<16xi32>
        %parallel_loop3A_249 = arith.subi %parallel_loop3A_222, %parallel_loop3A_248 : vector<16xi32>
        %parallel_loop3A_250 = arith.select %parallel_loop3A_246, %parallel_loop3A_249, %parallel_loop3A_222 : vector<16xi1>, vector<16xi32>
        %parallel_loop3A_251 = arith.constant 8 : i32
        %parallel_loop3A_252 = arith.constant 0 : i32
        %parallel_loop3A_253 = arith.cmpi eq, %parallel_loop3A_251, %parallel_loop3A_252 : i32
        %parallel_loop3A_254 = arith.constant 1 : i32
        %parallel_loop3A_255 = arith.select %parallel_loop3A_253, %parallel_loop3A_254, %parallel_loop3A_251 : i32
        %parallel_loop3A_256 = vector.broadcast %parallel_loop3A_255 : i32 to vector<16xi32>
        %parallel_loop3A_257 = arith.remsi %parallel_loop3A_219, %parallel_loop3A_256 : vector<16xi32>
        %parallel_loop3A_258 = arith.constant 0 : i32
        %parallel_loop3A_259 = vector.broadcast %parallel_loop3A_258 : i32 to vector<16xi32>
        %parallel_loop3A_260 = arith.cmpi ne, %parallel_loop3A_257, %parallel_loop3A_259 : vector<16xi32>
        %parallel_loop3A_261 = arith.constant 0 : i32
        %parallel_loop3A_262 = vector.broadcast %parallel_loop3A_261 : i32 to vector<16xi32>
        %parallel_loop3A_263 = arith.cmpi slt, %parallel_loop3A_257, %parallel_loop3A_262 : vector<16xi32>
        %parallel_loop3A_264 = arith.constant 0 : i32
        %parallel_loop3A_265 = arith.cmpi slt, %parallel_loop3A_255, %parallel_loop3A_264 : i32
        %parallel_loop3A_266 = vector.broadcast %parallel_loop3A_265 : i1 to vector<16xi1>
        %parallel_loop3A_267 = vector.broadcast %parallel_loop3A_266 : vector<16xi1> to vector<16xi1>
        %parallel_loop3A_268 = arith.xori %parallel_loop3A_263, %parallel_loop3A_267 : vector<16xi1>
        %parallel_loop3A_269 = arith.andi %parallel_loop3A_268, %parallel_loop3A_260 : vector<16xi1>
        %parallel_loop3A_270 = vector.broadcast %parallel_loop3A_255 : i32 to vector<16xi32>
        %parallel_loop3A_271 = arith.addi %parallel_loop3A_257, %parallel_loop3A_270 : vector<16xi32>
        %parallel_loop3A_272 = arith.select %parallel_loop3A_269, %parallel_loop3A_271, %parallel_loop3A_257 : vector<16xi1>, vector<16xi32>
        %parallel_loop3A_273 = tpu.vector_load_idx %arg15[%parallel_loop3A_250, %parallel_loop3A_272] : memref<128x8xf32, #tpu.memory_space<vmem>>[vector<16xi32>, vector<16xi32>], vector<16xf32>,
        %parallel_loop3A_274 = tpu.vector_load_idx %arg16[%parallel_loop3A_250, %parallel_loop3A_272] : memref<128x8xf32, #tpu.memory_space<vmem>>[vector<16xi32>, vector<16xi32>], vector<16xf32>,
        %parallel_loop3A_275 = arith.addf %parallel_loop3A_273, %parallel_loop3A_274 : vector<16xf32>
        %parallel_loop3A_276 = arith.constant 0.000000e+00 : f32
        %parallel_loop3A_277 = vector.broadcast %parallel_loop3A_276 : f32 to vector<16xf32>
        %parallel_loop3A_278 = arith.cmpf ogt, %parallel_loop3A_275, %parallel_loop3A_277 : vector<16xf32>
        %parallel_loop3A_279 = arith.constant 2.000000e-01 : f32
        %parallel_loop3A_280 = vector.broadcast %parallel_loop3A_279 : f32 to vector<16xf32>
        %parallel_loop3A_281 = arith.mulf %parallel_loop3A_275, %parallel_loop3A_280 : vector<16xf32>
        %parallel_loop3A_282 = arith.select %parallel_loop3A_278, %parallel_loop3A_275, %parallel_loop3A_281 : vector<16xi1>, vector<16xf32>
        %parallel_loop3A_283 = math.exp %parallel_loop3A_282 : vector<16xf32>
        tpu.vector_store_idx %arg12[%parallel_loop3A_250, %parallel_loop3A_272], %parallel_loop3A_283 : memref<128x8xf32, #tpu.memory_space<vmem>>[vector<16xi32>, vector<16xi32>], vector<16xf32>,
      } {sc.loop_unroll_factor = 4 : i64, sc.parallel_access}
      %dma_start3A_174 = arith.constant 0 : i32
      %dma_start3A_175 = tpu.memref_slice %arg9[%add3A_153, %dma_start3A_174] : memref<80x128xi32, #tpu.memory_space<vmem>> -> memref<1x128xi32, #tpu.memory_space<vmem>>
      %dma_start3A_176 = tpu.memref_squeeze %dma_start3A_175 : memref<1x128xi32, #tpu.memory_space<vmem>> -> memref<128xi32, #tpu.memory_space<vmem>>
      %dma_start3A_177 = arith.constant 0 : i32
      %dma_start3A_178 = arith.constant 0 : i32
      %dma_start3A_179 = tpu.memref_slice %arg21[%dma_start3A_177, %dma_start3A_178] : memref<5120x8xf32, #tpu.memory_space<vmem_shared>> -> memref<5120x8xf32, #tpu.memory_space<vmem_shared>>
      tpu.enqueue_indirect_dma source(%arg12 : memref<128x8xf32, #tpu.memory_space<vmem>>) target(%dma_start3A_179 : memref<5120x8xf32, #tpu.memory_space<vmem_shared>>) offsets(%dma_start3A_176 : memref<128xi32, #tpu.memory_space<vmem>>) semaphore(%arg24 : memref<!tpu.dma_semaphore, #tpu.memory_space<semaphore_mem>>) {add = true}
      %add3A_180 = arith.constant 1 : i32
      %add3A_181 = arith.addi %add3A_153, %add3A_180 : i32
      %lt3A_182 = arith.constant 80 : i32
      %lt3A_183 = arith.cmpi slt, %add3A_181, %lt3A_182 : i32
      %convert_element_type3A_184 = arith.extui %lt3A_183 : i1 to i32
      %cond3A_185 = arith.constant 0 : i32
      %cond3A_186 = arith.cmpi ne, %convert_element_type3A_184, %cond3A_185 : i32
      scf.if %cond3A_186 {
        %add3A_215 = arith.constant 1 : i32
        %add3A_216 = arith.addi %add3A_153, %add3A_215 : i32
        %dma_start3A_217 = arith.constant 0 : i32
        %dma_start3A_218 = tpu.memref_slice %arg8[%add3A_216, %dma_start3A_217] : memref<80x128xi32, #tpu.memory_space<vmem>> -> memref<1x128xi32, #tpu.memory_space<vmem>>
        %dma_start3A_219 = tpu.memref_squeeze %dma_start3A_218 : memref<1x128xi32, #tpu.memory_space<vmem>> -> memref<128xi32, #tpu.memory_space<vmem>>
        %dma_start3A_220 = arith.constant 0 : i32
        %dma_start3A_221 = arith.constant 0 : i32
        %dma_start3A_222 = tpu.memref_slice %arg18[%dma_start3A_220, %dma_start3A_221] : memref<5000x8xf32, #tpu.memory_space<vmem_shared>> -> memref<5000x8xf32, #tpu.memory_space<vmem_shared>>
        tpu.enqueue_indirect_dma source(%dma_start3A_222 : memref<5000x8xf32, #tpu.memory_space<vmem_shared>>) target(%arg13 : memref<128x8xf32, #tpu.memory_space<vmem>>) offsets(%dma_start3A_219 : memref<128xi32, #tpu.memory_space<vmem>>) semaphore(%arg22 : memref<!tpu.dma_semaphore, #tpu.memory_space<semaphore_mem>>)
        %add3A_223 = arith.constant 1 : i32
        %add3A_224 = arith.addi %add3A_153, %add3A_223 : i32
        %dma_start3A_225 = arith.constant 0 : i32
        %dma_start3A_226 = tpu.memref_slice %arg9[%add3A_224, %dma_start3A_225] : memref<80x128xi32, #tpu.memory_space<vmem>> -> memref<1x128xi32, #tpu.memory_space<vmem>>
        %dma_start3A_227 = tpu.memref_squeeze %dma_start3A_226 : memref<1x128xi32, #tpu.memory_space<vmem>> -> memref<128xi32, #tpu.memory_space<vmem>>
        %dma_start3A_228 = arith.constant 0 : i32
        %dma_start3A_229 = arith.constant 0 : i32
        %dma_start3A_230 = tpu.memref_slice %arg19[%dma_start3A_228, %dma_start3A_229] : memref<5120x8xf32, #tpu.memory_space<vmem_shared>> -> memref<5120x8xf32, #tpu.memory_space<vmem_shared>>
        tpu.enqueue_indirect_dma source(%dma_start3A_230 : memref<5120x8xf32, #tpu.memory_space<vmem_shared>>) target(%arg14 : memref<128x8xf32, #tpu.memory_space<vmem>>) offsets(%dma_start3A_227 : memref<128xi32, #tpu.memory_space<vmem>>) semaphore(%arg22 : memref<!tpu.dma_semaphore, #tpu.memory_space<semaphore_mem>>)
      } else {
      }
      %dma_wait3A_187 = arith.constant 0 : i32
      %dma_wait3A_188 = tpu.memref_slice %arg8[%add3A_153, %dma_wait3A_187] : memref<80x128xi32, #tpu.memory_space<vmem>> -> memref<1x128xi32, #tpu.memory_space<vmem>>
      %dma_wait3A_189 = tpu.memref_squeeze %dma_wait3A_188 : memref<1x128xi32, #tpu.memory_space<vmem>> -> memref<128xi32, #tpu.memory_space<vmem>>
      %dma_wait3A_190 = arith.constant 0 : i32
      %dma_wait3A_191 = arith.constant 0 : i32
      %dma_wait3A_192 = tpu.memref_slice %arg3[%dma_wait3A_190, %dma_wait3A_191] : memref<10000x128xf32, #tpu.memory_space<hbm>> -> memref<10000x128xf32, #tpu.memory_space<hbm>>
      tpu.wait_indirect_dma semaphore(%arg23 : memref<!tpu.dma_semaphore, #tpu.memory_space<semaphore_mem>>) src(%dma_wait3A_192 : memref<10000x128xf32, #tpu.memory_space<hbm>>) dst(%arg10 : memref<128x128xf32, #tpu.memory_space<vmem>>)
      %ge3A_193 = arith.constant 1 : i32
      %ge3A_194 = arith.cmpi sge, %add3A_153, %ge3A_193 : i32
      %convert_element_type3A_195 = arith.extui %ge3A_194 : i1 to i32
      %cond3A_196 = arith.constant 0 : i32
      %cond3A_197 = arith.cmpi ne, %convert_element_type3A_195, %cond3A_196 : i32
      scf.if %cond3A_197 {
        %dma_wait3A_215 = arith.constant 0 : i32
        %dma_wait3A_216 = arith.constant 0 : i32
        %dma_wait3A_217 = tpu.memref_slice %arg9[%dma_wait3A_215, %dma_wait3A_216] : memref<80x128xi32, #tpu.memory_space<vmem>> -> memref<1x128xi32, #tpu.memory_space<vmem>>
        %dma_wait3A_218 = tpu.memref_squeeze %dma_wait3A_217 : memref<1x128xi32, #tpu.memory_space<vmem>> -> memref<128xi32, #tpu.memory_space<vmem>>
        %dma_wait3A_219 = arith.constant 0 : i32
        %dma_wait3A_220 = arith.constant 0 : i32
        %dma_wait3A_221 = tpu.memref_slice %arg20[%dma_wait3A_219, %dma_wait3A_220] : memref<5120x128xf32, #tpu.memory_space<vmem_shared>> -> memref<5120x128xf32, #tpu.memory_space<vmem_shared>>
        tpu.wait_indirect_dma semaphore(%arg25 : memref<!tpu.dma_semaphore, #tpu.memory_space<semaphore_mem>>) src(%arg11 : memref<128x128xf32, #tpu.memory_space<vmem>>) dst(%dma_wait3A_221 : memref<5120x128xf32, #tpu.memory_space<vmem_shared>>)
      } else {
      }
      %parallel_loop3A_198 = arith.constant 0 : i32
      %parallel_loop3A_199 = arith.constant 64 : i32
      %parallel_loop3A_200 = arith.constant 1 : i32
      scf.for %parallel_loop3A_215 = %parallel_loop3A_198 to %parallel_loop3A_199 step %parallel_loop3A_200  : i32 {
        %parallel_loop3A_216 = arith.constant 16 : i32
        %parallel_loop3A_217 = arith.muli %parallel_loop3A_215, %parallel_loop3A_216 : i32
        %parallel_loop3A_218 = vector.broadcast %parallel_loop3A_217 : i32 to vector<16xi32>
        %parallel_loop3A_219 = arith.addi %parallel_loop3A_218, %iota3A : vector<16xi32>
        %parallel_loop3A_220 = arith.constant 8 : i32
        %parallel_loop3A_221 = vector.broadcast %parallel_loop3A_220 : i32 to vector<16xi32>
        %parallel_loop3A_222 = arith.divsi %parallel_loop3A_219, %parallel_loop3A_221 : vector<16xi32>
        %parallel_loop3A_223 = arith.constant 0 : i32
        %parallel_loop3A_224 = vector.broadcast %parallel_loop3A_223 : i32 to vector<16xi32>
        %parallel_loop3A_225 = arith.cmpi sgt, %parallel_loop3A_219, %parallel_loop3A_224 : vector<16xi32>
        %parallel_loop3A_226 = arith.extui %parallel_loop3A_225 : vector<16xi1> to vector<16xi32>
        %parallel_loop3A_227 = arith.constant 0 : i32
        %parallel_loop3A_228 = vector.broadcast %parallel_loop3A_227 : i32 to vector<16xi32>
        %parallel_loop3A_229 = arith.cmpi slt, %parallel_loop3A_219, %parallel_loop3A_228 : vector<16xi32>
        %parallel_loop3A_230 = arith.extui %parallel_loop3A_229 : vector<16xi1> to vector<16xi32>
        %parallel_loop3A_231 = arith.subi %parallel_loop3A_226, %parallel_loop3A_230 : vector<16xi32>
        %parallel_loop3A_232 = arith.constant 0 : i32
        %parallel_loop3A_233 = arith.cmpi sgt, %parallel_loop3A_220, %parallel_loop3A_232 : i32
        %parallel_loop3A_234 = arith.extui %parallel_loop3A_233 : i1 to i32
        %parallel_loop3A_235 = arith.constant 0 : i32
        %parallel_loop3A_236 = arith.cmpi slt, %parallel_loop3A_220, %parallel_loop3A_235 : i32
        %parallel_loop3A_237 = arith.extui %parallel_loop3A_236 : i1 to i32
        %parallel_loop3A_238 = arith.subi %parallel_loop3A_234, %parallel_loop3A_237 : i32
        %parallel_loop3A_239 = vector.broadcast %parallel_loop3A_238 : i32 to vector<16xi32>
        %parallel_loop3A_240 = arith.cmpi ne, %parallel_loop3A_231, %parallel_loop3A_239 : vector<16xi32>
        %parallel_loop3A_241 = vector.broadcast %parallel_loop3A_220 : i32 to vector<16xi32>
        %parallel_loop3A_242 = arith.remsi %parallel_loop3A_219, %parallel_loop3A_241 : vector<16xi32>
        %parallel_loop3A_243 = arith.constant 0 : i32
        %parallel_loop3A_244 = vector.broadcast %parallel_loop3A_243 : i32 to vector<16xi32>
        %parallel_loop3A_245 = arith.cmpi ne, %parallel_loop3A_242, %parallel_loop3A_244 : vector<16xi32>
        %parallel_loop3A_246 = arith.andi %parallel_loop3A_240, %parallel_loop3A_245 : vector<16xi1>
        %parallel_loop3A_247 = arith.constant 1 : i32
        %parallel_loop3A_248 = vector.broadcast %parallel_loop3A_247 : i32 to vector<16xi32>
        %parallel_loop3A_249 = arith.subi %parallel_loop3A_222, %parallel_loop3A_248 : vector<16xi32>
        %parallel_loop3A_250 = arith.select %parallel_loop3A_246, %parallel_loop3A_249, %parallel_loop3A_222 : vector<16xi1>, vector<16xi32>
        %parallel_loop3A_251 = arith.constant 8 : i32
        %parallel_loop3A_252 = arith.constant 0 : i32
        %parallel_loop3A_253 = arith.cmpi eq, %parallel_loop3A_251, %parallel_loop3A_252 : i32
        %parallel_loop3A_254 = arith.constant 1 : i32
        %parallel_loop3A_255 = arith.select %parallel_loop3A_253, %parallel_loop3A_254, %parallel_loop3A_251 : i32
        %parallel_loop3A_256 = vector.broadcast %parallel_loop3A_255 : i32 to vector<16xi32>
        %parallel_loop3A_257 = arith.remsi %parallel_loop3A_219, %parallel_loop3A_256 : vector<16xi32>
        %parallel_loop3A_258 = arith.constant 0 : i32
        %parallel_loop3A_259 = vector.broadcast %parallel_loop3A_258 : i32 to vector<16xi32>
        %parallel_loop3A_260 = arith.cmpi ne, %parallel_loop3A_257, %parallel_loop3A_259 : vector<16xi32>
        %parallel_loop3A_261 = arith.constant 0 : i32
        %parallel_loop3A_262 = vector.broadcast %parallel_loop3A_261 : i32 to vector<16xi32>
        %parallel_loop3A_263 = arith.cmpi slt, %parallel_loop3A_257, %parallel_loop3A_262 : vector<16xi32>
        %parallel_loop3A_264 = arith.constant 0 : i32
        %parallel_loop3A_265 = arith.cmpi slt, %parallel_loop3A_255, %parallel_loop3A_264 : i32
        %parallel_loop3A_266 = vector.broadcast %parallel_loop3A_265 : i1 to vector<16xi1>
        %parallel_loop3A_267 = vector.broadcast %parallel_loop3A_266 : vector<16xi1> to vector<16xi1>
        %parallel_loop3A_268 = arith.xori %parallel_loop3A_263, %parallel_loop3A_267 : vector<16xi1>
        %parallel_loop3A_269 = arith.andi %parallel_loop3A_268, %parallel_loop3A_260 : vector<16xi1>
        %parallel_loop3A_270 = vector.broadcast %parallel_loop3A_255 : i32 to vector<16xi32>
        %parallel_loop3A_271 = arith.addi %parallel_loop3A_257, %parallel_loop3A_270 : vector<16xi32>
        %parallel_loop3A_272 = arith.select %parallel_loop3A_269, %parallel_loop3A_271, %parallel_loop3A_257 : vector<16xi1>, vector<16xi32>
        %parallel_loop3A_273 = tpu.vector_load_idx %arg12[%parallel_loop3A_250, %parallel_loop3A_272] : memref<128x8xf32, #tpu.memory_space<vmem>>[vector<16xi32>, vector<16xi32>], vector<16xf32>,
        %parallel_loop3A_274 = arith.constant 2 : i32
        %parallel_loop3A_275 = arith.muli %parallel_loop3A_274, %parallel_loop3A_215 : i32
        %parallel_loop3A_276 = arith.index_cast %parallel_loop3A_275 : i32 to index
        %parallel_loop3A_277 = arith.constant 0 : index
        %parallel_loop3A_278 = tpu.vector_load %arg10[%parallel_loop3A_276, %parallel_loop3A_277] {strides = array<i32>} : memref<128x128xf32, #tpu.memory_space<vmem>>, vector<16xf32>,
        %parallel_loop3A_279 = vector.extract_strided_slice %parallel_loop3A_273 {offsets = [0], sizes = [1], strides = [1]} : vector<16xf32> to vector<1xf32>
        %parallel_loop3A_280 = vector.extract %parallel_loop3A_279[0] : f32 from vector<1xf32>
        %parallel_loop3A_281 = vector.broadcast %parallel_loop3A_280 : f32 to vector<16xf32>
        %parallel_loop3A_282 = arith.mulf %parallel_loop3A_278, %parallel_loop3A_281 : vector<16xf32>
        %parallel_loop3A_283 = arith.constant 2 : i32
        %parallel_loop3A_284 = arith.muli %parallel_loop3A_283, %parallel_loop3A_215 : i32
        %parallel_loop3A_285 = arith.index_cast %parallel_loop3A_284 : i32 to index
        %parallel_loop3A_286 = arith.constant 0 : index
        %parallel_loop3A_287 = tpu.vector_load %arg11[%parallel_loop3A_285, %parallel_loop3A_286] {strides = array<i32>} : memref<128x128xf32, #tpu.memory_space<vmem>>, vector<16xf32>,
        tpu.vector_store %arg11[%parallel_loop3A_285, %parallel_loop3A_286], %parallel_loop3A_282 {strides = array<i32>} : memref<128x128xf32, #tpu.memory_space<vmem>>, vector<16xf32>,
        %parallel_loop3A_288 = arith.constant 2 : i32
        %parallel_loop3A_289 = arith.muli %parallel_loop3A_288, %parallel_loop3A_215 : i32
        %parallel_loop3A_290 = arith.constant 1 : i32
        %parallel_loop3A_291 = arith.addi %parallel_loop3A_289, %parallel_loop3A_290 : i32
        %parallel_loop3A_292 = arith.index_cast %parallel_loop3A_291 : i32 to index
        %parallel_loop3A_293 = arith.constant 0 : index
        %parallel_loop3A_294 = tpu.vector_load %arg10[%parallel_loop3A_292, %parallel_loop3A_293] {strides = array<i32>} : memref<128x128xf32, #tpu.memory_space<vmem>>, vector<16xf32>,
        %parallel_loop3A_295 = vector.extract_strided_slice %parallel_loop3A_273 {offsets = [8], sizes = [1], strides = [1]} : vector<16xf32> to vector<1xf32>
        %parallel_loop3A_296 = vector.extract %parallel_loop3A_295[0] : f32 from vector<1xf32>
        %parallel_loop3A_297 = vector.broadcast %parallel_loop3A_296 : f32 to vector<16xf32>
        %parallel_loop3A_298 = arith.mulf %parallel_loop3A_294, %parallel_loop3A_297 : vector<16xf32>
        %parallel_loop3A_299 = arith.constant 2 : i32
        %parallel_loop3A_300 = arith.muli %parallel_loop3A_299, %parallel_loop3A_215 : i32
        %parallel_loop3A_301 = arith.constant 1 : i32
        %parallel_loop3A_302 = arith.addi %parallel_loop3A_300, %parallel_loop3A_301 : i32
        %parallel_loop3A_303 = arith.index_cast %parallel_loop3A_302 : i32 to index
        %parallel_loop3A_304 = arith.constant 0 : index
        %parallel_loop3A_305 = tpu.vector_load %arg11[%parallel_loop3A_303, %parallel_loop3A_304] {strides = array<i32>} : memref<128x128xf32, #tpu.memory_space<vmem>>, vector<16xf32>,
        tpu.vector_store %arg11[%parallel_loop3A_303, %parallel_loop3A_304], %parallel_loop3A_298 {strides = array<i32>} : memref<128x128xf32, #tpu.memory_space<vmem>>, vector<16xf32>,
        %parallel_loop3A_306 = arith.constant 2 : i32
        %parallel_loop3A_307 = arith.muli %parallel_loop3A_306, %parallel_loop3A_215 : i32
        %parallel_loop3A_308 = arith.index_cast %parallel_loop3A_307 : i32 to index
        %parallel_loop3A_309 = arith.constant 16 : index
        %parallel_loop3A_310 = tpu.vector_load %arg10[%parallel_loop3A_308, %parallel_loop3A_309] {strides = array<i32>} : memref<128x128xf32, #tpu.memory_space<vmem>>, vector<16xf32>,
        %parallel_loop3A_311 = vector.extract_strided_slice %parallel_loop3A_273 {offsets = [1], sizes = [1], strides = [1]} : vector<16xf32> to vector<1xf32>
        %parallel_loop3A_312 = vector.extract %parallel_loop3A_311[0] : f32 from vector<1xf32>
        %parallel_loop3A_313 = vector.broadcast %parallel_loop3A_312 : f32 to vector<16xf32>
        %parallel_loop3A_314 = arith.mulf %parallel_loop3A_310, %parallel_loop3A_313 : vector<16xf32>
        %parallel_loop3A_315 = arith.constant 2 : i32
        %parallel_loop3A_316 = arith.muli %parallel_loop3A_315, %parallel_loop3A_215 : i32
        %parallel_loop3A_317 = arith.index_cast %parallel_loop3A_316 : i32 to index
        %parallel_loop3A_318 = arith.constant 16 : index
        %parallel_loop3A_319 = tpu.vector_load %arg11[%parallel_loop3A_317, %parallel_loop3A_318] {strides = array<i32>} : memref<128x128xf32, #tpu.memory_space<vmem>>, vector<16xf32>,
        tpu.vector_store %arg11[%parallel_loop3A_317, %parallel_loop3A_318], %parallel_loop3A_314 {strides = array<i32>} : memref<128x128xf32, #tpu.memory_space<vmem>>, vector<16xf32>,
        %parallel_loop3A_320 = arith.constant 2 : i32
        %parallel_loop3A_321 = arith.muli %parallel_loop3A_320, %parallel_loop3A_215 : i32
        %parallel_loop3A_322 = arith.constant 1 : i32
        %parallel_loop3A_323 = arith.addi %parallel_loop3A_321, %parallel_loop3A_322 : i32
        %parallel_loop3A_324 = arith.index_cast %parallel_loop3A_323 : i32 to index
        %parallel_loop3A_325 = arith.constant 16 : index
        %parallel_loop3A_326 = tpu.vector_load %arg10[%parallel_loop3A_324, %parallel_loop3A_325] {strides = array<i32>} : memref<128x128xf32, #tpu.memory_space<vmem>>, vector<16xf32>,
        %parallel_loop3A_327 = vector.extract_strided_slice %parallel_loop3A_273 {offsets = [9], sizes = [1], strides = [1]} : vector<16xf32> to vector<1xf32>
        %parallel_loop3A_328 = vector.extract %parallel_loop3A_327[0] : f32 from vector<1xf32>
        %parallel_loop3A_329 = vector.broadcast %parallel_loop3A_328 : f32 to vector<16xf32>
        %parallel_loop3A_330 = arith.mulf %parallel_loop3A_326, %parallel_loop3A_329 : vector<16xf32>
        %parallel_loop3A_331 = arith.constant 2 : i32
        %parallel_loop3A_332 = arith.muli %parallel_loop3A_331, %parallel_loop3A_215 : i32
        %parallel_loop3A_333 = arith.constant 1 : i32
        %parallel_loop3A_334 = arith.addi %parallel_loop3A_332, %parallel_loop3A_333 : i32
        %parallel_loop3A_335 = arith.index_cast %parallel_loop3A_334 : i32 to index
        %parallel_loop3A_336 = arith.constant 16 : index
        %parallel_loop3A_337 = tpu.vector_load %arg11[%parallel_loop3A_335, %parallel_loop3A_336] {strides = array<i32>} : memref<128x128xf32, #tpu.memory_space<vmem>>, vector<16xf32>,
        tpu.vector_store %arg11[%parallel_loop3A_335, %parallel_loop3A_336], %parallel_loop3A_330 {strides = array<i32>} : memref<128x128xf32, #tpu.memory_space<vmem>>, vector<16xf32>,
        %parallel_loop3A_338 = arith.constant 2 : i32
        %parallel_loop3A_339 = arith.muli %parallel_loop3A_338, %parallel_loop3A_215 : i32
        %parallel_loop3A_340 = arith.index_cast %parallel_loop3A_339 : i32 to index
        %parallel_loop3A_341 = arith.constant 32 : index
        %parallel_loop3A_342 = tpu.vector_load %arg10[%parallel_loop3A_340, %parallel_loop3A_341] {strides = array<i32>} : memref<128x128xf32, #tpu.memory_space<vmem>>, vector<16xf32>,
        %parallel_loop3A_343 = vector.extract_strided_slice %parallel_loop3A_273 {offsets = [2], sizes = [1], strides = [1]} : vector<16xf32> to vector<1xf32>
        %parallel_loop3A_344 = vector.extract %parallel_loop3A_343[0] : f32 from vector<1xf32>
        %parallel_loop3A_345 = vector.broadcast %parallel_loop3A_344 : f32 to vector<16xf32>
        %parallel_loop3A_346 = arith.mulf %parallel_loop3A_342, %parallel_loop3A_345 : vector<16xf32>
        %parallel_loop3A_347 = arith.constant 2 : i32
        %parallel_loop3A_348 = arith.muli %parallel_loop3A_347, %parallel_loop3A_215 : i32
        %parallel_loop3A_349 = arith.index_cast %parallel_loop3A_348 : i32 to index
        %parallel_loop3A_350 = arith.constant 32 : index
        %parallel_loop3A_351 = tpu.vector_load %arg11[%parallel_loop3A_349, %parallel_loop3A_350] {strides = array<i32>} : memref<128x128xf32, #tpu.memory_space<vmem>>, vector<16xf32>,
        tpu.vector_store %arg11[%parallel_loop3A_349, %parallel_loop3A_350], %parallel_loop3A_346 {strides = array<i32>} : memref<128x128xf32, #tpu.memory_space<vmem>>, vector<16xf32>,
        %parallel_loop3A_352 = arith.constant 2 : i32
        %parallel_loop3A_353 = arith.muli %parallel_loop3A_352, %parallel_loop3A_215 : i32
        %parallel_loop3A_354 = arith.constant 1 : i32
        %parallel_loop3A_355 = arith.addi %parallel_loop3A_353, %parallel_loop3A_354 : i32
        %parallel_loop3A_356 = arith.index_cast %parallel_loop3A_355 : i32 to index
        %parallel_loop3A_357 = arith.constant 32 : index
        %parallel_loop3A_358 = tpu.vector_load %arg10[%parallel_loop3A_356, %parallel_loop3A_357] {strides = array<i32>} : memref<128x128xf32, #tpu.memory_space<vmem>>, vector<16xf32>,
        %parallel_loop3A_359 = vector.extract_strided_slice %parallel_loop3A_273 {offsets = [10], sizes = [1], strides = [1]} : vector<16xf32> to vector<1xf32>
        %parallel_loop3A_360 = vector.extract %parallel_loop3A_359[0] : f32 from vector<1xf32>
        %parallel_loop3A_361 = vector.broadcast %parallel_loop3A_360 : f32 to vector<16xf32>
        %parallel_loop3A_362 = arith.mulf %parallel_loop3A_358, %parallel_loop3A_361 : vector<16xf32>
        %parallel_loop3A_363 = arith.constant 2 : i32
        %parallel_loop3A_364 = arith.muli %parallel_loop3A_363, %parallel_loop3A_215 : i32
        %parallel_loop3A_365 = arith.constant 1 : i32
        %parallel_loop3A_366 = arith.addi %parallel_loop3A_364, %parallel_loop3A_365 : i32
        %parallel_loop3A_367 = arith.index_cast %parallel_loop3A_366 : i32 to index
        %parallel_loop3A_368 = arith.constant 32 : index
        %parallel_loop3A_369 = tpu.vector_load %arg11[%parallel_loop3A_367, %parallel_loop3A_368] {strides = array<i32>} : memref<128x128xf32, #tpu.memory_space<vmem>>, vector<16xf32>,
        tpu.vector_store %arg11[%parallel_loop3A_367, %parallel_loop3A_368], %parallel_loop3A_362 {strides = array<i32>} : memref<128x128xf32, #tpu.memory_space<vmem>>, vector<16xf32>,
        %parallel_loop3A_370 = arith.constant 2 : i32
        %parallel_loop3A_371 = arith.muli %parallel_loop3A_370, %parallel_loop3A_215 : i32
        %parallel_loop3A_372 = arith.index_cast %parallel_loop3A_371 : i32 to index
        %parallel_loop3A_373 = arith.constant 48 : index
        %parallel_loop3A_374 = tpu.vector_load %arg10[%parallel_loop3A_372, %parallel_loop3A_373] {strides = array<i32>} : memref<128x128xf32, #tpu.memory_space<vmem>>, vector<16xf32>,
        %parallel_loop3A_375 = vector.extract_strided_slice %parallel_loop3A_273 {offsets = [3], sizes = [1], strides = [1]} : vector<16xf32> to vector<1xf32>
        %parallel_loop3A_376 = vector.extract %parallel_loop3A_375[0] : f32 from vector<1xf32>
        %parallel_loop3A_377 = vector.broadcast %parallel_loop3A_376 : f32 to vector<16xf32>
        %parallel_loop3A_378 = arith.mulf %parallel_loop3A_374, %parallel_loop3A_377 : vector<16xf32>
        %parallel_loop3A_379 = arith.constant 2 : i32
        %parallel_loop3A_380 = arith.muli %parallel_loop3A_379, %parallel_loop3A_215 : i32
        %parallel_loop3A_381 = arith.index_cast %parallel_loop3A_380 : i32 to index
        %parallel_loop3A_382 = arith.constant 48 : index
        %parallel_loop3A_383 = tpu.vector_load %arg11[%parallel_loop3A_381, %parallel_loop3A_382] {strides = array<i32>} : memref<128x128xf32, #tpu.memory_space<vmem>>, vector<16xf32>,
        tpu.vector_store %arg11[%parallel_loop3A_381, %parallel_loop3A_382], %parallel_loop3A_378 {strides = array<i32>} : memref<128x128xf32, #tpu.memory_space<vmem>>, vector<16xf32>,
        %parallel_loop3A_384 = arith.constant 2 : i32
        %parallel_loop3A_385 = arith.muli %parallel_loop3A_384, %parallel_loop3A_215 : i32
        %parallel_loop3A_386 = arith.constant 1 : i32
        %parallel_loop3A_387 = arith.addi %parallel_loop3A_385, %parallel_loop3A_386 : i32
        %parallel_loop3A_388 = arith.index_cast %parallel_loop3A_387 : i32 to index
        %parallel_loop3A_389 = arith.constant 48 : index
        %parallel_loop3A_390 = tpu.vector_load %arg10[%parallel_loop3A_388, %parallel_loop3A_389] {strides = array<i32>} : memref<128x128xf32, #tpu.memory_space<vmem>>, vector<16xf32>,
        %parallel_loop3A_391 = vector.extract_strided_slice %parallel_loop3A_273 {offsets = [11], sizes = [1], strides = [1]} : vector<16xf32> to vector<1xf32>
        %parallel_loop3A_392 = vector.extract %parallel_loop3A_391[0] : f32 from vector<1xf32>
        %parallel_loop3A_393 = vector.broadcast %parallel_loop3A_392 : f32 to vector<16xf32>
        %parallel_loop3A_394 = arith.mulf %parallel_loop3A_390, %parallel_loop3A_393 : vector<16xf32>
        %parallel_loop3A_395 = arith.constant 2 : i32
        %parallel_loop3A_396 = arith.muli %parallel_loop3A_395, %parallel_loop3A_215 : i32
        %parallel_loop3A_397 = arith.constant 1 : i32
        %parallel_loop3A_398 = arith.addi %parallel_loop3A_396, %parallel_loop3A_397 : i32
        %parallel_loop3A_399 = arith.index_cast %parallel_loop3A_398 : i32 to index
        %parallel_loop3A_400 = arith.constant 48 : index
        %parallel_loop3A_401 = tpu.vector_load %arg11[%parallel_loop3A_399, %parallel_loop3A_400] {strides = array<i32>} : memref<128x128xf32, #tpu.memory_space<vmem>>, vector<16xf32>,
        tpu.vector_store %arg11[%parallel_loop3A_399, %parallel_loop3A_400], %parallel_loop3A_394 {strides = array<i32>} : memref<128x128xf32, #tpu.memory_space<vmem>>, vector<16xf32>,
        %parallel_loop3A_402 = arith.constant 2 : i32
        %parallel_loop3A_403 = arith.muli %parallel_loop3A_402, %parallel_loop3A_215 : i32
        %parallel_loop3A_404 = arith.index_cast %parallel_loop3A_403 : i32 to index
        %parallel_loop3A_405 = arith.constant 64 : index
        %parallel_loop3A_406 = tpu.vector_load %arg10[%parallel_loop3A_404, %parallel_loop3A_405] {strides = array<i32>} : memref<128x128xf32, #tpu.memory_space<vmem>>, vector<16xf32>,
        %parallel_loop3A_407 = vector.extract_strided_slice %parallel_loop3A_273 {offsets = [4], sizes = [1], strides = [1]} : vector<16xf32> to vector<1xf32>
        %parallel_loop3A_408 = vector.extract %parallel_loop3A_407[0] : f32 from vector<1xf32>
        %parallel_loop3A_409 = vector.broadcast %parallel_loop3A_408 : f32 to vector<16xf32>
        %parallel_loop3A_410 = arith.mulf %parallel_loop3A_406, %parallel_loop3A_409 : vector<16xf32>
        %parallel_loop3A_411 = arith.constant 2 : i32
        %parallel_loop3A_412 = arith.muli %parallel_loop3A_411, %parallel_loop3A_215 : i32
        %parallel_loop3A_413 = arith.index_cast %parallel_loop3A_412 : i32 to index
        %parallel_loop3A_414 = arith.constant 64 : index
        %parallel_loop3A_415 = tpu.vector_load %arg11[%parallel_loop3A_413, %parallel_loop3A_414] {strides = array<i32>} : memref<128x128xf32, #tpu.memory_space<vmem>>, vector<16xf32>,
        tpu.vector_store %arg11[%parallel_loop3A_413, %parallel_loop3A_414], %parallel_loop3A_410 {strides = array<i32>} : memref<128x128xf32, #tpu.memory_space<vmem>>, vector<16xf32>,
        %parallel_loop3A_416 = arith.constant 2 : i32
        %parallel_loop3A_417 = arith.muli %parallel_loop3A_416, %parallel_loop3A_215 : i32
        %parallel_loop3A_418 = arith.constant 1 : i32
        %parallel_loop3A_419 = arith.addi %parallel_loop3A_417, %parallel_loop3A_418 : i32
        %parallel_loop3A_420 = arith.index_cast %parallel_loop3A_419 : i32 to index
        %parallel_loop3A_421 = arith.constant 64 : index
        %parallel_loop3A_422 = tpu.vector_load %arg10[%parallel_loop3A_420, %parallel_loop3A_421] {strides = array<i32>} : memref<128x128xf32, #tpu.memory_space<vmem>>, vector<16xf32>,
        %parallel_loop3A_423 = vector.extract_strided_slice %parallel_loop3A_273 {offsets = [12], sizes = [1], strides = [1]} : vector<16xf32> to vector<1xf32>
        %parallel_loop3A_424 = vector.extract %parallel_loop3A_423[0] : f32 from vector<1xf32>
        %parallel_loop3A_425 = vector.broadcast %parallel_loop3A_424 : f32 to vector<16xf32>
        %parallel_loop3A_426 = arith.mulf %parallel_loop3A_422, %parallel_loop3A_425 : vector<16xf32>
        %parallel_loop3A_427 = arith.constant 2 : i32
        %parallel_loop3A_428 = arith.muli %parallel_loop3A_427, %parallel_loop3A_215 : i32
        %parallel_loop3A_429 = arith.constant 1 : i32
        %parallel_loop3A_430 = arith.addi %parallel_loop3A_428, %parallel_loop3A_429 : i32
        %parallel_loop3A_431 = arith.index_cast %parallel_loop3A_430 : i32 to index
        %parallel_loop3A_432 = arith.constant 64 : index
        %parallel_loop3A_433 = tpu.vector_load %arg11[%parallel_loop3A_431, %parallel_loop3A_432] {strides = array<i32>} : memref<128x128xf32, #tpu.memory_space<vmem>>, vector<16xf32>,
        tpu.vector_store %arg11[%parallel_loop3A_431, %parallel_loop3A_432], %parallel_loop3A_426 {strides = array<i32>} : memref<128x128xf32, #tpu.memory_space<vmem>>, vector<16xf32>,
        %parallel_loop3A_434 = arith.constant 2 : i32
        %parallel_loop3A_435 = arith.muli %parallel_loop3A_434, %parallel_loop3A_215 : i32
        %parallel_loop3A_436 = arith.index_cast %parallel_loop3A_435 : i32 to index
        %parallel_loop3A_437 = arith.constant 80 : index
        %parallel_loop3A_438 = tpu.vector_load %arg10[%parallel_loop3A_436, %parallel_loop3A_437] {strides = array<i32>} : memref<128x128xf32, #tpu.memory_space<vmem>>, vector<16xf32>,
        %parallel_loop3A_439 = vector.extract_strided_slice %parallel_loop3A_273 {offsets = [5], sizes = [1], strides = [1]} : vector<16xf32> to vector<1xf32>
        %parallel_loop3A_440 = vector.extract %parallel_loop3A_439[0] : f32 from vector<1xf32>
        %parallel_loop3A_441 = vector.broadcast %parallel_loop3A_440 : f32 to vector<16xf32>
        %parallel_loop3A_442 = arith.mulf %parallel_loop3A_438, %parallel_loop3A_441 : vector<16xf32>
        %parallel_loop3A_443 = arith.constant 2 : i32
        %parallel_loop3A_444 = arith.muli %parallel_loop3A_443, %parallel_loop3A_215 : i32
        %parallel_loop3A_445 = arith.index_cast %parallel_loop3A_444 : i32 to index
        %parallel_loop3A_446 = arith.constant 80 : index
        %parallel_loop3A_447 = tpu.vector_load %arg11[%parallel_loop3A_445, %parallel_loop3A_446] {strides = array<i32>} : memref<128x128xf32, #tpu.memory_space<vmem>>, vector<16xf32>,
        tpu.vector_store %arg11[%parallel_loop3A_445, %parallel_loop3A_446], %parallel_loop3A_442 {strides = array<i32>} : memref<128x128xf32, #tpu.memory_space<vmem>>, vector<16xf32>,
        %parallel_loop3A_448 = arith.constant 2 : i32
        %parallel_loop3A_449 = arith.muli %parallel_loop3A_448, %parallel_loop3A_215 : i32
        %parallel_loop3A_450 = arith.constant 1 : i32
        %parallel_loop3A_451 = arith.addi %parallel_loop3A_449, %parallel_loop3A_450 : i32
        %parallel_loop3A_452 = arith.index_cast %parallel_loop3A_451 : i32 to index
        %parallel_loop3A_453 = arith.constant 80 : index
        %parallel_loop3A_454 = tpu.vector_load %arg10[%parallel_loop3A_452, %parallel_loop3A_453] {strides = array<i32>} : memref<128x128xf32, #tpu.memory_space<vmem>>, vector<16xf32>,
        %parallel_loop3A_455 = vector.extract_strided_slice %parallel_loop3A_273 {offsets = [13], sizes = [1], strides = [1]} : vector<16xf32> to vector<1xf32>
        %parallel_loop3A_456 = vector.extract %parallel_loop3A_455[0] : f32 from vector<1xf32>
        %parallel_loop3A_457 = vector.broadcast %parallel_loop3A_456 : f32 to vector<16xf32>
        %parallel_loop3A_458 = arith.mulf %parallel_loop3A_454, %parallel_loop3A_457 : vector<16xf32>
        %parallel_loop3A_459 = arith.constant 2 : i32
        %parallel_loop3A_460 = arith.muli %parallel_loop3A_459, %parallel_loop3A_215 : i32
        %parallel_loop3A_461 = arith.constant 1 : i32
        %parallel_loop3A_462 = arith.addi %parallel_loop3A_460, %parallel_loop3A_461 : i32
        %parallel_loop3A_463 = arith.index_cast %parallel_loop3A_462 : i32 to index
        %parallel_loop3A_464 = arith.constant 80 : index
        %parallel_loop3A_465 = tpu.vector_load %arg11[%parallel_loop3A_463, %parallel_loop3A_464] {strides = array<i32>} : memref<128x128xf32, #tpu.memory_space<vmem>>, vector<16xf32>,
        tpu.vector_store %arg11[%parallel_loop3A_463, %parallel_loop3A_464], %parallel_loop3A_458 {strides = array<i32>} : memref<128x128xf32, #tpu.memory_space<vmem>>, vector<16xf32>,
        %parallel_loop3A_466 = arith.constant 2 : i32
        %parallel_loop3A_467 = arith.muli %parallel_loop3A_466, %parallel_loop3A_215 : i32
        %parallel_loop3A_468 = arith.index_cast %parallel_loop3A_467 : i32 to index
        %parallel_loop3A_469 = arith.constant 96 : index
        %parallel_loop3A_470 = tpu.vector_load %arg10[%parallel_loop3A_468, %parallel_loop3A_469] {strides = array<i32>} : memref<128x128xf32, #tpu.memory_space<vmem>>, vector<16xf32>,
        %parallel_loop3A_471 = vector.extract_strided_slice %parallel_loop3A_273 {offsets = [6], sizes = [1], strides = [1]} : vector<16xf32> to vector<1xf32>
        %parallel_loop3A_472 = vector.extract %parallel_loop3A_471[0] : f32 from vector<1xf32>
        %parallel_loop3A_473 = vector.broadcast %parallel_loop3A_472 : f32 to vector<16xf32>
        %parallel_loop3A_474 = arith.mulf %parallel_loop3A_470, %parallel_loop3A_473 : vector<16xf32>
        %parallel_loop3A_475 = arith.constant 2 : i32
        %parallel_loop3A_476 = arith.muli %parallel_loop3A_475, %parallel_loop3A_215 : i32
        %parallel_loop3A_477 = arith.index_cast %parallel_loop3A_476 : i32 to index
        %parallel_loop3A_478 = arith.constant 96 : index
        %parallel_loop3A_479 = tpu.vector_load %arg11[%parallel_loop3A_477, %parallel_loop3A_478] {strides = array<i32>} : memref<128x128xf32, #tpu.memory_space<vmem>>, vector<16xf32>,
        tpu.vector_store %arg11[%parallel_loop3A_477, %parallel_loop3A_478], %parallel_loop3A_474 {strides = array<i32>} : memref<128x128xf32, #tpu.memory_space<vmem>>, vector<16xf32>,
        %parallel_loop3A_480 = arith.constant 2 : i32
        %parallel_loop3A_481 = arith.muli %parallel_loop3A_480, %parallel_loop3A_215 : i32
        %parallel_loop3A_482 = arith.constant 1 : i32
        %parallel_loop3A_483 = arith.addi %parallel_loop3A_481, %parallel_loop3A_482 : i32
        %parallel_loop3A_484 = arith.index_cast %parallel_loop3A_483 : i32 to index
        %parallel_loop3A_485 = arith.constant 96 : index
        %parallel_loop3A_486 = tpu.vector_load %arg10[%parallel_loop3A_484, %parallel_loop3A_485] {strides = array<i32>} : memref<128x128xf32, #tpu.memory_space<vmem>>, vector<16xf32>,
        %parallel_loop3A_487 = vector.extract_strided_slice %parallel_loop3A_273 {offsets = [14], sizes = [1], strides = [1]} : vector<16xf32> to vector<1xf32>
        %parallel_loop3A_488 = vector.extract %parallel_loop3A_487[0] : f32 from vector<1xf32>
        %parallel_loop3A_489 = vector.broadcast %parallel_loop3A_488 : f32 to vector<16xf32>
        %parallel_loop3A_490 = arith.mulf %parallel_loop3A_486, %parallel_loop3A_489 : vector<16xf32>
        %parallel_loop3A_491 = arith.constant 2 : i32
        %parallel_loop3A_492 = arith.muli %parallel_loop3A_491, %parallel_loop3A_215 : i32
        %parallel_loop3A_493 = arith.constant 1 : i32
        %parallel_loop3A_494 = arith.addi %parallel_loop3A_492, %parallel_loop3A_493 : i32
        %parallel_loop3A_495 = arith.index_cast %parallel_loop3A_494 : i32 to index
        %parallel_loop3A_496 = arith.constant 96 : index
        %parallel_loop3A_497 = tpu.vector_load %arg11[%parallel_loop3A_495, %parallel_loop3A_496] {strides = array<i32>} : memref<128x128xf32, #tpu.memory_space<vmem>>, vector<16xf32>,
        tpu.vector_store %arg11[%parallel_loop3A_495, %parallel_loop3A_496], %parallel_loop3A_490 {strides = array<i32>} : memref<128x128xf32, #tpu.memory_space<vmem>>, vector<16xf32>,
        %parallel_loop3A_498 = arith.constant 2 : i32
        %parallel_loop3A_499 = arith.muli %parallel_loop3A_498, %parallel_loop3A_215 : i32
        %parallel_loop3A_500 = arith.index_cast %parallel_loop3A_499 : i32 to index
        %parallel_loop3A_501 = arith.constant 112 : index
        %parallel_loop3A_502 = tpu.vector_load %arg10[%parallel_loop3A_500, %parallel_loop3A_501] {strides = array<i32>} : memref<128x128xf32, #tpu.memory_space<vmem>>, vector<16xf32>,
        %parallel_loop3A_503 = vector.extract_strided_slice %parallel_loop3A_273 {offsets = [7], sizes = [1], strides = [1]} : vector<16xf32> to vector<1xf32>
        %parallel_loop3A_504 = vector.extract %parallel_loop3A_503[0] : f32 from vector<1xf32>
        %parallel_loop3A_505 = vector.broadcast %parallel_loop3A_504 : f32 to vector<16xf32>
        %parallel_loop3A_506 = arith.mulf %parallel_loop3A_502, %parallel_loop3A_505 : vector<16xf32>
        %parallel_loop3A_507 = arith.constant 2 : i32
        %parallel_loop3A_508 = arith.muli %parallel_loop3A_507, %parallel_loop3A_215 : i32
        %parallel_loop3A_509 = arith.index_cast %parallel_loop3A_508 : i32 to index
        %parallel_loop3A_510 = arith.constant 112 : index
        %parallel_loop3A_511 = tpu.vector_load %arg11[%parallel_loop3A_509, %parallel_loop3A_510] {strides = array<i32>} : memref<128x128xf32, #tpu.memory_space<vmem>>, vector<16xf32>,
        tpu.vector_store %arg11[%parallel_loop3A_509, %parallel_loop3A_510], %parallel_loop3A_506 {strides = array<i32>} : memref<128x128xf32, #tpu.memory_space<vmem>>, vector<16xf32>,
        %parallel_loop3A_512 = arith.constant 2 : i32
        %parallel_loop3A_513 = arith.muli %parallel_loop3A_512, %parallel_loop3A_215 : i32
        %parallel_loop3A_514 = arith.constant 1 : i32
        %parallel_loop3A_515 = arith.addi %parallel_loop3A_513, %parallel_loop3A_514 : i32
        %parallel_loop3A_516 = arith.index_cast %parallel_loop3A_515 : i32 to index
        %parallel_loop3A_517 = arith.constant 112 : index
        %parallel_loop3A_518 = tpu.vector_load %arg10[%parallel_loop3A_516, %parallel_loop3A_517] {strides = array<i32>} : memref<128x128xf32, #tpu.memory_space<vmem>>, vector<16xf32>,
        %parallel_loop3A_519 = vector.extract_strided_slice %parallel_loop3A_273 {offsets = [15], sizes = [1], strides = [1]} : vector<16xf32> to vector<1xf32>
        %parallel_loop3A_520 = vector.extract %parallel_loop3A_519[0] : f32 from vector<1xf32>
        %parallel_loop3A_521 = vector.broadcast %parallel_loop3A_520 : f32 to vector<16xf32>
        %parallel_loop3A_522 = arith.mulf %parallel_loop3A_518, %parallel_loop3A_521 : vector<16xf32>
        %parallel_loop3A_523 = arith.constant 2 : i32
        %parallel_loop3A_524 = arith.muli %parallel_loop3A_523, %parallel_loop3A_215 : i32
        %parallel_loop3A_525 = arith.constant 1 : i32
        %parallel_loop3A_526 = arith.addi %parallel_loop3A_524, %parallel_loop3A_525 : i32
        %parallel_loop3A_527 = arith.index_cast %parallel_loop3A_526 : i32 to index
        %parallel_loop3A_528 = arith.constant 112 : index
        %parallel_loop3A_529 = tpu.vector_load %arg11[%parallel_loop3A_527, %parallel_loop3A_528] {strides = array<i32>} : memref<128x128xf32, #tpu.memory_space<vmem>>, vector<16xf32>,
        tpu.vector_store %arg11[%parallel_loop3A_527, %parallel_loop3A_528], %parallel_loop3A_522 {strides = array<i32>} : memref<128x128xf32, #tpu.memory_space<vmem>>, vector<16xf32>,
      } {sc.loop_unroll_factor = 2 : i64, sc.parallel_access}
      %add3A_201 = arith.constant 1 : i32
      %add3A_202 = arith.addi %add3A_153, %add3A_201 : i32
      %lt3A_203 = arith.constant 80 : i32
      %lt3A_204 = arith.cmpi slt, %add3A_202, %lt3A_203 : i32
      %convert_element_type3A_205 = arith.extui %lt3A_204 : i1 to i32
      %cond3A_206 = arith.constant 0 : i32
      %cond3A_207 = arith.cmpi ne, %convert_element_type3A_205, %cond3A_206 : i32
      scf.if %cond3A_207 {
        %add3A_215 = arith.constant 1 : i32
        %add3A_216 = arith.addi %add3A_153, %add3A_215 : i32
        %dma_start3A_217 = arith.constant 0 : i32
        %dma_start3A_218 = tpu.memref_slice %arg8[%add3A_216, %dma_start3A_217] : memref<80x128xi32, #tpu.memory_space<vmem>> -> memref<1x128xi32, #tpu.memory_space<vmem>>
        %dma_start3A_219 = tpu.memref_squeeze %dma_start3A_218 : memref<1x128xi32, #tpu.memory_space<vmem>> -> memref<128xi32, #tpu.memory_space<vmem>>
        %dma_start3A_220 = arith.constant 0 : i32
        %dma_start3A_221 = arith.constant 0 : i32
        %dma_start3A_222 = tpu.memref_slice %arg3[%dma_start3A_220, %dma_start3A_221] : memref<10000x128xf32, #tpu.memory_space<hbm>> -> memref<10000x128xf32, #tpu.memory_space<hbm>>
        tpu.enqueue_indirect_dma source(%dma_start3A_222 : memref<10000x128xf32, #tpu.memory_space<hbm>>) target(%arg10 : memref<128x128xf32, #tpu.memory_space<vmem>>) offsets(%dma_start3A_219 : memref<128xi32, #tpu.memory_space<vmem>>) semaphore(%arg23 : memref<!tpu.dma_semaphore, #tpu.memory_space<semaphore_mem>>)
      } else {
      }
      %dma_start3A_208 = arith.constant 0 : i32
      %dma_start3A_209 = tpu.memref_slice %arg9[%add3A_153, %dma_start3A_208] : memref<80x128xi32, #tpu.memory_space<vmem>> -> memref<1x128xi32, #tpu.memory_space<vmem>>
      %dma_start3A_210 = tpu.memref_squeeze %dma_start3A_209 : memref<1x128xi32, #tpu.memory_space<vmem>> -> memref<128xi32, #tpu.memory_space<vmem>>
      %dma_start3A_211 = arith.constant 0 : i32
      %dma_start3A_212 = arith.constant 0 : i32
      %dma_start3A_213 = tpu.memref_slice %arg20[%dma_start3A_211, %dma_start3A_212] : memref<5120x128xf32, #tpu.memory_space<vmem_shared>> -> memref<5120x128xf32, #tpu.memory_space<vmem_shared>>
      tpu.enqueue_indirect_dma source(%arg11 : memref<128x128xf32, #tpu.memory_space<vmem>>) target(%dma_start3A_213 : memref<5120x128xf32, #tpu.memory_space<vmem_shared>>) offsets(%dma_start3A_210 : memref<128xi32, #tpu.memory_space<vmem>>) semaphore(%arg25 : memref<!tpu.dma_semaphore, #tpu.memory_space<semaphore_mem>>) {add = true}
      %scan3A_214 = arith.constant 0 : i32
      scf.yield %scan3A_214 : i32
    }
    %scan3A_56 = arith.constant 40 : i32
    %dma_wait3A = arith.constant 0 : i32
    %dma_wait3A_57 = arith.constant 0 : i32
    %dma_wait3A_58 = tpu.memref_slice %arg9[%dma_wait3A, %dma_wait3A_57] : memref<80x128xi32, #tpu.memory_space<vmem>> -> memref<1x128xi32, #tpu.memory_space<vmem>>
    %dma_wait3A_59 = tpu.memref_squeeze %dma_wait3A_58 : memref<1x128xi32, #tpu.memory_space<vmem>> -> memref<128xi32, #tpu.memory_space<vmem>>
    %dma_wait3A_60 = arith.constant 0 : i32
    %dma_wait3A_61 = arith.constant 0 : i32
    %dma_wait3A_62 = tpu.memref_slice %arg21[%dma_wait3A_60, %dma_wait3A_61] : memref<5120x8xf32, #tpu.memory_space<vmem_shared>> -> memref<5120x8xf32, #tpu.memory_space<vmem_shared>>
    tpu.wait_indirect_dma semaphore(%arg24 : memref<!tpu.dma_semaphore, #tpu.memory_space<semaphore_mem>>) src(%arg12 : memref<128x8xf32, #tpu.memory_space<vmem>>) dst(%dma_wait3A_62 : memref<5120x8xf32, #tpu.memory_space<vmem_shared>>)
    %dma_wait3A_63 = arith.constant 0 : i32
    %dma_wait3A_64 = arith.constant 0 : i32
    %dma_wait3A_65 = tpu.memref_slice %arg9[%dma_wait3A_63, %dma_wait3A_64] : memref<80x128xi32, #tpu.memory_space<vmem>> -> memref<1x128xi32, #tpu.memory_space<vmem>>
    %dma_wait3A_66 = tpu.memref_squeeze %dma_wait3A_65 : memref<1x128xi32, #tpu.memory_space<vmem>> -> memref<128xi32, #tpu.memory_space<vmem>>
    %dma_wait3A_67 = arith.constant 0 : i32
    %dma_wait3A_68 = arith.constant 0 : i32
    %dma_wait3A_69 = tpu.memref_slice %arg20[%dma_wait3A_67, %dma_wait3A_68] : memref<5120x128xf32, #tpu.memory_space<vmem_shared>> -> memref<5120x128xf32, #tpu.memory_space<vmem_shared>>
    tpu.wait_indirect_dma semaphore(%arg25 : memref<!tpu.dma_semaphore, #tpu.memory_space<semaphore_mem>>) src(%arg11 : memref<128x128xf32, #tpu.memory_space<vmem>>) dst(%dma_wait3A_69 : memref<5120x128xf32, #tpu.memory_space<vmem_shared>>)
    %barrier3A_70 = arith.constant 0 : index
    tpu.barrier barrier_id(%barrier3A_70)
    "tpu.region"() ({
      %run_scoped3A = tpu.sem_alloc : memref<!tpu.dma_semaphore, #tpu.memory_space<semaphore_mem>>
      %dma_start3A_86 = arith.constant 0 : i32
      %dma_start3A_87 = tpu.memref_slice %arg6[%arg0, %mul3A_18, %dma_start3A_86] : memref<2x5120x128xf32, #tpu.memory_space<hbm>> -> memref<1x320x128xf32, #tpu.memory_space<hbm>>
      %dma_start3A_88 = tpu.memref_squeeze %dma_start3A_87 : memref<1x320x128xf32, #tpu.memory_space<hbm>> -> memref<320x128xf32, #tpu.memory_space<hbm>>
      %dma_start3A_89 = arith.constant 0 : i32
      %dma_start3A_90 = tpu.memref_slice %arg20[%mul3A_18, %dma_start3A_89] : memref<5120x128xf32, #tpu.memory_space<vmem_shared>> -> memref<320x128xf32, #tpu.memory_space<vmem_shared>>
      tpu.enqueue_dma source(%dma_start3A_90 : memref<320x128xf32, #tpu.memory_space<vmem_shared>>) target(%dma_start3A_88 : memref<320x128xf32, #tpu.memory_space<hbm>>) target_semaphore(%run_scoped3A : memref<!tpu.dma_semaphore, #tpu.memory_space<semaphore_mem>>)
      %dma_wait3A_91 = arith.constant 0 : i32
      %dma_wait3A_92 = tpu.memref_slice %arg6[%arg0, %mul3A_18, %dma_wait3A_91] : memref<2x5120x128xf32, #tpu.memory_space<hbm>> -> memref<1x320x128xf32, #tpu.memory_space<hbm>>
      %dma_wait3A_93 = tpu.memref_squeeze %dma_wait3A_92 : memref<1x320x128xf32, #tpu.memory_space<hbm>> -> memref<320x128xf32, #tpu.memory_space<hbm>>
      %dma_wait3A_94 = arith.constant 0 : i32
      %dma_wait3A_95 = tpu.memref_slice %arg20[%mul3A_18, %dma_wait3A_94] : memref<5120x128xf32, #tpu.memory_space<vmem_shared>> -> memref<320x128xf32, #tpu.memory_space<vmem_shared>>
      tpu.wait_dma2 semaphore(%run_scoped3A : memref<!tpu.dma_semaphore, #tpu.memory_space<semaphore_mem>>) src(%dma_wait3A_95 : memref<320x128xf32, #tpu.memory_space<vmem_shared>>) dst(%dma_wait3A_93 : memref<320x128xf32, #tpu.memory_space<hbm>>)
      tpu.yield
    }) : () -> ()
    "tpu.region"() ({
      %run_scoped3A = tpu.sem_alloc : memref<!tpu.dma_semaphore, #tpu.memory_space<semaphore_mem>>
      %dma_start3A_86 = arith.constant 0 : i32
      %dma_start3A_87 = tpu.memref_slice %arg21[%mul3A_18, %dma_start3A_86] : memref<5120x8xf32, #tpu.memory_space<vmem_shared>> -> memref<320x8xf32, #tpu.memory_space<vmem_shared>>
      %dma_start3A_88 = arith.constant 0 : i32
      %dma_start3A_89 = tpu.memref_slice %arg21[%mul3A_18, %dma_start3A_88] : memref<5120x8xf32, #tpu.memory_space<vmem_shared>> -> memref<320x8xf32, #tpu.memory_space<vmem_shared>>
      tpu.enqueue_dma source(%dma_start3A_89 : memref<320x8xf32, #tpu.memory_space<vmem_shared>>) target(%arg17 : memref<320x8xf32, #tpu.memory_space<vmem>>) target_semaphore(%run_scoped3A : memref<!tpu.dma_semaphore, #tpu.memory_space<semaphore_mem>>)
      %dma_wait3A_90 = arith.constant 0 : i32
      %dma_wait3A_91 = tpu.memref_slice %arg21[%mul3A_18, %dma_wait3A_90] : memref<5120x8xf32, #tpu.memory_space<vmem_shared>> -> memref<320x8xf32, #tpu.memory_space<vmem_shared>>
      %dma_wait3A_92 = arith.constant 0 : i32
      %dma_wait3A_93 = tpu.memref_slice %arg21[%mul3A_18, %dma_wait3A_92] : memref<5120x8xf32, #tpu.memory_space<vmem_shared>> -> memref<320x8xf32, #tpu.memory_space<vmem_shared>>
      tpu.wait_dma2 semaphore(%run_scoped3A : memref<!tpu.dma_semaphore, #tpu.memory_space<semaphore_mem>>) src(%dma_wait3A_93 : memref<320x8xf32, #tpu.memory_space<vmem_shared>>) dst(%arg17 : memref<320x8xf32, #tpu.memory_space<vmem>>)
      tpu.yield
    }) : () -> ()
    %parallel_loop3A_71 = arith.constant 0 : i32
    %parallel_loop3A_72 = arith.constant 128 : i32
    %parallel_loop3A_73 = arith.constant 1 : i32
    scf.for %parallel_loop3A_86 = %parallel_loop3A_71 to %parallel_loop3A_72 step %parallel_loop3A_73  : i32 {
      %parallel_loop3A_87 = arith.constant 0 : i32
      %parallel_loop3A_88 = arith.addi %parallel_loop3A_87, %parallel_loop3A_86 : i32
      %parallel_loop3A_89 = vector.broadcast %parallel_loop3A_88 : i32 to vector<16xi32>
      %parallel_loop3A_90 = arith.constant 0 : i32
      %parallel_loop3A_91 = vector.broadcast %parallel_loop3A_90 : i32 to vector<16xi32>
      %parallel_loop3A_92 = tpu.vector_load_idx %arg17[%parallel_loop3A_89, %parallel_loop3A_91] : memref<320x8xf32, #tpu.memory_space<vmem>>[vector<16xi32>, vector<16xi32>], vector<16xf32>,
      %parallel_loop3A_93 = arith.index_cast %parallel_loop3A_86 : i32 to index
      %parallel_loop3A_94 = arith.constant 0 : index
      %parallel_loop3A_95 = tpu.vector_load %arg10[%parallel_loop3A_93, %parallel_loop3A_94] {strides = array<i32>} : memref<128x128xf32, #tpu.memory_space<vmem>>, vector<16xf32>,
      tpu.vector_store %arg10[%parallel_loop3A_93, %parallel_loop3A_94], %parallel_loop3A_92 {strides = array<i32>} : memref<128x128xf32, #tpu.memory_space<vmem>>, vector<16xf32>,
      %parallel_loop3A_96 = arith.constant 0 : i32
      %parallel_loop3A_97 = arith.addi %parallel_loop3A_96, %parallel_loop3A_86 : i32
      %parallel_loop3A_98 = vector.broadcast %parallel_loop3A_97 : i32 to vector<16xi32>
      %parallel_loop3A_99 = arith.constant 1 : i32
      %parallel_loop3A_100 = vector.broadcast %parallel_loop3A_99 : i32 to vector<16xi32>
      %parallel_loop3A_101 = tpu.vector_load_idx %arg17[%parallel_loop3A_98, %parallel_loop3A_100] : memref<320x8xf32, #tpu.memory_space<vmem>>[vector<16xi32>, vector<16xi32>], vector<16xf32>,
      %parallel_loop3A_102 = arith.index_cast %parallel_loop3A_86 : i32 to index
      %parallel_loop3A_103 = arith.constant 16 : index
      %parallel_loop3A_104 = tpu.vector_load %arg10[%parallel_loop3A_102, %parallel_loop3A_103] {strides = array<i32>} : memref<128x128xf32, #tpu.memory_space<vmem>>, vector<16xf32>,
      tpu.vector_store %arg10[%parallel_loop3A_102, %parallel_loop3A_103], %parallel_loop3A_101 {strides = array<i32>} : memref<128x128xf32, #tpu.memory_space<vmem>>, vector<16xf32>,
      %parallel_loop3A_105 = arith.constant 0 : i32
      %parallel_loop3A_106 = arith.addi %parallel_loop3A_105, %parallel_loop3A_86 : i32
      %parallel_loop3A_107 = vector.broadcast %parallel_loop3A_106 : i32 to vector<16xi32>
      %parallel_loop3A_108 = arith.constant 2 : i32
      %parallel_loop3A_109 = vector.broadcast %parallel_loop3A_108 : i32 to vector<16xi32>
      %parallel_loop3A_110 = tpu.vector_load_idx %arg17[%parallel_loop3A_107, %parallel_loop3A_109] : memref<320x8xf32, #tpu.memory_space<vmem>>[vector<16xi32>, vector<16xi32>], vector<16xf32>,
      %parallel_loop3A_111 = arith.index_cast %parallel_loop3A_86 : i32 to index
      %parallel_loop3A_112 = arith.constant 32 : index
      %parallel_loop3A_113 = tpu.vector_load %arg10[%parallel_loop3A_111, %parallel_loop3A_112] {strides = array<i32>} : memref<128x128xf32, #tpu.memory_space<vmem>>, vector<16xf32>,
      tpu.vector_store %arg10[%parallel_loop3A_111, %parallel_loop3A_112], %parallel_loop3A_110 {strides = array<i32>} : memref<128x128xf32, #tpu.memory_space<vmem>>, vector<16xf32>,
      %parallel_loop3A_114 = arith.constant 0 : i32
      %parallel_loop3A_115 = arith.addi %parallel_loop3A_114, %parallel_loop3A_86 : i32
      %parallel_loop3A_116 = vector.broadcast %parallel_loop3A_115 : i32 to vector<16xi32>
      %parallel_loop3A_117 = arith.constant 3 : i32
      %parallel_loop3A_118 = vector.broadcast %parallel_loop3A_117 : i32 to vector<16xi32>
      %parallel_loop3A_119 = tpu.vector_load_idx %arg17[%parallel_loop3A_116, %parallel_loop3A_118] : memref<320x8xf32, #tpu.memory_space<vmem>>[vector<16xi32>, vector<16xi32>], vector<16xf32>,
      %parallel_loop3A_120 = arith.index_cast %parallel_loop3A_86 : i32 to index
      %parallel_loop3A_121 = arith.constant 48 : index
      %parallel_loop3A_122 = tpu.vector_load %arg10[%parallel_loop3A_120, %parallel_loop3A_121] {strides = array<i32>} : memref<128x128xf32, #tpu.memory_space<vmem>>, vector<16xf32>,
      tpu.vector_store %arg10[%parallel_loop3A_120, %parallel_loop3A_121], %parallel_loop3A_119 {strides = array<i32>} : memref<128x128xf32, #tpu.memory_space<vmem>>, vector<16xf32>,
      %parallel_loop3A_123 = arith.constant 0 : i32
      %parallel_loop3A_124 = arith.addi %parallel_loop3A_123, %parallel_loop3A_86 : i32
      %parallel_loop3A_125 = vector.broadcast %parallel_loop3A_124 : i32 to vector<16xi32>
      %parallel_loop3A_126 = arith.constant 4 : i32
      %parallel_loop3A_127 = vector.broadcast %parallel_loop3A_126 : i32 to vector<16xi32>
      %parallel_loop3A_128 = tpu.vector_load_idx %arg17[%parallel_loop3A_125, %parallel_loop3A_127] : memref<320x8xf32, #tpu.memory_space<vmem>>[vector<16xi32>, vector<16xi32>], vector<16xf32>,
      %parallel_loop3A_129 = arith.index_cast %parallel_loop3A_86 : i32 to index
      %parallel_loop3A_130 = arith.constant 64 : index
      %parallel_loop3A_131 = tpu.vector_load %arg10[%parallel_loop3A_129, %parallel_loop3A_130] {strides = array<i32>} : memref<128x128xf32, #tpu.memory_space<vmem>>, vector<16xf32>,
      tpu.vector_store %arg10[%parallel_loop3A_129, %parallel_loop3A_130], %parallel_loop3A_128 {strides = array<i32>} : memref<128x128xf32, #tpu.memory_space<vmem>>, vector<16xf32>,
      %parallel_loop3A_132 = arith.constant 0 : i32
      %parallel_loop3A_133 = arith.addi %parallel_loop3A_132, %parallel_loop3A_86 : i32
      %parallel_loop3A_134 = vector.broadcast %parallel_loop3A_133 : i32 to vector<16xi32>
      %parallel_loop3A_135 = arith.constant 5 : i32
      %parallel_loop3A_136 = vector.broadcast %parallel_loop3A_135 : i32 to vector<16xi32>
      %parallel_loop3A_137 = tpu.vector_load_idx %arg17[%parallel_loop3A_134, %parallel_loop3A_136] : memref<320x8xf32, #tpu.memory_space<vmem>>[vector<16xi32>, vector<16xi32>], vector<16xf32>,
      %parallel_loop3A_138 = arith.index_cast %parallel_loop3A_86 : i32 to index
      %parallel_loop3A_139 = arith.constant 80 : index
      %parallel_loop3A_140 = tpu.vector_load %arg10[%parallel_loop3A_138, %parallel_loop3A_139] {strides = array<i32>} : memref<128x128xf32, #tpu.memory_space<vmem>>, vector<16xf32>,
      tpu.vector_store %arg10[%parallel_loop3A_138, %parallel_loop3A_139], %parallel_loop3A_137 {strides = array<i32>} : memref<128x128xf32, #tpu.memory_space<vmem>>, vector<16xf32>,
      %parallel_loop3A_141 = arith.constant 0 : i32
      %parallel_loop3A_142 = arith.addi %parallel_loop3A_141, %parallel_loop3A_86 : i32
      %parallel_loop3A_143 = vector.broadcast %parallel_loop3A_142 : i32 to vector<16xi32>
      %parallel_loop3A_144 = arith.constant 6 : i32
      %parallel_loop3A_145 = vector.broadcast %parallel_loop3A_144 : i32 to vector<16xi32>
      %parallel_loop3A_146 = tpu.vector_load_idx %arg17[%parallel_loop3A_143, %parallel_loop3A_145] : memref<320x8xf32, #tpu.memory_space<vmem>>[vector<16xi32>, vector<16xi32>], vector<16xf32>,
      %parallel_loop3A_147 = arith.index_cast %parallel_loop3A_86 : i32 to index
      %parallel_loop3A_148 = arith.constant 96 : index
      %parallel_loop3A_149 = tpu.vector_load %arg10[%parallel_loop3A_147, %parallel_loop3A_148] {strides = array<i32>} : memref<128x128xf32, #tpu.memory_space<vmem>>, vector<16xf32>,
      tpu.vector_store %arg10[%parallel_loop3A_147, %parallel_loop3A_148], %parallel_loop3A_146 {strides = array<i32>} : memref<128x128xf32, #tpu.memory_space<vmem>>, vector<16xf32>,
      %parallel_loop3A_150 = arith.constant 0 : i32
      %parallel_loop3A_151 = arith.addi %parallel_loop3A_150, %parallel_loop3A_86 : i32
      %parallel_loop3A_152 = vector.broadcast %parallel_loop3A_151 : i32 to vector<16xi32>
      %parallel_loop3A_153 = arith.constant 7 : i32
      %parallel_loop3A_154 = vector.broadcast %parallel_loop3A_153 : i32 to vector<16xi32>
      %parallel_loop3A_155 = tpu.vector_load_idx %arg17[%parallel_loop3A_152, %parallel_loop3A_154] : memref<320x8xf32, #tpu.memory_space<vmem>>[vector<16xi32>, vector<16xi32>], vector<16xf32>,
      %parallel_loop3A_156 = arith.index_cast %parallel_loop3A_86 : i32 to index
      %parallel_loop3A_157 = arith.constant 112 : index
      %parallel_loop3A_158 = tpu.vector_load %arg10[%parallel_loop3A_156, %parallel_loop3A_157] {strides = array<i32>} : memref<128x128xf32, #tpu.memory_space<vmem>>, vector<16xf32>,
      tpu.vector_store %arg10[%parallel_loop3A_156, %parallel_loop3A_157], %parallel_loop3A_155 {strides = array<i32>} : memref<128x128xf32, #tpu.memory_space<vmem>>, vector<16xf32>,
    } {sc.loop_unroll_factor = 2 : i64, sc.parallel_access}
    %add3A_74 = arith.constant 0 : i32
    %add3A_75 = arith.addi %mul3A_18, %add3A_74 : i32
    "tpu.region"() ({
      %run_scoped3A = tpu.sem_alloc : memref<!tpu.dma_semaphore, #tpu.memory_space<semaphore_mem>>
      %dma_start3A_86 = arith.constant 0 : i32
      %dma_start3A_87 = arith.constant 0 : i32
      %dma_start3A_88 = tpu.memref_slice %arg10[%dma_start3A_86, %dma_start3A_87] : memref<128x128xf32, #tpu.memory_space<vmem>> -> memref<128x128xf32, #tpu.memory_space<vmem>>
      %dma_start3A_89 = arith.constant 0 : i32
      %dma_start3A_90 = tpu.memref_slice %arg7[%arg0, %add3A_75, %dma_start3A_89] : memref<2x5120x128xf32, #tpu.memory_space<hbm>> -> memref<1x128x128xf32, #tpu.memory_space<hbm>>
      %dma_start3A_91 = tpu.memref_squeeze %dma_start3A_90 : memref<1x128x128xf32, #tpu.memory_space<hbm>> -> memref<128x128xf32, #tpu.memory_space<hbm>>
      %dma_start3A_92 = arith.constant 0 : i32
      %dma_start3A_93 = tpu.memref_slice %arg7[%arg0, %add3A_75, %dma_start3A_92] : memref<2x5120x128xf32, #tpu.memory_space<hbm>> -> memref<1x128x128xf32, #tpu.memory_space<hbm>>
      %dma_start3A_94 = tpu.memref_squeeze %dma_start3A_93 : memref<1x128x128xf32, #tpu.memory_space<hbm>> -> memref<128x128xf32, #tpu.memory_space<hbm>>
      %dma_start3A_95 = arith.constant 0 : i32
      %dma_start3A_96 = arith.constant 0 : i32
      %dma_start3A_97 = tpu.memref_slice %arg10[%dma_start3A_95, %dma_start3A_96] : memref<128x128xf32, #tpu.memory_space<vmem>> -> memref<128x128xf32, #tpu.memory_space<vmem>>
      tpu.enqueue_dma source(%dma_start3A_97 : memref<128x128xf32, #tpu.memory_space<vmem>>) target(%dma_start3A_94 : memref<128x128xf32, #tpu.memory_space<hbm>>) target_semaphore(%run_scoped3A : memref<!tpu.dma_semaphore, #tpu.memory_space<semaphore_mem>>)
      %dma_wait3A_98 = arith.constant 0 : i32
      %dma_wait3A_99 = arith.constant 0 : i32
      %dma_wait3A_100 = tpu.memref_slice %arg10[%dma_wait3A_98, %dma_wait3A_99] : memref<128x128xf32, #tpu.memory_space<vmem>> -> memref<128x128xf32, #tpu.memory_space<vmem>>
      %dma_wait3A_101 = arith.constant 0 : i32
      %dma_wait3A_102 = tpu.memref_slice %arg7[%arg0, %add3A_75, %dma_wait3A_101] : memref<2x5120x128xf32, #tpu.memory_space<hbm>> -> memref<1x128x128xf32, #tpu.memory_space<hbm>>
      %dma_wait3A_103 = tpu.memref_squeeze %dma_wait3A_102 : memref<1x128x128xf32, #tpu.memory_space<hbm>> -> memref<128x128xf32, #tpu.memory_space<hbm>>
      %dma_wait3A_104 = arith.constant 0 : i32
      %dma_wait3A_105 = tpu.memref_slice %arg7[%arg0, %add3A_75, %dma_wait3A_104] : memref<2x5120x128xf32, #tpu.memory_space<hbm>> -> memref<1x128x128xf32, #tpu.memory_space<hbm>>
      %dma_wait3A_106 = tpu.memref_squeeze %dma_wait3A_105 : memref<1x128x128xf32, #tpu.memory_space<hbm>> -> memref<128x128xf32, #tpu.memory_space<hbm>>
      %dma_wait3A_107 = arith.constant 0 : i32
      %dma_wait3A_108 = arith.constant 0 : i32
      %dma_wait3A_109 = tpu.memref_slice %arg10[%dma_wait3A_107, %dma_wait3A_108] : memref<128x128xf32, #tpu.memory_space<vmem>> -> memref<128x128xf32, #tpu.memory_space<vmem>>
      tpu.wait_dma2 semaphore(%run_scoped3A : memref<!tpu.dma_semaphore, #tpu.memory_space<semaphore_mem>>) src(%dma_wait3A_109 : memref<128x128xf32, #tpu.memory_space<vmem>>) dst(%dma_wait3A_106 : memref<128x128xf32, #tpu.memory_space<hbm>>)
      tpu.yield
    }) : () -> ()
    %parallel_loop3A_76 = arith.constant 0 : i32
    %parallel_loop3A_77 = arith.constant 128 : i32
    %parallel_loop3A_78 = arith.constant 1 : i32
    scf.for %parallel_loop3A_86 = %parallel_loop3A_76 to %parallel_loop3A_77 step %parallel_loop3A_78  : i32 {
      %parallel_loop3A_87 = arith.constant 128 : i32
      %parallel_loop3A_88 = arith.addi %parallel_loop3A_87, %parallel_loop3A_86 : i32
      %parallel_loop3A_89 = vector.broadcast %parallel_loop3A_88 : i32 to vector<16xi32>
      %parallel_loop3A_90 = arith.constant 0 : i32
      %parallel_loop3A_91 = vector.broadcast %parallel_loop3A_90 : i32 to vector<16xi32>
      %parallel_loop3A_92 = tpu.vector_load_idx %arg17[%parallel_loop3A_89, %parallel_loop3A_91] : memref<320x8xf32, #tpu.memory_space<vmem>>[vector<16xi32>, vector<16xi32>], vector<16xf32>,
      %parallel_loop3A_93 = arith.index_cast %parallel_loop3A_86 : i32 to index
      %parallel_loop3A_94 = arith.constant 0 : index
      %parallel_loop3A_95 = tpu.vector_load %arg10[%parallel_loop3A_93, %parallel_loop3A_94] {strides = array<i32>} : memref<128x128xf32, #tpu.memory_space<vmem>>, vector<16xf32>,
      tpu.vector_store %arg10[%parallel_loop3A_93, %parallel_loop3A_94], %parallel_loop3A_92 {strides = array<i32>} : memref<128x128xf32, #tpu.memory_space<vmem>>, vector<16xf32>,
      %parallel_loop3A_96 = arith.constant 128 : i32
      %parallel_loop3A_97 = arith.addi %parallel_loop3A_96, %parallel_loop3A_86 : i32
      %parallel_loop3A_98 = vector.broadcast %parallel_loop3A_97 : i32 to vector<16xi32>
      %parallel_loop3A_99 = arith.constant 1 : i32
      %parallel_loop3A_100 = vector.broadcast %parallel_loop3A_99 : i32 to vector<16xi32>
      %parallel_loop3A_101 = tpu.vector_load_idx %arg17[%parallel_loop3A_98, %parallel_loop3A_100] : memref<320x8xf32, #tpu.memory_space<vmem>>[vector<16xi32>, vector<16xi32>], vector<16xf32>,
      %parallel_loop3A_102 = arith.index_cast %parallel_loop3A_86 : i32 to index
      %parallel_loop3A_103 = arith.constant 16 : index
      %parallel_loop3A_104 = tpu.vector_load %arg10[%parallel_loop3A_102, %parallel_loop3A_103] {strides = array<i32>} : memref<128x128xf32, #tpu.memory_space<vmem>>, vector<16xf32>,
      tpu.vector_store %arg10[%parallel_loop3A_102, %parallel_loop3A_103], %parallel_loop3A_101 {strides = array<i32>} : memref<128x128xf32, #tpu.memory_space<vmem>>, vector<16xf32>,
      %parallel_loop3A_105 = arith.constant 128 : i32
      %parallel_loop3A_106 = arith.addi %parallel_loop3A_105, %parallel_loop3A_86 : i32
      %parallel_loop3A_107 = vector.broadcast %parallel_loop3A_106 : i32 to vector<16xi32>
      %parallel_loop3A_108 = arith.constant 2 : i32
      %parallel_loop3A_109 = vector.broadcast %parallel_loop3A_108 : i32 to vector<16xi32>
      %parallel_loop3A_110 = tpu.vector_load_idx %arg17[%parallel_loop3A_107, %parallel_loop3A_109] : memref<320x8xf32, #tpu.memory_space<vmem>>[vector<16xi32>, vector<16xi32>], vector<16xf32>,
      %parallel_loop3A_111 = arith.index_cast %parallel_loop3A_86 : i32 to index
      %parallel_loop3A_112 = arith.constant 32 : index
      %parallel_loop3A_113 = tpu.vector_load %arg10[%parallel_loop3A_111, %parallel_loop3A_112] {strides = array<i32>} : memref<128x128xf32, #tpu.memory_space<vmem>>, vector<16xf32>,
      tpu.vector_store %arg10[%parallel_loop3A_111, %parallel_loop3A_112], %parallel_loop3A_110 {strides = array<i32>} : memref<128x128xf32, #tpu.memory_space<vmem>>, vector<16xf32>,
      %parallel_loop3A_114 = arith.constant 128 : i32
      %parallel_loop3A_115 = arith.addi %parallel_loop3A_114, %parallel_loop3A_86 : i32
      %parallel_loop3A_116 = vector.broadcast %parallel_loop3A_115 : i32 to vector<16xi32>
      %parallel_loop3A_117 = arith.constant 3 : i32
      %parallel_loop3A_118 = vector.broadcast %parallel_loop3A_117 : i32 to vector<16xi32>
      %parallel_loop3A_119 = tpu.vector_load_idx %arg17[%parallel_loop3A_116, %parallel_loop3A_118] : memref<320x8xf32, #tpu.memory_space<vmem>>[vector<16xi32>, vector<16xi32>], vector<16xf32>,
      %parallel_loop3A_120 = arith.index_cast %parallel_loop3A_86 : i32 to index
      %parallel_loop3A_121 = arith.constant 48 : index
      %parallel_loop3A_122 = tpu.vector_load %arg10[%parallel_loop3A_120, %parallel_loop3A_121] {strides = array<i32>} : memref<128x128xf32, #tpu.memory_space<vmem>>, vector<16xf32>,
      tpu.vector_store %arg10[%parallel_loop3A_120, %parallel_loop3A_121], %parallel_loop3A_119 {strides = array<i32>} : memref<128x128xf32, #tpu.memory_space<vmem>>, vector<16xf32>,
      %parallel_loop3A_123 = arith.constant 128 : i32
      %parallel_loop3A_124 = arith.addi %parallel_loop3A_123, %parallel_loop3A_86 : i32
      %parallel_loop3A_125 = vector.broadcast %parallel_loop3A_124 : i32 to vector<16xi32>
      %parallel_loop3A_126 = arith.constant 4 : i32
      %parallel_loop3A_127 = vector.broadcast %parallel_loop3A_126 : i32 to vector<16xi32>
      %parallel_loop3A_128 = tpu.vector_load_idx %arg17[%parallel_loop3A_125, %parallel_loop3A_127] : memref<320x8xf32, #tpu.memory_space<vmem>>[vector<16xi32>, vector<16xi32>], vector<16xf32>,
      %parallel_loop3A_129 = arith.index_cast %parallel_loop3A_86 : i32 to index
      %parallel_loop3A_130 = arith.constant 64 : index
      %parallel_loop3A_131 = tpu.vector_load %arg10[%parallel_loop3A_129, %parallel_loop3A_130] {strides = array<i32>} : memref<128x128xf32, #tpu.memory_space<vmem>>, vector<16xf32>,
      tpu.vector_store %arg10[%parallel_loop3A_129, %parallel_loop3A_130], %parallel_loop3A_128 {strides = array<i32>} : memref<128x128xf32, #tpu.memory_space<vmem>>, vector<16xf32>,
      %parallel_loop3A_132 = arith.constant 128 : i32
      %parallel_loop3A_133 = arith.addi %parallel_loop3A_132, %parallel_loop3A_86 : i32
      %parallel_loop3A_134 = vector.broadcast %parallel_loop3A_133 : i32 to vector<16xi32>
      %parallel_loop3A_135 = arith.constant 5 : i32
      %parallel_loop3A_136 = vector.broadcast %parallel_loop3A_135 : i32 to vector<16xi32>
      %parallel_loop3A_137 = tpu.vector_load_idx %arg17[%parallel_loop3A_134, %parallel_loop3A_136] : memref<320x8xf32, #tpu.memory_space<vmem>>[vector<16xi32>, vector<16xi32>], vector<16xf32>,
      %parallel_loop3A_138 = arith.index_cast %parallel_loop3A_86 : i32 to index
      %parallel_loop3A_139 = arith.constant 80 : index
      %parallel_loop3A_140 = tpu.vector_load %arg10[%parallel_loop3A_138, %parallel_loop3A_139] {strides = array<i32>} : memref<128x128xf32, #tpu.memory_space<vmem>>, vector<16xf32>,
      tpu.vector_store %arg10[%parallel_loop3A_138, %parallel_loop3A_139], %parallel_loop3A_137 {strides = array<i32>} : memref<128x128xf32, #tpu.memory_space<vmem>>, vector<16xf32>,
      %parallel_loop3A_141 = arith.constant 128 : i32
      %parallel_loop3A_142 = arith.addi %parallel_loop3A_141, %parallel_loop3A_86 : i32
      %parallel_loop3A_143 = vector.broadcast %parallel_loop3A_142 : i32 to vector<16xi32>
      %parallel_loop3A_144 = arith.constant 6 : i32
      %parallel_loop3A_145 = vector.broadcast %parallel_loop3A_144 : i32 to vector<16xi32>
      %parallel_loop3A_146 = tpu.vector_load_idx %arg17[%parallel_loop3A_143, %parallel_loop3A_145] : memref<320x8xf32, #tpu.memory_space<vmem>>[vector<16xi32>, vector<16xi32>], vector<16xf32>,
      %parallel_loop3A_147 = arith.index_cast %parallel_loop3A_86 : i32 to index
      %parallel_loop3A_148 = arith.constant 96 : index
      %parallel_loop3A_149 = tpu.vector_load %arg10[%parallel_loop3A_147, %parallel_loop3A_148] {strides = array<i32>} : memref<128x128xf32, #tpu.memory_space<vmem>>, vector<16xf32>,
      tpu.vector_store %arg10[%parallel_loop3A_147, %parallel_loop3A_148], %parallel_loop3A_146 {strides = array<i32>} : memref<128x128xf32, #tpu.memory_space<vmem>>, vector<16xf32>,
      %parallel_loop3A_150 = arith.constant 128 : i32
      %parallel_loop3A_151 = arith.addi %parallel_loop3A_150, %parallel_loop3A_86 : i32
      %parallel_loop3A_152 = vector.broadcast %parallel_loop3A_151 : i32 to vector<16xi32>
      %parallel_loop3A_153 = arith.constant 7 : i32
      %parallel_loop3A_154 = vector.broadcast %parallel_loop3A_153 : i32 to vector<16xi32>
      %parallel_loop3A_155 = tpu.vector_load_idx %arg17[%parallel_loop3A_152, %parallel_loop3A_154] : memref<320x8xf32, #tpu.memory_space<vmem>>[vector<16xi32>, vector<16xi32>], vector<16xf32>,
      %parallel_loop3A_156 = arith.index_cast %parallel_loop3A_86 : i32 to index
      %parallel_loop3A_157 = arith.constant 112 : index
      %parallel_loop3A_158 = tpu.vector_load %arg10[%parallel_loop3A_156, %parallel_loop3A_157] {strides = array<i32>} : memref<128x128xf32, #tpu.memory_space<vmem>>, vector<16xf32>,
      tpu.vector_store %arg10[%parallel_loop3A_156, %parallel_loop3A_157], %parallel_loop3A_155 {strides = array<i32>} : memref<128x128xf32, #tpu.memory_space<vmem>>, vector<16xf32>,
    } {sc.loop_unroll_factor = 2 : i64, sc.parallel_access}
    %add3A_79 = arith.constant 128 : i32
    %add3A_80 = arith.addi %mul3A_18, %add3A_79 : i32
    "tpu.region"() ({
      %run_scoped3A = tpu.sem_alloc : memref<!tpu.dma_semaphore, #tpu.memory_space<semaphore_mem>>
      %dma_start3A_86 = arith.constant 0 : i32
      %dma_start3A_87 = arith.constant 0 : i32
      %dma_start3A_88 = tpu.memref_slice %arg10[%dma_start3A_86, %dma_start3A_87] : memref<128x128xf32, #tpu.memory_space<vmem>> -> memref<128x128xf32, #tpu.memory_space<vmem>>
      %dma_start3A_89 = arith.constant 0 : i32
      %dma_start3A_90 = tpu.memref_slice %arg7[%arg0, %add3A_80, %dma_start3A_89] : memref<2x5120x128xf32, #tpu.memory_space<hbm>> -> memref<1x128x128xf32, #tpu.memory_space<hbm>>
      %dma_start3A_91 = tpu.memref_squeeze %dma_start3A_90 : memref<1x128x128xf32, #tpu.memory_space<hbm>> -> memref<128x128xf32, #tpu.memory_space<hbm>>
      %dma_start3A_92 = arith.constant 0 : i32
      %dma_start3A_93 = tpu.memref_slice %arg7[%arg0, %add3A_80, %dma_start3A_92] : memref<2x5120x128xf32, #tpu.memory_space<hbm>> -> memref<1x128x128xf32, #tpu.memory_space<hbm>>
      %dma_start3A_94 = tpu.memref_squeeze %dma_start3A_93 : memref<1x128x128xf32, #tpu.memory_space<hbm>> -> memref<128x128xf32, #tpu.memory_space<hbm>>
      %dma_start3A_95 = arith.constant 0 : i32
      %dma_start3A_96 = arith.constant 0 : i32
      %dma_start3A_97 = tpu.memref_slice %arg10[%dma_start3A_95, %dma_start3A_96] : memref<128x128xf32, #tpu.memory_space<vmem>> -> memref<128x128xf32, #tpu.memory_space<vmem>>
      tpu.enqueue_dma source(%dma_start3A_97 : memref<128x128xf32, #tpu.memory_space<vmem>>) target(%dma_start3A_94 : memref<128x128xf32, #tpu.memory_space<hbm>>) target_semaphore(%run_scoped3A : memref<!tpu.dma_semaphore, #tpu.memory_space<semaphore_mem>>)
      %dma_wait3A_98 = arith.constant 0 : i32
      %dma_wait3A_99 = arith.constant 0 : i32
      %dma_wait3A_100 = tpu.memref_slice %arg10[%dma_wait3A_98, %dma_wait3A_99] : memref<128x128xf32, #tpu.memory_space<vmem>> -> memref<128x128xf32, #tpu.memory_space<vmem>>
      %dma_wait3A_101 = arith.constant 0 : i32
      %dma_wait3A_102 = tpu.memref_slice %arg7[%arg0, %add3A_80, %dma_wait3A_101] : memref<2x5120x128xf32, #tpu.memory_space<hbm>> -> memref<1x128x128xf32, #tpu.memory_space<hbm>>
      %dma_wait3A_103 = tpu.memref_squeeze %dma_wait3A_102 : memref<1x128x128xf32, #tpu.memory_space<hbm>> -> memref<128x128xf32, #tpu.memory_space<hbm>>
      %dma_wait3A_104 = arith.constant 0 : i32
      %dma_wait3A_105 = tpu.memref_slice %arg7[%arg0, %add3A_80, %dma_wait3A_104] : memref<2x5120x128xf32, #tpu.memory_space<hbm>> -> memref<1x128x128xf32, #tpu.memory_space<hbm>>
      %dma_wait3A_106 = tpu.memref_squeeze %dma_wait3A_105 : memref<1x128x128xf32, #tpu.memory_space<hbm>> -> memref<128x128xf32, #tpu.memory_space<hbm>>
      %dma_wait3A_107 = arith.constant 0 : i32
      %dma_wait3A_108 = arith.constant 0 : i32
      %dma_wait3A_109 = tpu.memref_slice %arg10[%dma_wait3A_107, %dma_wait3A_108] : memref<128x128xf32, #tpu.memory_space<vmem>> -> memref<128x128xf32, #tpu.memory_space<vmem>>
      tpu.wait_dma2 semaphore(%run_scoped3A : memref<!tpu.dma_semaphore, #tpu.memory_space<semaphore_mem>>) src(%dma_wait3A_109 : memref<128x128xf32, #tpu.memory_space<vmem>>) dst(%dma_wait3A_106 : memref<128x128xf32, #tpu.memory_space<hbm>>)
      tpu.yield
    }) : () -> ()
    %parallel_loop3A_81 = arith.constant 0 : i32
    %parallel_loop3A_82 = arith.constant 64 : i32
    %parallel_loop3A_83 = arith.constant 1 : i32
    scf.for %parallel_loop3A_86 = %parallel_loop3A_81 to %parallel_loop3A_82 step %parallel_loop3A_83  : i32 {
      %parallel_loop3A_87 = arith.constant 256 : i32
      %parallel_loop3A_88 = arith.addi %parallel_loop3A_87, %parallel_loop3A_86 : i32
      %parallel_loop3A_89 = vector.broadcast %parallel_loop3A_88 : i32 to vector<16xi32>
      %parallel_loop3A_90 = arith.constant 0 : i32
      %parallel_loop3A_91 = vector.broadcast %parallel_loop3A_90 : i32 to vector<16xi32>
      %parallel_loop3A_92 = tpu.vector_load_idx %arg17[%parallel_loop3A_89, %parallel_loop3A_91] : memref<320x8xf32, #tpu.memory_space<vmem>>[vector<16xi32>, vector<16xi32>], vector<16xf32>,
      %parallel_loop3A_93 = arith.index_cast %parallel_loop3A_86 : i32 to index
      %parallel_loop3A_94 = arith.constant 0 : index
      %parallel_loop3A_95 = tpu.vector_load %arg10[%parallel_loop3A_93, %parallel_loop3A_94] {strides = array<i32>} : memref<128x128xf32, #tpu.memory_space<vmem>>, vector<16xf32>,
      tpu.vector_store %arg10[%parallel_loop3A_93, %parallel_loop3A_94], %parallel_loop3A_92 {strides = array<i32>} : memref<128x128xf32, #tpu.memory_space<vmem>>, vector<16xf32>,
      %parallel_loop3A_96 = arith.constant 256 : i32
      %parallel_loop3A_97 = arith.addi %parallel_loop3A_96, %parallel_loop3A_86 : i32
      %parallel_loop3A_98 = vector.broadcast %parallel_loop3A_97 : i32 to vector<16xi32>
      %parallel_loop3A_99 = arith.constant 1 : i32
      %parallel_loop3A_100 = vector.broadcast %parallel_loop3A_99 : i32 to vector<16xi32>
      %parallel_loop3A_101 = tpu.vector_load_idx %arg17[%parallel_loop3A_98, %parallel_loop3A_100] : memref<320x8xf32, #tpu.memory_space<vmem>>[vector<16xi32>, vector<16xi32>], vector<16xf32>,
      %parallel_loop3A_102 = arith.index_cast %parallel_loop3A_86 : i32 to index
      %parallel_loop3A_103 = arith.constant 16 : index
      %parallel_loop3A_104 = tpu.vector_load %arg10[%parallel_loop3A_102, %parallel_loop3A_103] {strides = array<i32>} : memref<128x128xf32, #tpu.memory_space<vmem>>, vector<16xf32>,
      tpu.vector_store %arg10[%parallel_loop3A_102, %parallel_loop3A_103], %parallel_loop3A_101 {strides = array<i32>} : memref<128x128xf32, #tpu.memory_space<vmem>>, vector<16xf32>,
      %parallel_loop3A_105 = arith.constant 256 : i32
      %parallel_loop3A_106 = arith.addi %parallel_loop3A_105, %parallel_loop3A_86 : i32
      %parallel_loop3A_107 = vector.broadcast %parallel_loop3A_106 : i32 to vector<16xi32>
      %parallel_loop3A_108 = arith.constant 2 : i32
      %parallel_loop3A_109 = vector.broadcast %parallel_loop3A_108 : i32 to vector<16xi32>
      %parallel_loop3A_110 = tpu.vector_load_idx %arg17[%parallel_loop3A_107, %parallel_loop3A_109] : memref<320x8xf32, #tpu.memory_space<vmem>>[vector<16xi32>, vector<16xi32>], vector<16xf32>,
      %parallel_loop3A_111 = arith.index_cast %parallel_loop3A_86 : i32 to index
      %parallel_loop3A_112 = arith.constant 32 : index
      %parallel_loop3A_113 = tpu.vector_load %arg10[%parallel_loop3A_111, %parallel_loop3A_112] {strides = array<i32>} : memref<128x128xf32, #tpu.memory_space<vmem>>, vector<16xf32>,
      tpu.vector_store %arg10[%parallel_loop3A_111, %parallel_loop3A_112], %parallel_loop3A_110 {strides = array<i32>} : memref<128x128xf32, #tpu.memory_space<vmem>>, vector<16xf32>,
      %parallel_loop3A_114 = arith.constant 256 : i32
      %parallel_loop3A_115 = arith.addi %parallel_loop3A_114, %parallel_loop3A_86 : i32
      %parallel_loop3A_116 = vector.broadcast %parallel_loop3A_115 : i32 to vector<16xi32>
      %parallel_loop3A_117 = arith.constant 3 : i32
      %parallel_loop3A_118 = vector.broadcast %parallel_loop3A_117 : i32 to vector<16xi32>
      %parallel_loop3A_119 = tpu.vector_load_idx %arg17[%parallel_loop3A_116, %parallel_loop3A_118] : memref<320x8xf32, #tpu.memory_space<vmem>>[vector<16xi32>, vector<16xi32>], vector<16xf32>,
      %parallel_loop3A_120 = arith.index_cast %parallel_loop3A_86 : i32 to index
      %parallel_loop3A_121 = arith.constant 48 : index
      %parallel_loop3A_122 = tpu.vector_load %arg10[%parallel_loop3A_120, %parallel_loop3A_121] {strides = array<i32>} : memref<128x128xf32, #tpu.memory_space<vmem>>, vector<16xf32>,
      tpu.vector_store %arg10[%parallel_loop3A_120, %parallel_loop3A_121], %parallel_loop3A_119 {strides = array<i32>} : memref<128x128xf32, #tpu.memory_space<vmem>>, vector<16xf32>,
      %parallel_loop3A_123 = arith.constant 256 : i32
      %parallel_loop3A_124 = arith.addi %parallel_loop3A_123, %parallel_loop3A_86 : i32
      %parallel_loop3A_125 = vector.broadcast %parallel_loop3A_124 : i32 to vector<16xi32>
      %parallel_loop3A_126 = arith.constant 4 : i32
      %parallel_loop3A_127 = vector.broadcast %parallel_loop3A_126 : i32 to vector<16xi32>
      %parallel_loop3A_128 = tpu.vector_load_idx %arg17[%parallel_loop3A_125, %parallel_loop3A_127] : memref<320x8xf32, #tpu.memory_space<vmem>>[vector<16xi32>, vector<16xi32>], vector<16xf32>,
      %parallel_loop3A_129 = arith.index_cast %parallel_loop3A_86 : i32 to index
      %parallel_loop3A_130 = arith.constant 64 : index
      %parallel_loop3A_131 = tpu.vector_load %arg10[%parallel_loop3A_129, %parallel_loop3A_130] {strides = array<i32>} : memref<128x128xf32, #tpu.memory_space<vmem>>, vector<16xf32>,
      tpu.vector_store %arg10[%parallel_loop3A_129, %parallel_loop3A_130], %parallel_loop3A_128 {strides = array<i32>} : memref<128x128xf32, #tpu.memory_space<vmem>>, vector<16xf32>,
      %parallel_loop3A_132 = arith.constant 256 : i32
      %parallel_loop3A_133 = arith.addi %parallel_loop3A_132, %parallel_loop3A_86 : i32
      %parallel_loop3A_134 = vector.broadcast %parallel_loop3A_133 : i32 to vector<16xi32>
      %parallel_loop3A_135 = arith.constant 5 : i32
      %parallel_loop3A_136 = vector.broadcast %parallel_loop3A_135 : i32 to vector<16xi32>
      %parallel_loop3A_137 = tpu.vector_load_idx %arg17[%parallel_loop3A_134, %parallel_loop3A_136] : memref<320x8xf32, #tpu.memory_space<vmem>>[vector<16xi32>, vector<16xi32>], vector<16xf32>,
      %parallel_loop3A_138 = arith.index_cast %parallel_loop3A_86 : i32 to index
      %parallel_loop3A_139 = arith.constant 80 : index
      %parallel_loop3A_140 = tpu.vector_load %arg10[%parallel_loop3A_138, %parallel_loop3A_139] {strides = array<i32>} : memref<128x128xf32, #tpu.memory_space<vmem>>, vector<16xf32>,
      tpu.vector_store %arg10[%parallel_loop3A_138, %parallel_loop3A_139], %parallel_loop3A_137 {strides = array<i32>} : memref<128x128xf32, #tpu.memory_space<vmem>>, vector<16xf32>,
      %parallel_loop3A_141 = arith.constant 256 : i32
      %parallel_loop3A_142 = arith.addi %parallel_loop3A_141, %parallel_loop3A_86 : i32
      %parallel_loop3A_143 = vector.broadcast %parallel_loop3A_142 : i32 to vector<16xi32>
      %parallel_loop3A_144 = arith.constant 6 : i32
      %parallel_loop3A_145 = vector.broadcast %parallel_loop3A_144 : i32 to vector<16xi32>
      %parallel_loop3A_146 = tpu.vector_load_idx %arg17[%parallel_loop3A_143, %parallel_loop3A_145] : memref<320x8xf32, #tpu.memory_space<vmem>>[vector<16xi32>, vector<16xi32>], vector<16xf32>,
      %parallel_loop3A_147 = arith.index_cast %parallel_loop3A_86 : i32 to index
      %parallel_loop3A_148 = arith.constant 96 : index
      %parallel_loop3A_149 = tpu.vector_load %arg10[%parallel_loop3A_147, %parallel_loop3A_148] {strides = array<i32>} : memref<128x128xf32, #tpu.memory_space<vmem>>, vector<16xf32>,
      tpu.vector_store %arg10[%parallel_loop3A_147, %parallel_loop3A_148], %parallel_loop3A_146 {strides = array<i32>} : memref<128x128xf32, #tpu.memory_space<vmem>>, vector<16xf32>,
      %parallel_loop3A_150 = arith.constant 256 : i32
      %parallel_loop3A_151 = arith.addi %parallel_loop3A_150, %parallel_loop3A_86 : i32
      %parallel_loop3A_152 = vector.broadcast %parallel_loop3A_151 : i32 to vector<16xi32>
      %parallel_loop3A_153 = arith.constant 7 : i32
      %parallel_loop3A_154 = vector.broadcast %parallel_loop3A_153 : i32 to vector<16xi32>
      %parallel_loop3A_155 = tpu.vector_load_idx %arg17[%parallel_loop3A_152, %parallel_loop3A_154] : memref<320x8xf32, #tpu.memory_space<vmem>>[vector<16xi32>, vector<16xi32>], vector<16xf32>,
      %parallel_loop3A_156 = arith.index_cast %parallel_loop3A_86 : i32 to index
      %parallel_loop3A_157 = arith.constant 112 : index
      %parallel_loop3A_158 = tpu.vector_load %arg10[%parallel_loop3A_156, %parallel_loop3A_157] {strides = array<i32>} : memref<128x128xf32, #tpu.memory_space<vmem>>, vector<16xf32>,
      tpu.vector_store %arg10[%parallel_loop3A_156, %parallel_loop3A_157], %parallel_loop3A_155 {strides = array<i32>} : memref<128x128xf32, #tpu.memory_space<vmem>>, vector<16xf32>,
    } {sc.loop_unroll_factor = 2 : i64, sc.parallel_access}
    %add3A_84 = arith.constant 256 : i32
    %add3A_85 = arith.addi %mul3A_18, %add3A_84 : i32
    "tpu.region"() ({
      %run_scoped3A = tpu.sem_alloc : memref<!tpu.dma_semaphore, #tpu.memory_space<semaphore_mem>>
      %dma_start3A_86 = arith.constant 0 : i32
      %dma_start3A_87 = arith.constant 0 : i32
      %dma_start3A_88 = tpu.memref_slice %arg10[%dma_start3A_86, %dma_start3A_87] : memref<128x128xf32, #tpu.memory_space<vmem>> -> memref<64x128xf32, #tpu.memory_space<vmem>>
      %dma_start3A_89 = arith.constant 0 : i32
      %dma_start3A_90 = tpu.memref_slice %arg7[%arg0, %add3A_85, %dma_start3A_89] : memref<2x5120x128xf32, #tpu.memory_space<hbm>> -> memref<1x64x128xf32, #tpu.memory_space<hbm>>
      %dma_start3A_91 = tpu.memref_squeeze %dma_start3A_90 : memref<1x64x128xf32, #tpu.memory_space<hbm>> -> memref<64x128xf32, #tpu.memory_space<hbm>>
      %dma_start3A_92 = arith.constant 0 : i32
      %dma_start3A_93 = tpu.memref_slice %arg7[%arg0, %add3A_85, %dma_start3A_92] : memref<2x5120x128xf32, #tpu.memory_space<hbm>> -> memref<1x64x128xf32, #tpu.memory_space<hbm>>
      %dma_start3A_94 = tpu.memref_squeeze %dma_start3A_93 : memref<1x64x128xf32, #tpu.memory_space<hbm>> -> memref<64x128xf32, #tpu.memory_space<hbm>>
      %dma_start3A_95 = arith.constant 0 : i32
      %dma_start3A_96 = arith.constant 0 : i32
      %dma_start3A_97 = tpu.memref_slice %arg10[%dma_start3A_95, %dma_start3A_96] : memref<128x128xf32, #tpu.memory_space<vmem>> -> memref<64x128xf32, #tpu.memory_space<vmem>>
      tpu.enqueue_dma source(%dma_start3A_97 : memref<64x128xf32, #tpu.memory_space<vmem>>) target(%dma_start3A_94 : memref<64x128xf32, #tpu.memory_space<hbm>>) target_semaphore(%run_scoped3A : memref<!tpu.dma_semaphore, #tpu.memory_space<semaphore_mem>>)
      %dma_wait3A_98 = arith.constant 0 : i32
      %dma_wait3A_99 = arith.constant 0 : i32
      %dma_wait3A_100 = tpu.memref_slice %arg10[%dma_wait3A_98, %dma_wait3A_99] : memref<128x128xf32, #tpu.memory_space<vmem>> -> memref<64x128xf32, #tpu.memory_space<vmem>>
      %dma_wait3A_101 = arith.constant 0 : i32
      %dma_wait3A_102 = tpu.memref_slice %arg7[%arg0, %add3A_85, %dma_wait3A_101] : memref<2x5120x128xf32, #tpu.memory_space<hbm>> -> memref<1x64x128xf32, #tpu.memory_space<hbm>>
      %dma_wait3A_103 = tpu.memref_squeeze %dma_wait3A_102 : memref<1x64x128xf32, #tpu.memory_space<hbm>> -> memref<64x128xf32, #tpu.memory_space<hbm>>
      %dma_wait3A_104 = arith.constant 0 : i32
      %dma_wait3A_105 = tpu.memref_slice %arg7[%arg0, %add3A_85, %dma_wait3A_104] : memref<2x5120x128xf32, #tpu.memory_space<hbm>> -> memref<1x64x128xf32, #tpu.memory_space<hbm>>
      %dma_wait3A_106 = tpu.memref_squeeze %dma_wait3A_105 : memref<1x64x128xf32, #tpu.memory_space<hbm>> -> memref<64x128xf32, #tpu.memory_space<hbm>>
      %dma_wait3A_107 = arith.constant 0 : i32
      %dma_wait3A_108 = arith.constant 0 : i32
      %dma_wait3A_109 = tpu.memref_slice %arg10[%dma_wait3A_107, %dma_wait3A_108] : memref<128x128xf32, #tpu.memory_space<vmem>> -> memref<64x128xf32, #tpu.memory_space<vmem>>
      tpu.wait_dma2 semaphore(%run_scoped3A : memref<!tpu.dma_semaphore, #tpu.memory_space<semaphore_mem>>) src(%dma_wait3A_109 : memref<64x128xf32, #tpu.memory_space<vmem>>) dst(%dma_wait3A_106 : memref<64x128xf32, #tpu.memory_space<hbm>>)
      tpu.yield
    }) : () -> ()
    return
  }
}

module attributes {stable_mosaic.version = 14 : i64} {
  func.func @_edge_body(%arg0: i32, %arg1: memref<2x128x128xi32, #tpu.memory_space<vmem>>, %arg2: memref<128x128xi32, #tpu.memory_space<vmem>>, %arg3: memref<128x128xi32, #tpu.memory_space<vmem>>) attributes {dimension_semantics = [#tpu.dimension_semantics<arbitrary>], iteration_bounds = array<i64: 20>, scalar_prefetch = 0 : i64, scratch_operands = 0 : i64, tpu.core_type = #tpu.core_type<tc>, window_params = [{transform_indices = @transform_0, window_bounds = array<i64: 2, 128, 128>}, {transform_indices = @transform_1, window_bounds = array<i64: 128, 128>}, {transform_indices = @transform_2, window_bounds = array<i64: 128, 128>}]} {
    %mul3A = arith.constant 16384 : i32
    %mul3A_0 = arith.muli %arg0, %mul3A : i32
    %iota3A = tpu.iota {dimensions = array<i32: 0>} : vector<128x128xi32>
    %mul3A_1 = arith.constant 128 : i32
    %mul3A_2 = vector.broadcast %mul3A_1 : i32 to vector<128x128xi32>
    %mul3A_3 = arith.muli %iota3A, %mul3A_2 : vector<128x128xi32>
    %add3A = vector.broadcast %mul3A_0 : i32 to vector<128x128xi32>
    %add3A_4 = arith.addi %add3A, %mul3A_3 : vector<128x128xi32>
    %iota3A_5 = tpu.iota {dimensions = array<i32: 1>} : vector<128x128xi32>
    %add3A_6 = arith.addi %add3A_4, %iota3A_5 : vector<128x128xi32>
    %lt3A = arith.constant 320000 : i32
    %lt3A_7 = vector.broadcast %lt3A : i32 to vector<128x128xi32>
    %lt3A_8 = arith.cmpi slt, %add3A_6, %lt3A_7 : vector<128x128xi32>
    %get3A = arith.constant 0 : index
    %get3A_9 = arith.constant 0 : index
    %get3A_10 = arith.constant 0 : index
    %get3A_11 = vector.load %arg1[%get3A, %get3A_9, %get3A_10] : memref<2x128x128xi32, #tpu.memory_space<vmem>>, vector<1x128x128xi32>
    %get3A_12 = vector.shape_cast %get3A_11 : vector<1x128x128xi32> to vector<128x128xi32>
    %get3A_13 = arith.constant 1 : index
    %get3A_14 = arith.constant 0 : index
    %get3A_15 = arith.constant 0 : index
    %get3A_16 = vector.load %arg1[%get3A_13, %get3A_14, %get3A_15] : memref<2x128x128xi32, #tpu.memory_space<vmem>>, vector<1x128x128xi32>
    %get3A_17 = vector.shape_cast %get3A_16 : vector<1x128x128xi32> to vector<128x128xi32>
    %jit3A = arith.constant 5000 : i32
    %eq3A = arith.constant 0 : i32
    %eq3A_18 = arith.cmpi eq, %jit3A, %eq3A : i32
    %jit3A_19 = arith.constant 1 : i32
    %select_n3A = arith.select %eq3A_18, %jit3A_19, %jit3A : i32
    %rem3A = vector.broadcast %select_n3A : i32 to vector<128x128xi32>
    %rem3A_20 = arith.remsi %get3A_12, %rem3A : vector<128x128xi32>
    %ne3A = arith.constant 0 : i32
    %ne3A_21 = vector.broadcast %ne3A : i32 to vector<128x128xi32>
    %ne3A_22 = arith.cmpi ne, %rem3A_20, %ne3A_21 : vector<128x128xi32>
    %lt3A_23 = arith.constant 0 : i32
    %lt3A_24 = vector.broadcast %lt3A_23 : i32 to vector<128x128xi32>
    %lt3A_25 = arith.cmpi slt, %rem3A_20, %lt3A_24 : vector<128x128xi32>
    %lt3A_26 = arith.constant 0 : i32
    %lt3A_27 = arith.cmpi slt, %select_n3A, %lt3A_26 : i32
    %ne3A_28 = vector.broadcast %lt3A_27 : i1 to vector<128x128xi1>
    %ne3A_29 = vector.broadcast %ne3A_28 : vector<128x128xi1> to vector<128x128xi1>
    %ne3A_30 = arith.xori %lt3A_25, %ne3A_29 : vector<128x128xi1>
    %and3A = arith.andi %ne3A_30, %ne3A_22 : vector<128x128xi1>
    %add3A_31 = vector.broadcast %select_n3A : i32 to vector<128x128xi32>
    %add3A_32 = arith.addi %rem3A_20, %add3A_31 : vector<128x128xi32>
    %select_n3A_33 = arith.select %and3A, %add3A_32, %rem3A_20 : vector<128x128xi1>, vector<128x128xi32>
    %jit3A_34 = arith.constant 5000 : i32
    %eq3A_35 = arith.constant 0 : i32
    %eq3A_36 = arith.cmpi eq, %jit3A_34, %eq3A_35 : i32
    %jit3A_37 = arith.constant 1 : i32
    %select_n3A_38 = arith.select %eq3A_36, %jit3A_37, %jit3A_34 : i32
    %rem3A_39 = vector.broadcast %select_n3A_38 : i32 to vector<128x128xi32>
    %rem3A_40 = arith.remsi %add3A_6, %rem3A_39 : vector<128x128xi32>
    %ne3A_41 = arith.constant 0 : i32
    %ne3A_42 = vector.broadcast %ne3A_41 : i32 to vector<128x128xi32>
    %ne3A_43 = arith.cmpi ne, %rem3A_40, %ne3A_42 : vector<128x128xi32>
    %lt3A_44 = arith.constant 0 : i32
    %lt3A_45 = vector.broadcast %lt3A_44 : i32 to vector<128x128xi32>
    %lt3A_46 = arith.cmpi slt, %rem3A_40, %lt3A_45 : vector<128x128xi32>
    %lt3A_47 = arith.constant 0 : i32
    %lt3A_48 = arith.cmpi slt, %select_n3A_38, %lt3A_47 : i32
    %ne3A_49 = vector.broadcast %lt3A_48 : i1 to vector<128x128xi1>
    %ne3A_50 = vector.broadcast %ne3A_49 : vector<128x128xi1> to vector<128x128xi1>
    %ne3A_51 = arith.xori %lt3A_46, %ne3A_50 : vector<128x128xi1>
    %and3A_52 = arith.andi %ne3A_51, %ne3A_43 : vector<128x128xi1>
    %add3A_53 = vector.broadcast %select_n3A_38 : i32 to vector<128x128xi32>
    %add3A_54 = arith.addi %rem3A_40, %add3A_53 : vector<128x128xi32>
    %select_n3A_55 = arith.select %and3A_52, %add3A_54, %rem3A_40 : vector<128x128xi1>, vector<128x128xi32>
    %select_n3A_56 = arith.select %lt3A_8, %select_n3A_33, %select_n3A_55 : vector<128x128xi1>, vector<128x128xi32>
    %swap3A = arith.constant 0 : index
    %swap3A_57 = arith.constant 0 : index
    %swap3A_58 = vector.load %arg2[%swap3A, %swap3A_57] : memref<128x128xi32, #tpu.memory_space<vmem>>, vector<128x128xi32>
    tpu.vector_store %arg2[%swap3A, %swap3A_57], %select_n3A_56 {strides = array<i32>} : memref<128x128xi32, #tpu.memory_space<vmem>>, vector<128x128xi32>,
    %jit3A_59 = arith.constant 5000 : i32
    %eq3A_60 = arith.constant 0 : i32
    %eq3A_61 = arith.cmpi eq, %jit3A_59, %eq3A_60 : i32
    %jit3A_62 = arith.constant 1 : i32
    %select_n3A_63 = arith.select %eq3A_61, %jit3A_62, %jit3A_59 : i32
    %rem3A_64 = vector.broadcast %select_n3A_63 : i32 to vector<128x128xi32>
    %rem3A_65 = arith.remsi %get3A_17, %rem3A_64 : vector<128x128xi32>
    %ne3A_66 = arith.constant 0 : i32
    %ne3A_67 = vector.broadcast %ne3A_66 : i32 to vector<128x128xi32>
    %ne3A_68 = arith.cmpi ne, %rem3A_65, %ne3A_67 : vector<128x128xi32>
    %lt3A_69 = arith.constant 0 : i32
    %lt3A_70 = vector.broadcast %lt3A_69 : i32 to vector<128x128xi32>
    %lt3A_71 = arith.cmpi slt, %rem3A_65, %lt3A_70 : vector<128x128xi32>
    %lt3A_72 = arith.constant 0 : i32
    %lt3A_73 = arith.cmpi slt, %select_n3A_63, %lt3A_72 : i32
    %ne3A_74 = vector.broadcast %lt3A_73 : i1 to vector<128x128xi1>
    %ne3A_75 = vector.broadcast %ne3A_74 : vector<128x128xi1> to vector<128x128xi1>
    %ne3A_76 = arith.xori %lt3A_71, %ne3A_75 : vector<128x128xi1>
    %and3A_77 = arith.andi %ne3A_76, %ne3A_68 : vector<128x128xi1>
    %add3A_78 = vector.broadcast %select_n3A_63 : i32 to vector<128x128xi32>
    %add3A_79 = arith.addi %rem3A_65, %add3A_78 : vector<128x128xi32>
    %select_n3A_80 = arith.select %and3A_77, %add3A_79, %rem3A_65 : vector<128x128xi1>, vector<128x128xi32>
    %jit3A_81 = arith.constant 120 : i32
    %eq3A_82 = arith.constant 0 : i32
    %eq3A_83 = arith.cmpi eq, %jit3A_81, %eq3A_82 : i32
    %jit3A_84 = arith.constant 1 : i32
    %select_n3A_85 = arith.select %eq3A_83, %jit3A_84, %jit3A_81 : i32
    %rem3A_86 = vector.broadcast %select_n3A_85 : i32 to vector<128x128xi32>
    %rem3A_87 = arith.remsi %add3A_6, %rem3A_86 : vector<128x128xi32>
    %ne3A_88 = arith.constant 0 : i32
    %ne3A_89 = vector.broadcast %ne3A_88 : i32 to vector<128x128xi32>
    %ne3A_90 = arith.cmpi ne, %rem3A_87, %ne3A_89 : vector<128x128xi32>
    %lt3A_91 = arith.constant 0 : i32
    %lt3A_92 = vector.broadcast %lt3A_91 : i32 to vector<128x128xi32>
    %lt3A_93 = arith.cmpi slt, %rem3A_87, %lt3A_92 : vector<128x128xi32>
    %lt3A_94 = arith.constant 0 : i32
    %lt3A_95 = arith.cmpi slt, %select_n3A_85, %lt3A_94 : i32
    %ne3A_96 = vector.broadcast %lt3A_95 : i1 to vector<128x128xi1>
    %ne3A_97 = vector.broadcast %ne3A_96 : vector<128x128xi1> to vector<128x128xi1>
    %ne3A_98 = arith.xori %lt3A_93, %ne3A_97 : vector<128x128xi1>
    %and3A_99 = arith.andi %ne3A_98, %ne3A_90 : vector<128x128xi1>
    %add3A_100 = vector.broadcast %select_n3A_85 : i32 to vector<128x128xi32>
    %add3A_101 = arith.addi %rem3A_87, %add3A_100 : vector<128x128xi32>
    %select_n3A_102 = arith.select %and3A_99, %add3A_101, %rem3A_87 : vector<128x128xi1>, vector<128x128xi32>
    %add3A_103 = arith.constant 5000 : i32
    %add3A_104 = vector.broadcast %add3A_103 : i32 to vector<128x128xi32>
    %add3A_105 = arith.addi %add3A_104, %select_n3A_102 : vector<128x128xi32>
    %select_n3A_106 = arith.select %lt3A_8, %select_n3A_80, %add3A_105 : vector<128x128xi1>, vector<128x128xi32>
    %swap3A_107 = arith.constant 0 : index
    %swap3A_108 = arith.constant 0 : index
    %swap3A_109 = vector.load %arg3[%swap3A_107, %swap3A_108] : memref<128x128xi32, #tpu.memory_space<vmem>>, vector<128x128xi32>
    tpu.vector_store %arg3[%swap3A_107, %swap3A_108], %select_n3A_106 {strides = array<i32>} : memref<128x128xi32, #tpu.memory_space<vmem>>, vector<128x128xi32>,
    return
  }
  func.func @transform_0(%arg0: i32) -> (i32, i32, i32) {
    %c0_i32 = arith.constant 0 : i32
    %c0_i32_0 = arith.constant 0 : i32
    %c0_i32_1 = arith.constant 0 : i32
    return %c0_i32, %arg0, %c0_i32_0 : i32, i32, i32
  }
  func.func @transform_1(%arg0: i32) -> (i32, i32) {
    %c0_i32 = arith.constant 0 : i32
    %c0_i32_0 = arith.constant 0 : i32
    return %arg0, %c0_i32 : i32, i32
  }
  func.func @transform_2(%arg0: i32) -> (i32, i32) {
    %c0_i32 = arith.constant 0 : i32
    %c0_i32_0 = arith.constant 0 : i32
    return %arg0, %c0_i32 : i32, i32
  }
}

module attributes {stable_mosaic.version = 14 : i64} {
  func.func @_dense_body(%arg0: i32, %arg1: memref<1000x128xf32, #tpu.memory_space<vmem>>, %arg2: memref<128x128xf32, #tpu.memory_space<vmem>>, %arg3: memref<128x128xf32, #tpu.memory_space<vmem>>, %arg4: memref<1000x128xf32, #tpu.memory_space<vmem>>, %arg5: memref<1000x128xf32, #tpu.memory_space<vmem>>) attributes {dimension_semantics = [#tpu.dimension_semantics<arbitrary>], iteration_bounds = array<i64: 10>, scalar_prefetch = 0 : i64, scratch_operands = 0 : i64, tpu.core_type = #tpu.core_type<tc>, window_params = [{transform_indices = @transform_0, window_bounds = array<i64: 1000, 128>}, {pipeline_mode = #tpu.pipeline_mode<synchronous>, transform_indices = @transform_1, window_bounds = array<i64: 128, 128>}, {pipeline_mode = #tpu.pipeline_mode<synchronous>, transform_indices = @transform_2, window_bounds = array<i64: 128, 128>}, {transform_indices = @transform_3, window_bounds = array<i64: 1000, 128>}, {transform_indices = @transform_4, window_bounds = array<i64: 1000, 128>}]} {
    %get3A = arith.constant 0 : index
    %get3A_0 = arith.constant 0 : index
    %get3A_1 = vector.load %arg1[%get3A, %get3A_0] : memref<1000x128xf32, #tpu.memory_space<vmem>>, vector<1000x128xf32>
    %get3A_2 = arith.constant 0 : index
    %get3A_3 = arith.constant 0 : index
    %get3A_4 = vector.load %arg2[%get3A_2, %get3A_3] : memref<128x128xf32, #tpu.memory_space<vmem>>, vector<128x128xf32>
    %dot_general3A = arith.constant dense<0.000000e+00> : vector<1000x128xf32>
    %dot_general3A_5 = tpu.matmul %get3A_1, %get3A_4, %dot_general3A {dimension_numbers = #tpu.dot_dimension_numbers<[1], [0], [0], [1], [0, 0, 1, 1], [], []>, transpose_lhs_hint = false} : vector<1000x128xf32>, vector<128x128xf32>, vector<1000x128xf32> -> vector<1000x128xf32>
    %swap3A = arith.constant 0 : index
    %swap3A_6 = arith.constant 0 : index
    %swap3A_7 = vector.load %arg4[%swap3A, %swap3A_6] : memref<1000x128xf32, #tpu.memory_space<vmem>>, vector<1000x128xf32>
    tpu.vector_store %arg4[%swap3A, %swap3A_6], %dot_general3A_5 {strides = array<i32>} : memref<1000x128xf32, #tpu.memory_space<vmem>>, vector<1000x128xf32>,
    %get3A_8 = arith.constant 0 : index
    %get3A_9 = arith.constant 0 : index
    %get3A_10 = vector.load %arg3[%get3A_8, %get3A_9] : memref<128x128xf32, #tpu.memory_space<vmem>>, vector<128x128xf32>
    %dot_general3A_11 = arith.constant dense<0.000000e+00> : vector<1000x128xf32>
    %dot_general3A_12 = tpu.matmul %dot_general3A_5, %get3A_10, %dot_general3A_11 {dimension_numbers = #tpu.dot_dimension_numbers<[1], [0], [0], [1], [0, 0, 1, 1], [], []>, transpose_lhs_hint = false} : vector<1000x128xf32>, vector<128x128xf32>, vector<1000x128xf32> -> vector<1000x128xf32>
    %swap3A_13 = arith.constant 0 : index
    %swap3A_14 = arith.constant 0 : index
    %swap3A_15 = vector.load %arg5[%swap3A_13, %swap3A_14] : memref<1000x128xf32, #tpu.memory_space<vmem>>, vector<1000x128xf32>
    tpu.vector_store %arg5[%swap3A_13, %swap3A_14], %dot_general3A_12 {strides = array<i32>} : memref<1000x128xf32, #tpu.memory_space<vmem>>, vector<1000x128xf32>,
    return
  }
  func.func @transform_0(%arg0: i32) -> (i32, i32) {
    %c0_i32 = arith.constant 0 : i32
    %c0_i32_0 = arith.constant 0 : i32
    return %arg0, %c0_i32 : i32, i32
  }
  func.func @transform_1(%arg0: i32) -> (i32, i32) {
    %c0_i32 = arith.constant 0 : i32
    %c0_i32_0 = arith.constant 0 : i32
    %c0_i32_1 = arith.constant 0 : i32
    return %c0_i32, %c0_i32_0 : i32, i32
  }
  func.func @transform_2(%arg0: i32) -> (i32, i32) {
    %c0_i32 = arith.constant 0 : i32
    %c0_i32_0 = arith.constant 0 : i32
    %c0_i32_1 = arith.constant 0 : i32
    return %c0_i32, %c0_i32_0 : i32, i32
  }
  func.func @transform_3(%arg0: i32) -> (i32, i32) {
    %c0_i32 = arith.constant 0 : i32
    %c0_i32_0 = arith.constant 0 : i32
    return %arg0, %c0_i32 : i32, i32
  }
  func.func @transform_4(%arg0: i32) -> (i32, i32) {
    %c0_i32 = arith.constant 0 : i32
    %c0_i32_0 = arith.constant 0 : i32
    return %arg0, %c0_i32 : i32, i32
  }
}

module attributes {stable_mosaic.version = 14 : i64} {
  func.func @_combine_body(%arg0: i32, %arg1: memref<1x1000x128xf32, #tpu.memory_space<vmem>>, %arg2: memref<1x1000x128xf32, #tpu.memory_space<vmem>>, %arg3: memref<1x1000x128xf32, #tpu.memory_space<vmem>>, %arg4: memref<1x1000x128xf32, #tpu.memory_space<vmem>>, %arg5: memref<1000x128xf32, #tpu.memory_space<vmem>>, %arg6: memref<1000x128xf32, #tpu.memory_space<vmem>>, %arg7: memref<1x128xf32, #tpu.memory_space<vmem>>, %arg8: memref<1000x128xf32, #tpu.memory_space<vmem>>) attributes {dimension_semantics = [#tpu.dimension_semantics<arbitrary>], iteration_bounds = array<i64: 5>, scalar_prefetch = 0 : i64, scratch_operands = 0 : i64, tpu.core_type = #tpu.core_type<tc>, window_params = [{transform_indices = @transform_0, window_bounds = array<i64: 1, 1000, 128>}, {transform_indices = @transform_1, window_bounds = array<i64: 1, 1000, 128>}, {transform_indices = @transform_2, window_bounds = array<i64: 1, 1000, 128>}, {transform_indices = @transform_3, window_bounds = array<i64: 1, 1000, 128>}, {transform_indices = @transform_4, window_bounds = array<i64: 1000, 128>}, {transform_indices = @transform_5, window_bounds = array<i64: 1000, 128>}, {pipeline_mode = #tpu.pipeline_mode<synchronous>, transform_indices = @transform_6, window_bounds = array<i64: 1, 128>}, {transform_indices = @transform_7, window_bounds = array<i64: 1000, 128>}]} {
    %get3A = arith.constant 0 : index
    %get3A_0 = arith.constant 0 : index
    %get3A_1 = vector.load %arg5[%get3A, %get3A_0] : memref<1000x128xf32, #tpu.memory_space<vmem>>, vector<1000x8xf32>
    %get3A_2 = arith.constant 0 : index
    %get3A_3 = arith.constant 8 : index
    %get3A_4 = vector.load %arg5[%get3A_2, %get3A_3] : memref<1000x128xf32, #tpu.memory_space<vmem>>, vector<1000x8xf32>
    %add3A = arith.addf %get3A_1, %get3A_4 : vector<1000x8xf32>
    %gt3A = arith.constant 0.000000e+00 : f32
    %gt3A_5 = vector.broadcast %gt3A : f32 to vector<1000x8xf32>
    %gt3A_6 = arith.cmpf ogt, %add3A, %gt3A_5 : vector<1000x8xf32>
    %mul3A = arith.constant 2.000000e-01 : f32
    %mul3A_7 = vector.broadcast %mul3A : f32 to vector<1000x8xf32>
    %mul3A_8 = arith.mulf %add3A, %mul3A_7 : vector<1000x8xf32>
    %select_n3A = arith.select %gt3A_6, %add3A, %mul3A_8 : vector<1000x8xi1>, vector<1000x8xf32>
    %exp3A = math.exp %select_n3A : vector<1000x8xf32>
    %get3A_9 = arith.constant 0 : index
    %get3A_10 = arith.constant 0 : index
    %get3A_11 = vector.load %arg7[%get3A_9, %get3A_10] : memref<1x128xf32, #tpu.memory_space<vmem>>, vector<1x128xf32>
    %slice3A = vector.extract_strided_slice %exp3A {offsets = [0, 0], sizes = [1000, 1], strides = [1, 1]} : vector<1000x8xf32> to vector<1000x1xf32>
    %get3A_12 = arith.constant 0 : index
    %get3A_13 = arith.constant 0 : index
    %get3A_14 = arith.constant 0 : index
    %get3A_15 = vector.load %arg1[%get3A_12, %get3A_13, %get3A_14] : memref<1x1000x128xf32, #tpu.memory_space<vmem>>, vector<1x1000x128xf32>
    %get3A_16 = vector.shape_cast %get3A_15 : vector<1x1000x128xf32> to vector<1000x128xf32>
    %slice3A_17 = vector.extract_strided_slice %get3A_16 {offsets = [0, 0], sizes = [1000, 16], strides = [1, 1]} : vector<1000x128xf32> to vector<1000x16xf32>
    %get3A_18 = arith.constant 0 : index
    %get3A_19 = arith.constant 0 : index
    %get3A_20 = arith.constant 0 : index
    %get3A_21 = vector.load %arg2[%get3A_18, %get3A_19, %get3A_20] : memref<1x1000x128xf32, #tpu.memory_space<vmem>>, vector<1x1000x128xf32>
    %get3A_22 = vector.shape_cast %get3A_21 : vector<1x1000x128xf32> to vector<1000x128xf32>
    %slice3A_23 = vector.extract_strided_slice %get3A_22 {offsets = [0, 0], sizes = [1000, 16], strides = [1, 1]} : vector<1000x128xf32> to vector<1000x16xf32>
    %add3A_24 = arith.addf %slice3A_17, %slice3A_23 : vector<1000x16xf32>
    %get3A_25 = arith.constant 0 : index
    %get3A_26 = arith.constant 0 : index
    %get3A_27 = vector.load %arg6[%get3A_25, %get3A_26] : memref<1000x128xf32, #tpu.memory_space<vmem>>, vector<1000x16xf32>
    %mul3A_28 = vector.broadcast %slice3A : vector<1000x1xf32> to vector<1000x16xf32>
    %mul3A_29 = arith.mulf %mul3A_28, %get3A_27 : vector<1000x16xf32>
    %add3A_30 = arith.addf %add3A_24, %mul3A_29 : vector<1000x16xf32>
    %get3A_31 = arith.constant 0 : index
    %get3A_32 = arith.constant 0 : index
    %get3A_33 = arith.constant 0 : index
    %get3A_34 = vector.load %arg3[%get3A_31, %get3A_32, %get3A_33] : memref<1x1000x128xf32, #tpu.memory_space<vmem>>, vector<1x1000x128xf32>
    %get3A_35 = vector.shape_cast %get3A_34 : vector<1x1000x128xf32> to vector<1000x128xf32>
    %slice3A_36 = vector.extract_strided_slice %get3A_35 {offsets = [0, 0], sizes = [1000, 16], strides = [1, 1]} : vector<1000x128xf32> to vector<1000x16xf32>
    %get3A_37 = arith.constant 0 : index
    %get3A_38 = arith.constant 0 : index
    %get3A_39 = arith.constant 0 : index
    %get3A_40 = vector.load %arg4[%get3A_37, %get3A_38, %get3A_39] : memref<1x1000x128xf32, #tpu.memory_space<vmem>>, vector<1x1000x128xf32>
    %get3A_41 = vector.shape_cast %get3A_40 : vector<1x1000x128xf32> to vector<1000x128xf32>
    %slice3A_42 = vector.extract_strided_slice %get3A_41 {offsets = [0, 0], sizes = [1000, 16], strides = [1, 1]} : vector<1000x128xf32> to vector<1000x16xf32>
    %add3A_43 = arith.addf %slice3A_36, %slice3A_42 : vector<1000x16xf32>
    %add3A_44 = vector.broadcast %slice3A : vector<1000x1xf32> to vector<1000x16xf32>
    %add3A_45 = arith.addf %add3A_43, %add3A_44 : vector<1000x16xf32>
    %add3A_46 = arith.constant 9.99999971E-10 : f32
    %add3A_47 = vector.broadcast %add3A_46 : f32 to vector<1000x16xf32>
    %add3A_48 = arith.addf %add3A_45, %add3A_47 : vector<1000x16xf32>
    %div3A = arith.divf %add3A_30, %add3A_48 : vector<1000x16xf32>
    %slice3A_49 = vector.extract_strided_slice %get3A_11 {offsets = [0, 0], sizes = [1, 16], strides = [1, 1]} : vector<1x128xf32> to vector<1x16xf32>
    %add3A_50 = vector.broadcast %slice3A_49 : vector<1x16xf32> to vector<1000x16xf32>
    %add3A_51 = arith.addf %div3A, %add3A_50 : vector<1000x16xf32>
    %swap3A = arith.constant 0 : index
    %swap3A_52 = arith.constant 0 : index
    %swap3A_53 = vector.load %arg8[%swap3A, %swap3A_52] : memref<1000x128xf32, #tpu.memory_space<vmem>>, vector<1000x16xf32>
    tpu.vector_store %arg8[%swap3A, %swap3A_52], %add3A_51 {strides = array<i32>} : memref<1000x128xf32, #tpu.memory_space<vmem>>, vector<1000x16xf32>,
    %slice3A_54 = vector.extract_strided_slice %exp3A {offsets = [0, 1], sizes = [1000, 1], strides = [1, 1]} : vector<1000x8xf32> to vector<1000x1xf32>
    %get3A_55 = arith.constant 0 : index
    %get3A_56 = arith.constant 0 : index
    %get3A_57 = arith.constant 0 : index
    %get3A_58 = vector.load %arg1[%get3A_55, %get3A_56, %get3A_57] : memref<1x1000x128xf32, #tpu.memory_space<vmem>>, vector<1x1000x128xf32>
    %get3A_59 = vector.shape_cast %get3A_58 : vector<1x1000x128xf32> to vector<1000x128xf32>
    %slice3A_60 = vector.extract_strided_slice %get3A_59 {offsets = [0, 16], sizes = [1000, 16], strides = [1, 1]} : vector<1000x128xf32> to vector<1000x16xf32>
    %get3A_61 = arith.constant 0 : index
    %get3A_62 = arith.constant 0 : index
    %get3A_63 = arith.constant 0 : index
    %get3A_64 = vector.load %arg2[%get3A_61, %get3A_62, %get3A_63] : memref<1x1000x128xf32, #tpu.memory_space<vmem>>, vector<1x1000x128xf32>
    %get3A_65 = vector.shape_cast %get3A_64 : vector<1x1000x128xf32> to vector<1000x128xf32>
    %slice3A_66 = vector.extract_strided_slice %get3A_65 {offsets = [0, 16], sizes = [1000, 16], strides = [1, 1]} : vector<1000x128xf32> to vector<1000x16xf32>
    %add3A_67 = arith.addf %slice3A_60, %slice3A_66 : vector<1000x16xf32>
    %get3A_68 = arith.constant 0 : index
    %get3A_69 = arith.constant 16 : index
    %get3A_70 = vector.load %arg6[%get3A_68, %get3A_69] : memref<1000x128xf32, #tpu.memory_space<vmem>>, vector<1000x16xf32>
    %mul3A_71 = vector.broadcast %slice3A_54 : vector<1000x1xf32> to vector<1000x16xf32>
    %mul3A_72 = arith.mulf %mul3A_71, %get3A_70 : vector<1000x16xf32>
    %add3A_73 = arith.addf %add3A_67, %mul3A_72 : vector<1000x16xf32>
    %get3A_74 = arith.constant 0 : index
    %get3A_75 = arith.constant 0 : index
    %get3A_76 = arith.constant 0 : index
    %get3A_77 = vector.load %arg3[%get3A_74, %get3A_75, %get3A_76] : memref<1x1000x128xf32, #tpu.memory_space<vmem>>, vector<1x1000x128xf32>
    %get3A_78 = vector.shape_cast %get3A_77 : vector<1x1000x128xf32> to vector<1000x128xf32>
    %slice3A_79 = vector.extract_strided_slice %get3A_78 {offsets = [0, 16], sizes = [1000, 16], strides = [1, 1]} : vector<1000x128xf32> to vector<1000x16xf32>
    %get3A_80 = arith.constant 0 : index
    %get3A_81 = arith.constant 0 : index
    %get3A_82 = arith.constant 0 : index
    %get3A_83 = vector.load %arg4[%get3A_80, %get3A_81, %get3A_82] : memref<1x1000x128xf32, #tpu.memory_space<vmem>>, vector<1x1000x128xf32>
    %get3A_84 = vector.shape_cast %get3A_83 : vector<1x1000x128xf32> to vector<1000x128xf32>
    %slice3A_85 = vector.extract_strided_slice %get3A_84 {offsets = [0, 16], sizes = [1000, 16], strides = [1, 1]} : vector<1000x128xf32> to vector<1000x16xf32>
    %add3A_86 = arith.addf %slice3A_79, %slice3A_85 : vector<1000x16xf32>
    %add3A_87 = vector.broadcast %slice3A_54 : vector<1000x1xf32> to vector<1000x16xf32>
    %add3A_88 = arith.addf %add3A_86, %add3A_87 : vector<1000x16xf32>
    %add3A_89 = arith.constant 9.99999971E-10 : f32
    %add3A_90 = vector.broadcast %add3A_89 : f32 to vector<1000x16xf32>
    %add3A_91 = arith.addf %add3A_88, %add3A_90 : vector<1000x16xf32>
    %div3A_92 = arith.divf %add3A_73, %add3A_91 : vector<1000x16xf32>
    %slice3A_93 = vector.extract_strided_slice %get3A_11 {offsets = [0, 16], sizes = [1, 16], strides = [1, 1]} : vector<1x128xf32> to vector<1x16xf32>
    %add3A_94 = vector.broadcast %slice3A_93 : vector<1x16xf32> to vector<1000x16xf32>
    %add3A_95 = arith.addf %div3A_92, %add3A_94 : vector<1000x16xf32>
    %swap3A_96 = arith.constant 0 : index
    %swap3A_97 = arith.constant 16 : index
    %swap3A_98 = vector.load %arg8[%swap3A_96, %swap3A_97] : memref<1000x128xf32, #tpu.memory_space<vmem>>, vector<1000x16xf32>
    tpu.vector_store %arg8[%swap3A_96, %swap3A_97], %add3A_95 {strides = array<i32>} : memref<1000x128xf32, #tpu.memory_space<vmem>>, vector<1000x16xf32>,
    %slice3A_99 = vector.extract_strided_slice %exp3A {offsets = [0, 2], sizes = [1000, 1], strides = [1, 1]} : vector<1000x8xf32> to vector<1000x1xf32>
    %get3A_100 = arith.constant 0 : index
    %get3A_101 = arith.constant 0 : index
    %get3A_102 = arith.constant 0 : index
    %get3A_103 = vector.load %arg1[%get3A_100, %get3A_101, %get3A_102] : memref<1x1000x128xf32, #tpu.memory_space<vmem>>, vector<1x1000x128xf32>
    %get3A_104 = vector.shape_cast %get3A_103 : vector<1x1000x128xf32> to vector<1000x128xf32>
    %slice3A_105 = vector.extract_strided_slice %get3A_104 {offsets = [0, 32], sizes = [1000, 16], strides = [1, 1]} : vector<1000x128xf32> to vector<1000x16xf32>
    %get3A_106 = arith.constant 0 : index
    %get3A_107 = arith.constant 0 : index
    %get3A_108 = arith.constant 0 : index
    %get3A_109 = vector.load %arg2[%get3A_106, %get3A_107, %get3A_108] : memref<1x1000x128xf32, #tpu.memory_space<vmem>>, vector<1x1000x128xf32>
    %get3A_110 = vector.shape_cast %get3A_109 : vector<1x1000x128xf32> to vector<1000x128xf32>
    %slice3A_111 = vector.extract_strided_slice %get3A_110 {offsets = [0, 32], sizes = [1000, 16], strides = [1, 1]} : vector<1000x128xf32> to vector<1000x16xf32>
    %add3A_112 = arith.addf %slice3A_105, %slice3A_111 : vector<1000x16xf32>
    %get3A_113 = arith.constant 0 : index
    %get3A_114 = arith.constant 32 : index
    %get3A_115 = vector.load %arg6[%get3A_113, %get3A_114] : memref<1000x128xf32, #tpu.memory_space<vmem>>, vector<1000x16xf32>
    %mul3A_116 = vector.broadcast %slice3A_99 : vector<1000x1xf32> to vector<1000x16xf32>
    %mul3A_117 = arith.mulf %mul3A_116, %get3A_115 : vector<1000x16xf32>
    %add3A_118 = arith.addf %add3A_112, %mul3A_117 : vector<1000x16xf32>
    %get3A_119 = arith.constant 0 : index
    %get3A_120 = arith.constant 0 : index
    %get3A_121 = arith.constant 0 : index
    %get3A_122 = vector.load %arg3[%get3A_119, %get3A_120, %get3A_121] : memref<1x1000x128xf32, #tpu.memory_space<vmem>>, vector<1x1000x128xf32>
    %get3A_123 = vector.shape_cast %get3A_122 : vector<1x1000x128xf32> to vector<1000x128xf32>
    %slice3A_124 = vector.extract_strided_slice %get3A_123 {offsets = [0, 32], sizes = [1000, 16], strides = [1, 1]} : vector<1000x128xf32> to vector<1000x16xf32>
    %get3A_125 = arith.constant 0 : index
    %get3A_126 = arith.constant 0 : index
    %get3A_127 = arith.constant 0 : index
    %get3A_128 = vector.load %arg4[%get3A_125, %get3A_126, %get3A_127] : memref<1x1000x128xf32, #tpu.memory_space<vmem>>, vector<1x1000x128xf32>
    %get3A_129 = vector.shape_cast %get3A_128 : vector<1x1000x128xf32> to vector<1000x128xf32>
    %slice3A_130 = vector.extract_strided_slice %get3A_129 {offsets = [0, 32], sizes = [1000, 16], strides = [1, 1]} : vector<1000x128xf32> to vector<1000x16xf32>
    %add3A_131 = arith.addf %slice3A_124, %slice3A_130 : vector<1000x16xf32>
    %add3A_132 = vector.broadcast %slice3A_99 : vector<1000x1xf32> to vector<1000x16xf32>
    %add3A_133 = arith.addf %add3A_131, %add3A_132 : vector<1000x16xf32>
    %add3A_134 = arith.constant 9.99999971E-10 : f32
    %add3A_135 = vector.broadcast %add3A_134 : f32 to vector<1000x16xf32>
    %add3A_136 = arith.addf %add3A_133, %add3A_135 : vector<1000x16xf32>
    %div3A_137 = arith.divf %add3A_118, %add3A_136 : vector<1000x16xf32>
    %slice3A_138 = vector.extract_strided_slice %get3A_11 {offsets = [0, 32], sizes = [1, 16], strides = [1, 1]} : vector<1x128xf32> to vector<1x16xf32>
    %add3A_139 = vector.broadcast %slice3A_138 : vector<1x16xf32> to vector<1000x16xf32>
    %add3A_140 = arith.addf %div3A_137, %add3A_139 : vector<1000x16xf32>
    %swap3A_141 = arith.constant 0 : index
    %swap3A_142 = arith.constant 32 : index
    %swap3A_143 = vector.load %arg8[%swap3A_141, %swap3A_142] : memref<1000x128xf32, #tpu.memory_space<vmem>>, vector<1000x16xf32>
    tpu.vector_store %arg8[%swap3A_141, %swap3A_142], %add3A_140 {strides = array<i32>} : memref<1000x128xf32, #tpu.memory_space<vmem>>, vector<1000x16xf32>,
    %slice3A_144 = vector.extract_strided_slice %exp3A {offsets = [0, 3], sizes = [1000, 1], strides = [1, 1]} : vector<1000x8xf32> to vector<1000x1xf32>
    %get3A_145 = arith.constant 0 : index
    %get3A_146 = arith.constant 0 : index
    %get3A_147 = arith.constant 0 : index
    %get3A_148 = vector.load %arg1[%get3A_145, %get3A_146, %get3A_147] : memref<1x1000x128xf32, #tpu.memory_space<vmem>>, vector<1x1000x128xf32>
    %get3A_149 = vector.shape_cast %get3A_148 : vector<1x1000x128xf32> to vector<1000x128xf32>
    %slice3A_150 = vector.extract_strided_slice %get3A_149 {offsets = [0, 48], sizes = [1000, 16], strides = [1, 1]} : vector<1000x128xf32> to vector<1000x16xf32>
    %get3A_151 = arith.constant 0 : index
    %get3A_152 = arith.constant 0 : index
    %get3A_153 = arith.constant 0 : index
    %get3A_154 = vector.load %arg2[%get3A_151, %get3A_152, %get3A_153] : memref<1x1000x128xf32, #tpu.memory_space<vmem>>, vector<1x1000x128xf32>
    %get3A_155 = vector.shape_cast %get3A_154 : vector<1x1000x128xf32> to vector<1000x128xf32>
    %slice3A_156 = vector.extract_strided_slice %get3A_155 {offsets = [0, 48], sizes = [1000, 16], strides = [1, 1]} : vector<1000x128xf32> to vector<1000x16xf32>
    %add3A_157 = arith.addf %slice3A_150, %slice3A_156 : vector<1000x16xf32>
    %get3A_158 = arith.constant 0 : index
    %get3A_159 = arith.constant 48 : index
    %get3A_160 = vector.load %arg6[%get3A_158, %get3A_159] : memref<1000x128xf32, #tpu.memory_space<vmem>>, vector<1000x16xf32>
    %mul3A_161 = vector.broadcast %slice3A_144 : vector<1000x1xf32> to vector<1000x16xf32>
    %mul3A_162 = arith.mulf %mul3A_161, %get3A_160 : vector<1000x16xf32>
    %add3A_163 = arith.addf %add3A_157, %mul3A_162 : vector<1000x16xf32>
    %get3A_164 = arith.constant 0 : index
    %get3A_165 = arith.constant 0 : index
    %get3A_166 = arith.constant 0 : index
    %get3A_167 = vector.load %arg3[%get3A_164, %get3A_165, %get3A_166] : memref<1x1000x128xf32, #tpu.memory_space<vmem>>, vector<1x1000x128xf32>
    %get3A_168 = vector.shape_cast %get3A_167 : vector<1x1000x128xf32> to vector<1000x128xf32>
    %slice3A_169 = vector.extract_strided_slice %get3A_168 {offsets = [0, 48], sizes = [1000, 16], strides = [1, 1]} : vector<1000x128xf32> to vector<1000x16xf32>
    %get3A_170 = arith.constant 0 : index
    %get3A_171 = arith.constant 0 : index
    %get3A_172 = arith.constant 0 : index
    %get3A_173 = vector.load %arg4[%get3A_170, %get3A_171, %get3A_172] : memref<1x1000x128xf32, #tpu.memory_space<vmem>>, vector<1x1000x128xf32>
    %get3A_174 = vector.shape_cast %get3A_173 : vector<1x1000x128xf32> to vector<1000x128xf32>
    %slice3A_175 = vector.extract_strided_slice %get3A_174 {offsets = [0, 48], sizes = [1000, 16], strides = [1, 1]} : vector<1000x128xf32> to vector<1000x16xf32>
    %add3A_176 = arith.addf %slice3A_169, %slice3A_175 : vector<1000x16xf32>
    %add3A_177 = vector.broadcast %slice3A_144 : vector<1000x1xf32> to vector<1000x16xf32>
    %add3A_178 = arith.addf %add3A_176, %add3A_177 : vector<1000x16xf32>
    %add3A_179 = arith.constant 9.99999971E-10 : f32
    %add3A_180 = vector.broadcast %add3A_179 : f32 to vector<1000x16xf32>
    %add3A_181 = arith.addf %add3A_178, %add3A_180 : vector<1000x16xf32>
    %div3A_182 = arith.divf %add3A_163, %add3A_181 : vector<1000x16xf32>
    %slice3A_183 = vector.extract_strided_slice %get3A_11 {offsets = [0, 48], sizes = [1, 16], strides = [1, 1]} : vector<1x128xf32> to vector<1x16xf32>
    %add3A_184 = vector.broadcast %slice3A_183 : vector<1x16xf32> to vector<1000x16xf32>
    %add3A_185 = arith.addf %div3A_182, %add3A_184 : vector<1000x16xf32>
    %swap3A_186 = arith.constant 0 : index
    %swap3A_187 = arith.constant 48 : index
    %swap3A_188 = vector.load %arg8[%swap3A_186, %swap3A_187] : memref<1000x128xf32, #tpu.memory_space<vmem>>, vector<1000x16xf32>
    tpu.vector_store %arg8[%swap3A_186, %swap3A_187], %add3A_185 {strides = array<i32>} : memref<1000x128xf32, #tpu.memory_space<vmem>>, vector<1000x16xf32>,
    %slice3A_189 = vector.extract_strided_slice %exp3A {offsets = [0, 4], sizes = [1000, 1], strides = [1, 1]} : vector<1000x8xf32> to vector<1000x1xf32>
    %get3A_190 = arith.constant 0 : index
    %get3A_191 = arith.constant 0 : index
    %get3A_192 = arith.constant 0 : index
    %get3A_193 = vector.load %arg1[%get3A_190, %get3A_191, %get3A_192] : memref<1x1000x128xf32, #tpu.memory_space<vmem>>, vector<1x1000x128xf32>
    %get3A_194 = vector.shape_cast %get3A_193 : vector<1x1000x128xf32> to vector<1000x128xf32>
    %slice3A_195 = vector.extract_strided_slice %get3A_194 {offsets = [0, 64], sizes = [1000, 16], strides = [1, 1]} : vector<1000x128xf32> to vector<1000x16xf32>
    %get3A_196 = arith.constant 0 : index
    %get3A_197 = arith.constant 0 : index
    %get3A_198 = arith.constant 0 : index
    %get3A_199 = vector.load %arg2[%get3A_196, %get3A_197, %get3A_198] : memref<1x1000x128xf32, #tpu.memory_space<vmem>>, vector<1x1000x128xf32>
    %get3A_200 = vector.shape_cast %get3A_199 : vector<1x1000x128xf32> to vector<1000x128xf32>
    %slice3A_201 = vector.extract_strided_slice %get3A_200 {offsets = [0, 64], sizes = [1000, 16], strides = [1, 1]} : vector<1000x128xf32> to vector<1000x16xf32>
    %add3A_202 = arith.addf %slice3A_195, %slice3A_201 : vector<1000x16xf32>
    %get3A_203 = arith.constant 0 : index
    %get3A_204 = arith.constant 64 : index
    %get3A_205 = vector.load %arg6[%get3A_203, %get3A_204] : memref<1000x128xf32, #tpu.memory_space<vmem>>, vector<1000x16xf32>
    %mul3A_206 = vector.broadcast %slice3A_189 : vector<1000x1xf32> to vector<1000x16xf32>
    %mul3A_207 = arith.mulf %mul3A_206, %get3A_205 : vector<1000x16xf32>
    %add3A_208 = arith.addf %add3A_202, %mul3A_207 : vector<1000x16xf32>
    %get3A_209 = arith.constant 0 : index
    %get3A_210 = arith.constant 0 : index
    %get3A_211 = arith.constant 0 : index
    %get3A_212 = vector.load %arg3[%get3A_209, %get3A_210, %get3A_211] : memref<1x1000x128xf32, #tpu.memory_space<vmem>>, vector<1x1000x128xf32>
    %get3A_213 = vector.shape_cast %get3A_212 : vector<1x1000x128xf32> to vector<1000x128xf32>
    %slice3A_214 = vector.extract_strided_slice %get3A_213 {offsets = [0, 64], sizes = [1000, 16], strides = [1, 1]} : vector<1000x128xf32> to vector<1000x16xf32>
    %get3A_215 = arith.constant 0 : index
    %get3A_216 = arith.constant 0 : index
    %get3A_217 = arith.constant 0 : index
    %get3A_218 = vector.load %arg4[%get3A_215, %get3A_216, %get3A_217] : memref<1x1000x128xf32, #tpu.memory_space<vmem>>, vector<1x1000x128xf32>
    %get3A_219 = vector.shape_cast %get3A_218 : vector<1x1000x128xf32> to vector<1000x128xf32>
    %slice3A_220 = vector.extract_strided_slice %get3A_219 {offsets = [0, 64], sizes = [1000, 16], strides = [1, 1]} : vector<1000x128xf32> to vector<1000x16xf32>
    %add3A_221 = arith.addf %slice3A_214, %slice3A_220 : vector<1000x16xf32>
    %add3A_222 = vector.broadcast %slice3A_189 : vector<1000x1xf32> to vector<1000x16xf32>
    %add3A_223 = arith.addf %add3A_221, %add3A_222 : vector<1000x16xf32>
    %add3A_224 = arith.constant 9.99999971E-10 : f32
    %add3A_225 = vector.broadcast %add3A_224 : f32 to vector<1000x16xf32>
    %add3A_226 = arith.addf %add3A_223, %add3A_225 : vector<1000x16xf32>
    %div3A_227 = arith.divf %add3A_208, %add3A_226 : vector<1000x16xf32>
    %slice3A_228 = vector.extract_strided_slice %get3A_11 {offsets = [0, 64], sizes = [1, 16], strides = [1, 1]} : vector<1x128xf32> to vector<1x16xf32>
    %add3A_229 = vector.broadcast %slice3A_228 : vector<1x16xf32> to vector<1000x16xf32>
    %add3A_230 = arith.addf %div3A_227, %add3A_229 : vector<1000x16xf32>
    %swap3A_231 = arith.constant 0 : index
    %swap3A_232 = arith.constant 64 : index
    %swap3A_233 = vector.load %arg8[%swap3A_231, %swap3A_232] : memref<1000x128xf32, #tpu.memory_space<vmem>>, vector<1000x16xf32>
    tpu.vector_store %arg8[%swap3A_231, %swap3A_232], %add3A_230 {strides = array<i32>} : memref<1000x128xf32, #tpu.memory_space<vmem>>, vector<1000x16xf32>,
    %slice3A_234 = vector.extract_strided_slice %exp3A {offsets = [0, 5], sizes = [1000, 1], strides = [1, 1]} : vector<1000x8xf32> to vector<1000x1xf32>
    %get3A_235 = arith.constant 0 : index
    %get3A_236 = arith.constant 0 : index
    %get3A_237 = arith.constant 0 : index
    %get3A_238 = vector.load %arg1[%get3A_235, %get3A_236, %get3A_237] : memref<1x1000x128xf32, #tpu.memory_space<vmem>>, vector<1x1000x128xf32>
    %get3A_239 = vector.shape_cast %get3A_238 : vector<1x1000x128xf32> to vector<1000x128xf32>
    %slice3A_240 = vector.extract_strided_slice %get3A_239 {offsets = [0, 80], sizes = [1000, 16], strides = [1, 1]} : vector<1000x128xf32> to vector<1000x16xf32>
    %get3A_241 = arith.constant 0 : index
    %get3A_242 = arith.constant 0 : index
    %get3A_243 = arith.constant 0 : index
    %get3A_244 = vector.load %arg2[%get3A_241, %get3A_242, %get3A_243] : memref<1x1000x128xf32, #tpu.memory_space<vmem>>, vector<1x1000x128xf32>
    %get3A_245 = vector.shape_cast %get3A_244 : vector<1x1000x128xf32> to vector<1000x128xf32>
    %slice3A_246 = vector.extract_strided_slice %get3A_245 {offsets = [0, 80], sizes = [1000, 16], strides = [1, 1]} : vector<1000x128xf32> to vector<1000x16xf32>
    %add3A_247 = arith.addf %slice3A_240, %slice3A_246 : vector<1000x16xf32>
    %get3A_248 = arith.constant 0 : index
    %get3A_249 = arith.constant 80 : index
    %get3A_250 = vector.load %arg6[%get3A_248, %get3A_249] : memref<1000x128xf32, #tpu.memory_space<vmem>>, vector<1000x16xf32>
    %mul3A_251 = vector.broadcast %slice3A_234 : vector<1000x1xf32> to vector<1000x16xf32>
    %mul3A_252 = arith.mulf %mul3A_251, %get3A_250 : vector<1000x16xf32>
    %add3A_253 = arith.addf %add3A_247, %mul3A_252 : vector<1000x16xf32>
    %get3A_254 = arith.constant 0 : index
    %get3A_255 = arith.constant 0 : index
    %get3A_256 = arith.constant 0 : index
    %get3A_257 = vector.load %arg3[%get3A_254, %get3A_255, %get3A_256] : memref<1x1000x128xf32, #tpu.memory_space<vmem>>, vector<1x1000x128xf32>
    %get3A_258 = vector.shape_cast %get3A_257 : vector<1x1000x128xf32> to vector<1000x128xf32>
    %slice3A_259 = vector.extract_strided_slice %get3A_258 {offsets = [0, 80], sizes = [1000, 16], strides = [1, 1]} : vector<1000x128xf32> to vector<1000x16xf32>
    %get3A_260 = arith.constant 0 : index
    %get3A_261 = arith.constant 0 : index
    %get3A_262 = arith.constant 0 : index
    %get3A_263 = vector.load %arg4[%get3A_260, %get3A_261, %get3A_262] : memref<1x1000x128xf32, #tpu.memory_space<vmem>>, vector<1x1000x128xf32>
    %get3A_264 = vector.shape_cast %get3A_263 : vector<1x1000x128xf32> to vector<1000x128xf32>
    %slice3A_265 = vector.extract_strided_slice %get3A_264 {offsets = [0, 80], sizes = [1000, 16], strides = [1, 1]} : vector<1000x128xf32> to vector<1000x16xf32>
    %add3A_266 = arith.addf %slice3A_259, %slice3A_265 : vector<1000x16xf32>
    %add3A_267 = vector.broadcast %slice3A_234 : vector<1000x1xf32> to vector<1000x16xf32>
    %add3A_268 = arith.addf %add3A_266, %add3A_267 : vector<1000x16xf32>
    %add3A_269 = arith.constant 9.99999971E-10 : f32
    %add3A_270 = vector.broadcast %add3A_269 : f32 to vector<1000x16xf32>
    %add3A_271 = arith.addf %add3A_268, %add3A_270 : vector<1000x16xf32>
    %div3A_272 = arith.divf %add3A_253, %add3A_271 : vector<1000x16xf32>
    %slice3A_273 = vector.extract_strided_slice %get3A_11 {offsets = [0, 80], sizes = [1, 16], strides = [1, 1]} : vector<1x128xf32> to vector<1x16xf32>
    %add3A_274 = vector.broadcast %slice3A_273 : vector<1x16xf32> to vector<1000x16xf32>
    %add3A_275 = arith.addf %div3A_272, %add3A_274 : vector<1000x16xf32>
    %swap3A_276 = arith.constant 0 : index
    %swap3A_277 = arith.constant 80 : index
    %swap3A_278 = vector.load %arg8[%swap3A_276, %swap3A_277] : memref<1000x128xf32, #tpu.memory_space<vmem>>, vector<1000x16xf32>
    tpu.vector_store %arg8[%swap3A_276, %swap3A_277], %add3A_275 {strides = array<i32>} : memref<1000x128xf32, #tpu.memory_space<vmem>>, vector<1000x16xf32>,
    %slice3A_279 = vector.extract_strided_slice %exp3A {offsets = [0, 6], sizes = [1000, 1], strides = [1, 1]} : vector<1000x8xf32> to vector<1000x1xf32>
    %get3A_280 = arith.constant 0 : index
    %get3A_281 = arith.constant 0 : index
    %get3A_282 = arith.constant 0 : index
    %get3A_283 = vector.load %arg1[%get3A_280, %get3A_281, %get3A_282] : memref<1x1000x128xf32, #tpu.memory_space<vmem>>, vector<1x1000x128xf32>
    %get3A_284 = vector.shape_cast %get3A_283 : vector<1x1000x128xf32> to vector<1000x128xf32>
    %slice3A_285 = vector.extract_strided_slice %get3A_284 {offsets = [0, 96], sizes = [1000, 16], strides = [1, 1]} : vector<1000x128xf32> to vector<1000x16xf32>
    %get3A_286 = arith.constant 0 : index
    %get3A_287 = arith.constant 0 : index
    %get3A_288 = arith.constant 0 : index
    %get3A_289 = vector.load %arg2[%get3A_286, %get3A_287, %get3A_288] : memref<1x1000x128xf32, #tpu.memory_space<vmem>>, vector<1x1000x128xf32>
    %get3A_290 = vector.shape_cast %get3A_289 : vector<1x1000x128xf32> to vector<1000x128xf32>
    %slice3A_291 = vector.extract_strided_slice %get3A_290 {offsets = [0, 96], sizes = [1000, 16], strides = [1, 1]} : vector<1000x128xf32> to vector<1000x16xf32>
    %add3A_292 = arith.addf %slice3A_285, %slice3A_291 : vector<1000x16xf32>
    %get3A_293 = arith.constant 0 : index
    %get3A_294 = arith.constant 96 : index
    %get3A_295 = vector.load %arg6[%get3A_293, %get3A_294] : memref<1000x128xf32, #tpu.memory_space<vmem>>, vector<1000x16xf32>
    %mul3A_296 = vector.broadcast %slice3A_279 : vector<1000x1xf32> to vector<1000x16xf32>
    %mul3A_297 = arith.mulf %mul3A_296, %get3A_295 : vector<1000x16xf32>
    %add3A_298 = arith.addf %add3A_292, %mul3A_297 : vector<1000x16xf32>
    %get3A_299 = arith.constant 0 : index
    %get3A_300 = arith.constant 0 : index
    %get3A_301 = arith.constant 0 : index
    %get3A_302 = vector.load %arg3[%get3A_299, %get3A_300, %get3A_301] : memref<1x1000x128xf32, #tpu.memory_space<vmem>>, vector<1x1000x128xf32>
    %get3A_303 = vector.shape_cast %get3A_302 : vector<1x1000x128xf32> to vector<1000x128xf32>
    %slice3A_304 = vector.extract_strided_slice %get3A_303 {offsets = [0, 96], sizes = [1000, 16], strides = [1, 1]} : vector<1000x128xf32> to vector<1000x16xf32>
    %get3A_305 = arith.constant 0 : index
    %get3A_306 = arith.constant 0 : index
    %get3A_307 = arith.constant 0 : index
    %get3A_308 = vector.load %arg4[%get3A_305, %get3A_306, %get3A_307] : memref<1x1000x128xf32, #tpu.memory_space<vmem>>, vector<1x1000x128xf32>
    %get3A_309 = vector.shape_cast %get3A_308 : vector<1x1000x128xf32> to vector<1000x128xf32>
    %slice3A_310 = vector.extract_strided_slice %get3A_309 {offsets = [0, 96], sizes = [1000, 16], strides = [1, 1]} : vector<1000x128xf32> to vector<1000x16xf32>
    %add3A_311 = arith.addf %slice3A_304, %slice3A_310 : vector<1000x16xf32>
    %add3A_312 = vector.broadcast %slice3A_279 : vector<1000x1xf32> to vector<1000x16xf32>
    %add3A_313 = arith.addf %add3A_311, %add3A_312 : vector<1000x16xf32>
    %add3A_314 = arith.constant 9.99999971E-10 : f32
    %add3A_315 = vector.broadcast %add3A_314 : f32 to vector<1000x16xf32>
    %add3A_316 = arith.addf %add3A_313, %add3A_315 : vector<1000x16xf32>
    %div3A_317 = arith.divf %add3A_298, %add3A_316 : vector<1000x16xf32>
    %slice3A_318 = vector.extract_strided_slice %get3A_11 {offsets = [0, 96], sizes = [1, 16], strides = [1, 1]} : vector<1x128xf32> to vector<1x16xf32>
    %add3A_319 = vector.broadcast %slice3A_318 : vector<1x16xf32> to vector<1000x16xf32>
    %add3A_320 = arith.addf %div3A_317, %add3A_319 : vector<1000x16xf32>
    %swap3A_321 = arith.constant 0 : index
    %swap3A_322 = arith.constant 96 : index
    %swap3A_323 = vector.load %arg8[%swap3A_321, %swap3A_322] : memref<1000x128xf32, #tpu.memory_space<vmem>>, vector<1000x16xf32>
    tpu.vector_store %arg8[%swap3A_321, %swap3A_322], %add3A_320 {strides = array<i32>} : memref<1000x128xf32, #tpu.memory_space<vmem>>, vector<1000x16xf32>,
    %slice3A_324 = vector.extract_strided_slice %exp3A {offsets = [0, 7], sizes = [1000, 1], strides = [1, 1]} : vector<1000x8xf32> to vector<1000x1xf32>
    %get3A_325 = arith.constant 0 : index
    %get3A_326 = arith.constant 0 : index
    %get3A_327 = arith.constant 0 : index
    %get3A_328 = vector.load %arg1[%get3A_325, %get3A_326, %get3A_327] : memref<1x1000x128xf32, #tpu.memory_space<vmem>>, vector<1x1000x128xf32>
    %get3A_329 = vector.shape_cast %get3A_328 : vector<1x1000x128xf32> to vector<1000x128xf32>
    %slice3A_330 = vector.extract_strided_slice %get3A_329 {offsets = [0, 112], sizes = [1000, 16], strides = [1, 1]} : vector<1000x128xf32> to vector<1000x16xf32>
    %get3A_331 = arith.constant 0 : index
    %get3A_332 = arith.constant 0 : index
    %get3A_333 = arith.constant 0 : index
    %get3A_334 = vector.load %arg2[%get3A_331, %get3A_332, %get3A_333] : memref<1x1000x128xf32, #tpu.memory_space<vmem>>, vector<1x1000x128xf32>
    %get3A_335 = vector.shape_cast %get3A_334 : vector<1x1000x128xf32> to vector<1000x128xf32>
    %slice3A_336 = vector.extract_strided_slice %get3A_335 {offsets = [0, 112], sizes = [1000, 16], strides = [1, 1]} : vector<1000x128xf32> to vector<1000x16xf32>
    %add3A_337 = arith.addf %slice3A_330, %slice3A_336 : vector<1000x16xf32>
    %get3A_338 = arith.constant 0 : index
    %get3A_339 = arith.constant 112 : index
    %get3A_340 = vector.load %arg6[%get3A_338, %get3A_339] : memref<1000x128xf32, #tpu.memory_space<vmem>>, vector<1000x16xf32>
    %mul3A_341 = vector.broadcast %slice3A_324 : vector<1000x1xf32> to vector<1000x16xf32>
    %mul3A_342 = arith.mulf %mul3A_341, %get3A_340 : vector<1000x16xf32>
    %add3A_343 = arith.addf %add3A_337, %mul3A_342 : vector<1000x16xf32>
    %get3A_344 = arith.constant 0 : index
    %get3A_345 = arith.constant 0 : index
    %get3A_346 = arith.constant 0 : index
    %get3A_347 = vector.load %arg3[%get3A_344, %get3A_345, %get3A_346] : memref<1x1000x128xf32, #tpu.memory_space<vmem>>, vector<1x1000x128xf32>
    %get3A_348 = vector.shape_cast %get3A_347 : vector<1x1000x128xf32> to vector<1000x128xf32>
    %slice3A_349 = vector.extract_strided_slice %get3A_348 {offsets = [0, 112], sizes = [1000, 16], strides = [1, 1]} : vector<1000x128xf32> to vector<1000x16xf32>
    %get3A_350 = arith.constant 0 : index
    %get3A_351 = arith.constant 0 : index
    %get3A_352 = arith.constant 0 : index
    %get3A_353 = vector.load %arg4[%get3A_350, %get3A_351, %get3A_352] : memref<1x1000x128xf32, #tpu.memory_space<vmem>>, vector<1x1000x128xf32>
    %get3A_354 = vector.shape_cast %get3A_353 : vector<1x1000x128xf32> to vector<1000x128xf32>
    %slice3A_355 = vector.extract_strided_slice %get3A_354 {offsets = [0, 112], sizes = [1000, 16], strides = [1, 1]} : vector<1000x128xf32> to vector<1000x16xf32>
    %add3A_356 = arith.addf %slice3A_349, %slice3A_355 : vector<1000x16xf32>
    %add3A_357 = vector.broadcast %slice3A_324 : vector<1000x1xf32> to vector<1000x16xf32>
    %add3A_358 = arith.addf %add3A_356, %add3A_357 : vector<1000x16xf32>
    %add3A_359 = arith.constant 9.99999971E-10 : f32
    %add3A_360 = vector.broadcast %add3A_359 : f32 to vector<1000x16xf32>
    %add3A_361 = arith.addf %add3A_358, %add3A_360 : vector<1000x16xf32>
    %div3A_362 = arith.divf %add3A_343, %add3A_361 : vector<1000x16xf32>
    %slice3A_363 = vector.extract_strided_slice %get3A_11 {offsets = [0, 112], sizes = [1, 16], strides = [1, 1]} : vector<1x128xf32> to vector<1x16xf32>
    %add3A_364 = vector.broadcast %slice3A_363 : vector<1x16xf32> to vector<1000x16xf32>
    %add3A_365 = arith.addf %div3A_362, %add3A_364 : vector<1000x16xf32>
    %swap3A_366 = arith.constant 0 : index
    %swap3A_367 = arith.constant 112 : index
    %swap3A_368 = vector.load %arg8[%swap3A_366, %swap3A_367] : memref<1000x128xf32, #tpu.memory_space<vmem>>, vector<1000x16xf32>
    tpu.vector_store %arg8[%swap3A_366, %swap3A_367], %add3A_365 {strides = array<i32>} : memref<1000x128xf32, #tpu.memory_space<vmem>>, vector<1000x16xf32>,
    return
  }
  func.func @transform_0(%arg0: i32) -> (i32, i32, i32) {
    %c0_i32 = arith.constant 0 : i32
    %c0_i32_0 = arith.constant 0 : i32
    %c0_i32_1 = arith.constant 0 : i32
    return %c0_i32, %arg0, %c0_i32_0 : i32, i32, i32
  }
  func.func @transform_1(%arg0: i32) -> (i32, i32, i32) {
    %c1_i32 = arith.constant 1 : i32
    %c0_i32 = arith.constant 0 : i32
    %c0_i32_0 = arith.constant 0 : i32
    return %c1_i32, %arg0, %c0_i32 : i32, i32, i32
  }
  func.func @transform_2(%arg0: i32) -> (i32, i32, i32) {
    %c0_i32 = arith.constant 0 : i32
    %c0_i32_0 = arith.constant 0 : i32
    %c0_i32_1 = arith.constant 0 : i32
    return %c0_i32, %arg0, %c0_i32_0 : i32, i32, i32
  }
  func.func @transform_3(%arg0: i32) -> (i32, i32, i32) {
    %c1_i32 = arith.constant 1 : i32
    %c0_i32 = arith.constant 0 : i32
    %c0_i32_0 = arith.constant 0 : i32
    return %c1_i32, %arg0, %c0_i32 : i32, i32, i32
  }
  func.func @transform_4(%arg0: i32) -> (i32, i32) {
    %add3A = arith.constant 5 : i32
    %add3A_0 = arith.addi %arg0, %add3A : i32
    %c0_i32 = arith.constant 0 : i32
    %c0_i32_1 = arith.constant 0 : i32
    return %add3A_0, %c0_i32 : i32, i32
  }
  func.func @transform_5(%arg0: i32) -> (i32, i32) {
    %add3A = arith.constant 5 : i32
    %add3A_0 = arith.addi %arg0, %add3A : i32
    %c0_i32 = arith.constant 0 : i32
    %c0_i32_1 = arith.constant 0 : i32
    return %add3A_0, %c0_i32 : i32, i32
  }
  func.func @transform_6(%arg0: i32) -> (i32, i32) {
    %c0_i32 = arith.constant 0 : i32
    %c0_i32_0 = arith.constant 0 : i32
    %c0_i32_1 = arith.constant 0 : i32
    return %c0_i32, %c0_i32_0 : i32, i32
  }
  func.func @transform_7(%arg0: i32) -> (i32, i32) {
    %c0_i32 = arith.constant 0 : i32
    %c0_i32_0 = arith.constant 0 : i32
    return %arg0, %c0_i32 : i32, i32
  }
}

</mosaic_0001>

<sc_bundles>
// kernel: kernel.6.cloned.1.call-start
scs
__scs_entry_jumppad:
0x0: {  	(pc) =	sbr.rel $0x88, $3  }
0x1: {  	(tag) =	ssettag $0x0;
	lr =	simm.s32 $0x1  }
0x2: {  	[smem:$0x3F9B] =	sst lr;
	_ =	strace $0xD0000000  }
0x3: {  	_ = 	snop  }
0x4: {  	_ = 	snop  }
0x5: {  	_ = 	snop  }
0x6: {  	_ = 	snop  }
0x7: {  	_ = 	snop  }
__scs_overlays_trampoline_lowered:
0x8: {  	[smem:$0x3FAA] =	sst s0  }
0x9: {  	[smem:$0x3FAB] =	sst s1  }
0xa: {  	[smem:$0x3FAC] =	sst s2  }
0xb: {  	[smem:$0x3FAD] =	sst s3  }
0xc: {  	[smem:$0x3FAE] =	sst s4  }
0xd: {  	[smem:$0x3FAF] =	sst s5  }
0xe: {  	[smem:$0x3FB0] =	sst s6  }
0xf: {  	[smem:$0x3FB1] =	sst s7  }
0x10: {  	[smem:$0x3FB2] =	sst s8  }
0x11: {  	[smem:$0x3FB3] =	sst s9;
	s0 =	simm.s32 @!p0 $0x0  }
0x12: {  	s1 =	sld [smem:$0x3F99];
	s0 =	simm.s32 @p0 $0x1  }
0x13: {  	[smem:$0x3FB4] =	sst s0;
	s0 =	simm.s32 @!p1 $0x0  }
0x14: {  	s2 =	sld [smem:$0x3F98];
	s0 =	simm.s32 @p1 $0x1  }
0x15: {  	[smem:$0x3FB5] =	sst s0;
	s0 =	simm.s32 @!p2 $0x0  }
0x16: {  	s3 =	sld [smem:$0x3FDB];
	s0 =	simm.s32 @p2 $0x1  }
0x17: {  	s4 =	simm.s32 $0x1BF5;
	[smem:$0x3FB7] =	sst s0  }
0x18: {  	s0 =	sld [smem:$0x3F9A];
	_ =	swait.ge [sflag:s4], $0x0  }
0x19: {  	s7 =	sld [smem:$0x3F9B]  }
0x1a: {  	s8 =	sadd.s32 $0xFFFFE003, lr  }
0x1b: {  	s9 =	sadd.s32 $0xFFFFFEF7, lr;
	s5 =	simm.s32 $0xFFFFFFFF;
	p2 =	slt.u32 s8, $0xFFFFF086  }
0x1c: {  	p1 =	slt.u32 s9, $0xF7A;
	s5 =	simm.s32 @!p2 $0x0  }
0x1d: {  	s5 =	simm.s32 @p1 $0x1;
	p0 =	seq.s32 s7, s2  }
0x1e: {  	s7 =	smul.u32 @!p0 $0xF7A, s2;
	p2 =	seq.s32 @!p0 s5, $0x0  }
0x1f: {  	s9 =	smul.u32 $0xF7A, s1;
	s8 =	simm.s32 @!p0 $0x1BF5;
	p2 =	por !p2, p0  }
0x20: {  	[sflag:s8] =	ssyncset.s32 @!p0 $0xFFFFF086;
	s6 =	sadd.s32 @!p0 s3, s7;
	s7 =	simm.s32 @!p0 $0x108  }
0x21: {  	s3 =	sadd.s32 s3, s9;
	s6 =	sadd.s32 @!p0 $0x88, s6;
	s7 =	simm.s32 @p2 $0x1082  }
0x22: {  	[simem:s7], [sflag:s8] =	dma.local @!p0 [hbm:s6], $0xF7A  }
0x23: {  	s9 =	sor.u32 $0xD0000000, s2;
	s6 =	simm.s32 $0x108;
	_ =	swait.ge @!p0 [sflag:s8], $0x0  }
0x24: {  	s3 =	sadd.s32 $0x88, s3;
	s6 =	simm.s32 @!p1 $0x1082;
	[sflag:s4] =	ssyncset.s32 $0xFFFFF086  }
0x25: {  	[simem:s6], [sflag:s4] =	dma.local [hbm:s3], $0xF7A  }
0x26: {  	[smem:$0x3F9B] =	sst s1;
	(tag) =	ssettag s2;
	_ =	strace s9  }
0x27: {  	s1 =	sld [smem:$0x3FAB]  }
0x28: {  	s2 =	sld [smem:$0x3FAC]  }
0x29: {  	s4 =	sld [smem:$0x3FAE]  }
0x2a: {  	p0 =	seq.s32 s5, $0x0;
	s5 =	sld [smem:$0x3FAF]  }
0x2b: {  	s6 =	sld [smem:$0x3FB0]  }
0x2c: {  	s7 =	sld [smem:$0x3FB1]  }
0x2d: {  	s3 =	simm.s32 $0x108;
	s8 =	sld [smem:$0x3FB2]  }
0x2e: {  	s3 =	simm.s32 @!p0 $0x1082;
	s9 =	sld [smem:$0x3FB3]  }
0x2f: {  	lr =	sadd.s32 s0, s3;
	s0 =	sld [smem:$0x3FAA]  }
0x30: {  	s3 =	sld [smem:$0x3FAD]  }
0x31: {  	[smem:$0x3FB6] =	sst s10  }
0x32: {  	s10 =	sld [smem:$0x3FB4];
	_ =	sdelay $0x3  }
0x33: {  	p0 =	seq.s32 s10, $0x1;
	s10 =	sld [smem:$0x3FB6];
	_ =	sdelay $0x3  }
0x34: {  	[smem:$0x3FB6] =	sst s10  }
0x35: {  	s10 =	sld [smem:$0x3FB5];
	_ =	sdelay $0x3  }
0x36: {  	p1 =	seq.s32 s10, $0x1;
	s10 =	sld [smem:$0x3FB6];
	_ =	sdelay $0x3  }
0x37: {  	[smem:$0x3FB6] =	sst s10  }
0x38: {  	s10 =	sld [smem:$0x3FB7]  }
0x39: {  	_ = 	snop;
	(pc) =	sbr.ind lr, $3  }
0x3a: {  	_ = 	snop  }
0x3b: {  	_ = 	snop  }
0x3c: {  	p2 =	seq.s32 s10, $0x1;
	s10 =	sld [smem:$0x3FB6]  }
0x3d: {  	_ =	shalt  }
0x3e: {  	_ =	shalt  }
0x3f: {  	_ =	shalt  }
0x40: {  	_ =	shalt  }
0x41: {  	_ =	shalt  }
0x42: {  	_ =	shalt  }
0x43: {  	_ =	shalt  }
0x44: {  	_ =	shalt  }
0x45: {  	_ =	shalt  }
0x46: {  	_ =	shalt  }
0x47: {  	_ =	shalt  }
0x48: {  	_ =	shalt  }
0x49: {  	_ =	shalt  }
0x4a: {  	_ =	shalt  }
0x4b: {  	_ =	shalt  }
0x4c: {  	_ =	shalt  }
0x4d: {  	_ =	shalt  }
0x4e: {  	_ =	shalt  }
0x4f: {  	_ =	shalt  }
0x50: {  	_ =	shalt  }
0x51: {  	_ =	shalt  }
0x52: {  	_ =	shalt  }
0x53: {  	_ =	shalt  }
0x54: {  	_ =	shalt  }
0x55: {  	_ =	shalt  }
0x56: {  	_ =	shalt  }
0x57: {  	_ =	shalt  }
0x58: {  	_ =	shalt  }
0x59: {  	_ =	shalt  }
0x5a: {  	_ =	shalt  }
0x5b: {  	_ =	shalt  }
0x5c: {  	_ =	shalt  }
0x5d: {  	_ =	shalt  }
0x5e: {  	_ =	shalt  }
0x5f: {  	_ =	shalt  }
0x60: {  	_ =	shalt  }
0x61: {  	_ =	shalt  }
0x62: {  	_ =	shalt  }
0x63: {  	_ =	shalt  }
0x64: {  	_ =	shalt  }
0x65: {  	_ =	shalt  }
0x66: {  	_ =	shalt  }
0x67: {  	_ =	shalt  }
0x68: {  	_ =	shalt  }
0x69: {  	_ =	shalt  }
0x6a: {  	_ =	shalt  }
0x6b: {  	_ =	shalt  }
0x6c: {  	_ =	shalt  }
0x6d: {  	_ =	shalt  }
0x6e: {  	_ =	shalt  }
0x6f: {  	_ =	shalt  }
0x70: {  	_ =	shalt  }
0x71: {  	_ =	shalt  }
0x72: {  	_ =	shalt  }
0x73: {  	_ =	shalt  }
0x74: {  	_ =	shalt  }
0x75: {  	_ =	shalt  }
0x76: {  	_ =	shalt  }
0x77: {  	_ =	shalt  }
0x78: {  	_ =	shalt  }
0x79: {  	_ =	shalt  }
0x7a: {  	_ =	shalt  }
0x7b: {  	_ =	shalt  }
0x7c: {  	_ =	shalt  }
0x7d: {  	_ =	shalt  }
0x7e: {  	_ =	shalt  }
0x7f: {  	_ =	shalt  }
0x80: {  	_ =	shalt  }
0x81: {  	_ =	shalt  }
0x82: {  	_ =	shalt  }
0x83: {  	_ =	shalt  }
0x84: {  	_ =	shalt  }
0x85: {  	_ =	shalt  }
0x86: {  	_ =	shalt  }
0x87: {  	_ =	shalt  }
.Lfunc_end0:
.L_simem_size_0:
called_computation_lowered:
.L_overlay_start_0:
0x88: {  	s2 =	sld [smem:$0x3FD9]  }
0x89: {  	s3 =	sld [smem:$0x3FFE];
	_ =	sdelay $0x1  }
0x8a: {  	s1 =	srdreg.scid  }
0x8b: {  	s0 =	sand.u32 $0x1, s1  }
0x8c: {  	s17 =	sshll.u32 s0, $0xA;
	s2 =	sadd.s32 s3, s2  }
0x8d: {  	s2 =	sadd.s32 s2, s17  }
0x8e: {  	[smem:$0x3FC2] =	sst s2  }
0x8f: {  	_ = 	snop  }
0x90: {  	s2 =	sld [smem:$0x3FD0];
	(tm) =	ssettm $0x1  }
0x91: {  	s18 =	sld [smem:$0x3FFB];
	_ =	sdelay $0x3  }
0x92: {  	_ =	strace s18  }
0x93: {  	s3 =	sld [smem:$0x3FFC];
	_ =	sdelay $0x3  }
0x94: {  	_ =	strace s3  }
0x95: {  	s3 =	sld [smem:$0x3FFD];
	_ =	sdelay $0x3  }
0x96: {  	_ =	strace s3  }
0x97: {  	_ =	strace $0x8FFFFFFF  }
0x98: {  	s19 =	sld [smem:$0x3FDB];
	_ =	sdelay $0x1  }
0x99: {  	s4 =	simm.s32 $_scs_section_size  }
0x9a: {  	s5 =	simm.s32 $_size__tile_overlayer_lowered;
	s6 =	simm.s32 $_tile_overlayer_lowered  }
0x9b: {  	s22 =	simm.s32 $0x1BFF;
	s21 =	sshll.u32 s6, $0x1;
	s3 =	sadd.s32 s4, s19  }
0x9c: {  	s7 =	simm.s32 $0x0;
	s20 =	sshll.u32 s5, $0x1;
	s5 =	sadd.s32 s21, s3  }
0x9d: {  	[timem:s7], [sflag:s22] =	dma.local [hbm:s5], s20  }
0x9e: {  	_ =	swait.ge [sflag:s22], s20  }
0x9f: {  	s4 =	ssub.s32 $0x0, s20;
	[sflag:s22] =	ssyncset.done $0x0  }
0xa0: {  	[sflag:s22] =	ssyncadd.s32 s4;
	_ =	sdelay $0x1  }
0xa1: {  	s23 =	simm.s32 $0x1B8B  }
0xa2: {  	_ =	swait.ge [sflag:s23], $0x1  }
0xa3: {  	[sflag:s23] =	ssyncset.done $0x0  }
0xa4: {  	s25 =	simm.s32 $0x1B8E;
	s24 =	sld [smem:$0x3FFE];
	[sflag:s23] =	ssyncadd.s32 $0xFFFFFFFF  }
0xa5: {  	s26 =	simm.s32 $execute0_lowered;
	[smem:$0x3FD2] =	sst s25  }
0xa6: {  	s5 =	sshll.u32 s26, $0x1;
	_ =	strace $0x80000046;
	[dreg:$0x1] =	wrdreg $0xFFFFFFFF  }
0xa7: {  	s28 =	simm.s32 $_size_execute0_lowered;
	s3 =	sadd.s32 s3, s5;
	[dreg:$0x0] =	wrdreg $0x0  }
0xa8: {  	s5 =	sshll.u32 s28, $0x1;
	[dreg:$0x2] =	wrdreg s3  }
0xa9: {  	[dreg:$0x3] =	wrdreg s5  }
0xaa: {  	[dreg:$0x4] =	wrdreg $0xC0  }
0xab: {  	_ =	task [dreg:s7], $0x5FFFF  }
0xac: {  	[dreg:$0x1] =	wrdreg $0xFFFFFFFF  }
0xad: {  	[dreg:$0x0] =	wrdreg $0x60  }
0xae: {  	[dreg:$0x2] =	wrdreg s24  }
0xaf: {  	[dreg:$0x3] =	wrdreg s2  }
0xb0: {  	[dreg:$0x4] =	wrdreg $0xEE000  }
0xb1: {  	[dreg:$0x5] =	wrdreg $0xF7C80  }
0xb2: {  	[dreg:$0x6] =	wrdreg $0x101C80  }
0xb3: {  	[dreg:$0x7] =	wrdreg $0x1A1C80  }
0xb4: {  	[dreg:$0x8] =	wrdreg $0x9  }
0xb5: {  	_ =	task.clear_ibuf [dreg:s7], $0x9FFFF;
	_ =	strace $0x90000046  }
0xb6: {  	s29 =	simm.s32 $0x9;
	_ =	strace $0x80000048  }
0xb7: {  	_ =	swait.ge [sflag:s29], $0x1  }
0xb8: {  	[sflag:s29] =	ssyncadd.s32 $0xFFFFFFFF  }
0xb9: {  	_ =	strace $0x90000048  }
0xba: {  	_ =	sfence  }
0xbb: {  	s30 =	sld [smem:$0x0];
	_ =	sdelay $0x2  }
0xbc: {  	s31 =	sshll.u32 s1, $0xD;
	s1 =	sshrl.u32 s1, $0x2  }
0xbd: {  	s3 =	sand.u32 $0x4000, s31;
	s1 =	sadd.s32 s1, s30  }
0xbe: {  	s0 =	sor.u32 s3, s0;
	s1 =	sshll.u32 s1, $0x11  }
0xbf: {  	s0 =	sor.u32 s1, s0  }
0xc0: {  	s0 =	sadd.s32 $0x8F2B, s0  }
0xc1: {  	[sflag:s0] =	ssyncadd.remote.s32 $0x1  }
0xc2: {  	_ =	sfence.sel $0xFFFF  }
0xc3: {  	[dreg:$0x0] =	wrdreg $0xFFFFFFFF;
	(pc) =	sbr.abs _section_cstart, $3  }
0xc4: {  	[dreg:$0x1] =	wrdreg $0xFFFFFFFF  }
0xc5: {  	_ =	task.clear_ibuf [dreg:s7], $0x2FFFF;
	_ =	strace $0x9FFFFFFF  }
0xc6: {  	(tm) =	ssettm $0x7FFFFFFF  }
0xc7: {  	_ =	shalt  }
tec
execute0_lowered:
.L_overlay_start_1:
0x0: {  	(tag) =	ssettag $0x1  }
0x1: {  	s0 =	rddreg [dreg:$0x0]  }
0x2: {  	s1 =	rddreg [dreg:$0x1]  }
0x3: {  	s30 =	rddreg [dreg:$0x2]  }
0x4: {  	s8 =	rddreg [dreg:$0x3]  }
0x5: {  	s18 =	rddreg [dreg:$0x4]  }
0x6: {  	s2 =	srdreg.scid;
	s19 =	rddreg [dreg:$0x5]  }
0x7: {  	s17 =	stileid.u32;
	s20 =	simm.s32 $0x0;
	s4 =	simm.s32 $0x1  }
0x8: {  	s7 =	simm.s32 $0x1;
	s29 =	simm.s32 $0xD000;
	s5 =	smul.u32 $0xA000, s17  }
0x9: {  	s31 =	simm.s32 $0x80;
	s28 =	simm.s32 $0xD800;
	s11 =	smul.u32 $0x4E20, s17  }
0xa: {  	s2 =	sand.u32 $0x1, s2;
	[smem:$0x7FF] =	sst s20;
	s16 =	smul.u32 $0x140, s17  }
0xb: {  	p0 =	sgt.u32 s17, $0x7;
	s9 =	sadd.s32 $0x33600, s0;
	s25 =	smul.u32 $0x2710, s17  }
0xc: {  	s3 =	sshll.u32 s2, $0x4;
	s4 =	simm.s32 @!p0 $0x0;
	s6 =	smul.u32 $0xA0000, s2  }
0xd: {  	_ =	strace $0x80000047;
	[dreg:$0x7] =	wrdreg s9;
	s2 =	ssub.s32 $0x2, s2  }
0xe: {  	s9 =	simm.s32 $0x2;
	s3 =	sor.u32 s17, s3;
	s4 =	sadd.s32 s4, s0  }
0xf: {  	s13 =	sshrl.u32 s2, $0x1;
	s11 =	sshrl.u32 s11, $0x2;
	s23 =	sadd.s32 $0x80, s16  }
0x10: {  	s24 =	sadd.s32 $0x100, s16;
	s3 =	smul.u32 $0x500, s3;
	s10 =	sadd.s32 s5, s6  }
0x11: {  	s2 =	ssub.s32 s2, s13;
	s22 =	sadd.s32 s11, s8;
	s14 =	sshll.u32 s23, $0x7  }
0x12: {  	s11 =	sadd.s32 s11, s30;
	s5 =	sadd.s32 s5, s18;
	s13 =	simm.s32 $0xE400  }
0x13: {  	s10 =	sshrl.u32 s10, $0x3;
	s16 =	sadd.s32 s6, s14;
	[dreg:$0xd] =	wrdreg s5  }
0x14: {  	s14 =	sadd.s32 s14, s18;
	s2 =	smax.u32 s2, $0x1;
	s15 =	sadd.s32 s3, s0  }
0x15: {  	s12 =	sadd.s32 s10, s0;
	s0 =	sadd.s32 $0x82800, s0;
	s1 =	sadd.s32 s1, s3  }
0x16: {  	s26 =	sshrl.u32 s16, $0x3;
	[dreg:$0xe] =	wrdreg s14;
	s3 =	sshll.u32 s23, $0x3  }
0x17: {  	s23 =	sadd.s32 s25, s4;
	[dreg:$0x15] =	wrdreg s2;
	s2 =	simm.s32 $0xD400  }
0x18: {  	[dreg:$0x8] =	wrdreg s1;
	s21 =	sadd.s32 $0x2400, s15;
	s1 =	sadd.s32 $0xFFFF63C0, s22  }
0x19: {  	s15 =	sshll.u32 s24, $0x7;
	s10 =	sadd.s32 s0, s10;
	[dreg:$0x9] =	wrdreg s21  }
0x1a: {  	s25 =	sadd.s32 $0x5A800, s12;
	s6 =	sadd.s32 s6, s15;
	[dreg:$0xa] =	wrdreg s10  }
0x1b: {  	s10 =	sadd.s32 s0, s26;
	s16 =	sadd.s32 s15, s18;
	[dreg:$0x14] =	wrdreg s25  }
0x1c: {  	s18 =	sshll.u32 s24, $0x3;
	s21 =	sadd.s32 s3, s19;
	[dreg:$0xb] =	wrdreg s10  }
0x1d: {  	s24 =	sadd.s32 $0x9C40, s8;
	s11 =	smov.u32 @p0 s1;
	[dreg:$0xf] =	wrdreg s16  }
0x1e: {  	s8 =	simm.s32 $0x5;
	s6 =	sshrl.u32 s6, $0x3;
	[dreg:$0x11] =	wrdreg s21  }
0x1f: {  	s10 =	smul.u32 $0x2800, s17;
	s22 =	sadd.s32 s18, s19;
	[dreg:$0x13] =	wrdreg s24  }
0x20: {  	p0 =	sne.s32 s17, $0xF;
	s0 =	sadd.s32 s0, s6;
	[dreg:$0x12] =	wrdreg s22  }
0x21: {  	s26 =	sshrl.u32 s11, $0x3;
	[dreg:$0xc] =	wrdreg s0;
	s0 =	sshrl.u32 s10, $0x2  }
0x22: {  	v0 =	vimm.f32 $0.0e+00;
	[dreg:$0x17] =	wrdreg s26;
	s15 =	sadd.s32 s0, s19;
	s0 =	sadd.s32 $0xC400, s23  }
0x23: {  	v1 =	vlaneseq.u32;
	vm0 =	vcmask $0x3F24;
	vm1 =	vcmask $0x1F04;
	s3 =	simm.s32 $0xDC00;
	s1 =	simm.s32 $0x0;
	[dreg:$0x16] =	wrdreg s0  }
0x24: {  	v2 =	vimm.s32 $0x0;
	vm0 =	vmor vm1, vm0;
	v3 =	vand.u32 $0x7, v1;
	s26 =	simm.s32 $0xE000;
	s10 =	simm.s32 $0x2800;
	[dreg:$0x10] =	wrdreg s15  }
.LBB2_1:
0x25: {  	[dreg:$0x18] =	wrdreg s1  }
0x26: {  	s0 =	rddreg [dreg:$0x8]  }
0x27: {  	[tilespmem:s20], [sflag:$0x5] =	stream.linear.gather [hbm4b:s0+s20], $0x2800, $0x38;
	[tilespmem:$0x1ABC8] =	vst v63  }
0x28: {  	s23 =	stileid.u32;
	_ =	swait.ge [sflag:s8], $0x2800  }
0x29: {  	s0 =	sshll.u32 s23, $0x6;
	[sflag:s8] =	ssyncset.done $0x0  }
0x2a: {  	s5 =	sor.u32 $0x1C05, s0;
	s22 =	rddreg [dreg:$0x9];
	[sflag:s8] =	ssyncadd.s32 $0xFFFFD800  }
0x2b: {  	[tilespmem:s10], [sflag:$0x5] =	stream.linear.gather [hbm4b:s22+s20], $0x2800, $0x38;
	[tilespmem:$0x1ABC8] =	vst v63  }
0x2c: {  	_ =	swait.ge [sflag:s8], $0x2800;
	[dreg:$0x19] =	wrdreg s5  }
0x2d: {  	[sflag:s8] =	ssyncset.done $0x0;
	s24 =	rddreg [dreg:$0x16]  }
0x2e: {  	s4 =	simm.s32 $0x10;
	s25 =	rddreg [dreg:$0x17];
	[sflag:s8] =	ssyncadd.s32 $0xFFFFD800  }
0x2f: {  	[spmem:s25@s7], [sflag:s5] =	dma.strided [hbm:s24@s4], $0x271, s7, $0x1   }
0x30: {  	_ =	swait.ge [sflag:s8], $0x271  }
0x31: {  	[sflag:s8] =	ssyncset.done $0x0  }
0x32: {  	s0 =	simm.s32 $0x5100;
	[sflag:s8] =	ssyncadd.s32 $0xFFFFFD8F  }
0x33: {  	[tilespmem:s0+$0xFFFFFF00] =	vst v0  }
0x34: {  	[tilespmem:s0+$0xF0] =	vst v0  }
0x35: {  	[tilespmem:s0+$0xE0] =	vst v0  }
0x36: {  	[tilespmem:s0+$0xD0] =	vst v0  }
0x37: {  	[tilespmem:s0+$0xC0] =	vst v0  }
0x38: {  	[tilespmem:s0+$0xB0] =	vst v0  }
0x39: {  	[tilespmem:s0+$0xA0] =	vst v0  }
0x3a: {  	[tilespmem:s0+$0x90] =	vst v0  }
0x3b: {  	[tilespmem:s0+$0x80] =	vst v0  }
0x3c: {  	[tilespmem:s0+$0x70] =	vst v0  }
0x3d: {  	[tilespmem:s0+$0x60] =	vst v0  }
0x3e: {  	[tilespmem:s0+$0x50] =	vst v0  }
0x3f: {  	[tilespmem:s0+$0x40] =	vst v0  }
0x40: {  	[tilespmem:s0+$0x30] =	vst v0  }
0x41: {  	[tilespmem:s0+$0x20] =	vst v0  }
0x42: {  	[tilespmem:s0+$0x10] =	vst v0  }
0x43: {  	[tilespmem:s0+$0x0] =	vst v0  }
0x44: {  	[tilespmem:s0+$0xFFFFFFF0] =	vst v0  }
0x45: {  	[tilespmem:s0+$0xFFFFFFE0] =	vst v0  }
0x46: {  	[tilespmem:s0+$0xFFFFFFD0] =	vst v0  }
0x47: {  	[tilespmem:s0+$0xFFFFFFC0] =	vst v0  }
0x48: {  	[tilespmem:s0+$0xFFFFFFB0] =	vst v0  }
0x49: {  	[tilespmem:s0+$0xFFFFFFA0] =	vst v0  }
0x4a: {  	[tilespmem:s0+$0xFFFFFF90] =	vst v0  }
0x4b: {  	[tilespmem:s0+$0xFFFFFF80] =	vst v0  }
0x4c: {  	[tilespmem:s0+$0xFFFFFF70] =	vst v0  }
0x4d: {  	[tilespmem:s0+$0xFFFFFF60] =	vst v0  }
0x4e: {  	[tilespmem:s0+$0xFFFFFF50] =	vst v0  }
0x4f: {  	[tilespmem:s0+$0xFFFFFF40] =	vst v0  }
0x50: {  	[tilespmem:s0+$0xFFFFFF30] =	vst v0  }
0x51: {  	s1 =	simm.s32 $0x0;
	[tilespmem:s0+$0xFFFFFF20] =	vst v0  }
.LBB2_2:
0x52: {  	s1 =	sadd.s32 $0x4, s1;
	[tilespmem:s0+$0xFFFFFF10] =	vst v0;
	s0 =	sadd.s32 $0x200, s0;
	s4 =	simm.s32 $0x30  }
0x53: {  	[tilespmem:s0+$0xFFFFFF00] =	vst v0;
	p1 =	slt.u32 s1, $0x7C  }
0x54: {  	[tilespmem:s0+$0xF0] =	vst v0  }
0x55: {  	[tilespmem:s0+$0xE0] =	vst v0  }
0x56: {  	[tilespmem:s0+$0xD0] =	vst v0  }
0x57: {  	[tilespmem:s0+$0xC0] =	vst v0  }
0x58: {  	[tilespmem:s0+$0xB0] =	vst v0  }
0x59: {  	[tilespmem:s0+$0xA0] =	vst v0  }
0x5a: {  	[tilespmem:s0+$0x90] =	vst v0  }
0x5b: {  	[tilespmem:s0+$0x80] =	vst v0  }
0x5c: {  	[tilespmem:s0+$0x70] =	vst v0  }
0x5d: {  	[tilespmem:s0+$0x60] =	vst v0  }
0x5e: {  	[tilespmem:s0+$0x50] =	vst v0  }
0x5f: {  	[tilespmem:s0+$0x40] =	vst v0  }
0x60: {  	[tilespmem:s0+$0x30] =	vst v0  }
0x61: {  	[tilespmem:s0+$0x20] =	vst v0  }
0x62: {  	[tilespmem:s0+$0x10] =	vst v0  }
0x63: {  	[tilespmem:s0+$0x0] =	vst v0  }
0x64: {  	[tilespmem:s0+$0xFFFFFFF0] =	vst v0  }
0x65: {  	[tilespmem:s0+$0xFFFFFFE0] =	vst v0  }
0x66: {  	[tilespmem:s0+$0xFFFFFFD0] =	vst v0  }
0x67: {  	[tilespmem:s0+$0xFFFFFFC0] =	vst v0  }
0x68: {  	[tilespmem:s0+$0xFFFFFFB0] =	vst v0  }
0x69: {  	[tilespmem:s0+$0xFFFFFFA0] =	vst v0  }
0x6a: {  	[tilespmem:s0+$0xFFFFFF90] =	vst v0  }
0x6b: {  	[tilespmem:s0+$0xFFFFFF80] =	vst v0  }
0x6c: {  	[tilespmem:s0+$0xFFFFFF70] =	vst v0  }
.Ltmp0:
0x6d: {  	[tilespmem:s0+$0xFFFFFF60] =	vst v0;
	(pc) =	sbr.rel @p1 .LBB2_2-.Ltmp0, $4  }
0x6e: {  	[tilespmem:s0+$0xFFFFFF50] =	vst v0  }
0x6f: {  	[tilespmem:s0+$0xFFFFFF40] =	vst v0  }
0x70: {  	[tilespmem:s0+$0xFFFFFF30] =	vst v0  }
0x71: {  	[tilespmem:s0+$0xFFFFFF20] =	vst v0  }
0x72: {  	s1 =	simm.s32 $0x0;
	v4 =	vor.u32 s4, v1  }
0x73: {  	v5 =	vmov s1  }
0x74: {  	s5 =	simm.s32 $0x10;
	vm1 =	veq.s32 v5, v1  }
0x75: {  	s21 =	simm.s32 $0x20;
	v6 =	vor.u32 s5, v1;
	vm1 =	vmand vm1, vm0  }
0x76: {  	s22 =	simm.s32 $0x70;
	[tilespmem:s0+$0xFFFFFF10] =	vst v0;
	v5 =	vor.u32 s21, v1;
	v8 =	vsel vm1, $0xFFFFFFFF, v2  }
0x77: {  	s23 =	simm.s32 $0x40;
	s6 =	simm.s32 $0x50;
	v7 =	vor.u32 s22, v1;
	[tilespmem:v4+s29+$0x0] =	vst.idx.msk $0xffff, v0;
	v4 =	vshll.u32 v8, $0x3  }
0x78: {  	s24 =	simm.s32 $0x60;
	v9 =	vmov s23;
	v10 =	vor.u32 s6, v1;
	v4 =	vadd.s32 s1, v4  }
0x79: {  	vm1 =	veq.s32 v9, v1;
	v9 =	vor.u32 s24, v1;
	v4 =	vadd.s32 v1, v4  }
0x7a: {  	vm1 =	vmand vm1, vm0;
	[tilespmem:v6+s29+$0x0] =	vst.idx.msk $0xffff, v0;
	v4 =	vand.u32 $0xFFFFFFF8, v4  }
0x7b: {  	[tilespmem:v5+s29+$0x0] =	vst.idx.msk $0xffff, v0;
	v5 =	vsel vm1, $0xFFFFFFFF, v2;
	v4 =	vor.u32 v3, v4  }
0x7c: {  	s0 =	simm.s32 $0x80;
	[tilespmem:v7+s29+$0x0] =	vst.idx.msk $0xffff, v0;
	v6 =	vshll.u32 v5, $0x3  }
0x7d: {  	s25 =	simm.s32 $0x90;
	v8 =	vmov s0;
	s1 =	simm.s32 $0xB0;
	[tilespmem:v10+s29+$0x0] =	vst.idx.msk $0xffff, v0;
	v7 =	vadd.s32 s23, v6  }
0x7e: {  	s4 =	simm.s32 $0x8;
	s5 =	simm.s32 $0xA0;
	v5 =	vor.u32 s1, v1;
	v6 =	vor.u32 s25, v1;
	[tilespmem:v9+s29+$0x0] =	vst.idx.msk $0xffff, v0;
	v7 =	vadd.s32 v1, v7  }
.LBB2_4:
0x7f: {  	s4 =	sadd.s32 $0x4, s4  }
0x80: {  	vm1 =	veq.s32 v8, v1;
	v9 =	vor.u32 s5, v1;
	v7 =	vand.u32 $0xFFFFFFF8, v7;
	[tilespmem:v4+s29+$0x0] =	vst.idx.msk $0xffff, v0;
	p1 =	slt.u32 s4, $0x3C  }
.Ltmp1:
0x81: {  	vm1 =	vmand vm1, vm0;
	v4 =	vor.u32 v3, v7;
	(pc) =	sbr.rel @p1 .LBB2_4-.Ltmp1, $4  }
0x82: {  	v7 =	vsel vm1, $0xFFFFFFFF, v2  }
0x83: {  	s1 =	sadd.s32 $0x40, s1;
	v7 =	vshll.u32 v7, $0x3;
	[tilespmem:v5+s29+$0x0] =	vst.idx.msk $0xffff, v0  }
0x84: {  	s6 =	sadd.s32 $0xFFFFFFE0, s1;
	s5 =	sadd.s32 $0xFFFFFFF0, s1;
	v5 =	vor.u32 s1, v1;
	v7 =	vadd.s32 s0, v7;
	s0 =	sadd.s32 $0xFFFFFFD0, s1;
	[tilespmem:v6+s29+$0x0] =	vst.idx.msk $0xffff, v0  }
0x85: {  	v6 =	vor.u32 s6, v1;
	v8 =	vmov s0;
	v7 =	vadd.s32 v1, v7;
	[tilespmem:v9+s29+$0x0] =	vst.idx.msk $0xffff, v0  }
0x86: {  	vm1 =	veq.s32 v8, v1  }
0x87: {  	vm1 =	vmand vm1, vm0  }
0x88: {  	v63 =	vsel vm1, $0xFFFFFFFF, v2  }
0x89: {  	v8 =	vshll.u32 v63, $0x3  }
0x8a: {  	v8 =	vadd.s32 s0, v8  }
0x8b: {  	v9 =	vor.u32 s5, v1;
	v7 =	vand.u32 $0xFFFFFFF8, v7;
	v8 =	vadd.s32 v1, v8  }
0x8c: {  	v7 =	vor.u32 v3, v7;
	v8 =	vand.u32 $0xFFFFFFF8, v8  }
0x8d: {  	[tilespmem:v4+s29+$0x0] =	vst.idx.msk $0xffff, v0;
	v4 =	vor.u32 v3, v8  }
0x8e: {  	[tilespmem:v5+s29+$0x0] =	vst.idx.msk $0xffff, v0  }
0x8f: {  	[tilespmem:v6+s29+$0x0] =	vst.idx.msk $0xffff, v0  }
0x90: {  	[tilespmem:v9+s29+$0x0] =	vst.idx.msk $0xffff, v0  }
0x91: {  	[tilespmem:v7+s29+$0x0] =	vst.idx.msk $0xffff, v0  }
0x92: {  	[tilespmem:v4+s29+$0x0] =	vst.idx.msk $0xffff, v0  }
0x93: {  	s4 =	simm.s32 $0x5000;
	s19 =	rddreg [dreg:$0xd]  }
0x94: {  	[spmem:s19] =	stream.linear.scatter [tilespmem:s4], [sflag:$0x5], $0x4000, $0x38;
	[tilespmem:$0x1ABC8] =	vst v63  }
0x95: {  	_ =	swait.ge [sflag:s8], $0x4000  }
0x96: {  	[sflag:s8] =	ssyncset.done $0x0  }
0x97: {  	s20 =	rddreg [dreg:$0xe];
	[sflag:s8] =	ssyncadd.s32 $0xFFFFC000  }
0x98: {  	[spmem:s20] =	stream.linear.scatter [tilespmem:s4], [sflag:$0x5], $0x4000, $0x38;
	[tilespmem:$0x1ABC8] =	vst v63  }
0x99: {  	_ =	swait.ge [sflag:s8], $0x4000  }
0x9a: {  	[sflag:s8] =	ssyncset.done $0x0  }
0x9b: {  	s21 =	rddreg [dreg:$0xf];
	[sflag:s8] =	ssyncadd.s32 $0xFFFFC000  }
0x9c: {  	[spmem:s21] =	stream.linear.scatter [tilespmem:s4], [sflag:$0x5], $0x2000, $0x38;
	[tilespmem:$0x1ABC8] =	vst v63  }
0x9d: {  	_ =	swait.ge [sflag:s8], $0x2000  }
0x9e: {  	[sflag:s8] =	ssyncset.done $0x0  }
0x9f: {  	[sflag:s8] =	ssyncadd.s32 $0xFFFFE000  }
0xa0: {  	[spmem:s15] =	stream.linear.scatter [tilespmem:s29], [sflag:$0x5], $0x400, $0x38;
	[tilespmem:$0x1ABC8] =	vst v63  }
0xa1: {  	_ =	swait.ge [sflag:s8], $0x400  }
0xa2: {  	[sflag:s8] =	ssyncset.done $0x0  }
0xa3: {  	s22 =	rddreg [dreg:$0x11];
	[sflag:s8] =	ssyncadd.s32 $0xFFFFFC00  }
0xa4: {  	[spmem:s22] =	stream.linear.scatter [tilespmem:s29], [sflag:$0x5], $0x400, $0x38;
	[tilespmem:$0x1ABC8] =	vst v63  }
0xa5: {  	_ =	swait.ge [sflag:s8], $0x400  }
0xa6: {  	[sflag:s8] =	ssyncset.done $0x0  }
0xa7: {  	s23 =	rddreg [dreg:$0x12];
	[sflag:s8] =	ssyncadd.s32 $0xFFFFFC00  }
0xa8: {  	[spmem:s23] =	stream.linear.scatter [tilespmem:s29], [sflag:$0x5], $0x200, $0x38;
	[tilespmem:$0x1ABC8] =	vst v63  }
0xa9: {  	_ =	swait.ge [sflag:s8], $0x200  }
0xaa: {  	[sflag:s8] =	ssyncset.done $0x0  }
0xab: {  	s0 =	simm.s32 @!p0 $0xD000;
	s1 =	rddreg [dreg:$0x13];
	[sflag:s8] =	ssyncadd.s32 $0xFFFFFE00  }
0xac: {  	[spmem:s1] =	stream.linear.scatter @!p0 [tilespmem:s0], [sflag:$0x5], $0x3C0, $0x38;
	[tilespmem:$0x1ABC8] =	vst v63  }
0xad: {  	s0 =	simm.s32 @!p0 $0x5  }
0xae: {  	_ =	swait.ge @!p0 [sflag:s0], $0x3C0  }
0xaf: {  	[sflag:s0] =	ssyncset.done @!p0 $0x0  }
0xb0: {  	[sflag:s0] =	ssyncadd.s32 @!p0 $0xFFFFFC40  }
0xb1: {  	s18 =	simm.s32 $0x0;
	[bflag:$0x0] =	sbarrier.arrive $0xFFFF  }
0xb2: {  	[tilespmem:s2], [sflag:$0x1] =	stream.indirect.gather [spmem:s30], $0x8, s18, s31, $0xb8;
	[tilespmem:$0x1ABC8] =	vst v63  }
0xb3: {  	s24 =	rddreg [dreg:$0x3]  }
0xb4: {  	[tilespmem:s28], [sflag:$0x1] =	stream.indirect.gather [spmem:s24], $0x8, s10, s31, $0xb8;
	[tilespmem:$0x1ABC8] =	vst v63  }
0xb5: {  	s25 =	rddreg [dreg:$0x7]  }
0xb6: {  	[tilespmem:s4], [sflag:$0x2] =	stream.indirect.gather [hbm4b:s25+s31], $0x80, s18, s31, $0xb8;
	[tilespmem:$0x1ABC8] =	vst v63  }
.LBB2_6:
0xb7: {  	_ =	swait.ge [sflag:s7], $0x400  }
0xb8: {  	[sflag:s7] =	ssyncset.done $0x0  }
0xb9: {  	[sflag:s7] =	ssyncadd.s32 $0xFFFFFC00  }
0xba: {  	s0 =	simm.s32 $0x30;
	s1 =	simm.s32 $0x0;
	_ =	swait.ge [sflag:s7], $0x400  }
0xbb: {  	p1 =	seq.s32 s18, $0x0;
	s4 =	simm.s32 $0x10;
	v4 =	vor.u32 s0, v1;
	v5 =	vmov s1;
	[sflag:s7] =	ssyncset.done $0x0  }
0xbc: {  	s0 =	simm.s32 @!p1 $0x3;
	v7 =	vor.u32 s4, v1;
	vm1 =	veq.s32 v5, v1;
	[sflag:s7] =	ssyncadd.s32 $0xFFFFFC00  }
0xbd: {  	s21 =	simm.s32 $0x20;
	vm1 =	vmand vm1, vm0;
	_ =	swait.ge @!p1 [sflag:s0], $0x400  }
0xbe: {  	v8 =	vor.u32 s21, v1;
	v5 =	vsel vm1, $0xFFFFFFFF, v2;
	[sflag:s0] =	ssyncset.done @!p1 $0x0  }
0xbf: {  	v5 =	vshll.u32 v5, $0x3;
	[sflag:s0] =	ssyncadd.s32 @!p1 $0xFFFFFC00  }
0xc0: {  	v5 =	vadd.s32 s1, v5;
	v11 =	vld.idx.msk [tilespmem:v4+s2+$0x0], $0xffff  }
0xc1: {  	v5 =	vadd.s32 v1, v5;
	v9 =	vld.idx.msk [tilespmem:v7+s2+$0x0], $0xffff  }
0xc2: {  	v5 =	vand.u32 $0xFFFFFFF8, v5;
	v10 =	vld.idx.msk [tilespmem:v7+s28+$0x0], $0xffff  }
0xc3: {  	v12 =	vld.idx.msk [tilespmem:v8+s2+$0x0], $0xffff;
	v6 =	vor.u32 v3, v5  }
0xc4: {  	v13 =	vld.idx.msk [tilespmem:v8+s28+$0x0], $0xffff  }
0xc5: {  	s23 =	simm.s32 $0x40;
	v14 =	vld.idx.msk [tilespmem:v4+s28+$0x0], $0xffff  }
0xc6: {  	v16 =	vmov s23  }
0xc7: {  	vm1 =	veq.s32 v16, v1  }
0xc8: {  	s22 =	simm.s32 $0x70;
	vm1 =	vmand vm1, vm0;
	v17 =	vld.idx.msk [tilespmem:v6+s2+$0x0], $0xffff  }
0xc9: {  	s24 =	simm.s32 $0x50;
	s25 =	simm.s32 $0x60;
	v5 =	vor.u32 s22, v1;
	v15 =	vadd.f32 v10, v9;
	v16 =	vld.idx.msk [tilespmem:v6+s28+$0x0], $0xffff;
	v12 =	vadd.f32 v13, v12  }
0xca: {  	v10 =	vor.u32 s24, v1;
	v9 =	vor.u32 s25, v1;
	v14 =	vadd.f32 v14, v11  }
0xcb: {  	v11 =	vsel vm1, $0xFFFFFFFF, v2;
	v13 =	vmul.f32 $2.000000030e-01, v15;
	v18 =	vmul.f32 $2.000000030e-01, v12  }
0xcc: {  	v19 =	vshll.u32 v11, $0x3;
	vm1 =	vgt.f32 v15, $0.0e+00;
	vm2 =	vgt.f32 v12, $0.0e+00  }
0xcd: {  	v20 =	vmul.f32 $2.000000030e-01, v14;
	v15 =	vsel vm1, v15, v13;
	v12 =	vsel vm2, v12, v18  }
0xce: {  	v11 =	vld.idx.msk [tilespmem:v5+s2+$0x0], $0xffff;
	v18 =	vadd.f32 v16, v17;
	v16 =	vmul.f32 $1.442695020e+00, v15;
	v17 =	vadd.s32 s23, v19  }
0xcf: {  	vm1 =	vgt.f32 v14, $0.0e+00;
	v13 =	vld.idx.msk [tilespmem:v10+s2+$0x0], $0xffff;
	v12 =	vmul.f32 $1.442695020e+00, v12;
	v17 =	vadd.s32 v1, v17  }
0xd0: {  	v14 =	vsel vm1, v14, v20;
	v15 =	vld.idx.msk [tilespmem:v10+s28+$0x0], $0xffff;
	(erf) = vpow2.f32 v16;
	v17 =	vand.u32 $0xFFFFFFF8, v17  }
0xd1: {  	v19 =	vmul.f32 $1.442695020e+00, v14;
	v14 =	vld.idx.msk [tilespmem:v9+s2+$0x0], $0xffff;
	(erf) = vpow2.f32 v12;
	v12 =	vor.u32 v3, v17  }
0xd2: {  	v20 =	vmul.f32 $2.000000030e-01, v18;
	v16 =	vld.idx.msk [tilespmem:v9+s28+$0x0], $0xffff  }
0xd3: {  	vm1 =	vgt.f32 v18, $0.0e+00;
	v17 =	vld.idx.msk [tilespmem:v5+s28+$0x0], $0xffff  }
0xd4: {  	s19 =	sshll.u32 s18, $0x1;
	s1 =	simm.s32 $0xB0;
	s0 =	simm.s32 $0x4;
	v18 =	vsel vm1, v18, v20;
	(erf) = vpow2.f32 v19  }
.LBB2_7:
0xd5: {  	s4 =	sadd.s32 $0xFFFFFFD0, s1;
	s5 =	sadd.s32 $0xFFFFFFE0, s1;
	s6 =	sadd.s32 $0xFFFFFFF0, s1;
	v19 =	vor.u32 s1, v1;
	v15 =	vadd.f32 v15, v13;
	v13 =	vmul.f32 $1.442695020e+00, v18;
	v20 =	vmovc v9;
	v21 =	vmovc v6  }
0xd6: {  	s0 =	sadd.s32 $0x4, s0;
	v6 =	vmovc v12;
	v18 =	vmov s4;
	v22 =	vor.u32 s5, v1;
	v9 =	vor.u32 s6, v1;
	v23 =	vld.idx.msk [tilespmem:v12+s2+$0x0], $0xffff  }
0xd7: {  	p2 =	slt.u32 s0, $0x3C;
	v14 =	vadd.f32 v16, v14;
	vm1 =	veq.s32 v18, v1;
	v12 =	vld.idx.msk [tilespmem:v12+s28+$0x0], $0xffff;
	(erf) = vpow2.f32 v13  }
0xd8: {  	v16 =	vmul.f32 $2.000000030e-01, v15;
	v17 =	vadd.f32 v17, v11;
	vm1 =	vmand vm1, vm0  }
0xd9: {  	v18 =	vmul.f32 $2.000000030e-01, v14;
	v11 =	vsel vm1, $0xFFFFFFFF, v2;
	vm1 =	vgt.f32 v15, $0.0e+00  }
0xda: {  	vm2 =	vgt.f32 v14, $0.0e+00;
	v27 =	vmul.f32 $2.000000030e-01, v17;
	v13 =	vshll.u32 v11, $0x3;
	v11 =	vld.idx.msk [tilespmem:v19+s2+$0x0], $0xffff  }
0xdb: {  	v16 =	vsel vm1, v15, v16;
	vm1 =	vgt.f32 v17, $0.0e+00;
	v25 =	vadd.s32 s4, v13;
	v13 =	vld.idx.msk [tilespmem:v22+s2+$0x0], $0xffff;
	v26 =	vpop (erf)  }
0xdc: {  	v18 =	vsel vm2, v14, v18;
	v17 =	vsel vm1, v17, v27;
	v25 =	vadd.s32 v1, v25;
	v15 =	vld.idx.msk [tilespmem:v22+s28+$0x0], $0xffff;
	v24 =	vpop (erf)  }
.Ltmp2:
0xdd: {  	v27 =	vmul.f32 $1.442695020e+00, v16;
	v23 =	vadd.f32 v12, v23;
	v25 =	vand.u32 $0xFFFFFFF8, v25;
	v14 =	vld.idx.msk [tilespmem:v9+s2+$0x0], $0xffff;
	[tilespmem:v7+s29+$0x0] =	vst.idx.msk $0xffff, v26;
	v7 =	vpop (erf);
	(pc) =	sbr.rel @p2 .LBB2_7-.Ltmp2, $4  }
0xde: {  	v18 =	vmul.f32 $1.442695020e+00, v18;
	v12 =	vor.u32 v3, v25;
	v16 =	vld.idx.msk [tilespmem:v9+s28+$0x0], $0xffff;
	v25 =	vmul.f32 $1.442695020e+00, v17;
	[tilespmem:v8+s29+$0x0] =	vst.idx.msk $0xffff, v24  }
0xdf: {  	v24 =	vmul.f32 $2.000000030e-01, v23;
	v17 =	vld.idx.msk [tilespmem:v19+s28+$0x0], $0xffff;
	(erf) = vpow2.f32 v27;
	[tilespmem:v4+s29+$0x0] =	vst.idx.msk $0xffff, v7;
	v4 =	vmovc v5;
	v5 =	vmov v19  }
0xe0: {  	vm1 =	vgt.f32 v23, $0.0e+00;
	v7 =	vmov v10;
	(erf) = vpow2.f32 v18;
	v19 =	vpop (erf)  }
0xe1: {  	s1 =	sadd.s32 $0x40, s1;
	v8 =	vmovc v20;
	v10 =	vmov v22;
	v18 =	vsel vm1, v23, v24;
	(erf) = vpow2.f32 v25;
	[tilespmem:v21+s29+$0x0] =	vst.idx.msk $0xffff, v19  }
0xe2: {  	_ =	sdelay $0x3  }
0xe3: {  	v19 =	vld.idx.msk [tilespmem:v12+s2+$0x0], $0xffff  }
0xe4: {  	v20 =	vld.idx.msk [tilespmem:v12+s28+$0x0], $0xffff  }
0xe5: {  	v18 =	vmul.f32 $1.442695020e+00, v18  }
0xe6: {  	v13 =	vadd.f32 v15, v13  }
0xe7: {  	v14 =	vadd.f32 v16, v14;
	(erf) = vpow2.f32 v18  }
0xe8: {  	v15 =	vmul.f32 $2.000000030e-01, v13;
	v11 =	vadd.f32 v17, v11;
	vm1 =	vgt.f32 v13, $0.0e+00  }
0xe9: {  	v16 =	vmul.f32 $2.000000030e-01, v14;
	vm2 =	vgt.f32 v14, $0.0e+00;
	v17 =	vadd.f32 v20, v19  }
0xea: {  	v18 =	vmul.f32 $2.000000030e-01, v11;
	v13 =	vsel vm1, v13, v15;
	vm1 =	vgt.f32 v11, $0.0e+00  }
0xeb: {  	v14 =	vsel vm2, v14, v16;
	v13 =	vmul.f32 $1.442695020e+00, v13;
	v15 =	vmul.f32 $2.000000030e-01, v17  }
0xec: {  	v11 =	vsel vm1, v11, v18;
	v14 =	vmul.f32 $1.442695020e+00, v14;
	vm1 =	vgt.f32 v17, $0.0e+00  }
0xed: {  	v11 =	vmul.f32 $1.442695020e+00, v11;
	(erf) = vpow2.f32 v13;
	v13 =	vsel vm1, v17, v15  }
0xee: {  	(erf) = vpow2.f32 v14;
	v13 =	vmul.f32 $1.442695020e+00, v13  }
0xef: {  	(erf) = vpow2.f32 v11  }
0xf0: {  	(erf) = vpow2.f32 v13;
	_ =	sdelay $0x1  }
0xf1: {  	v11 =	vpop (erf)  }
0xf2: {  	v13 =	vpop (erf)  }
0xf3: {  	[tilespmem:v7+s29+$0x0] =	vst.idx.msk $0xffff, v11;
	v7 =	vpop (erf)  }
0xf4: {  	[tilespmem:v8+s29+$0x0] =	vst.idx.msk $0xffff, v13;
	v8 =	vpop (erf)  }
0xf5: {  	[tilespmem:v4+s29+$0x0] =	vst.idx.msk $0xffff, v7;
	v4 =	vpop (erf)  }
0xf6: {  	[tilespmem:v6+s29+$0x0] =	vst.idx.msk $0xffff, v8;
	v6 =	vpop (erf)  }
0xf7: {  	[tilespmem:v10+s29+$0x0] =	vst.idx.msk $0xffff, v4;
	v4 =	vpop (erf)  }
0xf8: {  	s0 =	sshll.u32 s18, $0x8;
	s1 =	simm.s32 $0x0;
	[tilespmem:v5+s29+$0x0] =	vst.idx.msk $0xffff, v4;
	v4 =	vpop (erf)  }
0xf9: {  	s0 =	sand.u32 $0x3FFFFF00, s0;
	[tilespmem:v12+s29+$0x0] =	vst.idx.msk $0xffff, v4;
	v4 =	vmov s1  }
0xfa: {  	s4 =	rddreg [dreg:$0x5];
	s21 =	sor.u32 $0x1, s19;
	s20 =	sadd.s32 $0x2800, s0;
	[tilespmem:v9+s29+$0x0] =	vst.idx.msk $0xffff, v6;
	vm1 =	veq.s32 v4, v1  }
0xfb: {  	[spmem:s4] =	stream.indirect.scatter.add.f32 [tilespmem:s29], [sflag:$0x3], $0x8, s20, s31, $0xb8;
	vm1 =	vmand vm1, vm0;
	[tilespmem:$0x1ABC8] =	vst v63  }
0xfc: {  	s5 =	sshll.u32 s21, $0x7;
	v4 =	vsel vm1, $0xFFFFFFFF, v2  }
0xfd: {  	[tilespmem:s3], [sflag:$0x1] =	stream.indirect.gather [spmem:s30], $0x8, s5, s31, $0xb8;
	v4 =	vshll.u32 v4, $0x3;
	[tilespmem:$0x1ABC8] =	vst v63  }
0xfe: {  	s6 =	rddreg [dreg:$0x3];
	s0 =	sadd.s32 $0x2800, s5;
	v4 =	vadd.s32 s1, v4  }
0xff: {  	[tilespmem:s26], [sflag:$0x1] =	stream.indirect.gather [spmem:s6], $0x8, s0, s31, $0xb8;
	v4 =	vadd.s32 v1, v4;
	[tilespmem:$0x1ABC8] =	vst v63  }
0x100: {  	_ =	swait.ge [sflag:s9], $0x4000;
	v4 =	vand.u32 $0xFFFFFFF8, v4  }
0x101: {  	[sflag:s9] =	ssyncset.done $0x0;
	v4 =	vor.u32 v3, v4  }
0x102: {  	s0 =	simm.s32 @!p1 $0x4;
	[sflag:s9] =	ssyncadd.s32 $0xFFFFC000  }
0x103: {  	_ =	swait.ge @!p1 [sflag:s0], $0x4000  }
0x104: {  	[sflag:s0] =	ssyncset.done @!p1 $0x0  }
0x105: {  	[sflag:s0] =	ssyncadd.s32 @!p1 $0xFFFFC000  }
0x106: {  	v11 =	vld.idx.msk [tilespmem:v4+s29+$0x0], $0xffff  }
0x107: {  	s4 =	simm.s32 $0x5100  }
0x108: {  	v4 =	vld [tilespmem:s4+$0xFFFFFF00];
	_ =	sdelay $0x2  }
0x109: {  	v5 =	vbroadcast v11, $0x0;
	_ =	sdelay $0x1  }
0x10a: {  	v4 =	vmul.f32 v5, v4  }
0x10b: {  	s23 =	simm.s32 $0x9100  }
0x10c: {  	[tilespmem:s23+$0xFFFFFF00] =	vst v4  }
0x10d: {  	v4 =	vld [tilespmem:s4+$0xFFFFFF80];
	_ =	sdelay $0x2  }
0x10e: {  	v5 =	vbroadcast v11, $0x8;
	_ =	sdelay $0x1  }
0x10f: {  	s10 =	simm.s32 $0x20;
	v4 =	vmul.f32 v4, v5  }
0x110: {  	v5 =	vmov s10  }
0x111: {  	vm1 =	veq.s32 v5, v1;
	[tilespmem:s23+$0xFFFFFF80] =	vst v4  }
0x112: {  	vm1 =	vmand vm1, vm0;
	v4 =	vld [tilespmem:s4+$0xFFFFFF10]  }
0x113: {  	s11 =	simm.s32 $0x10;
	v5 =	vsel vm1, $0xFFFFFFFF, v2  }
0x114: {  	v6 =	vor.u32 s11, v1;
	v5 =	vshll.u32 v5, $0x3  }
0x115: {  	v7 =	vbroadcast v11, $0x1;
	v5 =	vadd.s32 s10, v5  }
0x116: {  	v5 =	vadd.s32 v1, v5  }
0x117: {  	v5 =	vand.u32 $0xFFFFFFF8, v5;
	v4 =	vmul.f32 v4, v7  }
0x118: {  	v5 =	vor.u32 v3, v5  }
0x119: {  	v6 =	vld.idx.msk [tilespmem:v6+s29+$0x0], $0xffff;
	[tilespmem:s23+$0xFFFFFF10] =	vst v4  }
0x11a: {  	v4 =	vld [tilespmem:s4+$0xFFFFFF90];
	_ =	sdelay $0x1  }
0x11b: {  	v7 =	vld [tilespmem:s4+$0x0]  }
0x11c: {  	v8 =	vbroadcast v11, $0x9;
	v17 =	vld.idx.msk [tilespmem:v5+s29+$0x0], $0xffff  }
0x11d: {  	s25 =	simm.s32 $0x5300  }
0x11e: {  	v5 =	vbroadcast v6, $0x0;
	v4 =	vmul.f32 v4, v8;
	v8 =	vld [tilespmem:s25+$0xFFFFFF00];
	_ =	sdelay $0x1  }
0x11f: {  	v5 =	vmul.f32 v5, v7;
	[tilespmem:s23+$0xFFFFFF90] =	vst v4  }
0x120: {  	v7 =	vbroadcast v17, $0x0;
	v4 =	vld [tilespmem:s4+$0xFFFFFF20]  }
0x121: {  	[tilespmem:s23+$0x0] =	vst v5  }
0x122: {  	v5 =	vld [tilespmem:s4+$0x80];
	v7 =	vmul.f32 v7, v8  }
0x123: {  	s12 =	simm.s32 $0x30;
	s22 =	simm.s32 $0x9300;
	v8 =	vbroadcast v11, $0x2  }
0x124: {  	v9 =	vor.u32 s12, v1;
	[tilespmem:s22+$0xFFFFFF00] =	vst v7  }
0x125: {  	v7 =	vbroadcast v6, $0x8;
	v4 =	vmul.f32 v4, v8;
	v8 =	vld [tilespmem:s25+$0xFFFFFF80];
	_ =	sdelay $0x1  }
0x126: {  	v5 =	vmul.f32 v5, v7;
	[tilespmem:s23+$0xFFFFFF20] =	vst v4  }
0x127: {  	v7 =	vbroadcast v17, $0x8;
	v4 =	vld [tilespmem:s4+$0xFFFFFFA0]  }
0x128: {  	[tilespmem:s23+$0x80] =	vst v5;
	v5 =	vld.idx.msk [tilespmem:v9+s29+$0x0], $0xffff  }
0x129: {  	v9 =	vld [tilespmem:s4+$0x10];
	v7 =	vmul.f32 v8, v7  }
0x12a: {  	v10 =	vbroadcast v11, $0xA;
	v8 =	vld [tilespmem:s25+$0x0]  }
0x12b: {  	[tilespmem:s22+$0xFFFFFF80] =	vst v7  }
0x12c: {  	v7 =	vbroadcast v6, $0x1;
	v4 =	vmul.f32 v4, v10;
	v10 =	vld [tilespmem:s25+$0xFFFFFF10]  }
0x12d: {  	s14 =	simm.s32 $0x40;
	v12 =	vbroadcast v5, $0x0  }
0x12e: {  	v7 =	vmul.f32 v9, v7;
	[tilespmem:s23+$0xFFFFFFA0] =	vst v4;
	v4 =	vmov s14  }
0x12f: {  	v8 =	vmul.f32 v12, v8;
	v9 =	vld [tilespmem:s4+$0xFFFFFF30];
	vm1 =	veq.s32 v4, v1;
	v4 =	vbroadcast v17, $0x1  }
0x130: {  	[tilespmem:s23+$0x10] =	vst v7;
	vm1 =	vmand vm1, vm0  }
0x131: {  	v7 =	vld [tilespmem:s4+$0x90];
	[tilespmem:s22+$0x0] =	vst v8;
	v8 =	vsel vm1, $0xFFFFFFFF, v2;
	v4 =	vmul.f32 v10, v4  }
0x132: {  	v12 =	vbroadcast v11, $0x3;
	v10 =	vld [tilespmem:s25+$0x80];
	v8 =	vshll.u32 v8, $0x3  }
0x133: {  	v8 =	vadd.s32 s14, v8;
	[tilespmem:s22+$0xFFFFFF10] =	vst v4  }
0x134: {  	v4 =	vbroadcast v6, $0x9;
	v9 =	vmul.f32 v9, v12;
	v8 =	vadd.s32 v1, v8;
	v12 =	vld [tilespmem:s25+$0xFFFFFF90]  }
0x135: {  	v13 =	vbroadcast v5, $0x8;
	v8 =	vand.u32 $0xFFFFFFF8, v8  }
0x136: {  	v4 =	vmul.f32 v7, v4;
	[tilespmem:s23+$0xFFFFFF30] =	vst v9;
	v7 =	vor.u32 v3, v8  }
0x137: {  	v8 =	vmul.f32 v10, v13;
	v10 =	vbroadcast v17, $0x9;
	v9 =	vld [tilespmem:s4+$0xFFFFFFB0]  }
0x138: {  	[tilespmem:s23+$0x90] =	vst v4  }
0x139: {  	v4 =	vld [tilespmem:s4+$0x20];
	[tilespmem:s22+$0x80] =	vst v8;
	v8 =	vmul.f32 v12, v10  }
0x13a: {  	v10 =	vld [tilespmem:s25+$0x10];
	v12 =	vbroadcast v11, $0xB  }
0x13b: {  	v25 =	vld.idx.msk [tilespmem:v7+s29+$0x0], $0xffff;
	[tilespmem:s22+$0xFFFFFF90] =	vst v8  }
0x13c: {  	v7 =	vmul.f32 v9, v12;
	v8 =	vld [tilespmem:s25+$0xFFFFFF20];
	v9 =	vbroadcast v6, $0x2  }
0x13d: {  	v14 =	vbroadcast v6, $0xA;
	v16 =	vbroadcast v6, $0x3;
	s14 =	simm.s32 $0x5500  }
0x13e: {  	v12 =	vbroadcast v5, $0x1;
	[tilespmem:s23+$0xFFFFFFB0] =	vst v7;
	v7 =	vld [tilespmem:s14+$0xFFFFFF00];
	v4 =	vmul.f32 v4, v9  }
0x13f: {  	s15 =	simm.s32 $0x50;
	v22 =	vbroadcast v6, $0xB;
	v13 =	vbroadcast v17, $0x2;
	v9 =	vld [tilespmem:s4+$0xFFFFFF40]  }
0x140: {  	v15 =	vor.u32 s15, v1;
	v26 =	vbroadcast v6, $0x4;
	v10 =	vmul.f32 v10, v12;
	[tilespmem:s23+$0x20] =	vst v4  }
0x141: {  	v4 =	vbroadcast v25, $0x0;
	v12 =	vmul.f32 v8, v13;
	v19 =	vld [tilespmem:s4+$0xA0]  }
0x142: {  	v20 =	vbroadcast v6, $0x6;
	[tilespmem:s22+$0x10] =	vst v10;
	v10 =	vbroadcast v11, $0x4  }
0x143: {  	v18 =	vbroadcast v6, $0xE;
	v21 =	vld [tilespmem:s25+$0x90];
	v4 =	vmul.f32 v4, v7;
	[tilespmem:s22+$0xFFFFFF20] =	vst v12  }
0x144: {  	s17 =	simm.s32 $0x9500;
	v30 =	vbroadcast v6, $0x7;
	v9 =	vmul.f32 v9, v10;
	v10 =	vld [tilespmem:s25+$0xFFFFFFA0]  }
0x145: {  	v23 =	vbroadcast v25, $0x8;
	v8 =	vbroadcast v6, $0xC;
	v7 =	vld.idx.msk [tilespmem:v15+s29+$0x0], $0xffff;
	[tilespmem:s17+$0xFFFFFF00] =	vst v4  }
0x146: {  	v4 =	vbroadcast v5, $0x9;
	[tilespmem:s23+$0xFFFFFF40] =	vst v9;
	v9 =	vld [tilespmem:s14+$0xFFFFFF80];
	v14 =	vmul.f32 v19, v14  }
0x147: {  	v13 =	vbroadcast v6, $0x5;
	v19 =	vbroadcast v17, $0xA;
	v15 =	vld [tilespmem:s4+$0xFFFFFFC0]  }
0x148: {  	v12 =	vbroadcast v6, $0xD;
	v21 =	vmul.f32 v21, v4;
	[tilespmem:s23+$0xA0] =	vst v14;
	v14 =	vld [tilespmem:s14+$0x0]  }
0x149: {  	v4 =	vbroadcast v6, $0xF;
	v10 =	vmul.f32 v10, v19;
	v6 =	vld [tilespmem:s4+$0x30]  }
0x14a: {  	[tilespmem:s22+$0x90] =	vst v21;
	v19 =	vbroadcast v11, $0xC  }
0x14b: {  	v24 =	vld [tilespmem:s25+$0x20];
	v9 =	vmul.f32 v9, v23;
	[tilespmem:s22+$0xFFFFFFA0] =	vst v10;
	v10 =	vbroadcast v7, $0x0  }
0x14c: {  	v19 =	vmul.f32 v15, v19;
	v23 =	vld [tilespmem:s25+$0xFFFFFF30]  }
0x14d: {  	[tilespmem:s17+$0xFFFFFF80] =	vst v9;
	v9 =	vmul.f32 v10, v14  }
0x14e: {  	v21 =	vbroadcast v5, $0x2;
	[tilespmem:s23+$0xFFFFFFC0] =	vst v19;
	v10 =	vld [tilespmem:s14+$0xFFFFFF10];
	v6 =	vmul.f32 v6, v16  }
0x14f: {  	s16 =	simm.s32 $0x60;
	v19 =	vbroadcast v17, $0x3;
	v16 =	vld [tilespmem:s4+$0xFFFFFF50];
	[tilespmem:s17+$0x0] =	vst v9  }
0x150: {  	v9 =	vmul.f32 v24, v21;
	v21 =	vmov s16;
	[tilespmem:s23+$0x30] =	vst v6;
	v6 =	vld [tilespmem:s14+$0x80]  }
0x151: {  	v24 =	vbroadcast v25, $0x1;
	vm1 =	veq.s32 v21, v1;
	v19 =	vmul.f32 v23, v19;
	v31 =	vld [tilespmem:s4+$0xB0]  }
0x152: {  	[tilespmem:s22+$0x20] =	vst v9;
	v9 =	vbroadcast v11, $0x5;
	vm1 =	vmand vm1, vm0  }
0x153: {  	v32 =	vld [tilespmem:s25+$0xA0];
	v27 =	vsel vm1, $0xFFFFFFFF, v2;
	v10 =	vmul.f32 v10, v24;
	[tilespmem:s22+$0xFFFFFF30] =	vst v19;
	v24 =	vbroadcast v7, $0x8  }
0x154: {  	v9 =	vmul.f32 v16, v9;
	v16 =	vshll.u32 v27, $0x3;
	v34 =	vld [tilespmem:s25+$0xFFFFFFB0]  }
0x155: {  	v16 =	vadd.s32 s16, v16;
	[tilespmem:s17+$0xFFFFFF10] =	vst v10;
	v10 =	vmul.f32 v6, v24  }
0x156: {  	v28 =	vbroadcast v5, $0xA;
	[tilespmem:s23+$0xFFFFFF50] =	vst v9;
	v6 =	vadd.s32 v1, v16;
	v9 =	vld [tilespmem:s14+$0xFFFFFF90];
	v16 =	vmul.f32 v31, v22  }
0x157: {  	v48 =	vbroadcast v11, $0x6;
	v31 =	vbroadcast v17, $0xB;
	v22 =	vld [tilespmem:s4+$0xFFFFFFD0];
	v24 =	vand.u32 $0xFFFFFFF8, v6;
	[tilespmem:s17+$0x80] =	vst v10  }
0x158: {  	s6 =	simm.s32 $0x5700;
	v33 =	vbroadcast v5, $0x3;
	v10 =	vmul.f32 v32, v28;
	v24 =	vor.u32 v3, v24;
	[tilespmem:s23+$0xB0] =	vst v16;
	v16 =	vld [tilespmem:s14+$0x10]  }
0x159: {  	v63 =	vld [tilespmem:s6+$0xFFFFFF00];
	v28 =	vbroadcast v25, $0x9;
	v31 =	vmul.f32 v34, v31  }
0x15a: {  	v29 =	vbroadcast v5, $0x6;
	v61 =	vld [tilespmem:s4+$0x40];
	[tilespmem:s22+$0xA0] =	vst v10;
	v10 =	vbroadcast v11, $0xD  }
0x15b: {  	s24 =	simm.s32 $0x70;
	v62 =	vbroadcast v7, $0x1;
	v35 =	vld [tilespmem:s25+$0x30];
	v28 =	vmul.f32 v9, v28;
	[tilespmem:s22+$0xFFFFFFB0] =	vst v31  }
0x15c: {  	v38 =	vor.u32 s24, v1;
	v42 =	vbroadcast v25, $0x2;
	v10 =	vmul.f32 v22, v10;
	v31 =	vld [tilespmem:s25+$0xFFFFFF40]  }
0x15d: {  	v54 =	vbroadcast v25, $0xA;
	v9 =	vld.idx.msk [tilespmem:v24+s29+$0x0], $0xffff;
	[tilespmem:s17+$0xFFFFFF90] =	vst v28;
	v16 =	vmul.f32 v16, v62  }
0x15e: {  	v37 =	vbroadcast v7, $0x9;
	v39 =	vbroadcast v7, $0x2;
	[tilespmem:s23+$0xFFFFFFD0] =	vst v10;
	v10 =	vld [tilespmem:s14+$0xFFFFFF20]  }
0x15f: {  	v26 =	vmul.f32 v61, v26;
	v28 =	vld [tilespmem:s4+$0xFFFFFF60];
	[tilespmem:s17+$0x10] =	vst v16;
	v16 =	vbroadcast v17, $0x4  }
0x160: {  	v40 =	vbroadcast v7, $0xA;
	v36 =	vbroadcast v7, $0x3;
	v41 =	vld [tilespmem:s14+$0x90]  }
0x161: {  	v15 =	vbroadcast v5, $0xB;
	[tilespmem:s23+$0x40] =	vst v26;
	v26 =	vld.idx.msk [tilespmem:v38+s29+$0x0], $0xffff;
	v16 =	vmul.f32 v31, v16  }
0x162: {  	v33 =	vmul.f32 v35, v33;
	v43 =	vld [tilespmem:s4+$0xC0];
	v44 =	vbroadcast v9, $0x0  }
0x163: {  	v45 =	vld [tilespmem:s6+$0x0];
	v14 =	vbroadcast v5, $0x4;
	v10 =	vmul.f32 v10, v42;
	[tilespmem:s22+$0xFFFFFF40] =	vst v16  }
0x164: {  	v21 =	vbroadcast v5, $0x5;
	[tilespmem:s22+$0x30] =	vst v33;
	v16 =	vld [tilespmem:s25+$0xFFFFFFC0];
	v34 =	vmul.f32 v44, v63  }
0x165: {  	v23 =	vbroadcast v5, $0xC;
	s16 =	simm.s32 $0x9700;
	v55 =	vld [tilespmem:s25+$0xB0];
	[tilespmem:s17+$0xFFFFFF20] =	vst v10;
	v10 =	vmul.f32 v41, v37  }
0x166: {  	v49 =	vmul.f32 v28, v48;
	v51 =	vbroadcast v26, $0x0;
	v50 =	vld [tilespmem:s14+$0xFFFFFFA0];
	[tilespmem:s16+$0xFFFFFF00] =	vst v34  }
0x167: {  	v8 =	vmul.f32 v43, v8;
	[tilespmem:s17+$0x90] =	vst v10;
	v10 =	vbroadcast v17, $0xC;
	v34 =	vld [tilespmem:s6+$0xFFFFFF80]  }
0x168: {  	v19 =	vbroadcast v5, $0xD;
	[tilespmem:s23+$0xFFFFFF60] =	vst v49;
	v35 =	vmul.f32 v51, v45;
	v53 =	vld [tilespmem:s14+$0x20]  }
0x169: {  	v24 =	vbroadcast v7, $0xB;
	v52 =	vld [tilespmem:s4+$0xFFFFFFE0];
	[tilespmem:s23+$0xC0] =	vst v8;
	v16 =	vmul.f32 v16, v10  }
0x16a: {  	v57 =	vbroadcast v9, $0x8;
	v15 =	vmul.f32 v55, v15;
	v56 =	vld [tilespmem:s4+$0x50];
	[tilespmem:s16+$0x0] =	vst v35  }
0x16b: {  	v62 =	vbroadcast v17, $0x5;
	v58 =	vld [tilespmem:s6+$0x80];
	v37 =	vmul.f32 v50, v54;
	[tilespmem:s22+$0xFFFFFFC0] =	vst v16  }
0x16c: {  	v8 =	vbroadcast v11, $0xE;
	[tilespmem:s22+$0xB0] =	vst v15;
	v16 =	vld [tilespmem:s25+$0xFFFFFF50];
	v34 =	vmul.f32 v34, v57  }
0x16d: {  	v48 =	vbroadcast v25, $0x3;
	v49 =	vld [tilespmem:s25+$0x40];
	[tilespmem:s17+$0xFFFFFFA0] =	vst v37;
	v33 =	vmul.f32 v53, v39  }
0x16e: {  	v60 =	vbroadcast v26, $0x8;
	v41 =	vmul.f32 v52, v8;
	v59 =	vld [tilespmem:s14+$0xFFFFFF30];
	[tilespmem:s16+$0xFFFFFF80] =	vst v34  }
0x16f: {  	v44 =	vbroadcast v26, $0xA;
	v13 =	vmul.f32 v56, v13;
	[tilespmem:s17+$0x20] =	vst v33;
	v34 =	vld [tilespmem:s6+$0xFFFFFF10]  }
0x170: {  	v43 =	vbroadcast v26, $0x9;
	[tilespmem:s23+$0xFFFFFFE0] =	vst v41;
	v15 =	vmul.f32 v58, v60;
	v63 =	vld [tilespmem:s14+$0xA0]  }
0x171: {  	s1 =	simm.s32 $0x80;
	v45 =	vbroadcast v26, $0x2;
	v61 =	vld [tilespmem:s4+$0xFFFFFF70];
	[tilespmem:s23+$0x50] =	vst v13;
	v13 =	vmul.f32 v16, v62  }
0x172: {  	v14 =	vmul.f32 v49, v14;
	v16 =	vmov s1;
	v51 =	vld [tilespmem:s4+$0xD0];
	[tilespmem:s16+$0x80] =	vst v15;
	v15 =	vbroadcast v9, $0x1  }
0x173: {  	v35 =	vbroadcast v26, $0x3;
	vm1 =	veq.s32 v16, v1;
	v54 =	vld [tilespmem:s6+$0x10];
	v16 =	vmul.f32 v59, v48;
	[tilespmem:s22+$0xFFFFFF50] =	vst v13  }
0x174: {  	v50 =	vbroadcast v11, $0x7;
	[tilespmem:s22+$0x40] =	vst v14;
	vm1 =	vmand vm1, vm0;
	v13 =	vld [tilespmem:s25+$0xFFFFFFD0];
	v15 =	vmul.f32 v34, v15  }
0x175: {  	v11 =	vbroadcast v11, $0xF;
	v46 =	vld [tilespmem:s25+$0xC0];
	v55 =	vsel vm1, $0xFFFFFFFF, v2;
	[tilespmem:s17+$0xFFFFFF30] =	vst v16;
	v16 =	vmul.f32 v63, v40  }
0x176: {  	v52 =	vbroadcast v26, $0x1;
	v53 =	vmul.f32 v61, v50;
	v56 =	vshll.u32 v55, $0x3;
	v57 =	vld [tilespmem:s14+$0xFFFFFFB0];
	[tilespmem:s16+$0xFFFFFF10] =	vst v15  }
0x177: {  	s5 =	simm.s32 $0x90;
	v34 =	vadd.s32 s1, v56;
	v12 =	vmul.f32 v51, v12;
	v15 =	vbroadcast v17, $0xD;
	[tilespmem:s17+$0xA0] =	vst v16;
	v59 =	vld [tilespmem:s6+$0xFFFFFF90]  }
0x178: {  	v62 =	vor.u32 s5, v1;
	[tilespmem:s23+$0xFFFFFF70] =	vst v53;
	v16 =	vadd.s32 v1, v34;
	v14 =	vmul.f32 v54, v52;
	v60 =	vld [tilespmem:s14+$0x30]  }
0x179: {  	v61 =	vbroadcast v25, $0xB;
	v58 =	vld [tilespmem:s4+$0xFFFFFFF0];
	v16 =	vand.u32 $0xFFFFFFF8, v16;
	[tilespmem:s23+$0xD0] =	vst v12;
	v12 =	vmul.f32 v13, v15  }
0x17a: {  	v39 =	vbroadcast v26, $0xC;
	v33 =	vbroadcast v26, $0x4;
	v13 =	vor.u32 v3, v16;
	v47 =	vld [tilespmem:s4+$0x60];
	[tilespmem:s16+$0x10] =	vst v14  }
0x17b: {  	v14 =	vbroadcast v9, $0x9;
	v48 =	vld [tilespmem:s6+$0x90];
	v15 =	vmul.f32 v57, v61;
	[tilespmem:s22+$0xFFFFFFD0] =	vst v12  }
0x17c: {  	v40 =	vbroadcast v26, $0x5;
	v63 =	vbroadcast v25, $0x4;
	v49 =	vld [tilespmem:s25+$0xFFFFFF60]  }
0x17d: {  	v12 =	vmul.f32 v59, v14;
	[tilespmem:s17+$0xFFFFFFB0] =	vst v15;
	v42 =	vmul.f32 v60, v36;
	v36 =	vld.idx.msk [tilespmem:v62+s29+$0x0], $0xffff  }
0x17e: {  	v51 =	vbroadcast v17, $0x6;
	v53 =	vbroadcast v9, $0x2;
	v50 =	vld [tilespmem:s14+$0xFFFFFF40]  }
0x17f: {  	v34 =	vbroadcast v26, $0xB;
	v23 =	vmul.f32 v46, v23;
	v13 =	vld.idx.msk [tilespmem:v13+s29+$0x0], $0xffff;
	[tilespmem:s16+$0xFFFFFF90] =	vst v12  }
0x180: {  	s15 =	simm.s32 $0x5900;
	v16 =	vbroadcast v26, $0xD;
	v14 =	vbroadcast v26, $0xE;
	v52 =	vld [tilespmem:s6+$0xFFFFFF20]  }
0x181: {  	[tilespmem:s22+$0xC0] =	vst v23;
	v57 =	vld [tilespmem:s15+$0xFFFFFF00];
	v41 =	vmul.f32 v58, v11;
	v20 =	vmul.f32 v47, v20  }
0x182: {  	v58 =	vld [tilespmem:s15+$0x0];
	v11 =	vbroadcast v26, $0xF;
	[tilespmem:s17+$0x30] =	vst v42;
	v56 =	vmul.f32 v49, v51  }
0x183: {  	v15 =	vbroadcast v26, $0x6;
	[tilespmem:s23+$0x60] =	vst v20;
	v51 =	vld [tilespmem:s14+$0xB0];
	v37 =	vmul.f32 v50, v63  }
0x184: {  	v43 =	vmul.f32 v48, v43;
	v48 =	vld [tilespmem:s4+$0xE0];
	[tilespmem:s22+$0xFFFFFF60] =	vst v56;
	v59 =	vbroadcast v13, $0x0  }
0x185: {  	v60 =	vbroadcast v36, $0x0;
	v42 =	vld [tilespmem:s25+$0xFFFFFFE0];
	v52 =	vmul.f32 v52, v53;
	[tilespmem:s17+$0xFFFFFF40] =	vst v37  }
0x186: {  	v12 =	vbroadcast v26, $0x7;
	[tilespmem:s16+$0x90] =	vst v43;
	v61 =	vmul.f32 v59, v57;
	v26 =	vld [tilespmem:s14+$0xFFFFFFC0]  }
0x187: {  	s24 =	simm.s32 $0x9900;
	v27 =	vbroadcast v5, $0xE;
	v43 =	vld [tilespmem:s6+$0x20];
	v37 =	vmul.f32 v60, v58;
	[tilespmem:s16+$0xFFFFFF20] =	vst v52  }
0x188: {  	v23 =	vbroadcast v17, $0xE;
	v24 =	vmul.f32 v51, v24;
	v62 =	vld [tilespmem:s6+$0xFFFFFFA0];
	[tilespmem:s24+$0xFFFFFF00] =	vst v61  }
0x189: {  	v55 =	vbroadcast v25, $0xC;
	v63 =	vld [tilespmem:s25+$0x50];
	v53 =	vmul.f32 v48, v18;
	[tilespmem:s24+$0x0] =	vst v37  }
0x18a: {  	v32 =	vbroadcast v7, $0xC;
	v56 =	vld [tilespmem:s15+$0xFFFFFF80];
	[tilespmem:s17+$0xB0] =	vst v24;
	v23 =	vmul.f32 v42, v23  }
0x18b: {  	v57 =	vbroadcast v9, $0xA;
	v58 =	vld [tilespmem:s15+$0x80];
	[tilespmem:s23+$0xE0] =	vst v53;
	v26 =	vmul.f32 v26, v55  }
0x18c: {  	v22 =	vbroadcast v7, $0x4;
	v43 =	vmul.f32 v43, v45;
	v60 =	vld [tilespmem:s14+$0x40];
	[tilespmem:s22+$0xFFFFFFE0] =	vst v23  }
0x18d: {  	v59 =	vbroadcast v13, $0x8;
	v23 =	vld [tilespmem:s25+$0xFFFFFF70];
	v37 =	vmul.f32 v62, v57;
	[tilespmem:s17+$0xFFFFFFC0] =	vst v26  }
0x18e: {  	v20 =	vbroadcast v36, $0x8;
	v21 =	vmul.f32 v63, v21;
	[tilespmem:s16+$0x20] =	vst v43;
	v26 =	vld [tilespmem:s14+$0xFFFFFF50]  }
0x18f: {  	v38 =	vbroadcast v7, $0x6;
	v43 =	vld [tilespmem:s6+$0xA0];
	v42 =	vmul.f32 v56, v59;
	[tilespmem:s16+$0xFFFFFFA0] =	vst v37  }
0x190: {  	v24 =	vbroadcast v17, $0x7;
	[tilespmem:s22+$0x50] =	vst v21;
	v20 =	vmul.f32 v58, v20;
	v37 =	vld [tilespmem:s6+$0xFFFFFF30]  }
0x191: {  	v61 =	vbroadcast v25, $0x5;
	v22 =	vmul.f32 v60, v22;
	[tilespmem:s24+$0xFFFFFF80] =	vst v42  }
0x192: {  	v46 =	vbroadcast v36, $0x1;
	[tilespmem:s24+$0x80] =	vst v20;
	v21 =	vmul.f32 v23, v24;
	v23 =	vld [tilespmem:s15+$0xFFFFFF10]  }
0x193: {  	s10 =	simm.s32 $0xA0;
	v62 =	vld [tilespmem:s25+$0xD0];
	v20 =	vbroadcast v9, $0x3;
	[tilespmem:s17+$0x40] =	vst v22;
	v24 =	vmul.f32 v26, v61  }
0x194: {  	v47 =	vbroadcast v36, $0xB;
	v53 =	vld [tilespmem:s4+$0x70];
	v26 =	vmul.f32 v43, v44;
	[tilespmem:s22+$0xFFFFFF70] =	vst v21;
	v21 =	vmov s10  }
0x195: {  	v63 =	vld [tilespmem:s15+$0x10];
	vm1 =	veq.s32 v21, v1;
	v21 =	vbroadcast v13, $0x1;
	v20 =	vmul.f32 v37, v20;
	[tilespmem:s17+$0xFFFFFF50] =	vst v24  }
0x196: {  	v52 =	vbroadcast v36, $0x9;
	v51 =	vbroadcast v36, $0x2;
	v54 =	vld [tilespmem:s14+$0xC0];
	[tilespmem:s16+$0xA0] =	vst v26;
	vm1 =	vmand vm1, vm0  }
0x197: {  	s11 =	simm.s32 $0xB0;
	v18 =	vbroadcast v36, $0x7;
	v57 =	vld [tilespmem:s14+$0xFFFFFFD0];
	v26 =	vsel vm1, $0xFFFFFFFF, v2;
	v21 =	vmul.f32 v23, v21;
	[tilespmem:s16+$0xFFFFFF30] =	vst v20  }
0x198: {  	v59 =	vor.u32 s11, v1;
	v19 =	vmul.f32 v62, v19;
	v20 =	vshll.u32 v26, $0x3;
	v60 =	vld [tilespmem:s6+$0xFFFFFFB0]  }
0x199: {  	v45 =	vbroadcast v36, $0xA;
	v17 =	vbroadcast v17, $0xF;
	v44 =	vld [tilespmem:s25+$0xFFFFFFF0];
	v20 =	vadd.s32 s10, v20;
	[tilespmem:s24+$0xFFFFFF10] =	vst v21  }
0x19a: {  	v42 =	vbroadcast v36, $0x3;
	[tilespmem:s22+$0xD0] =	vst v19;
	v21 =	vbroadcast v25, $0xD;
	v19 =	vadd.s32 v1, v20;
	v61 =	vld [tilespmem:s15+$0xFFFFFF90]  }
0x19b: {  	v55 =	vld [tilespmem:s25+$0x60];
	v43 =	vmul.f32 v63, v46;
	v20 =	vbroadcast v9, $0xB;
	v19 =	vand.u32 $0xFFFFFFF8, v19  }
0x19c: {  	v22 =	vbroadcast v36, $0xD;
	v58 =	vld [tilespmem:s6+$0x30];
	v21 =	vmul.f32 v57, v21;
	v19 =	vor.u32 v3, v19  }
0x19d: {  	v62 =	vbroadcast v13, $0x9;
	[tilespmem:s24+$0x10] =	vst v43;
	v43 =	vld.idx.msk [tilespmem:v59+s29+$0x0], $0xffff;
	v50 =	vmul.f32 v60, v20  }
0x19e: {  	v24 =	vbroadcast v36, $0x4;
	v23 =	vbroadcast v36, $0x5;
	v37 =	vld [tilespmem:s15+$0x90];
	[tilespmem:s17+$0xFFFFFFD0] =	vst v21  }
0x19f: {  	v32 =	vmul.f32 v54, v32;
	v63 =	vld [tilespmem:s14+$0xFFFFFF60];
	v46 =	vmul.f32 v61, v62;
	[tilespmem:s16+$0xFFFFFFB0] =	vst v50  }
0x1a0: {  	v26 =	vbroadcast v36, $0xC;
	v44 =	vmul.f32 v44, v17;
	v57 =	vld [tilespmem:s6+$0xFFFFFF40]  }
0x1a1: {  	v17 =	vbroadcast v36, $0xF;
	v29 =	vmul.f32 v55, v29;
	v19 =	vld.idx.msk [tilespmem:v19+s29+$0x0], $0xffff;
	[tilespmem:s24+$0xFFFFFF90] =	vst v46  }
0x1a2: {  	s5 =	simm.s32 $0x5B00;
	v35 =	vmul.f32 v58, v35;
	v58 =	vbroadcast v25, $0x6;
	v59 =	vld [tilespmem:s15+$0xFFFFFF20]  }
0x1a3: {  	[tilespmem:s17+$0xC0] =	vst v32;
	v20 =	vbroadcast v36, $0xE;
	v37 =	vmul.f32 v37, v52;
	v61 =	vld [tilespmem:s5+$0xFFFFFF00]  }
0x1a4: {  	v60 =	vbroadcast v9, $0x4;
	[tilespmem:s16+$0x30] =	vst v35;
	v52 =	vld [tilespmem:s5+$0x0];
	v35 =	vmul.f32 v63, v58  }
0x1a5: {  	v21 =	vbroadcast v36, $0x6;
	v56 =	vld [tilespmem:s6+$0xB0];
	v62 =	vbroadcast v13, $0x2;
	[tilespmem:s24+$0x90] =	vst v37  }
0x1a6: {  	v36 =	vmul.f32 v57, v60;
	v57 =	vld [tilespmem:s15+$0x20];
	[tilespmem:s17+$0xFFFFFF60] =	vst v35;
	v60 =	vbroadcast v19, $0x0  }
0x1a7: {  	v31 =	vbroadcast v7, $0x5;
	[tilespmem:s22+$0x60] =	vst v29;
	v37 =	vld [tilespmem:s14+$0xFFFFFFE0];
	v32 =	vmul.f32 v59, v62  }
0x1a8: {  	v50 =	vld [tilespmem:s14+$0x50];
	v63 =	vbroadcast v43, $0x0;
	[tilespmem:s16+$0xFFFFFF40] =	vst v36;
	v61 =	vmul.f32 v60, v61  }
0x1a9: {  	s0 =	simm.s32 $0x9B00;
	v28 =	vbroadcast v7, $0xD;
	v55 =	vbroadcast v43, $0xA;
	v29 =	vld [tilespmem:s6+$0xFFFFFFC0];
	[tilespmem:s24+$0xFFFFFF20] =	vst v32  }
0x1aa: {  	v35 =	vmul.f32 v63, v52;
	v59 =	vld [tilespmem:s25+$0xE0];
	v62 =	vbroadcast v25, $0xE;
	[tilespmem:s0+$0xFFFFFF00] =	vst v61  }
0x1ab: {  	v54 =	vbroadcast v43, $0x8;
	v46 =	vld [tilespmem:s15+$0xFFFFFFA0];
	v60 =	vmul.f32 v57, v51;
	[tilespmem:$0x1FFF0] =	vst v55  }
0x1ac: {  	v63 =	vbroadcast v9, $0xC;
	v32 =	vmul.f32 v37, v62;
	[tilespmem:s0+$0x0] =	vst v35  }
0x1ad: {  	v48 =	vbroadcast v43, $0x9;
	v31 =	vmul.f32 v50, v31;
	v55 =	vld [tilespmem:s5+$0xFFFFFF80];
	[tilespmem:s24+$0x20] =	vst v60  }
0x1ae: {  	v61 =	vbroadcast v13, $0xA;
	v51 =	vld [tilespmem:s5+$0x80];
	v29 =	vmul.f32 v29, v63;
	[tilespmem:s17+$0xFFFFFFE0] =	vst v32  }
0x1af: {  	v49 =	vbroadcast v43, $0x2;
	v62 =	vmul.f32 v56, v34;
	[tilespmem:s17+$0x50] =	vst v31;
	v63 =	vld [tilespmem:s14+$0xFFFFFF70]  }
0x1b0: {  	v52 =	vbroadcast v19, $0x8;
	v56 =	vld [tilespmem:s15+$0xA0];
	v46 =	vmul.f32 v46, v61;
	[tilespmem:s16+$0xFFFFFFC0] =	vst v29  }
0x1b1: {  	v58 =	vbroadcast v43, $0x1;
	v36 =	vbroadcast v43, $0xB;
	[tilespmem:s16+$0xB0] =	vst v62;
	v29 =	vld [tilespmem:s6+$0xFFFFFF50]  }
0x1b2: {  	v60 =	vbroadcast v25, $0x7;
	v57 =	vmul.f32 v55, v52;
	[tilespmem:s24+$0xFFFFFFA0] =	vst v46;
	v46 =	vld [tilespmem:s6+$0x40]  }
0x1b3: {  	v37 =	vbroadcast v43, $0x3;
	[tilespmem:s23+$0xFFFFFFF0] =	vst v41;
	v51 =	vmul.f32 v51, v54;
	v54 =	vld [tilespmem:s15+$0xFFFFFF30]  }
0x1b4: {  	v31 =	vbroadcast v9, $0x5;
	v62 =	vld [tilespmem:s14+$0xD0];
	[tilespmem:s0+$0xFFFFFF80] =	vst v57;
	v61 =	vmul.f32 v63, v60  }
0x1b5: {  	v35 =	vbroadcast v43, $0x4;
	v45 =	vmul.f32 v56, v45;
	v63 =	vld [tilespmem:s5+$0xFFFFFF10];
	[tilespmem:s0+$0x80] =	vst v51  }
0x1b6: {  	s12 =	simm.s32 $0xC0;
	v60 =	vbroadcast v13, $0x3;
	v51 =	vld [tilespmem:s5+$0x10];
	v29 =	vmul.f32 v29, v31;
	[tilespmem:s17+$0xFFFFFF70] =	vst v61  }
0x1b7: {  	v34 =	vbroadcast v43, $0xC;
	[tilespmem:s24+$0xA0] =	vst v45;
	v31 =	vmov s12;
	v33 =	vmul.f32 v46, v33;
	v45 =	vld [tilespmem:s14+$0xFFFFFFF0]  }
0x1b8: {  	s10 =	simm.s32 $0xD0;
	vm1 =	veq.s32 v31, v1;
	v31 =	vbroadcast v19, $0x1;
	v61 =	vmul.f32 v54, v60;
	v54 =	vld [tilespmem:s15+$0x30];
	[tilespmem:s16+$0xFFFFFF50] =	vst v29  }
0x1b9: {  	v56 =	vor.u32 s10, v1;
	v28 =	vmul.f32 v62, v28;
	vm1 =	vmand vm1, vm0;
	v57 =	vld [tilespmem:s6+$0xFFFFFFD0];
	[tilespmem:s16+$0x40] =	vst v33  }
0x1ba: {  	v25 =	vbroadcast v25, $0xF;
	v62 =	vsel vm1, $0xFFFFFFFF, v2;
	v55 =	vmul.f32 v63, v31;
	[tilespmem:s24+$0xFFFFFF30] =	vst v61;
	v46 =	vld [tilespmem:s6+$0xC0]  }
0x1bb: {  	v32 =	vbroadcast v43, $0x5;
	[tilespmem:s17+$0xD0] =	vst v28;
	v29 =	vbroadcast v43, $0x6;
	v50 =	vshll.u32 v62, $0x3;
	v60 =	vld [tilespmem:s15+$0xFFFFFFB0]  }
0x1bc: {  	v63 =	vbroadcast v9, $0xD;
	v28 =	vmul.f32 v51, v58;
	v50 =	vadd.s32 s12, v50;
	[tilespmem:s0+$0xFFFFFF10] =	vst v55;
	v55 =	vld [tilespmem:s14+$0x60]  }
0x1bd: {  	[tilespmem:s22+$0xFFFFFFF0] =	vst v44;
	v58 =	vmul.f32 v59, v27;
	v27 =	vadd.s32 v1, v50;
	v50 =	vld [tilespmem:s5+$0xFFFFFF90];
	v42 =	vmul.f32 v54, v42  }
0x1be: {  	v61 =	vbroadcast v13, $0xB;
	[tilespmem:s0+$0x10] =	vst v28;
	v27 =	vand.u32 $0xFFFFFFF8, v27;
	v28 =	vld.idx.msk [tilespmem:v56+s29+$0x0], $0xffff;
	v51 =	vmul.f32 v57, v63  }
0x1bf: {  	v33 =	vbroadcast v43, $0xD;
	v31 =	vbroadcast v43, $0xE;
	v56 =	vor.u32 v3, v27;
	v57 =	vld [tilespmem:s5+$0x90];
	[tilespmem:s24+$0x30] =	vst v42  }
0x1c0: {  	v62 =	vbroadcast v19, $0x9;
	v63 =	vmul.f32 v60, v61;
	v54 =	vld [tilespmem:s15+$0xB0];
	[tilespmem:s16+$0xFFFFFFD0] =	vst v51  }
0x1c1: {  	s10 =	simm.s32 $0x5D00;
	v45 =	vmul.f32 v45, v25;
	[tilespmem:s22+$0xE0] =	vst v58;
	v39 =	vmul.f32 v46, v39;
	v59 =	vld [tilespmem:s6+$0xFFFFFF60]  }
0x1c2: {  	v38 =	vmul.f32 v55, v38;
	v55 =	vld [tilespmem:s10+$0x0];
	v42 =	vmul.f32 v50, v62;
	[tilespmem:s24+$0xFFFFFFB0] =	vst v63  }
0x1c3: {  	v25 =	vbroadcast v43, $0xF;
	v27 =	vbroadcast v43, $0x7;
	[tilespmem:s16+$0xC0] =	vst v39;
	v43 =	vld [tilespmem:s15+$0xFFFFFF40]  }
0x1c4: {  	v46 =	vbroadcast v9, $0x6;
	v39 =	vmul.f32 v53, v30;
	v30 =	vld.idx.msk [tilespmem:v56+s29+$0x0], $0xffff;
	[tilespmem:s0+$0xFFFFFF90] =	vst v42  }
0x1c5: {  	[tilespmem:s17+$0x60] =	vst v38;
	v48 =	vmul.f32 v57, v48;
	v38 =	vld [tilespmem:s5+$0xFFFFFF20]  }
0x1c6: {  	[tilespmem:s17+$0xFFFFFFF0] =	vst v45;
	v50 =	vbroadcast v28, $0x0;
	v63 =	vld [tilespmem:s10+$0xFFFFFF00];
	v62 =	vmul.f32 v59, v46  }
0x1c7: {  	v61 =	vbroadcast v13, $0x4;
	v60 =	vld [tilespmem:s6+$0x50];
	[tilespmem:s0+$0x90] =	vst v48  }
0x1c8: {  	v52 =	vbroadcast v19, $0x2;
	v50 =	vmul.f32 v50, v55;
	[tilespmem:s16+$0xFFFFFF60] =	vst v62;
	v62 =	vld [tilespmem:s5+$0x20]  }
0x1c9: {  	s1 =	simm.s32 $0x9D00;
	[tilespmem:s23+$0x70] =	vst v39;
	v42 =	vmul.f32 v43, v61;
	v61 =	vbroadcast v30, $0x0;
	v59 =	vld [tilespmem:s6+$0xFFFFFFE0]  }
0x1ca: {  	v6 =	vbroadcast v5, $0x7;
	[tilespmem:s1+$0x0] =	vst v50;
	v38 =	vmul.f32 v38, v52  }
0x1cb: {  	v5 =	vbroadcast v5, $0xF;
	v57 =	vld [tilespmem:s10+$0x80];
	[tilespmem:s24+$0xFFFFFF40] =	vst v42;
	v53 =	vmul.f32 v61, v63  }
0x1cc: {  	v47 =	vmul.f32 v54, v47;
	v63 =	vbroadcast v9, $0xE;
	v58 =	vld [tilespmem:s15+$0xFFFFFFC0];
	[tilespmem:s0+$0xFFFFFF20] =	vst v38  }
0x1cd: {  	v56 =	vbroadcast v28, $0x8;
	v40 =	vmul.f32 v60, v40;
	[tilespmem:s1+$0xFFFFFF00] =	vst v53;
	v55 =	vld [tilespmem:s5+$0xFFFFFFA0]  }
0x1ce: {  	[tilespmem:s24+$0xB0] =	vst v47;
	v50 =	vmul.f32 v62, v49;
	v38 =	vmul.f32 v59, v63;
	v59 =	vld [tilespmem:s10+$0xFFFFFF80]  }
0x1cf: {  	v10 =	vbroadcast v7, $0xE;
	v54 =	vbroadcast v13, $0xC;
	[tilespmem:s16+$0x50] =	vst v40  }
0x1d0: {  	v61 =	vbroadcast v19, $0xA;
	v60 =	vmul.f32 v57, v56;
	[tilespmem:s0+$0x20] =	vst v50  }
0x1d1: {  	v41 =	vld [tilespmem:s14+$0xE0];
	v62 =	vbroadcast v30, $0x8;
	v54 =	vmul.f32 v58, v54;
	[tilespmem:s16+$0xFFFFFFE0] =	vst v38  }
0x1d2: {  	v8 =	vbroadcast v7, $0x7;
	v39 =	vld [tilespmem:s4+$0xF0];
	[tilespmem:s1+$0x80] =	vst v60;
	v55 =	vmul.f32 v55, v61  }
0x1d3: {  	v7 =	vbroadcast v7, $0xF;
	v43 =	vld [tilespmem:s25+$0x70];
	[tilespmem:s24+$0xFFFFFFC0] =	vst v54;
	v54 =	vmul.f32 v59, v62  }
0x1d4: {  	v51 =	vbroadcast v28, $0x1;
	v45 =	vbroadcast v28, $0x2;
	v52 =	vld [tilespmem:s5+$0xA0];
	[tilespmem:s0+$0xFFFFFFA0] =	vst v55  }
0x1d5: {  	v44 =	vbroadcast v28, $0xA;
	v48 =	vbroadcast v28, $0x3;
	v58 =	vld [tilespmem:s6+$0xFFFFFF70];
	[tilespmem:s1+$0xFFFFFF80] =	vst v54  }
0x1d6: {  	v46 =	vbroadcast v28, $0x9;
	v47 =	vbroadcast v28, $0x6;
	v60 =	vld [tilespmem:$0x1FFF0]  }
0x1d7: {  	v40 =	vbroadcast v28, $0xE;
	v42 =	vbroadcast v28, $0xB;
	v63 =	vld [tilespmem:s15+$0xFFFFFF50]  }
0x1d8: {  	v53 =	vbroadcast v28, $0x4;
	v59 =	vbroadcast v9, $0x7;
	v55 =	vld [tilespmem:s15+$0x40]  }
0x1d9: {  	v49 =	vbroadcast v28, $0xC;
	v50 =	vbroadcast v28, $0xD;
	v56 =	vld [tilespmem:s5+$0xFFFFFF30]  }
0x1da: {  	v62 =	vbroadcast v13, $0x5;
	v54 =	vld [tilespmem:s6+$0xD0];
	v61 =	vmul.f32 v58, v59  }
0x1db: {  	s8 =	smov.u32 s30;
	v38 =	vbroadcast v28, $0x5;
	v57 =	vld [tilespmem:s10+$0xFFFFFF10];
	v60 =	vmul.f32 v52, v60  }
0x1dc: {  	s30 =	simm.s32 $0xC;
	s11 =	simm.s32 $0xE0;
	s4 =	simm.s32 $0x5D00;
	v58 =	vld [tilespmem:s10+$0x10];
	v59 =	vbroadcast v19, $0x3;
	[tilespmem:s16+$0xFFFFFF70] =	vst v61;
	v52 =	vmul.f32 v63, v62  }
.LBB2_9:
0x1dd: {  	v61 =	vmov s11;
	s12 =	sadd.s32 $0x10, s11;
	s30 =	sadd.s32 $0x2, s30;
	[tilespmem:s0+$0xA0] =	vst v60;
	v55 =	vmul.f32 v55, v24;
	v60 =	vld [tilespmem:s6+$0xFFFFFFF0];
	v41 =	vmul.f32 v41, v10;
	v24 =	vmovc v35;
	v35 =	vmovc v53  }
0x1de: {  	v53 =	vbroadcast v30, $0x1;
	v10 =	vmovc v14;
	vm1 =	veq.s32 v61, v1;
	p1 =	slt.u32 s30, $0x3E;
	v56 =	vmul.f32 v56, v59;
	v59 =	vld [tilespmem:s5+$0x30];
	[tilespmem:s24+$0xFFFFFF50] =	vst v52  }
0x1df: {  	v52 =	vor.u32 s12, v1;
	vm1 =	vmand vm1, vm0;
	v61 =	vld [tilespmem:s15+$0xFFFFFFD0];
	[tilespmem:s24+$0x40] =	vst v55;
	v63 =	vmul.f32 v54, v16;
	v16 =	vmovc v22;
	v22 =	vmovc v33  }
0x1e0: {  	v55 =	vbroadcast v9, $0xF;
	v9 =	vmovc v13;
	v13 =	vmovc v19;
	v62 =	vsel vm1, $0xFFFFFFFF, v2;
	v53 =	vmul.f32 v57, v53;
	[tilespmem:s0+$0xFFFFFF30] =	vst v56;
	v54 =	vld [tilespmem:s15+$0xC0]  }
0x1e1: {  	v19 =	vmovc v30;
	v33 =	vmovc v50;
	v57 =	vbroadcast v28, $0x7;
	v56 =	vshll.u32 v62, $0x3;
	v51 =	vmul.f32 v58, v51;
	v58 =	vld [tilespmem:s5+$0xFFFFFFB0];
	[tilespmem:s16+$0xD0] =	vst v63  }
0x1e2: {  	v14 =	vmovc v20;
	v20 =	vmovc v31;
	v50 =	vbroadcast v9, $0xD;
	v30 =	vadd.s32 s11, v56;
	[tilespmem:s1+$0xFFFFFF10] =	vst v53;
	v53 =	vmul.f32 v60, v55;
	v55 =	vld [tilespmem:s6+$0x60]  }
0x1e3: {  	v43 =	vmul.f32 v43, v6;
	v30 =	vadd.s32 v1, v30;
	v31 =	vld [tilespmem:s10+$0xFFFFFF90];
	[tilespmem:s1+$0x10] =	vst v51;
	v37 =	vmul.f32 v59, v37  }
0x1e4: {  	v6 =	vmovc v8;
	v30 =	vand.u32 $0xFFFFFFF8, v30;
	v51 =	vld.idx.msk [tilespmem:v52+s29+$0x0], $0xffff;
	v52 =	vbroadcast v13, $0xB;
	v50 =	vmul.f32 v61, v50;
	[tilespmem:s16+$0xFFFFFFF0] =	vst v53  }
0x1e5: {  	v8 =	vmovc v12;
	v28 =	vbroadcast v28, $0xF;
	v30 =	vor.u32 v3, v30;
	v53 =	vld [tilespmem:s10+$0x90];
	[tilespmem:s0+$0x30] =	vst v37;
	v26 =	vmul.f32 v54, v26  }
0x1e6: {  	v12 =	vmovc v18;
	v18 =	vmovc v27;
	v56 =	vbroadcast v19, $0x9;
	v27 =	vmov v57;
	v52 =	vmul.f32 v58, v52;
	v54 =	vld [tilespmem:s5+$0xB0];
	[tilespmem:s24+$0xFFFFFFD0] =	vst v50  }
0x1e7: {  	v39 =	vmul.f32 v39, v4;
	v4 =	vmovc v5;
	v5 =	vmov v7;
	v50 =	vld [tilespmem:s15+$0xFFFFFF60];
	[tilespmem:s24+$0xC0] =	vst v26;
	v57 =	vmul.f32 v55, v15  }
0x1e8: {  	v7 =	vmovc v11;
	v11 =	vmovc v17;
	v17 =	vmov v25;
	v25 =	vmov v28;
	v56 =	vmul.f32 v31, v56;
	[tilespmem:s0+$0xFFFFFFB0] =	vst v52;
	v52 =	vld [tilespmem:s15+$0x50]  }
0x1e9: {  	v37 =	vmovc v48;
	v15 =	vmovc v21;
	v21 =	vmov v29;
	v55 =	vld [tilespmem:s5+$0xFFFFFF40];
	[tilespmem:s16+$0x60] =	vst v57;
	v26 =	vmov v34;
	v34 =	vmov v49  }
0x1ea: {  	v48 =	vbroadcast v9, $0x6;
	v29 =	vmovc v47;
	v31 =	vmovc v40;
	v49 =	vbroadcast v51, $0x0;
	v28 =	vmov v51;
	v30 =	vld.idx.msk [tilespmem:v30+s29+$0x0], $0xffff;
	[tilespmem:s1+$0xFFFFFF90] =	vst v56  }
0x1eb: {  	v40 =	vbroadcast v28, $0x8;
	v51 =	vbroadcast v28, $0x1;
	v47 =	vld [tilespmem:s10+$0xFFFFFF20];
	[tilespmem:s17+$0xE0] =	vst v41  }
0x1ec: {  	v56 =	vbroadcast v13, $0x4;
	s10 =	sadd.s32 $0x200, s10;
	v48 =	vmul.f32 v50, v48;
	v41 =	vld [tilespmem:s6+$0xE0];
	[tilespmem:s22+$0x70] =	vst v43  }
0x1ed: {  	v50 =	vmul.f32 v53, v46;
	v46 =	vbroadcast v28, $0x9;
	v43 =	vld [tilespmem:s10+$0xFFFFFF00];
	[tilespmem:s23+$0xF0] =	vst v39;
	s23 =	smov.u32 s22;
	s22 =	smov.u32 s17;
	s17 =	smov.u32 s16  }
0x1ee: {  	v53 =	vbroadcast v19, $0x2;
	s16 =	smov.u32 s24;
	v39 =	vld [tilespmem:s10+$0x0];
	v55 =	vmul.f32 v55, v56;
	[tilespmem:s24+$0xFFFFFF60] =	vst v48;
	s24 =	smov.u32 s0;
	s0 =	smov.u32 s1  }
0x1ef: {  	v58 =	vbroadcast v28, $0xA;
	v56 =	vbroadcast v28, $0x2;
	[tilespmem:s1+$0x90] =	vst v50;
	v50 =	vld [tilespmem:s15+$0xFFFFFFE0]  }
0x1f0: {  	v57 =	vbroadcast v30, $0x0;
	v47 =	vmul.f32 v47, v53;
	v59 =	vld [tilespmem:s4+$0x20];
	[tilespmem:s24+$0xFFFFFF40] =	vst v55  }
0x1f1: {  	v48 =	vbroadcast v28, $0x3;
	v53 =	vbroadcast v28, $0xB;
	v55 =	vld [tilespmem:s5+$0xFFFFFFC0]  }
0x1f2: {  	v57 =	vmul.f32 v57, v43;
	[tilespmem:s1+$0xFFFFFF20] =	vst v47;
	v47 =	vbroadcast v9, $0xE;
	v43 =	vld [tilespmem:s14+$0x70]  }
0x1f3: {  	v54 =	vmul.f32 v54, v36;
	v36 =	vmovc v42;
	s1 =	sadd.s32 $0x200, s1;
	v42 =	vmov v53;
	v49 =	vmul.f32 v49, v39;
	v60 =	vld [tilespmem:s4+$0xFFFFFFA0]  }
0x1f4: {  	[tilespmem:s1+$0xFFFFFF00] =	vst v57;
	v57 =	vbroadcast v13, $0xC;
	v47 =	vmul.f32 v50, v47;
	v39 =	vld [tilespmem:s25+$0xF0];
	s25 =	smov.u32 s14;
	s14 =	smov.u32 s6;
	s6 =	smov.u32 s15  }
0x1f5: {  	v53 =	vbroadcast v28, $0x4;
	s15 =	smov.u32 s5;
	s5 =	smov.u32 s4;
	s4 =	smov.u32 s10;
	v61 =	vld [tilespmem:s10+$0xFFFFFF80];
	[tilespmem:s1+$0x0] =	vst v49;
	v50 =	vmul.f32 v59, v45;
	v45 =	vmov v56  }
0x1f6: {  	v59 =	vbroadcast v19, $0xA;
	v56 =	vld [tilespmem:s10+$0x80];
	v55 =	vmul.f32 v55, v57;
	[tilespmem:s16+$0xFFFFFFE0] =	vst v47  }
0x1f7: {  	v49 =	vbroadcast v28, $0xC;
	v47 =	vbroadcast v28, $0x5;
	[tilespmem:s0+$0x20] =	vst v50;
	v57 =	vld [tilespmem:s6+$0xFFFFFF70]  }
0x1f8: {  	v62 =	vbroadcast v30, $0x8;
	v59 =	vmul.f32 v60, v59;
	v60 =	vld [tilespmem:s5+$0xA0];
	[tilespmem:s24+$0xFFFFFFC0] =	vst v55  }
0x1f9: {  	v52 =	vmul.f32 v52, v23;
	v23 =	vmovc v32;
	v32 =	vmovc v38;
	v50 =	vbroadcast v28, $0xD;
	v38 =	vmov v47;
	v63 =	vld [tilespmem:s15+$0xFFFFFF50];
	[tilespmem:s24+$0xB0] =	vst v54  }
.Ltmp3:
0x1fa: {  	v54 =	vmul.f32 v61, v62;
	[tilespmem:s0+$0xFFFFFFA0] =	vst v59;
	v55 =	vld [tilespmem:s15+$0x40];
	v59 =	vbroadcast v9, $0x7;
	(pc) =	sbr.rel @p1 .LBB2_9-.Ltmp3, $4  }
0x1fb: {  	v47 =	vbroadcast v28, $0x6;
	v40 =	vmul.f32 v56, v40;
	v56 =	vld [tilespmem:s5+$0xFFFFFF30];
	[tilespmem:s16+$0x50] =	vst v52  }
0x1fc: {  	v52 =	vbroadcast v13, $0x5;
	[tilespmem:s1+$0xFFFFFF80] =	vst v54;
	v61 =	vmul.f32 v57, v59;
	v54 =	vld [tilespmem:s6+$0xD0]  }
0x1fd: {  	v57 =	vld [tilespmem:s10+$0xFFFFFF10];
	[tilespmem:s1+$0x80] =	vst v40;
	v40 =	vbroadcast v28, $0xE;
	v60 =	vmul.f32 v60, v44;
	v44 =	vmov v58  }
0x1fe: {  	s11 =	sadd.s32 $0x20, s11;
	v59 =	vbroadcast v19, $0x3;
	v58 =	vld [tilespmem:s10+$0x10];
	v52 =	vmul.f32 v63, v52;
	[tilespmem:s16+$0xFFFFFF70] =	vst v61  }
0x1ff: {  	_ = 	snop  }
0x200: {  	v61 =	vbroadcast v30, $0x1;
	_ =	sdelay $0x1  }
0x201: {  	v57 =	vmul.f32 v57, v61;
	_ =	sdelay $0x1  }
0x202: {  	[tilespmem:s1+$0xFFFFFF10] =	vst v57  }
0x203: {  	v57 =	vld [tilespmem:s10+$0xFFFFFF90]  }
0x204: {  	v51 =	vmul.f32 v58, v51;
	_ =	sdelay $0x1  }
0x205: {  	v61 =	vbroadcast v30, $0x9;
	[tilespmem:s1+$0x10] =	vst v51  }
0x206: {  	v62 =	vld [tilespmem:s10+$0x90]  }
0x207: {  	v51 =	vmul.f32 v57, v61;
	_ =	sdelay $0x1  }
0x208: {  	[tilespmem:s1+$0xFFFFFF90] =	vst v51  }
0x209: {  	v51 =	vld [tilespmem:s10+$0xFFFFFF20]  }
0x20a: {  	v46 =	vmul.f32 v62, v46;
	_ =	sdelay $0x1  }
0x20b: {  	v63 =	vbroadcast v30, $0x2;
	[tilespmem:s1+$0x90] =	vst v46  }
0x20c: {  	v46 =	vld [tilespmem:s4+$0x20]  }
0x20d: {  	v51 =	vmul.f32 v51, v63;
	_ =	sdelay $0x1  }
0x20e: {  	[tilespmem:s1+$0xFFFFFF20] =	vst v51  }
0x20f: {  	v51 =	vld [tilespmem:s4+$0xFFFFFFA0]  }
0x210: {  	v45 =	vmul.f32 v46, v45;
	_ =	sdelay $0x1  }
0x211: {  	v58 =	vbroadcast v30, $0xA;
	[tilespmem:s1+$0x20] =	vst v45  }
0x212: {  	v45 =	vld [tilespmem:s4+$0xA0]  }
0x213: {  	v46 =	vmul.f32 v51, v58;
	_ =	sdelay $0x1  }
0x214: {  	[tilespmem:s1+$0xFFFFFFA0] =	vst v46  }
0x215: {  	v46 =	vld [tilespmem:s4+$0xFFFFFF30]  }
0x216: {  	v44 =	vmul.f32 v45, v44  }
0x217: {  	[tilespmem:s0+$0xA0] =	vst v60  }
0x218: {  	v61 =	vmul.f32 v56, v59;
	v62 =	vld [tilespmem:s5+$0x30];
	v63 =	vbroadcast v30, $0x3;
	[tilespmem:s1+$0xA0] =	vst v44  }
0x219: {  	v44 =	vld [tilespmem:s4+$0x30]  }
0x21a: {  	[tilespmem:s0+$0xFFFFFF30] =	vst v61;
	v56 =	vmul.f32 v46, v63  }
0x21b: {  	v57 =	vld [tilespmem:s5+$0xFFFFFFB0]  }
0x21c: {  	[tilespmem:s1+$0xFFFFFF30] =	vst v56  }
0x21d: {  	v37 =	vmul.f32 v62, v37;
	v45 =	vld [tilespmem:s4+$0xFFFFFFB0]  }
0x21e: {  	v58 =	vbroadcast v19, $0xB;
	v44 =	vmul.f32 v44, v48  }
0x21f: {  	[tilespmem:s0+$0x30] =	vst v37  }
0x220: {  	v61 =	vbroadcast v30, $0xB;
	v60 =	vld [tilespmem:s5+$0xB0];
	v59 =	vmul.f32 v57, v58;
	[tilespmem:s1+$0x30] =	vst v44  }
0x221: {  	v44 =	vld [tilespmem:s4+$0xB0]  }
0x222: {  	[tilespmem:s0+$0xFFFFFFB0] =	vst v59;
	v62 =	vmul.f32 v45, v61  }
0x223: {  	v63 =	vld [tilespmem:s5+$0xFFFFFF40]  }
0x224: {  	[tilespmem:s1+$0xFFFFFFB0] =	vst v62  }
0x225: {  	v36 =	vmul.f32 v60, v36;
	v37 =	vld [tilespmem:s4+$0xFFFFFF40]  }
0x226: {  	v48 =	vbroadcast v19, $0x4;
	v42 =	vmul.f32 v44, v42  }
0x227: {  	[tilespmem:s0+$0xB0] =	vst v36  }
0x228: {  	v57 =	vbroadcast v30, $0x4;
	v56 =	vld [tilespmem:s5+$0x40];
	v51 =	vmul.f32 v63, v48;
	[tilespmem:s1+$0xB0] =	vst v42  }
0x229: {  	v42 =	vld [tilespmem:s4+$0x40]  }
0x22a: {  	[tilespmem:s0+$0xFFFFFF40] =	vst v51;
	v58 =	vmul.f32 v37, v57  }
0x22b: {  	v59 =	vld [tilespmem:s5+$0xFFFFFFC0]  }
0x22c: {  	v24 =	vmul.f32 v55, v24;
	[tilespmem:s1+$0xFFFFFF40] =	vst v58  }
0x22d: {  	v35 =	vmul.f32 v56, v35;
	v36 =	vld [tilespmem:s4+$0xFFFFFFC0]  }
0x22e: {  	[tilespmem:s24+$0x40] =	vst v24;
	v60 =	vbroadcast v19, $0xC;
	v42 =	vmul.f32 v42, v53  }
0x22f: {  	v61 =	vld [tilespmem:s15+$0xC0];
	[tilespmem:s0+$0x40] =	vst v35  }
0x230: {  	v35 =	vld [tilespmem:s5+$0xC0];
	v62 =	vbroadcast v30, $0xC;
	v24 =	vmul.f32 v59, v60;
	[tilespmem:s1+$0x40] =	vst v42  }
0x231: {  	[tilespmem:s24+$0xFFFFFF50] =	vst v52;
	v42 =	vld [tilespmem:s4+$0xC0]  }
0x232: {  	v63 =	vld [tilespmem:s15+$0xFFFFFFD0];
	[tilespmem:s0+$0xFFFFFFC0] =	vst v24;
	v48 =	vmul.f32 v36, v62  }
0x233: {  	v51 =	vld [tilespmem:s5+$0xFFFFFF50]  }
0x234: {  	v26 =	vmul.f32 v61, v26;
	[tilespmem:s1+$0xFFFFFFC0] =	vst v48  }
0x235: {  	v52 =	vbroadcast v13, $0xD;
	v34 =	vmul.f32 v35, v34;
	v53 =	vld [tilespmem:s4+$0xFFFFFF50]  }
0x236: {  	v55 =	vbroadcast v19, $0x5;
	[tilespmem:s24+$0xC0] =	vst v26;
	v56 =	vmul.f32 v42, v49  }
0x237: {  	v24 =	vmul.f32 v63, v52;
	v57 =	vld [tilespmem:s15+$0x50];
	[tilespmem:s0+$0xC0] =	vst v34  }
0x238: {  	v34 =	vld [tilespmem:s5+$0x50];
	v58 =	vbroadcast v30, $0x5;
	v26 =	vmul.f32 v51, v55;
	[tilespmem:s1+$0xC0] =	vst v56  }
0x239: {  	[tilespmem:s24+$0xFFFFFFD0] =	vst v24;
	v59 =	vld [tilespmem:s4+$0x50]  }
0x23a: {  	v60 =	vld [tilespmem:s15+$0xFFFFFF60];
	[tilespmem:s0+$0xFFFFFF50] =	vst v26;
	v61 =	vmul.f32 v53, v58  }
0x23b: {  	v16 =	vmul.f32 v54, v16;
	v62 =	vld [tilespmem:s5+$0xFFFFFFD0]  }
0x23c: {  	v63 =	vld [tilespmem:s6+$0xFFFFFFF0];
	v23 =	vmul.f32 v57, v23;
	[tilespmem:s1+$0xFFFFFF50] =	vst v61  }
0x23d: {  	[tilespmem:s16+$0xD0] =	vst v16;
	v16 =	vbroadcast v13, $0x6;
	v42 =	vmul.f32 v34, v32;
	v44 =	vld [tilespmem:s4+$0xFFFFFFD0]  }
0x23e: {  	v46 =	vbroadcast v19, $0xD;
	v45 =	vld [tilespmem:s6+$0x60];
	[tilespmem:s24+$0x50] =	vst v23;
	v24 =	vmul.f32 v59, v38  }
0x23f: {  	v9 =	vbroadcast v9, $0xF;
	v16 =	vmul.f32 v60, v16;
	v48 =	vld [tilespmem:s15+$0xD0];
	[tilespmem:s0+$0x50] =	vst v42  }
0x240: {  	v49 =	vbroadcast v30, $0xD;
	v26 =	vld [tilespmem:s5+$0xD0];
	v23 =	vmul.f32 v62, v46;
	[tilespmem:s1+$0x50] =	vst v24  }
0x241: {  	v9 =	vmul.f32 v63, v9;
	[tilespmem:s24+$0xFFFFFF60] =	vst v16;
	v16 =	vld [tilespmem:s4+$0xD0]  }
0x242: {  	v51 =	vld [tilespmem:s15+$0xFFFFFFE0];
	[tilespmem:s0+$0xFFFFFFD0] =	vst v23;
	v52 =	vmul.f32 v44, v49  }
0x243: {  	[tilespmem:s16+$0xFFFFFFF0] =	vst v9;
	v9 =	vmul.f32 v45, v15;
	v15 =	vld [tilespmem:s5+$0xFFFFFF60]  }
0x244: {  	v22 =	vmul.f32 v48, v22;
	[tilespmem:s1+$0xFFFFFFD0] =	vst v52  }
0x245: {  	[tilespmem:s16+$0x60] =	vst v9;
	v9 =	vbroadcast v13, $0xE;
	v53 =	vmul.f32 v26, v33;
	v54 =	vld [tilespmem:s4+$0xFFFFFF60]  }
0x246: {  	v55 =	vbroadcast v19, $0x6;
	[tilespmem:s24+$0xD0] =	vst v22;
	v16 =	vmul.f32 v16, v50  }
0x247: {  	v9 =	vmul.f32 v51, v9;
	v56 =	vld [tilespmem:s15+$0x60];
	[tilespmem:s0+$0xD0] =	vst v53  }
0x248: {  	v58 =	vbroadcast v30, $0x6;
	v57 =	vld [tilespmem:s5+$0x60];
	v15 =	vmul.f32 v15, v55;
	[tilespmem:s1+$0xD0] =	vst v16  }
0x249: {  	v10 =	vmul.f32 v41, v10;
	[tilespmem:s24+$0xFFFFFFE0] =	vst v9;
	v9 =	vld [tilespmem:s4+$0x60]  }
0x24a: {  	[tilespmem:s0+$0xFFFFFF60] =	vst v15;
	v16 =	vld [tilespmem:s15+$0xFFFFFF70];
	v15 =	vmul.f32 v54, v58  }
0x24b: {  	v6 =	vmul.f32 v43, v6;
	[tilespmem:s17+$0xE0] =	vst v10;
	v10 =	vld [tilespmem:s5+$0xFFFFFFE0]  }
0x24c: {  	v21 =	vmul.f32 v56, v21;
	[tilespmem:s1+$0xFFFFFF60] =	vst v15  }
0x24d: {  	[tilespmem:s22+$0x70] =	vst v6;
	v6 =	vbroadcast v13, $0x7;
	v15 =	vmul.f32 v57, v29;
	v59 =	vld [tilespmem:s4+$0xFFFFFFE0]  }
0x24e: {  	v60 =	vld [tilespmem:s6+$0xE0];
	v61 =	vbroadcast v19, $0xE;
	[tilespmem:s24+$0x60] =	vst v21;
	v9 =	vmul.f32 v9, v47  }
0x24f: {  	v6 =	vmul.f32 v16, v6;
	v16 =	vld [tilespmem:s15+$0xE0];
	[tilespmem:s0+$0x60] =	vst v15  }
0x250: {  	v62 =	vbroadcast v30, $0xE;
	v10 =	vmul.f32 v10, v61;
	[tilespmem:s1+$0x60] =	vst v9;
	v15 =	vld [tilespmem:s5+$0xE0]  }
0x251: {  	v4 =	vmul.f32 v39, v4;
	[tilespmem:s24+$0xFFFFFF70] =	vst v6;
	v6 =	vld [tilespmem:s4+$0xE0]  }
0x252: {  	[tilespmem:s0+$0xFFFFFFE0] =	vst v10;
	v9 =	vld [tilespmem:s15+$0xFFFFFFF0];
	v10 =	vmul.f32 v59, v62  }
0x253: {  	[tilespmem:s23+$0xF0] =	vst v4;
	v4 =	vmul.f32 v60, v14;
	v14 =	vld [tilespmem:s5+$0xFFFFFF70]  }
0x254: {  	v63 =	vld [tilespmem:s14+$0x70];
	v16 =	vmul.f32 v16, v20;
	[tilespmem:s1+$0xFFFFFFE0] =	vst v10  }
0x255: {  	[tilespmem:s16+$0xE0] =	vst v4;
	v10 =	vbroadcast v13, $0xF;
	v13 =	vmul.f32 v15, v31;
	v4 =	vld [tilespmem:s4+$0xFFFFFF70]  }
0x256: {  	v20 =	vbroadcast v19, $0x7;
	[tilespmem:s24+$0xE0] =	vst v16;
	v6 =	vmul.f32 v6, v40;
	v15 =	vld [tilespmem:s6+$0x70]  }
0x257: {  	v9 =	vmul.f32 v9, v10;
	v10 =	vld [tilespmem:s15+$0x70];
	[tilespmem:s0+$0xE0] =	vst v13  }
0x258: {  	[tilespmem:s1+$0xE0] =	vst v6;
	v13 =	vmul.f32 v14, v20;
	v14 =	vbroadcast v30, $0x7;
	v16 =	vld [tilespmem:s5+$0x70]  }
0x259: {  	v6 =	vmul.f32 v63, v8;
	v8 =	vld [tilespmem:s4+$0x70];
	[tilespmem:s24+$0xFFFFFFF0] =	vst v9  }
0x25a: {  	v9 =	vld [tilespmem:s25+$0xF0];
	[tilespmem:s0+$0xFFFFFF70] =	vst v13;
	v4 =	vmul.f32 v4, v14  }
0x25b: {  	[tilespmem:s17+$0x70] =	vst v6;
	v6 =	vld [tilespmem:s5+$0xFFFFFFF0];
	v12 =	vmul.f32 v15, v12  }
0x25c: {  	v13 =	vbroadcast v28, $0x7;
	v14 =	vld [tilespmem:s14+$0xF0];
	[tilespmem:s1+$0xFFFFFF70] =	vst v4;
	v4 =	vmul.f32 v10, v18  }
0x25d: {  	[tilespmem:s16+$0x70] =	vst v12;
	v12 =	vmul.f32 v16, v27;
	v10 =	vld [tilespmem:s4+$0xFFFFFFF0]  }
0x25e: {  	v15 =	vbroadcast v19, $0xF;
	v16 =	vld [tilespmem:s6+$0xF0];
	[tilespmem:s24+$0x70] =	vst v4;
	v4 =	vmul.f32 v8, v13  }
0x25f: {  	v5 =	vmul.f32 v9, v5;
	[tilespmem:s0+$0x70] =	vst v12;
	v8 =	vld [tilespmem:s15+$0xF0]  }
0x260: {  	v9 =	vbroadcast v30, $0xF;
	v6 =	vmul.f32 v6, v15;
	v12 =	vld [tilespmem:s5+$0xF0];
	[tilespmem:s1+$0x70] =	vst v4  }
0x261: {  	[tilespmem:s22+$0xF0] =	vst v5;
	v4 =	vmul.f32 v14, v7;
	v5 =	vld [tilespmem:s4+$0xF0]  }
0x262: {  	[tilespmem:s0+$0xFFFFFFF0] =	vst v6;
	v6 =	vmul.f32 v10, v9  }
0x263: {  	[tilespmem:s17+$0xF0] =	vst v4;
	v4 =	vmul.f32 v16, v11  }
0x264: {  	v7 =	vbroadcast v28, $0xF;
	[tilespmem:s1+$0xFFFFFFF0] =	vst v6;
	v6 =	vmul.f32 v8, v17  }
0x265: {  	[tilespmem:s16+$0xF0] =	vst v4;
	v4 =	vmul.f32 v12, v25  }
0x266: {  	[tilespmem:s24+$0xF0] =	vst v6;
	v5 =	vmul.f32 v5, v7  }
0x267: {  	[tilespmem:s0+$0xF0] =	vst v4  }
0x268: {  	s11 =	sshll.u32 s21, $0x9;
	[tilespmem:s1+$0xF0] =	vst v5  }
0x269: {  	s12 =	simm.s32 $0x5000;
	s0 =	sshrl.u32 s11, $0x2;
	s1 =	rddreg [dreg:$0x7]  }
0x26a: {  	[tilespmem:s12], [sflag:$0x2] =	stream.indirect.gather [hbm4b:s1+s31], $0x80, s0, s31, $0xb8;
	[tilespmem:$0x1ABC8] =	vst v63  }
0x26b: {  	s14 =	rddreg [dreg:$0x4];
	s15 =	simm.s32 $0x9000  }
0x26c: {  	[spmem:s14] =	stream.indirect.scatter.add.f32 [tilespmem:s15], [sflag:$0x4], $0x80, s20, s31, $0xb8;
	[tilespmem:$0x1ABC8] =	vst v63  }
0x26d: {  	_ =	swait.ge [sflag:s7], $0x400  }
0x26e: {  	[sflag:s7] =	ssyncset.done $0x0  }
0x26f: {  	[sflag:s7] =	ssyncadd.s32 $0xFFFFFC00  }
0x270: {  	s17 =	simm.s32 $0x0;
	s16 =	simm.s32 $0x30;
	_ =	swait.ge [sflag:s7], $0x400  }
0x271: {  	v4 =	vor.u32 s16, v1;
	v5 =	vmov s17;
	s20 =	simm.s32 $0x10;
	[sflag:s7] =	ssyncset.done $0x0  }
0x272: {  	s21 =	simm.s32 $0x3;
	vm1 =	veq.s32 v5, v1;
	v7 =	vor.u32 s20, v1;
	[sflag:s7] =	ssyncadd.s32 $0xFFFFFC00  }
0x273: {  	s22 =	simm.s32 $0x20;
	vm1 =	vmand vm1, vm0;
	_ =	swait.ge [sflag:s21], $0x400  }
0x274: {  	v8 =	vor.u32 s22, v1;
	v5 =	vsel vm1, $0xFFFFFFFF, v2;
	[sflag:s21] =	ssyncset.done $0x0  }
0x275: {  	v5 =	vshll.u32 v5, $0x3;
	[sflag:s21] =	ssyncadd.s32 $0xFFFFFC00  }
0x276: {  	v5 =	vadd.s32 s17, v5;
	v11 =	vld.idx.msk [tilespmem:v4+s3+$0x0], $0xffff  }
0x277: {  	v5 =	vadd.s32 v1, v5;
	v9 =	vld.idx.msk [tilespmem:v7+s3+$0x0], $0xffff  }
0x278: {  	v5 =	vand.u32 $0xFFFFFFF8, v5;
	v10 =	vld.idx.msk [tilespmem:v7+s26+$0x0], $0xffff  }
0x279: {  	v6 =	vor.u32 v3, v5;
	v12 =	vld.idx.msk [tilespmem:v8+s3+$0x0], $0xffff  }
0x27a: {  	v13 =	vld.idx.msk [tilespmem:v8+s26+$0x0], $0xffff  }
0x27b: {  	s24 =	simm.s32 $0x40;
	v14 =	vld.idx.msk [tilespmem:v4+s26+$0x0], $0xffff  }
0x27c: {  	v16 =	vmov s24  }
0x27d: {  	vm1 =	veq.s32 v16, v1  }
0x27e: {  	s23 =	simm.s32 $0x70;
	vm1 =	vmand vm1, vm0;
	v17 =	vld.idx.msk [tilespmem:v6+s3+$0x0], $0xffff  }
0x27f: {  	s30 =	simm.s32 $0x60;
	s25 =	simm.s32 $0x50;
	v5 =	vor.u32 s23, v1;
	v16 =	vld.idx.msk [tilespmem:v6+s26+$0x0], $0xffff;
	v15 =	vadd.f32 v10, v9;
	v12 =	vadd.f32 v13, v12  }
0x280: {  	v10 =	vor.u32 s25, v1;
	v9 =	vor.u32 s30, v1;
	v14 =	vadd.f32 v14, v11  }
0x281: {  	v11 =	vsel vm1, $0xFFFFFFFF, v2;
	v13 =	vmul.f32 $2.000000030e-01, v15;
	v18 =	vmul.f32 $2.000000030e-01, v12  }
0x282: {  	v19 =	vshll.u32 v11, $0x3;
	vm1 =	vgt.f32 v15, $0.0e+00;
	vm2 =	vgt.f32 v12, $0.0e+00  }
0x283: {  	v20 =	vmul.f32 $2.000000030e-01, v14;
	v15 =	vsel vm1, v15, v13;
	v12 =	vsel vm2, v12, v18  }
0x284: {  	v11 =	vld.idx.msk [tilespmem:v5+s3+$0x0], $0xffff;
	v18 =	vadd.f32 v16, v17;
	v17 =	vadd.s32 s24, v19;
	v16 =	vmul.f32 $1.442695020e+00, v15  }
0x285: {  	vm1 =	vgt.f32 v14, $0.0e+00;
	v13 =	vld.idx.msk [tilespmem:v10+s3+$0x0], $0xffff;
	v12 =	vmul.f32 $1.442695020e+00, v12;
	v17 =	vadd.s32 v1, v17  }
0x286: {  	v14 =	vsel vm1, v14, v20;
	v15 =	vld.idx.msk [tilespmem:v10+s26+$0x0], $0xffff;
	v17 =	vand.u32 $0xFFFFFFF8, v17;
	(erf) = vpow2.f32 v16  }
0x287: {  	v19 =	vmul.f32 $1.442695020e+00, v14;
	v14 =	vld.idx.msk [tilespmem:v9+s3+$0x0], $0xffff;
	(erf) = vpow2.f32 v12;
	v12 =	vor.u32 v3, v17  }
0x288: {  	v20 =	vmul.f32 $2.000000030e-01, v18;
	v16 =	vld.idx.msk [tilespmem:v9+s26+$0x0], $0xffff  }
0x289: {  	vm1 =	vgt.f32 v18, $0.0e+00;
	v17 =	vld.idx.msk [tilespmem:v5+s26+$0x0], $0xffff  }
0x28a: {  	s4 =	simm.s32 $0xB0;
	s1 =	simm.s32 $0x4;
	v18 =	vsel vm1, v18, v20;
	(erf) = vpow2.f32 v19  }
.LBB2_11:
0x28b: {  	s5 =	sadd.s32 $0xFFFFFFD0, s4;
	s6 =	sadd.s32 $0xFFFFFFE0, s4;
	s10 =	sadd.s32 $0xFFFFFFF0, s4;
	v19 =	vor.u32 s4, v1;
	v15 =	vadd.f32 v15, v13;
	v13 =	vmul.f32 $1.442695020e+00, v18;
	v20 =	vmovc v9;
	v21 =	vmovc v6  }
0x28c: {  	s1 =	sadd.s32 $0x4, s1;
	v6 =	vmovc v12;
	v18 =	vmov s5;
	v22 =	vor.u32 s6, v1;
	v9 =	vor.u32 s10, v1;
	v23 =	vld.idx.msk [tilespmem:v12+s3+$0x0], $0xffff  }
0x28d: {  	p1 =	slt.u32 s1, $0x3C;
	v14 =	vadd.f32 v16, v14;
	vm1 =	veq.s32 v18, v1;
	v12 =	vld.idx.msk [tilespmem:v12+s26+$0x0], $0xffff;
	(erf) = vpow2.f32 v13  }
0x28e: {  	v16 =	vmul.f32 $2.000000030e-01, v15;
	v17 =	vadd.f32 v17, v11;
	vm1 =	vmand vm1, vm0  }
0x28f: {  	v18 =	vmul.f32 $2.000000030e-01, v14;
	v11 =	vsel vm1, $0xFFFFFFFF, v2;
	vm1 =	vgt.f32 v15, $0.0e+00  }
0x290: {  	vm2 =	vgt.f32 v14, $0.0e+00;
	v27 =	vmul.f32 $2.000000030e-01, v17;
	v13 =	vshll.u32 v11, $0x3;
	v11 =	vld.idx.msk [tilespmem:v19+s3+$0x0], $0xffff  }
0x291: {  	v16 =	vsel vm1, v15, v16;
	vm1 =	vgt.f32 v17, $0.0e+00;
	v25 =	vadd.s32 s5, v13;
	v13 =	vld.idx.msk [tilespmem:v22+s3+$0x0], $0xffff;
	v26 =	vpop (erf)  }
0x292: {  	v18 =	vsel vm2, v14, v18;
	v17 =	vsel vm1, v17, v27;
	v25 =	vadd.s32 v1, v25;
	v15 =	vld.idx.msk [tilespmem:v22+s26+$0x0], $0xffff;
	v24 =	vpop (erf)  }
.Ltmp4:
0x293: {  	v27 =	vmul.f32 $1.442695020e+00, v16;
	v23 =	vadd.f32 v12, v23;
	v25 =	vand.u32 $0xFFFFFFF8, v25;
	v14 =	vld.idx.msk [tilespmem:v9+s3+$0x0], $0xffff;
	[tilespmem:v7+s29+$0x0] =	vst.idx.msk $0xffff, v26;
	v7 =	vpop (erf);
	(pc) =	sbr.rel @p1 .LBB2_11-.Ltmp4, $4  }
0x294: {  	v18 =	vmul.f32 $1.442695020e+00, v18;
	v12 =	vor.u32 v3, v25;
	v16 =	vld.idx.msk [tilespmem:v9+s26+$0x0], $0xffff;
	v25 =	vmul.f32 $1.442695020e+00, v17;
	[tilespmem:v8+s29+$0x0] =	vst.idx.msk $0xffff, v24  }
0x295: {  	v24 =	vmul.f32 $2.000000030e-01, v23;
	v17 =	vld.idx.msk [tilespmem:v19+s26+$0x0], $0xffff;
	(erf) = vpow2.f32 v27;
	[tilespmem:v4+s29+$0x0] =	vst.idx.msk $0xffff, v7;
	v4 =	vmovc v5;
	v5 =	vmov v19  }
0x296: {  	vm1 =	vgt.f32 v23, $0.0e+00;
	v7 =	vmov v10;
	(erf) = vpow2.f32 v18;
	v19 =	vpop (erf)  }
0x297: {  	s4 =	sadd.s32 $0x40, s4;
	v8 =	vmovc v20;
	v10 =	vmov v22;
	v18 =	vsel vm1, v23, v24;
	(erf) = vpow2.f32 v25;
	[tilespmem:v21+s29+$0x0] =	vst.idx.msk $0xffff, v19  }
0x298: {  	_ =	sdelay $0x3  }
0x299: {  	v19 =	vld.idx.msk [tilespmem:v12+s3+$0x0], $0xffff  }
0x29a: {  	v20 =	vld.idx.msk [tilespmem:v12+s26+$0x0], $0xffff  }
0x29b: {  	v18 =	vmul.f32 $1.442695020e+00, v18  }
0x29c: {  	v13 =	vadd.f32 v15, v13  }
0x29d: {  	v14 =	vadd.f32 v16, v14;
	(erf) = vpow2.f32 v18  }
0x29e: {  	v15 =	vmul.f32 $2.000000030e-01, v13;
	v11 =	vadd.f32 v17, v11;
	vm1 =	vgt.f32 v13, $0.0e+00  }
0x29f: {  	v16 =	vmul.f32 $2.000000030e-01, v14;
	vm2 =	vgt.f32 v14, $0.0e+00;
	v17 =	vadd.f32 v20, v19  }
0x2a0: {  	v18 =	vmul.f32 $2.000000030e-01, v11;
	v13 =	vsel vm1, v13, v15;
	vm1 =	vgt.f32 v11, $0.0e+00  }
0x2a1: {  	v14 =	vsel vm2, v14, v16;
	v13 =	vmul.f32 $1.442695020e+00, v13;
	v15 =	vmul.f32 $2.000000030e-01, v17  }
0x2a2: {  	v11 =	vsel vm1, v11, v18;
	v14 =	vmul.f32 $1.442695020e+00, v14;
	vm1 =	vgt.f32 v17, $0.0e+00  }
0x2a3: {  	v11 =	vmul.f32 $1.442695020e+00, v11;
	(erf) = vpow2.f32 v13;
	v13 =	vsel vm1, v17, v15  }
0x2a4: {  	(erf) = vpow2.f32 v14;
	v13 =	vmul.f32 $1.442695020e+00, v13  }
0x2a5: {  	(erf) = vpow2.f32 v11  }
0x2a6: {  	(erf) = vpow2.f32 v13;
	_ =	sdelay $0x1  }
0x2a7: {  	v11 =	vpop (erf)  }
0x2a8: {  	v13 =	vpop (erf)  }
0x2a9: {  	[tilespmem:v7+s29+$0x0] =	vst.idx.msk $0xffff, v11;
	v7 =	vpop (erf)  }
0x2aa: {  	[tilespmem:v8+s29+$0x0] =	vst.idx.msk $0xffff, v13;
	v8 =	vpop (erf)  }
0x2ab: {  	[tilespmem:v4+s29+$0x0] =	vst.idx.msk $0xffff, v7;
	v4 =	vpop (erf)  }
0x2ac: {  	[tilespmem:v6+s29+$0x0] =	vst.idx.msk $0xffff, v8;
	v6 =	vpop (erf)  }
0x2ad: {  	[tilespmem:v10+s29+$0x0] =	vst.idx.msk $0xffff, v4;
	v4 =	vpop (erf)  }
0x2ae: {  	s1 =	simm.s32 $0x0;
	[tilespmem:v5+s29+$0x0] =	vst.idx.msk $0xffff, v4;
	v4 =	vpop (erf)  }
0x2af: {  	s20 =	sadd.s32 $0x2800, s0;
	[tilespmem:v12+s29+$0x0] =	vst.idx.msk $0xffff, v4;
	v4 =	vmov s1  }
0x2b0: {  	s16 =	rddreg [dreg:$0x5];
	s19 =	sadd.s32 $0x2, s19;
	p1 =	seq.s32 s18, $0x27;
	[tilespmem:v9+s29+$0x0] =	vst.idx.msk $0xffff, v6;
	vm1 =	veq.s32 v4, v1  }
0x2b1: {  	[spmem:s16] =	stream.indirect.scatter.add.f32 [tilespmem:s29], [sflag:$0x3], $0x8, s20, s31, $0xb8;
	vm1 =	vmand vm1, vm0;
	[tilespmem:$0x1ABC8] =	vst v63  }
0x2b2: {  	s0 =	sshll.u32 @!p1 s19, $0x7;
	s4 =	simm.s32 @!p1 $0x80;
	s5 =	simm.s32 @!p1 $0xD400;
	v4 =	vsel vm1, $0xFFFFFFFF, v2  }
0x2b3: {  	[tilespmem:s5], [sflag:$0x1] =	stream.indirect.gather @!p1 [spmem:s8], $0x8, s0, s4, $0xb8;
	v4 =	vshll.u32 v4, $0x3;
	[tilespmem:$0x1ABC8] =	vst v63  }
0x2b4: {  	s0 =	sadd.s32 @!p1 $0x2800, s0;
	s5 =	simm.s32 @!p1 $0xD800;
	v4 =	vadd.s32 s1, v4;
	s1 =	rddreg [dreg:$0x3]  }
0x2b5: {  	[tilespmem:s5], [sflag:$0x1] =	stream.indirect.gather @!p1 [spmem:s1], $0x8, s0, s4, $0xb8;
	v4 =	vadd.s32 v1, v4;
	[tilespmem:$0x1ABC8] =	vst v63  }
0x2b6: {  	_ =	swait.ge [sflag:s9], $0x4000;
	v4 =	vand.u32 $0xFFFFFFF8, v4  }
0x2b7: {  	[sflag:s9] =	ssyncset.done $0x0;
	v4 =	vor.u32 v3, v4  }
0x2b8: {  	s17 =	simm.s32 $0x4;
	[sflag:s9] =	ssyncadd.s32 $0xFFFFC000  }
0x2b9: {  	_ =	swait.ge [sflag:s17], $0x4000  }
0x2ba: {  	[sflag:s17] =	ssyncset.done $0x0  }
0x2bb: {  	[sflag:s17] =	ssyncadd.s32 $0xFFFFC000  }
0x2bc: {  	v11 =	vld.idx.msk [tilespmem:v4+s29+$0x0], $0xffff  }
0x2bd: {  	s4 =	simm.s32 $0x5100  }
0x2be: {  	v4 =	vld [tilespmem:s4+$0xFFFFFF00];
	_ =	sdelay $0x2  }
0x2bf: {  	v5 =	vbroadcast v11, $0x0;
	_ =	sdelay $0x1  }
0x2c0: {  	v4 =	vmul.f32 v5, v4  }
0x2c1: {  	s22 =	simm.s32 $0x9100  }
0x2c2: {  	[tilespmem:s22+$0xFFFFFF00] =	vst v4  }
0x2c3: {  	v4 =	vld [tilespmem:s4+$0xFFFFFF80];
	_ =	sdelay $0x2  }
0x2c4: {  	v5 =	vbroadcast v11, $0x8;
	_ =	sdelay $0x1  }
0x2c5: {  	s21 =	simm.s32 $0x20;
	v4 =	vmul.f32 v4, v5  }
0x2c6: {  	v5 =	vmov s21  }
0x2c7: {  	vm1 =	veq.s32 v5, v1;
	[tilespmem:s22+$0xFFFFFF80] =	vst v4  }
0x2c8: {  	vm1 =	vmand vm1, vm0;
	v4 =	vld [tilespmem:s4+$0xFFFFFF10]  }
0x2c9: {  	s23 =	simm.s32 $0x10;
	v5 =	vsel vm1, $0xFFFFFFFF, v2  }
0x2ca: {  	v6 =	vor.u32 s23, v1;
	v5 =	vshll.u32 v5, $0x3  }
0x2cb: {  	v7 =	vbroadcast v11, $0x1;
	v5 =	vadd.s32 s21, v5  }
0x2cc: {  	v5 =	vadd.s32 v1, v5  }
0x2cd: {  	v5 =	vand.u32 $0xFFFFFFF8, v5;
	v4 =	vmul.f32 v4, v7  }
0x2ce: {  	v5 =	vor.u32 v3, v5  }
0x2cf: {  	v6 =	vld.idx.msk [tilespmem:v6+s29+$0x0], $0xffff;
	[tilespmem:s22+$0xFFFFFF10] =	vst v4  }
0x2d0: {  	v4 =	vld [tilespmem:s4+$0xFFFFFF90];
	_ =	sdelay $0x1  }
0x2d1: {  	v7 =	vld [tilespmem:s4+$0x0]  }
0x2d2: {  	v8 =	vbroadcast v11, $0x9;
	v17 =	vld.idx.msk [tilespmem:v5+s29+$0x0], $0xffff  }
0x2d3: {  	s23 =	simm.s32 $0x5300  }
0x2d4: {  	v5 =	vbroadcast v6, $0x0;
	v4 =	vmul.f32 v4, v8;
	v8 =	vld [tilespmem:s23+$0xFFFFFF00];
	_ =	sdelay $0x1  }
0x2d5: {  	v5 =	vmul.f32 v5, v7;
	[tilespmem:s22+$0xFFFFFF90] =	vst v4  }
0x2d6: {  	v7 =	vbroadcast v17, $0x0;
	v4 =	vld [tilespmem:s4+$0xFFFFFF20]  }
0x2d7: {  	[tilespmem:s22+$0x0] =	vst v5  }
0x2d8: {  	v5 =	vld [tilespmem:s4+$0x80];
	v7 =	vmul.f32 v7, v8  }
0x2d9: {  	s24 =	simm.s32 $0x30;
	s21 =	simm.s32 $0x9300;
	v8 =	vbroadcast v11, $0x2  }
0x2da: {  	v9 =	vor.u32 s24, v1;
	[tilespmem:s21+$0xFFFFFF00] =	vst v7  }
0x2db: {  	v7 =	vbroadcast v6, $0x8;
	v4 =	vmul.f32 v4, v8;
	v8 =	vld [tilespmem:s23+$0xFFFFFF80];
	_ =	sdelay $0x1  }
0x2dc: {  	v5 =	vmul.f32 v5, v7;
	[tilespmem:s22+$0xFFFFFF20] =	vst v4  }
0x2dd: {  	v7 =	vbroadcast v17, $0x8;
	v4 =	vld [tilespmem:s4+$0xFFFFFFA0]  }
0x2de: {  	[tilespmem:s22+$0x80] =	vst v5;
	v5 =	vld.idx.msk [tilespmem:v9+s29+$0x0], $0xffff  }
0x2df: {  	v9 =	vld [tilespmem:s4+$0x10];
	v7 =	vmul.f32 v8, v7  }
0x2e0: {  	v10 =	vbroadcast v11, $0xA;
	v8 =	vld [tilespmem:s23+$0x0]  }
0x2e1: {  	[tilespmem:s21+$0xFFFFFF80] =	vst v7  }
0x2e2: {  	v7 =	vbroadcast v6, $0x1;
	v4 =	vmul.f32 v4, v10;
	v10 =	vld [tilespmem:s23+$0xFFFFFF10]  }
0x2e3: {  	s25 =	simm.s32 $0x40;
	v12 =	vbroadcast v5, $0x0  }
0x2e4: {  	v7 =	vmul.f32 v9, v7;
	[tilespmem:s22+$0xFFFFFFA0] =	vst v4;
	v4 =	vmov s25  }
0x2e5: {  	v8 =	vmul.f32 v12, v8;
	v9 =	vld [tilespmem:s4+$0xFFFFFF30];
	vm1 =	veq.s32 v4, v1;
	v4 =	vbroadcast v17, $0x1  }
0x2e6: {  	[tilespmem:s22+$0x10] =	vst v7;
	vm1 =	vmand vm1, vm0  }
0x2e7: {  	v7 =	vld [tilespmem:s4+$0x90];
	[tilespmem:s21+$0x0] =	vst v8;
	v8 =	vsel vm1, $0xFFFFFFFF, v2;
	v4 =	vmul.f32 v10, v4  }
0x2e8: {  	v12 =	vbroadcast v11, $0x3;
	v10 =	vld [tilespmem:s23+$0x80];
	v8 =	vshll.u32 v8, $0x3  }
0x2e9: {  	v8 =	vadd.s32 s25, v8;
	[tilespmem:s21+$0xFFFFFF10] =	vst v4  }
0x2ea: {  	v4 =	vbroadcast v6, $0x9;
	v9 =	vmul.f32 v9, v12;
	v8 =	vadd.s32 v1, v8;
	v12 =	vld [tilespmem:s23+$0xFFFFFF90]  }
0x2eb: {  	v13 =	vbroadcast v5, $0x8;
	v8 =	vand.u32 $0xFFFFFFF8, v8  }
0x2ec: {  	v4 =	vmul.f32 v7, v4;
	[tilespmem:s22+$0xFFFFFF30] =	vst v9;
	v7 =	vor.u32 v3, v8  }
0x2ed: {  	v8 =	vmul.f32 v10, v13;
	v10 =	vbroadcast v17, $0x9;
	v9 =	vld [tilespmem:s4+$0xFFFFFFB0]  }
0x2ee: {  	[tilespmem:s22+$0x90] =	vst v4  }
0x2ef: {  	v4 =	vld [tilespmem:s4+$0x20];
	[tilespmem:s21+$0x80] =	vst v8;
	v8 =	vmul.f32 v12, v10  }
0x2f0: {  	v10 =	vld [tilespmem:s23+$0x10];
	v12 =	vbroadcast v11, $0xB  }
0x2f1: {  	v25 =	vld.idx.msk [tilespmem:v7+s29+$0x0], $0xffff;
	[tilespmem:s21+$0xFFFFFF90] =	vst v8  }
0x2f2: {  	v7 =	vmul.f32 v9, v12;
	v8 =	vld [tilespmem:s23+$0xFFFFFF20];
	v9 =	vbroadcast v6, $0x2  }
0x2f3: {  	s14 =	simm.s32 $0x5500;
	v14 =	vbroadcast v6, $0xA;
	v16 =	vbroadcast v6, $0x3  }
0x2f4: {  	v12 =	vbroadcast v5, $0x1;
	[tilespmem:s22+$0xFFFFFFB0] =	vst v7;
	v7 =	vld [tilespmem:s14+$0xFFFFFF00];
	v4 =	vmul.f32 v4, v9  }
0x2f5: {  	s1 =	simm.s32 $0x50;
	v22 =	vbroadcast v6, $0xB;
	v13 =	vbroadcast v17, $0x2;
	v9 =	vld [tilespmem:s4+$0xFFFFFF40]  }
0x2f6: {  	v15 =	vor.u32 s1, v1;
	v26 =	vbroadcast v6, $0x4;
	v10 =	vmul.f32 v10, v12;
	[tilespmem:s22+$0x20] =	vst v4  }
0x2f7: {  	v4 =	vbroadcast v25, $0x0;
	v12 =	vmul.f32 v8, v13;
	v19 =	vld [tilespmem:s4+$0xA0]  }
0x2f8: {  	v20 =	vbroadcast v6, $0x6;
	[tilespmem:s21+$0x10] =	vst v10;
	v10 =	vbroadcast v11, $0x4  }
0x2f9: {  	v18 =	vbroadcast v6, $0xE;
	v21 =	vld [tilespmem:s23+$0x90];
	v4 =	vmul.f32 v4, v7;
	[tilespmem:s21+$0xFFFFFF20] =	vst v12  }
0x2fa: {  	s17 =	simm.s32 $0x9500;
	v30 =	vbroadcast v6, $0x7;
	v9 =	vmul.f32 v9, v10;
	v10 =	vld [tilespmem:s23+$0xFFFFFFA0]  }
0x2fb: {  	v23 =	vbroadcast v25, $0x8;
	v8 =	vbroadcast v6, $0xC;
	v7 =	vld.idx.msk [tilespmem:v15+s29+$0x0], $0xffff;
	[tilespmem:s17+$0xFFFFFF00] =	vst v4  }
0x2fc: {  	v4 =	vbroadcast v5, $0x9;
	[tilespmem:s22+$0xFFFFFF40] =	vst v9;
	v9 =	vld [tilespmem:s14+$0xFFFFFF80];
	v14 =	vmul.f32 v19, v14  }
0x2fd: {  	v13 =	vbroadcast v6, $0x5;
	v19 =	vbroadcast v17, $0xA;
	v15 =	vld [tilespmem:s4+$0xFFFFFFC0]  }
0x2fe: {  	v12 =	vbroadcast v6, $0xD;
	v21 =	vmul.f32 v21, v4;
	[tilespmem:s22+$0xA0] =	vst v14;
	v14 =	vld [tilespmem:s14+$0x0]  }
0x2ff: {  	v4 =	vbroadcast v6, $0xF;
	v10 =	vmul.f32 v10, v19;
	v6 =	vld [tilespmem:s4+$0x30]  }
0x300: {  	[tilespmem:s21+$0x90] =	vst v21;
	v19 =	vbroadcast v11, $0xC  }
0x301: {  	v24 =	vld [tilespmem:s23+$0x20];
	v9 =	vmul.f32 v9, v23;
	[tilespmem:s21+$0xFFFFFFA0] =	vst v10;
	v10 =	vbroadcast v7, $0x0  }
0x302: {  	v19 =	vmul.f32 v15, v19;
	v23 =	vld [tilespmem:s23+$0xFFFFFF30]  }
0x303: {  	[tilespmem:s17+$0xFFFFFF80] =	vst v9;
	v9 =	vmul.f32 v10, v14  }
0x304: {  	v21 =	vbroadcast v5, $0x2;
	[tilespmem:s22+$0xFFFFFFC0] =	vst v19;
	v10 =	vld [tilespmem:s14+$0xFFFFFF10];
	v6 =	vmul.f32 v6, v16  }
0x305: {  	s5 =	simm.s32 $0x60;
	v19 =	vbroadcast v17, $0x3;
	v16 =	vld [tilespmem:s4+$0xFFFFFF50];
	[tilespmem:s17+$0x0] =	vst v9  }
0x306: {  	v9 =	vmul.f32 v24, v21;
	v21 =	vmov s5;
	[tilespmem:s22+$0x30] =	vst v6;
	v6 =	vld [tilespmem:s14+$0x80]  }
0x307: {  	v24 =	vbroadcast v25, $0x1;
	vm1 =	veq.s32 v21, v1;
	v19 =	vmul.f32 v23, v19;
	v31 =	vld [tilespmem:s4+$0xB0]  }
0x308: {  	[tilespmem:s21+$0x20] =	vst v9;
	v9 =	vbroadcast v11, $0x5;
	vm1 =	vmand vm1, vm0  }
0x309: {  	v32 =	vld [tilespmem:s23+$0xA0];
	v27 =	vsel vm1, $0xFFFFFFFF, v2;
	v10 =	vmul.f32 v10, v24;
	[tilespmem:s21+$0xFFFFFF30] =	vst v19;
	v24 =	vbroadcast v7, $0x8  }
0x30a: {  	s6 =	simm.s32 $0x70;
	v9 =	vmul.f32 v16, v9;
	v16 =	vshll.u32 v27, $0x3;
	v34 =	vld [tilespmem:s23+$0xFFFFFFB0]  }
0x30b: {  	v38 =	vor.u32 s6, v1;
	v16 =	vadd.s32 s5, v16;
	[tilespmem:s17+$0xFFFFFF10] =	vst v10;
	v10 =	vmul.f32 v6, v24  }
0x30c: {  	v28 =	vbroadcast v5, $0xA;
	[tilespmem:s22+$0xFFFFFF50] =	vst v9;
	v6 =	vadd.s32 v1, v16;
	v9 =	vld [tilespmem:s14+$0xFFFFFF90];
	v16 =	vmul.f32 v31, v22  }
0x30d: {  	v48 =	vbroadcast v11, $0x6;
	v31 =	vbroadcast v17, $0xB;
	v22 =	vld [tilespmem:s4+$0xFFFFFFD0];
	v24 =	vand.u32 $0xFFFFFFF8, v6;
	[tilespmem:s17+$0x80] =	vst v10  }
0x30e: {  	s6 =	simm.s32 $0x5700;
	v33 =	vbroadcast v5, $0x3;
	v10 =	vmul.f32 v32, v28;
	v24 =	vor.u32 v3, v24;
	[tilespmem:s22+$0xB0] =	vst v16;
	v16 =	vld [tilespmem:s14+$0x10]  }
0x30f: {  	v63 =	vld [tilespmem:s6+$0xFFFFFF00];
	v28 =	vbroadcast v25, $0x9;
	v31 =	vmul.f32 v34, v31  }
0x310: {  	v29 =	vbroadcast v5, $0x6;
	v61 =	vld [tilespmem:s4+$0x40];
	[tilespmem:s21+$0xA0] =	vst v10;
	v10 =	vbroadcast v11, $0xD  }
0x311: {  	v62 =	vbroadcast v7, $0x1;
	v35 =	vld [tilespmem:s23+$0x30];
	v28 =	vmul.f32 v9, v28;
	[tilespmem:s21+$0xFFFFFFB0] =	vst v31  }
0x312: {  	v42 =	vbroadcast v25, $0x2;
	v10 =	vmul.f32 v22, v10;
	v31 =	vld [tilespmem:s23+$0xFFFFFF40]  }
0x313: {  	v54 =	vbroadcast v25, $0xA;
	v9 =	vld.idx.msk [tilespmem:v24+s29+$0x0], $0xffff;
	[tilespmem:s17+$0xFFFFFF90] =	vst v28;
	v16 =	vmul.f32 v16, v62  }
0x314: {  	v37 =	vbroadcast v7, $0x9;
	v39 =	vbroadcast v7, $0x2;
	[tilespmem:s22+$0xFFFFFFD0] =	vst v10;
	v10 =	vld [tilespmem:s14+$0xFFFFFF20]  }
0x315: {  	v26 =	vmul.f32 v61, v26;
	v28 =	vld [tilespmem:s4+$0xFFFFFF60];
	[tilespmem:s17+$0x10] =	vst v16;
	v16 =	vbroadcast v17, $0x4  }
0x316: {  	v40 =	vbroadcast v7, $0xA;
	v36 =	vbroadcast v7, $0x3;
	v41 =	vld [tilespmem:s14+$0x90]  }
0x317: {  	v15 =	vbroadcast v5, $0xB;
	[tilespmem:s22+$0x40] =	vst v26;
	v26 =	vld.idx.msk [tilespmem:v38+s29+$0x0], $0xffff;
	v16 =	vmul.f32 v31, v16  }
0x318: {  	v33 =	vmul.f32 v35, v33;
	v43 =	vld [tilespmem:s4+$0xC0];
	v44 =	vbroadcast v9, $0x0  }
0x319: {  	v45 =	vld [tilespmem:s6+$0x0];
	v14 =	vbroadcast v5, $0x4;
	v10 =	vmul.f32 v10, v42;
	[tilespmem:s21+$0xFFFFFF40] =	vst v16  }
0x31a: {  	v21 =	vbroadcast v5, $0x5;
	[tilespmem:s21+$0x30] =	vst v33;
	v16 =	vld [tilespmem:s23+$0xFFFFFFC0];
	v34 =	vmul.f32 v44, v63  }
0x31b: {  	s16 =	simm.s32 $0x9700;
	v23 =	vbroadcast v5, $0xC;
	v55 =	vld [tilespmem:s23+$0xB0];
	[tilespmem:s17+$0xFFFFFF20] =	vst v10;
	v10 =	vmul.f32 v41, v37  }
0x31c: {  	v49 =	vmul.f32 v28, v48;
	v51 =	vbroadcast v26, $0x0;
	v50 =	vld [tilespmem:s14+$0xFFFFFFA0];
	[tilespmem:s16+$0xFFFFFF00] =	vst v34  }
0x31d: {  	v8 =	vmul.f32 v43, v8;
	[tilespmem:s17+$0x90] =	vst v10;
	v10 =	vbroadcast v17, $0xC;
	v34 =	vld [tilespmem:s6+$0xFFFFFF80]  }
0x31e: {  	v19 =	vbroadcast v5, $0xD;
	[tilespmem:s22+$0xFFFFFF60] =	vst v49;
	v35 =	vmul.f32 v51, v45;
	v53 =	vld [tilespmem:s14+$0x20]  }
0x31f: {  	v24 =	vbroadcast v7, $0xB;
	v52 =	vld [tilespmem:s4+$0xFFFFFFE0];
	[tilespmem:s22+$0xC0] =	vst v8;
	v16 =	vmul.f32 v16, v10  }
0x320: {  	v57 =	vbroadcast v9, $0x8;
	v15 =	vmul.f32 v55, v15;
	v56 =	vld [tilespmem:s4+$0x50];
	[tilespmem:s16+$0x0] =	vst v35  }
0x321: {  	v62 =	vbroadcast v17, $0x5;
	v58 =	vld [tilespmem:s6+$0x80];
	v37 =	vmul.f32 v50, v54;
	[tilespmem:s21+$0xFFFFFFC0] =	vst v16  }
0x322: {  	v8 =	vbroadcast v11, $0xE;
	[tilespmem:s21+$0xB0] =	vst v15;
	v16 =	vld [tilespmem:s23+$0xFFFFFF50];
	v34 =	vmul.f32 v34, v57  }
0x323: {  	v48 =	vbroadcast v25, $0x3;
	v49 =	vld [tilespmem:s23+$0x40];
	[tilespmem:s17+$0xFFFFFFA0] =	vst v37;
	v33 =	vmul.f32 v53, v39  }
0x324: {  	v60 =	vbroadcast v26, $0x8;
	v41 =	vmul.f32 v52, v8;
	v59 =	vld [tilespmem:s14+$0xFFFFFF30];
	[tilespmem:s16+$0xFFFFFF80] =	vst v34  }
0x325: {  	v44 =	vbroadcast v26, $0xA;
	v13 =	vmul.f32 v56, v13;
	[tilespmem:s17+$0x20] =	vst v33;
	v34 =	vld [tilespmem:s6+$0xFFFFFF10]  }
0x326: {  	v43 =	vbroadcast v26, $0x9;
	[tilespmem:s22+$0xFFFFFFE0] =	vst v41;
	v15 =	vmul.f32 v58, v60;
	v63 =	vld [tilespmem:s14+$0xA0]  }
0x327: {  	s30 =	smov.u32 s8;
	s8 =	simm.s32 $0x80;
	v45 =	vbroadcast v26, $0x2;
	v61 =	vld [tilespmem:s4+$0xFFFFFF70];
	[tilespmem:s22+$0x50] =	vst v13;
	v13 =	vmul.f32 v16, v62  }
0x328: {  	v14 =	vmul.f32 v49, v14;
	v16 =	vmov s8;
	v51 =	vld [tilespmem:s4+$0xD0];
	[tilespmem:s16+$0x80] =	vst v15;
	v15 =	vbroadcast v9, $0x1  }
0x329: {  	v35 =	vbroadcast v26, $0x3;
	vm1 =	veq.s32 v16, v1;
	v54 =	vld [tilespmem:s6+$0x10];
	v16 =	vmul.f32 v59, v48;
	[tilespmem:s21+$0xFFFFFF50] =	vst v13  }
0x32a: {  	v50 =	vbroadcast v11, $0x7;
	[tilespmem:s21+$0x40] =	vst v14;
	vm1 =	vmand vm1, vm0;
	v13 =	vld [tilespmem:s23+$0xFFFFFFD0];
	v15 =	vmul.f32 v34, v15  }
0x32b: {  	v11 =	vbroadcast v11, $0xF;
	v46 =	vld [tilespmem:s23+$0xC0];
	v55 =	vsel vm1, $0xFFFFFFFF, v2;
	[tilespmem:s17+$0xFFFFFF30] =	vst v16;
	v16 =	vmul.f32 v63, v40  }
0x32c: {  	v52 =	vbroadcast v26, $0x1;
	v53 =	vmul.f32 v61, v50;
	v56 =	vshll.u32 v55, $0x3;
	v57 =	vld [tilespmem:s14+$0xFFFFFFB0];
	[tilespmem:s16+$0xFFFFFF10] =	vst v15  }
0x32d: {  	s10 =	simm.s32 $0x90;
	v34 =	vadd.s32 s8, v56;
	v12 =	vmul.f32 v51, v12;
	v15 =	vbroadcast v17, $0xD;
	[tilespmem:s17+$0xA0] =	vst v16;
	v59 =	vld [tilespmem:s6+$0xFFFFFF90]  }
0x32e: {  	v62 =	vor.u32 s10, v1;
	[tilespmem:s22+$0xFFFFFF70] =	vst v53;
	v16 =	vadd.s32 v1, v34;
	v14 =	vmul.f32 v54, v52;
	v60 =	vld [tilespmem:s14+$0x30]  }
0x32f: {  	v61 =	vbroadcast v25, $0xB;
	v58 =	vld [tilespmem:s4+$0xFFFFFFF0];
	v16 =	vand.u32 $0xFFFFFFF8, v16;
	[tilespmem:s22+$0xD0] =	vst v12;
	v12 =	vmul.f32 v13, v15  }
0x330: {  	v39 =	vbroadcast v26, $0xC;
	v33 =	vbroadcast v26, $0x4;
	v13 =	vor.u32 v3, v16;
	v47 =	vld [tilespmem:s4+$0x60];
	[tilespmem:s16+$0x10] =	vst v14  }
0x331: {  	v14 =	vbroadcast v9, $0x9;
	v48 =	vld [tilespmem:s6+$0x90];
	v15 =	vmul.f32 v57, v61;
	[tilespmem:s21+$0xFFFFFFD0] =	vst v12  }
0x332: {  	v40 =	vbroadcast v26, $0x5;
	v63 =	vbroadcast v25, $0x4;
	v49 =	vld [tilespmem:s23+$0xFFFFFF60]  }
0x333: {  	v12 =	vmul.f32 v59, v14;
	[tilespmem:s17+$0xFFFFFFB0] =	vst v15;
	v42 =	vmul.f32 v60, v36;
	v36 =	vld.idx.msk [tilespmem:v62+s29+$0x0], $0xffff  }
0x334: {  	v51 =	vbroadcast v17, $0x6;
	v53 =	vbroadcast v9, $0x2;
	v50 =	vld [tilespmem:s14+$0xFFFFFF40]  }
0x335: {  	v34 =	vbroadcast v26, $0xB;
	v23 =	vmul.f32 v46, v23;
	v13 =	vld.idx.msk [tilespmem:v13+s29+$0x0], $0xffff;
	[tilespmem:s16+$0xFFFFFF90] =	vst v12  }
0x336: {  	s15 =	simm.s32 $0x5900;
	v16 =	vbroadcast v26, $0xD;
	v14 =	vbroadcast v26, $0xE;
	v52 =	vld [tilespmem:s6+$0xFFFFFF20]  }
0x337: {  	[tilespmem:s21+$0xC0] =	vst v23;
	v57 =	vld [tilespmem:s15+$0xFFFFFF00];
	v41 =	vmul.f32 v58, v11;
	v20 =	vmul.f32 v47, v20  }
0x338: {  	v58 =	vld [tilespmem:s15+$0x0];
	v11 =	vbroadcast v26, $0xF;
	[tilespmem:s17+$0x30] =	vst v42;
	v56 =	vmul.f32 v49, v51  }
0x339: {  	v15 =	vbroadcast v26, $0x6;
	[tilespmem:s22+$0x60] =	vst v20;
	v51 =	vld [tilespmem:s14+$0xB0];
	v37 =	vmul.f32 v50, v63  }
0x33a: {  	v43 =	vmul.f32 v48, v43;
	v48 =	vld [tilespmem:s4+$0xE0];
	[tilespmem:s21+$0xFFFFFF60] =	vst v56;
	v59 =	vbroadcast v13, $0x0  }
0x33b: {  	v60 =	vbroadcast v36, $0x0;
	v42 =	vld [tilespmem:s23+$0xFFFFFFE0];
	v52 =	vmul.f32 v52, v53;
	[tilespmem:s17+$0xFFFFFF40] =	vst v37  }
0x33c: {  	v12 =	vbroadcast v26, $0x7;
	[tilespmem:s16+$0x90] =	vst v43;
	v61 =	vmul.f32 v59, v57;
	v26 =	vld [tilespmem:s14+$0xFFFFFFC0]  }
0x33d: {  	s24 =	simm.s32 $0x9900;
	v27 =	vbroadcast v5, $0xE;
	v43 =	vld [tilespmem:s6+$0x20];
	v37 =	vmul.f32 v60, v58;
	[tilespmem:s16+$0xFFFFFF20] =	vst v52  }
0x33e: {  	v23 =	vbroadcast v17, $0xE;
	v24 =	vmul.f32 v51, v24;
	v62 =	vld [tilespmem:s6+$0xFFFFFFA0];
	[tilespmem:s24+$0xFFFFFF00] =	vst v61  }
0x33f: {  	v55 =	vbroadcast v25, $0xC;
	v63 =	vld [tilespmem:s23+$0x50];
	v53 =	vmul.f32 v48, v18;
	[tilespmem:s24+$0x0] =	vst v37  }
0x340: {  	v32 =	vbroadcast v7, $0xC;
	v56 =	vld [tilespmem:s15+$0xFFFFFF80];
	[tilespmem:s17+$0xB0] =	vst v24;
	v23 =	vmul.f32 v42, v23  }
0x341: {  	v57 =	vbroadcast v9, $0xA;
	v58 =	vld [tilespmem:s15+$0x80];
	[tilespmem:s22+$0xE0] =	vst v53;
	v26 =	vmul.f32 v26, v55  }
0x342: {  	v22 =	vbroadcast v7, $0x4;
	v43 =	vmul.f32 v43, v45;
	v60 =	vld [tilespmem:s14+$0x40];
	[tilespmem:s21+$0xFFFFFFE0] =	vst v23  }
0x343: {  	v59 =	vbroadcast v13, $0x8;
	v23 =	vld [tilespmem:s23+$0xFFFFFF70];
	v37 =	vmul.f32 v62, v57;
	[tilespmem:s17+$0xFFFFFFC0] =	vst v26  }
0x344: {  	v20 =	vbroadcast v36, $0x8;
	v21 =	vmul.f32 v63, v21;
	[tilespmem:s16+$0x20] =	vst v43;
	v26 =	vld [tilespmem:s14+$0xFFFFFF50]  }
0x345: {  	v38 =	vbroadcast v7, $0x6;
	v43 =	vld [tilespmem:s6+$0xA0];
	v42 =	vmul.f32 v56, v59;
	[tilespmem:s16+$0xFFFFFFA0] =	vst v37  }
0x346: {  	v24 =	vbroadcast v17, $0x7;
	[tilespmem:s21+$0x50] =	vst v21;
	v20 =	vmul.f32 v58, v20;
	v37 =	vld [tilespmem:s6+$0xFFFFFF30]  }
0x347: {  	v61 =	vbroadcast v25, $0x5;
	v22 =	vmul.f32 v60, v22;
	[tilespmem:s24+$0xFFFFFF80] =	vst v42  }
0x348: {  	v46 =	vbroadcast v36, $0x1;
	[tilespmem:s24+$0x80] =	vst v20;
	v21 =	vmul.f32 v23, v24;
	v23 =	vld [tilespmem:s15+$0xFFFFFF10]  }
0x349: {  	s11 =	simm.s32 $0xA0;
	v62 =	vld [tilespmem:s23+$0xD0];
	v20 =	vbroadcast v9, $0x3;
	[tilespmem:s17+$0x40] =	vst v22;
	v24 =	vmul.f32 v26, v61  }
0x34a: {  	v47 =	vbroadcast v36, $0xB;
	v53 =	vld [tilespmem:s4+$0x70];
	v26 =	vmul.f32 v43, v44;
	[tilespmem:s21+$0xFFFFFF70] =	vst v21;
	v21 =	vmov s11  }
0x34b: {  	v63 =	vld [tilespmem:s15+$0x10];
	vm1 =	veq.s32 v21, v1;
	v21 =	vbroadcast v13, $0x1;
	v20 =	vmul.f32 v37, v20;
	[tilespmem:s17+$0xFFFFFF50] =	vst v24  }
0x34c: {  	v52 =	vbroadcast v36, $0x9;
	v51 =	vbroadcast v36, $0x2;
	v54 =	vld [tilespmem:s14+$0xC0];
	[tilespmem:s16+$0xA0] =	vst v26;
	vm1 =	vmand vm1, vm0  }
0x34d: {  	s12 =	simm.s32 $0xB0;
	v18 =	vbroadcast v36, $0x7;
	v57 =	vld [tilespmem:s14+$0xFFFFFFD0];
	v26 =	vsel vm1, $0xFFFFFFFF, v2;
	v21 =	vmul.f32 v23, v21;
	[tilespmem:s16+$0xFFFFFF30] =	vst v20  }
0x34e: {  	v59 =	vor.u32 s12, v1;
	v19 =	vmul.f32 v62, v19;
	v20 =	vshll.u32 v26, $0x3;
	v60 =	vld [tilespmem:s6+$0xFFFFFFB0]  }
0x34f: {  	v45 =	vbroadcast v36, $0xA;
	v17 =	vbroadcast v17, $0xF;
	v44 =	vld [tilespmem:s23+$0xFFFFFFF0];
	v20 =	vadd.s32 s11, v20;
	[tilespmem:s24+$0xFFFFFF10] =	vst v21  }
0x350: {  	v42 =	vbroadcast v36, $0x3;
	[tilespmem:s21+$0xD0] =	vst v19;
	v21 =	vbroadcast v25, $0xD;
	v19 =	vadd.s32 v1, v20;
	v61 =	vld [tilespmem:s15+$0xFFFFFF90]  }
0x351: {  	v55 =	vld [tilespmem:s23+$0x60];
	v43 =	vmul.f32 v63, v46;
	v20 =	vbroadcast v9, $0xB;
	v19 =	vand.u32 $0xFFFFFFF8, v19  }
0x352: {  	v22 =	vbroadcast v36, $0xD;
	v58 =	vld [tilespmem:s6+$0x30];
	v21 =	vmul.f32 v57, v21;
	v19 =	vor.u32 v3, v19  }
0x353: {  	v62 =	vbroadcast v13, $0x9;
	[tilespmem:s24+$0x10] =	vst v43;
	v43 =	vld.idx.msk [tilespmem:v59+s29+$0x0], $0xffff;
	v50 =	vmul.f32 v60, v20  }
0x354: {  	v24 =	vbroadcast v36, $0x4;
	v23 =	vbroadcast v36, $0x5;
	v37 =	vld [tilespmem:s15+$0x90];
	[tilespmem:s17+$0xFFFFFFD0] =	vst v21  }
0x355: {  	v32 =	vmul.f32 v54, v32;
	v63 =	vld [tilespmem:s14+$0xFFFFFF60];
	v46 =	vmul.f32 v61, v62;
	[tilespmem:s16+$0xFFFFFFB0] =	vst v50  }
0x356: {  	v26 =	vbroadcast v36, $0xC;
	v44 =	vmul.f32 v44, v17;
	v57 =	vld [tilespmem:s6+$0xFFFFFF40]  }
0x357: {  	v17 =	vbroadcast v36, $0xF;
	v29 =	vmul.f32 v55, v29;
	v19 =	vld.idx.msk [tilespmem:v19+s29+$0x0], $0xffff;
	[tilespmem:s24+$0xFFFFFF90] =	vst v46  }
0x358: {  	s5 =	simm.s32 $0x5B00;
	v35 =	vmul.f32 v58, v35;
	v58 =	vbroadcast v25, $0x6;
	v59 =	vld [tilespmem:s15+$0xFFFFFF20]  }
0x359: {  	[tilespmem:s17+$0xC0] =	vst v32;
	v20 =	vbroadcast v36, $0xE;
	v37 =	vmul.f32 v37, v52;
	v61 =	vld [tilespmem:s5+$0xFFFFFF00]  }
0x35a: {  	v60 =	vbroadcast v9, $0x4;
	[tilespmem:s16+$0x30] =	vst v35;
	v52 =	vld [tilespmem:s5+$0x0];
	v35 =	vmul.f32 v63, v58  }
0x35b: {  	v21 =	vbroadcast v36, $0x6;
	v56 =	vld [tilespmem:s6+$0xB0];
	v62 =	vbroadcast v13, $0x2;
	[tilespmem:s24+$0x90] =	vst v37  }
0x35c: {  	v36 =	vmul.f32 v57, v60;
	v57 =	vld [tilespmem:s15+$0x20];
	[tilespmem:s17+$0xFFFFFF60] =	vst v35;
	v60 =	vbroadcast v19, $0x0  }
0x35d: {  	v31 =	vbroadcast v7, $0x5;
	[tilespmem:s21+$0x60] =	vst v29;
	v37 =	vld [tilespmem:s14+$0xFFFFFFE0];
	v32 =	vmul.f32 v59, v62  }
0x35e: {  	v50 =	vld [tilespmem:s14+$0x50];
	v63 =	vbroadcast v43, $0x0;
	[tilespmem:s16+$0xFFFFFF40] =	vst v36;
	v61 =	vmul.f32 v60, v61  }
0x35f: {  	s0 =	simm.s32 $0x9B00;
	v28 =	vbroadcast v7, $0xD;
	v55 =	vbroadcast v43, $0xA;
	v29 =	vld [tilespmem:s6+$0xFFFFFFC0];
	[tilespmem:s24+$0xFFFFFF20] =	vst v32  }
0x360: {  	v35 =	vmul.f32 v63, v52;
	v59 =	vld [tilespmem:s23+$0xE0];
	v62 =	vbroadcast v25, $0xE;
	[tilespmem:s0+$0xFFFFFF00] =	vst v61  }
0x361: {  	v54 =	vbroadcast v43, $0x8;
	v46 =	vld [tilespmem:s15+$0xFFFFFFA0];
	v60 =	vmul.f32 v57, v51;
	[tilespmem:$0x1FFE0] =	vst v55  }
0x362: {  	v63 =	vbroadcast v9, $0xC;
	v32 =	vmul.f32 v37, v62;
	[tilespmem:s0+$0x0] =	vst v35  }
0x363: {  	v48 =	vbroadcast v43, $0x9;
	v31 =	vmul.f32 v50, v31;
	v55 =	vld [tilespmem:s5+$0xFFFFFF80];
	[tilespmem:s24+$0x20] =	vst v60  }
0x364: {  	v61 =	vbroadcast v13, $0xA;
	v51 =	vld [tilespmem:s5+$0x80];
	v29 =	vmul.f32 v29, v63;
	[tilespmem:s17+$0xFFFFFFE0] =	vst v32  }
0x365: {  	v49 =	vbroadcast v43, $0x2;
	v62 =	vmul.f32 v56, v34;
	[tilespmem:s17+$0x50] =	vst v31;
	v63 =	vld [tilespmem:s14+$0xFFFFFF70]  }
0x366: {  	v52 =	vbroadcast v19, $0x8;
	v56 =	vld [tilespmem:s15+$0xA0];
	v46 =	vmul.f32 v46, v61;
	[tilespmem:s16+$0xFFFFFFC0] =	vst v29  }
0x367: {  	v58 =	vbroadcast v43, $0x1;
	v36 =	vbroadcast v43, $0xB;
	[tilespmem:s16+$0xB0] =	vst v62;
	v29 =	vld [tilespmem:s6+$0xFFFFFF50]  }
0x368: {  	v60 =	vbroadcast v25, $0x7;
	v57 =	vmul.f32 v55, v52;
	[tilespmem:s24+$0xFFFFFFA0] =	vst v46;
	v46 =	vld [tilespmem:s6+$0x40]  }
0x369: {  	v37 =	vbroadcast v43, $0x3;
	[tilespmem:s22+$0xFFFFFFF0] =	vst v41;
	v51 =	vmul.f32 v51, v54;
	v54 =	vld [tilespmem:s15+$0xFFFFFF30]  }
0x36a: {  	v31 =	vbroadcast v9, $0x5;
	v62 =	vld [tilespmem:s14+$0xD0];
	[tilespmem:s0+$0xFFFFFF80] =	vst v57;
	v61 =	vmul.f32 v63, v60  }
0x36b: {  	v35 =	vbroadcast v43, $0x4;
	v45 =	vmul.f32 v56, v45;
	v63 =	vld [tilespmem:s5+$0xFFFFFF10];
	[tilespmem:s0+$0x80] =	vst v51  }
0x36c: {  	s25 =	simm.s32 $0xC0;
	v60 =	vbroadcast v13, $0x3;
	v51 =	vld [tilespmem:s5+$0x10];
	v29 =	vmul.f32 v29, v31;
	[tilespmem:s17+$0xFFFFFF70] =	vst v61  }
0x36d: {  	v34 =	vbroadcast v43, $0xC;
	[tilespmem:s24+$0xA0] =	vst v45;
	v31 =	vmov s25;
	v33 =	vmul.f32 v46, v33;
	v45 =	vld [tilespmem:s14+$0xFFFFFFF0]  }
0x36e: {  	s10 =	simm.s32 $0xD0;
	vm1 =	veq.s32 v31, v1;
	v31 =	vbroadcast v19, $0x1;
	v61 =	vmul.f32 v54, v60;
	v54 =	vld [tilespmem:s15+$0x30];
	[tilespmem:s16+$0xFFFFFF50] =	vst v29  }
0x36f: {  	v56 =	vor.u32 s10, v1;
	v28 =	vmul.f32 v62, v28;
	vm1 =	vmand vm1, vm0;
	v57 =	vld [tilespmem:s6+$0xFFFFFFD0];
	[tilespmem:s16+$0x40] =	vst v33  }
0x370: {  	v25 =	vbroadcast v25, $0xF;
	v62 =	vsel vm1, $0xFFFFFFFF, v2;
	v55 =	vmul.f32 v63, v31;
	[tilespmem:s24+$0xFFFFFF30] =	vst v61;
	v46 =	vld [tilespmem:s6+$0xC0]  }
0x371: {  	v32 =	vbroadcast v43, $0x5;
	[tilespmem:s17+$0xD0] =	vst v28;
	v29 =	vbroadcast v43, $0x6;
	v50 =	vshll.u32 v62, $0x3;
	v60 =	vld [tilespmem:s15+$0xFFFFFFB0]  }
0x372: {  	v63 =	vbroadcast v9, $0xD;
	v28 =	vmul.f32 v51, v58;
	v50 =	vadd.s32 s25, v50;
	[tilespmem:s0+$0xFFFFFF10] =	vst v55;
	v55 =	vld [tilespmem:s14+$0x60]  }
0x373: {  	[tilespmem:s21+$0xFFFFFFF0] =	vst v44;
	v58 =	vmul.f32 v59, v27;
	v27 =	vadd.s32 v1, v50;
	v50 =	vld [tilespmem:s5+$0xFFFFFF90];
	v42 =	vmul.f32 v54, v42  }
0x374: {  	v61 =	vbroadcast v13, $0xB;
	[tilespmem:s0+$0x10] =	vst v28;
	v27 =	vand.u32 $0xFFFFFFF8, v27;
	v28 =	vld.idx.msk [tilespmem:v56+s29+$0x0], $0xffff;
	v51 =	vmul.f32 v57, v63  }
0x375: {  	v33 =	vbroadcast v43, $0xD;
	v31 =	vbroadcast v43, $0xE;
	v56 =	vor.u32 v3, v27;
	v57 =	vld [tilespmem:s5+$0x90];
	[tilespmem:s24+$0x30] =	vst v42  }
0x376: {  	v62 =	vbroadcast v19, $0x9;
	v63 =	vmul.f32 v60, v61;
	v54 =	vld [tilespmem:s15+$0xB0];
	[tilespmem:s16+$0xFFFFFFD0] =	vst v51  }
0x377: {  	s10 =	simm.s32 $0x5D00;
	v45 =	vmul.f32 v45, v25;
	[tilespmem:s21+$0xE0] =	vst v58;
	v39 =	vmul.f32 v46, v39;
	v59 =	vld [tilespmem:s6+$0xFFFFFF60]  }
0x378: {  	v38 =	vmul.f32 v55, v38;
	v55 =	vld [tilespmem:s10+$0x0];
	v42 =	vmul.f32 v50, v62;
	[tilespmem:s24+$0xFFFFFFB0] =	vst v63  }
0x379: {  	v25 =	vbroadcast v43, $0xF;
	v27 =	vbroadcast v43, $0x7;
	[tilespmem:s16+$0xC0] =	vst v39;
	v43 =	vld [tilespmem:s15+$0xFFFFFF40]  }
0x37a: {  	v46 =	vbroadcast v9, $0x6;
	v39 =	vmul.f32 v53, v30;
	v30 =	vld.idx.msk [tilespmem:v56+s29+$0x0], $0xffff;
	[tilespmem:s0+$0xFFFFFF90] =	vst v42  }
0x37b: {  	[tilespmem:s17+$0x60] =	vst v38;
	v48 =	vmul.f32 v57, v48;
	v38 =	vld [tilespmem:s5+$0xFFFFFF20]  }
0x37c: {  	[tilespmem:s17+$0xFFFFFFF0] =	vst v45;
	v50 =	vbroadcast v28, $0x0;
	v63 =	vld [tilespmem:s10+$0xFFFFFF00];
	v62 =	vmul.f32 v59, v46  }
0x37d: {  	v61 =	vbroadcast v13, $0x4;
	v60 =	vld [tilespmem:s6+$0x50];
	[tilespmem:s0+$0x90] =	vst v48  }
0x37e: {  	v52 =	vbroadcast v19, $0x2;
	v50 =	vmul.f32 v50, v55;
	[tilespmem:s16+$0xFFFFFF60] =	vst v62;
	v62 =	vld [tilespmem:s5+$0x20]  }
0x37f: {  	s1 =	simm.s32 $0x9D00;
	[tilespmem:s22+$0x70] =	vst v39;
	v42 =	vmul.f32 v43, v61;
	v61 =	vbroadcast v30, $0x0;
	v59 =	vld [tilespmem:s6+$0xFFFFFFE0]  }
0x380: {  	v6 =	vbroadcast v5, $0x7;
	[tilespmem:s1+$0x0] =	vst v50;
	v38 =	vmul.f32 v38, v52  }
0x381: {  	v5 =	vbroadcast v5, $0xF;
	v57 =	vld [tilespmem:s10+$0x80];
	[tilespmem:s24+$0xFFFFFF40] =	vst v42;
	v53 =	vmul.f32 v61, v63  }
0x382: {  	v47 =	vmul.f32 v54, v47;
	v63 =	vbroadcast v9, $0xE;
	v58 =	vld [tilespmem:s15+$0xFFFFFFC0];
	[tilespmem:s0+$0xFFFFFF20] =	vst v38  }
0x383: {  	v56 =	vbroadcast v28, $0x8;
	v40 =	vmul.f32 v60, v40;
	[tilespmem:s1+$0xFFFFFF00] =	vst v53;
	v55 =	vld [tilespmem:s5+$0xFFFFFFA0]  }
0x384: {  	[tilespmem:s24+$0xB0] =	vst v47;
	v50 =	vmul.f32 v62, v49;
	v38 =	vmul.f32 v59, v63;
	v59 =	vld [tilespmem:s10+$0xFFFFFF80]  }
0x385: {  	v10 =	vbroadcast v7, $0xE;
	v54 =	vbroadcast v13, $0xC;
	[tilespmem:s16+$0x50] =	vst v40  }
0x386: {  	v61 =	vbroadcast v19, $0xA;
	v60 =	vmul.f32 v57, v56;
	[tilespmem:s0+$0x20] =	vst v50  }
0x387: {  	v41 =	vld [tilespmem:s14+$0xE0];
	v62 =	vbroadcast v30, $0x8;
	v54 =	vmul.f32 v58, v54;
	[tilespmem:s16+$0xFFFFFFE0] =	vst v38  }
0x388: {  	v8 =	vbroadcast v7, $0x7;
	v39 =	vld [tilespmem:s4+$0xF0];
	[tilespmem:s1+$0x80] =	vst v60;
	v55 =	vmul.f32 v55, v61  }
0x389: {  	v7 =	vbroadcast v7, $0xF;
	v43 =	vld [tilespmem:s23+$0x70];
	[tilespmem:s24+$0xFFFFFFC0] =	vst v54;
	v54 =	vmul.f32 v59, v62  }
0x38a: {  	v51 =	vbroadcast v28, $0x1;
	v45 =	vbroadcast v28, $0x2;
	v52 =	vld [tilespmem:s5+$0xA0];
	[tilespmem:s0+$0xFFFFFFA0] =	vst v55  }
0x38b: {  	v44 =	vbroadcast v28, $0xA;
	v48 =	vbroadcast v28, $0x3;
	v58 =	vld [tilespmem:s6+$0xFFFFFF70];
	[tilespmem:s1+$0xFFFFFF80] =	vst v54  }
0x38c: {  	v46 =	vbroadcast v28, $0x9;
	v47 =	vbroadcast v28, $0x6;
	v60 =	vld [tilespmem:$0x1FFE0]  }
0x38d: {  	v40 =	vbroadcast v28, $0xE;
	v42 =	vbroadcast v28, $0xB;
	v63 =	vld [tilespmem:s15+$0xFFFFFF50]  }
0x38e: {  	v53 =	vbroadcast v28, $0x4;
	v59 =	vbroadcast v9, $0x7;
	v55 =	vld [tilespmem:s15+$0x40]  }
0x38f: {  	v49 =	vbroadcast v28, $0xC;
	v50 =	vbroadcast v28, $0xD;
	v56 =	vld [tilespmem:s5+$0xFFFFFF30]  }
0x390: {  	v62 =	vbroadcast v13, $0x5;
	v54 =	vld [tilespmem:s6+$0xD0];
	v61 =	vmul.f32 v58, v59  }
0x391: {  	v38 =	vbroadcast v28, $0x5;
	v57 =	vld [tilespmem:s10+$0xFFFFFF10];
	v60 =	vmul.f32 v52, v60  }
0x392: {  	s11 =	simm.s32 $0xE0;
	s25 =	simm.s32 $0xC;
	s4 =	simm.s32 $0x5D00;
	v58 =	vld [tilespmem:s10+$0x10];
	v59 =	vbroadcast v19, $0x3;
	[tilespmem:s16+$0xFFFFFF70] =	vst v61;
	v52 =	vmul.f32 v63, v62  }
.LBB2_13:
0x393: {  	v61 =	vmov s11;
	s12 =	sadd.s32 $0x10, s11;
	s25 =	sadd.s32 $0x2, s25;
	[tilespmem:s0+$0xA0] =	vst v60;
	v55 =	vmul.f32 v55, v24;
	v60 =	vld [tilespmem:s6+$0xFFFFFFF0];
	v41 =	vmul.f32 v41, v10;
	v24 =	vmovc v35;
	v35 =	vmovc v53  }
0x394: {  	v53 =	vbroadcast v30, $0x1;
	v10 =	vmovc v14;
	vm1 =	veq.s32 v61, v1;
	p2 =	slt.u32 s25, $0x3E;
	v56 =	vmul.f32 v56, v59;
	v59 =	vld [tilespmem:s5+$0x30];
	[tilespmem:s24+$0xFFFFFF50] =	vst v52  }
0x395: {  	v52 =	vor.u32 s12, v1;
	vm1 =	vmand vm1, vm0;
	v61 =	vld [tilespmem:s15+$0xFFFFFFD0];
	[tilespmem:s24+$0x40] =	vst v55;
	v63 =	vmul.f32 v54, v16;
	v16 =	vmovc v22;
	v22 =	vmovc v33  }
0x396: {  	v55 =	vbroadcast v9, $0xF;
	v9 =	vmovc v13;
	v13 =	vmovc v19;
	v62 =	vsel vm1, $0xFFFFFFFF, v2;
	v53 =	vmul.f32 v57, v53;
	[tilespmem:s0+$0xFFFFFF30] =	vst v56;
	v54 =	vld [tilespmem:s15+$0xC0]  }
0x397: {  	v19 =	vmovc v30;
	v33 =	vmovc v50;
	v57 =	vbroadcast v28, $0x7;
	v56 =	vshll.u32 v62, $0x3;
	v51 =	vmul.f32 v58, v51;
	v58 =	vld [tilespmem:s5+$0xFFFFFFB0];
	[tilespmem:s16+$0xD0] =	vst v63  }
0x398: {  	v14 =	vmovc v20;
	v20 =	vmovc v31;
	v50 =	vbroadcast v9, $0xD;
	v30 =	vadd.s32 s11, v56;
	[tilespmem:s1+$0xFFFFFF10] =	vst v53;
	v53 =	vmul.f32 v60, v55;
	v55 =	vld [tilespmem:s6+$0x60]  }
0x399: {  	v43 =	vmul.f32 v43, v6;
	v30 =	vadd.s32 v1, v30;
	v31 =	vld [tilespmem:s10+$0xFFFFFF90];
	[tilespmem:s1+$0x10] =	vst v51;
	v37 =	vmul.f32 v59, v37  }
0x39a: {  	v6 =	vmovc v8;
	v30 =	vand.u32 $0xFFFFFFF8, v30;
	v51 =	vld.idx.msk [tilespmem:v52+s29+$0x0], $0xffff;
	v52 =	vbroadcast v13, $0xB;
	v50 =	vmul.f32 v61, v50;
	[tilespmem:s16+$0xFFFFFFF0] =	vst v53  }
0x39b: {  	v8 =	vmovc v12;
	v28 =	vbroadcast v28, $0xF;
	v30 =	vor.u32 v3, v30;
	v53 =	vld [tilespmem:s10+$0x90];
	[tilespmem:s0+$0x30] =	vst v37;
	v26 =	vmul.f32 v54, v26  }
0x39c: {  	v12 =	vmovc v18;
	v18 =	vmovc v27;
	v56 =	vbroadcast v19, $0x9;
	v27 =	vmov v57;
	v52 =	vmul.f32 v58, v52;
	v54 =	vld [tilespmem:s5+$0xB0];
	[tilespmem:s24+$0xFFFFFFD0] =	vst v50  }
0x39d: {  	v39 =	vmul.f32 v39, v4;
	v4 =	vmovc v5;
	v5 =	vmov v7;
	v50 =	vld [tilespmem:s15+$0xFFFFFF60];
	[tilespmem:s24+$0xC0] =	vst v26;
	v57 =	vmul.f32 v55, v15  }
0x39e: {  	v7 =	vmovc v11;
	v11 =	vmovc v17;
	v17 =	vmov v25;
	v25 =	vmov v28;
	v56 =	vmul.f32 v31, v56;
	[tilespmem:s0+$0xFFFFFFB0] =	vst v52;
	v52 =	vld [tilespmem:s15+$0x50]  }
0x39f: {  	v37 =	vmovc v48;
	v15 =	vmovc v21;
	v21 =	vmov v29;
	v55 =	vld [tilespmem:s5+$0xFFFFFF40];
	[tilespmem:s16+$0x60] =	vst v57;
	v26 =	vmov v34;
	v34 =	vmov v49  }
0x3a0: {  	v48 =	vbroadcast v9, $0x6;
	v29 =	vmovc v47;
	v31 =	vmovc v40;
	v49 =	vbroadcast v51, $0x0;
	v28 =	vmov v51;
	v30 =	vld.idx.msk [tilespmem:v30+s29+$0x0], $0xffff;
	[tilespmem:s1+$0xFFFFFF90] =	vst v56  }
0x3a1: {  	v40 =	vbroadcast v28, $0x8;
	v51 =	vbroadcast v28, $0x1;
	v47 =	vld [tilespmem:s10+$0xFFFFFF20];
	[tilespmem:s17+$0xE0] =	vst v41  }
0x3a2: {  	v56 =	vbroadcast v13, $0x4;
	s10 =	sadd.s32 $0x200, s10;
	v48 =	vmul.f32 v50, v48;
	v41 =	vld [tilespmem:s6+$0xE0];
	[tilespmem:s21+$0x70] =	vst v43  }
0x3a3: {  	v50 =	vmul.f32 v53, v46;
	v46 =	vbroadcast v28, $0x9;
	v43 =	vld [tilespmem:s10+$0xFFFFFF00];
	[tilespmem:s22+$0xF0] =	vst v39;
	s22 =	smov.u32 s21;
	s21 =	smov.u32 s17;
	s17 =	smov.u32 s16  }
0x3a4: {  	v53 =	vbroadcast v19, $0x2;
	s16 =	smov.u32 s24;
	v39 =	vld [tilespmem:s10+$0x0];
	v55 =	vmul.f32 v55, v56;
	[tilespmem:s24+$0xFFFFFF60] =	vst v48;
	s24 =	smov.u32 s0;
	s0 =	smov.u32 s1  }
0x3a5: {  	v58 =	vbroadcast v28, $0xA;
	v56 =	vbroadcast v28, $0x2;
	[tilespmem:s1+$0x90] =	vst v50;
	v50 =	vld [tilespmem:s15+$0xFFFFFFE0]  }
0x3a6: {  	v57 =	vbroadcast v30, $0x0;
	v47 =	vmul.f32 v47, v53;
	v59 =	vld [tilespmem:s4+$0x20];
	[tilespmem:s24+$0xFFFFFF40] =	vst v55  }
0x3a7: {  	v48 =	vbroadcast v28, $0x3;
	v53 =	vbroadcast v28, $0xB;
	v55 =	vld [tilespmem:s5+$0xFFFFFFC0]  }
0x3a8: {  	v57 =	vmul.f32 v57, v43;
	[tilespmem:s1+$0xFFFFFF20] =	vst v47;
	v47 =	vbroadcast v9, $0xE;
	v43 =	vld [tilespmem:s14+$0x70]  }
0x3a9: {  	v54 =	vmul.f32 v54, v36;
	v36 =	vmovc v42;
	s1 =	sadd.s32 $0x200, s1;
	v42 =	vmov v53;
	v49 =	vmul.f32 v49, v39;
	v60 =	vld [tilespmem:s4+$0xFFFFFFA0]  }
0x3aa: {  	[tilespmem:s1+$0xFFFFFF00] =	vst v57;
	v57 =	vbroadcast v13, $0xC;
	v47 =	vmul.f32 v50, v47;
	v39 =	vld [tilespmem:s23+$0xF0];
	s23 =	smov.u32 s14;
	s14 =	smov.u32 s6;
	s6 =	smov.u32 s15  }
0x3ab: {  	v53 =	vbroadcast v28, $0x4;
	s15 =	smov.u32 s5;
	s5 =	smov.u32 s4;
	s4 =	smov.u32 s10;
	v61 =	vld [tilespmem:s10+$0xFFFFFF80];
	[tilespmem:s1+$0x0] =	vst v49;
	v50 =	vmul.f32 v59, v45;
	v45 =	vmov v56  }
0x3ac: {  	v59 =	vbroadcast v19, $0xA;
	v56 =	vld [tilespmem:s10+$0x80];
	v55 =	vmul.f32 v55, v57;
	[tilespmem:s16+$0xFFFFFFE0] =	vst v47  }
0x3ad: {  	v49 =	vbroadcast v28, $0xC;
	v47 =	vbroadcast v28, $0x5;
	[tilespmem:s0+$0x20] =	vst v50;
	v57 =	vld [tilespmem:s6+$0xFFFFFF70]  }
0x3ae: {  	v62 =	vbroadcast v30, $0x8;
	v59 =	vmul.f32 v60, v59;
	v60 =	vld [tilespmem:s5+$0xA0];
	[tilespmem:s24+$0xFFFFFFC0] =	vst v55  }
0x3af: {  	v52 =	vmul.f32 v52, v23;
	v23 =	vmovc v32;
	v32 =	vmovc v38;
	v50 =	vbroadcast v28, $0xD;
	v38 =	vmov v47;
	v63 =	vld [tilespmem:s15+$0xFFFFFF50];
	[tilespmem:s24+$0xB0] =	vst v54  }
.Ltmp5:
0x3b0: {  	v54 =	vmul.f32 v61, v62;
	[tilespmem:s0+$0xFFFFFFA0] =	vst v59;
	v55 =	vld [tilespmem:s15+$0x40];
	v59 =	vbroadcast v9, $0x7;
	(pc) =	sbr.rel @p2 .LBB2_13-.Ltmp5, $4  }
0x3b1: {  	v47 =	vbroadcast v28, $0x6;
	v40 =	vmul.f32 v56, v40;
	v56 =	vld [tilespmem:s5+$0xFFFFFF30];
	[tilespmem:s16+$0x50] =	vst v52  }
0x3b2: {  	v52 =	vbroadcast v13, $0x5;
	[tilespmem:s1+$0xFFFFFF80] =	vst v54;
	v61 =	vmul.f32 v57, v59;
	v54 =	vld [tilespmem:s6+$0xD0]  }
0x3b3: {  	v57 =	vld [tilespmem:s10+$0xFFFFFF10];
	[tilespmem:s1+$0x80] =	vst v40;
	v40 =	vbroadcast v28, $0xE;
	v60 =	vmul.f32 v60, v44;
	v44 =	vmov v58  }
0x3b4: {  	s11 =	sadd.s32 $0x20, s11;
	v59 =	vbroadcast v19, $0x3;
	v58 =	vld [tilespmem:s10+$0x10];
	v52 =	vmul.f32 v63, v52;
	[tilespmem:s16+$0xFFFFFF70] =	vst v61  }
0x3b5: {  	_ = 	snop  }
0x3b6: {  	v61 =	vbroadcast v30, $0x1;
	_ =	sdelay $0x1  }
0x3b7: {  	v57 =	vmul.f32 v57, v61;
	_ =	sdelay $0x1  }
0x3b8: {  	[tilespmem:s1+$0xFFFFFF10] =	vst v57  }
0x3b9: {  	v57 =	vld [tilespmem:s10+$0xFFFFFF90]  }
0x3ba: {  	v51 =	vmul.f32 v58, v51;
	_ =	sdelay $0x1  }
0x3bb: {  	v62 =	vbroadcast v30, $0x9;
	[tilespmem:s1+$0x10] =	vst v51  }
0x3bc: {  	v63 =	vld [tilespmem:s10+$0x90]  }
0x3bd: {  	v51 =	vmul.f32 v57, v62;
	_ =	sdelay $0x1  }
0x3be: {  	[tilespmem:s1+$0xFFFFFF90] =	vst v51  }
0x3bf: {  	v51 =	vld [tilespmem:s10+$0xFFFFFF20]  }
0x3c0: {  	v46 =	vmul.f32 v63, v46;
	_ =	sdelay $0x1  }
0x3c1: {  	v61 =	vbroadcast v30, $0x2;
	[tilespmem:s1+$0x90] =	vst v46  }
0x3c2: {  	v46 =	vld [tilespmem:s4+$0x20]  }
0x3c3: {  	v51 =	vmul.f32 v51, v61;
	_ =	sdelay $0x1  }
0x3c4: {  	[tilespmem:s1+$0xFFFFFF20] =	vst v51  }
0x3c5: {  	v51 =	vld [tilespmem:s4+$0xFFFFFFA0]  }
0x3c6: {  	v45 =	vmul.f32 v46, v45;
	_ =	sdelay $0x1  }
0x3c7: {  	v62 =	vbroadcast v30, $0xA;
	[tilespmem:s1+$0x20] =	vst v45  }
0x3c8: {  	v45 =	vld [tilespmem:s4+$0xA0]  }
0x3c9: {  	v46 =	vmul.f32 v51, v62;
	_ =	sdelay $0x1  }
0x3ca: {  	[tilespmem:s1+$0xFFFFFFA0] =	vst v46  }
0x3cb: {  	v46 =	vld [tilespmem:s4+$0xFFFFFF30]  }
0x3cc: {  	v44 =	vmul.f32 v45, v44  }
0x3cd: {  	[tilespmem:s0+$0xA0] =	vst v60  }
0x3ce: {  	v60 =	vld [tilespmem:s5+$0x30];
	v63 =	vmul.f32 v56, v59;
	v61 =	vbroadcast v30, $0x3;
	[tilespmem:s1+$0xA0] =	vst v44  }
0x3cf: {  	v44 =	vld [tilespmem:s4+$0x30]  }
0x3d0: {  	[tilespmem:s0+$0xFFFFFF30] =	vst v63;
	v62 =	vmul.f32 v46, v61  }
0x3d1: {  	v63 =	vld [tilespmem:s5+$0xFFFFFFB0]  }
0x3d2: {  	[tilespmem:s1+$0xFFFFFF30] =	vst v62  }
0x3d3: {  	v37 =	vmul.f32 v60, v37;
	v45 =	vld [tilespmem:s4+$0xFFFFFFB0]  }
0x3d4: {  	v56 =	vbroadcast v19, $0xB;
	v44 =	vmul.f32 v44, v48  }
0x3d5: {  	[tilespmem:s0+$0x30] =	vst v37  }
0x3d6: {  	v58 =	vld [tilespmem:s5+$0xB0];
	v59 =	vbroadcast v30, $0xB;
	v57 =	vmul.f32 v63, v56;
	[tilespmem:s1+$0x30] =	vst v44  }
0x3d7: {  	v44 =	vld [tilespmem:s4+$0xB0]  }
0x3d8: {  	[tilespmem:s0+$0xFFFFFFB0] =	vst v57;
	v60 =	vmul.f32 v45, v59  }
0x3d9: {  	v61 =	vld [tilespmem:s5+$0xFFFFFF40]  }
0x3da: {  	[tilespmem:s1+$0xFFFFFFB0] =	vst v60  }
0x3db: {  	v36 =	vmul.f32 v58, v36;
	v37 =	vld [tilespmem:s4+$0xFFFFFF40]  }
0x3dc: {  	v62 =	vbroadcast v19, $0x4;
	v42 =	vmul.f32 v44, v42  }
0x3dd: {  	[tilespmem:s0+$0xB0] =	vst v36  }
0x3de: {  	v51 =	vbroadcast v30, $0x4;
	v48 =	vld [tilespmem:s5+$0x40];
	v63 =	vmul.f32 v61, v62;
	[tilespmem:s1+$0xB0] =	vst v42  }
0x3df: {  	v42 =	vld [tilespmem:s4+$0x40]  }
0x3e0: {  	[tilespmem:s0+$0xFFFFFF40] =	vst v63;
	v56 =	vmul.f32 v37, v51  }
0x3e1: {  	v57 =	vld [tilespmem:s5+$0xFFFFFFC0]  }
0x3e2: {  	v24 =	vmul.f32 v55, v24;
	[tilespmem:s1+$0xFFFFFF40] =	vst v56  }
0x3e3: {  	v35 =	vmul.f32 v48, v35;
	v36 =	vld [tilespmem:s4+$0xFFFFFFC0]  }
0x3e4: {  	[tilespmem:s24+$0x40] =	vst v24;
	v58 =	vbroadcast v19, $0xC;
	v42 =	vmul.f32 v42, v53  }
0x3e5: {  	v59 =	vld [tilespmem:s15+$0xC0];
	[tilespmem:s0+$0x40] =	vst v35  }
0x3e6: {  	v35 =	vld [tilespmem:s5+$0xC0];
	v60 =	vbroadcast v30, $0xC;
	v24 =	vmul.f32 v57, v58;
	[tilespmem:s1+$0x40] =	vst v42  }
0x3e7: {  	v42 =	vld [tilespmem:s4+$0xC0]  }
0x3e8: {  	[tilespmem:s0+$0xFFFFFFC0] =	vst v24;
	v62 =	vmul.f32 v36, v60  }
0x3e9: {  	[tilespmem:s24+$0xFFFFFF50] =	vst v52;
	v63 =	vld [tilespmem:s5+$0xFFFFFF50]  }
0x3ea: {  	v61 =	vld [tilespmem:s15+$0xFFFFFFD0];
	v26 =	vmul.f32 v59, v26;
	[tilespmem:s1+$0xFFFFFFC0] =	vst v62  }
0x3eb: {  	v34 =	vmul.f32 v35, v34;
	v46 =	vld [tilespmem:s4+$0xFFFFFF50]  }
0x3ec: {  	v48 =	vbroadcast v19, $0x5;
	[tilespmem:s24+$0xC0] =	vst v26;
	v49 =	vmul.f32 v42, v49  }
0x3ed: {  	v44 =	vbroadcast v13, $0xD;
	v51 =	vld [tilespmem:s15+$0x50];
	[tilespmem:s0+$0xC0] =	vst v34  }
0x3ee: {  	v52 =	vbroadcast v30, $0x5;
	v34 =	vld [tilespmem:s5+$0x50];
	v26 =	vmul.f32 v63, v48;
	[tilespmem:s1+$0xC0] =	vst v49  }
0x3ef: {  	v24 =	vmul.f32 v61, v44;
	v53 =	vld [tilespmem:s4+$0x50]  }
0x3f0: {  	[tilespmem:s0+$0xFFFFFF50] =	vst v26;
	v56 =	vmul.f32 v46, v52  }
0x3f1: {  	v10 =	vmul.f32 v41, v10;
	[tilespmem:s24+$0xFFFFFFD0] =	vst v24;
	v57 =	vld [tilespmem:s5+$0xFFFFFFD0]  }
0x3f2: {  	v55 =	vld [tilespmem:s15+$0xFFFFFF60];
	v23 =	vmul.f32 v51, v23;
	[tilespmem:s1+$0xFFFFFF50] =	vst v56  }
0x3f3: {  	[tilespmem:s17+$0xE0] =	vst v10;
	v60 =	vmul.f32 v34, v32;
	v61 =	vld [tilespmem:s4+$0xFFFFFFD0]  }
0x3f4: {  	v58 =	vld [tilespmem:s6+$0xFFFFFFF0];
	v63 =	vbroadcast v19, $0xD;
	[tilespmem:s24+$0x50] =	vst v23;
	v24 =	vmul.f32 v53, v38  }
0x3f5: {  	v16 =	vmul.f32 v54, v16;
	v59 =	vbroadcast v13, $0x6;
	v42 =	vld [tilespmem:s15+$0xD0];
	[tilespmem:s0+$0x50] =	vst v60  }
0x3f6: {  	v44 =	vbroadcast v30, $0xD;
	v26 =	vld [tilespmem:s5+$0xD0];
	v23 =	vmul.f32 v57, v63;
	[tilespmem:s1+$0x50] =	vst v24  }
0x3f7: {  	[tilespmem:s16+$0xD0] =	vst v16;
	v16 =	vmul.f32 v55, v59;
	v45 =	vld [tilespmem:s4+$0xD0]  }
0x3f8: {  	v62 =	vld [tilespmem:s6+$0x60];
	[tilespmem:s0+$0xFFFFFFD0] =	vst v23;
	v48 =	vmul.f32 v61, v44  }
0x3f9: {  	v9 =	vbroadcast v9, $0xF;
	v6 =	vmul.f32 v43, v6;
	[tilespmem:s24+$0xFFFFFF60] =	vst v16;
	v51 =	vld [tilespmem:s5+$0xFFFFFF60]  }
0x3fa: {  	v22 =	vmul.f32 v42, v22;
	v46 =	vld [tilespmem:s15+$0xFFFFFFE0];
	[tilespmem:s1+$0xFFFFFFD0] =	vst v48  }
0x3fb: {  	[tilespmem:s21+$0x70] =	vst v6;
	v9 =	vmul.f32 v58, v9;
	v53 =	vmul.f32 v26, v33;
	v54 =	vld [tilespmem:s4+$0xFFFFFF60]  }
0x3fc: {  	v55 =	vbroadcast v19, $0x6;
	[tilespmem:s24+$0xD0] =	vst v22;
	v16 =	vmul.f32 v45, v50  }
0x3fd: {  	v58 =	vbroadcast v30, $0x6;
	v52 =	vbroadcast v13, $0xE;
	v56 =	vld [tilespmem:s15+$0x60];
	[tilespmem:s0+$0xD0] =	vst v53  }
0x3fe: {  	v49 =	vmul.f32 v62, v15;
	v57 =	vld [tilespmem:s5+$0x60];
	v15 =	vmul.f32 v51, v55;
	[tilespmem:s1+$0xD0] =	vst v16  }
0x3ff: {  	[tilespmem:s16+$0xFFFFFFF0] =	vst v9;
	v9 =	vmul.f32 v46, v52;
	v59 =	vld [tilespmem:s4+$0x60]  }
0x400: {  	[tilespmem:s0+$0xFFFFFF60] =	vst v15;
	v61 =	vmul.f32 v54, v58  }
0x401: {  	[tilespmem:s24+$0xFFFFFFE0] =	vst v9;
	v62 =	vld [tilespmem:s5+$0xFFFFFFE0]  }
0x402: {  	v21 =	vmul.f32 v56, v21;
	v60 =	vld [tilespmem:s15+$0xFFFFFF70];
	[tilespmem:s1+$0xFFFFFF60] =	vst v61  }
0x403: {  	[tilespmem:s16+$0x60] =	vst v49;
	v24 =	vmul.f32 v57, v29;
	v26 =	vld [tilespmem:s4+$0xFFFFFFE0]  }
0x404: {  	v32 =	vbroadcast v19, $0xE;
	v29 =	vld [tilespmem:s6+$0xE0];
	[tilespmem:s24+$0x60] =	vst v21;
	v9 =	vmul.f32 v59, v47  }
0x405: {  	v4 =	vmul.f32 v39, v4;
	v63 =	vbroadcast v13, $0x7;
	v33 =	vld [tilespmem:s15+$0xE0];
	[tilespmem:s0+$0x60] =	vst v24  }
0x406: {  	v34 =	vbroadcast v30, $0xE;
	v15 =	vld [tilespmem:s5+$0xE0];
	v10 =	vmul.f32 v62, v32;
	[tilespmem:s1+$0x60] =	vst v9  }
0x407: {  	[tilespmem:s22+$0xF0] =	vst v4;
	v6 =	vmul.f32 v60, v63;
	v35 =	vld [tilespmem:s4+$0xE0]  }
0x408: {  	v39 =	vld [tilespmem:s14+$0x70];
	[tilespmem:s0+$0xFFFFFFE0] =	vst v10;
	v37 =	vmul.f32 v26, v34  }
0x409: {  	v4 =	vmul.f32 v29, v14;
	[tilespmem:s24+$0xFFFFFF70] =	vst v6;
	v38 =	vld [tilespmem:s5+$0xFFFFFF70]  }
0x40a: {  	v51 =	vld [tilespmem:s23+$0xF0];
	v16 =	vmul.f32 v33, v20;
	[tilespmem:s1+$0xFFFFFFE0] =	vst v37  }
0x40b: {  	[tilespmem:s16+$0xE0] =	vst v4;
	v42 =	vmul.f32 v15, v31;
	v4 =	vld [tilespmem:s4+$0xFFFFFF70]  }
0x40c: {  	v44 =	vbroadcast v19, $0x7;
	v43 =	vld [tilespmem:s6+$0x70];
	[tilespmem:s24+$0xE0] =	vst v16;
	v6 =	vmul.f32 v35, v40  }
0x40d: {  	v49 =	vmul.f32 v39, v8;
	v45 =	vld [tilespmem:s15+$0x70];
	[tilespmem:s0+$0xE0] =	vst v42  }
0x40e: {  	v47 =	vbroadcast v30, $0x7;
	v48 =	vld [tilespmem:s5+$0x70];
	v46 =	vmul.f32 v38, v44;
	[tilespmem:s1+$0xE0] =	vst v6  }
0x40f: {  	[tilespmem:s17+$0x70] =	vst v49;
	v5 =	vmul.f32 v51, v5;
	v50 =	vld [tilespmem:s4+$0x70]  }
0x410: {  	v36 =	vld [tilespmem:s15+$0xFFFFFFF0];
	[tilespmem:s0+$0xFFFFFF70] =	vst v46;
	v4 =	vmul.f32 v4, v47  }
0x411: {  	[tilespmem:s21+$0xF0] =	vst v5;
	v12 =	vmul.f32 v43, v12;
	v52 =	vld [tilespmem:s5+$0xFFFFFFF0]  }
0x412: {  	v53 =	vbroadcast v28, $0x7;
	v54 =	vld [tilespmem:s14+$0xF0];
	[tilespmem:s1+$0xFFFFFF70] =	vst v4;
	v4 =	vmul.f32 v45, v18  }
0x413: {  	v41 =	vbroadcast v13, $0xF;
	[tilespmem:s16+$0x70] =	vst v12;
	v56 =	vmul.f32 v48, v27;
	v55 =	vld [tilespmem:s4+$0xFFFFFFF0]  }
0x414: {  	v57 =	vbroadcast v19, $0xF;
	v58 =	vld [tilespmem:s6+$0xF0];
	[tilespmem:s24+$0x70] =	vst v4;
	v4 =	vmul.f32 v50, v53  }
0x415: {  	v9 =	vmul.f32 v36, v41;
	[tilespmem:s0+$0x70] =	vst v56;
	v59 =	vld [tilespmem:s15+$0xF0]  }
0x416: {  	v60 =	vbroadcast v30, $0xF;
	v12 =	vld [tilespmem:s5+$0xF0];
	v6 =	vmul.f32 v52, v57;
	[tilespmem:s1+$0x70] =	vst v4  }
0x417: {  	[tilespmem:s24+$0xFFFFFFF0] =	vst v9;
	v4 =	vmul.f32 v54, v7;
	v5 =	vld [tilespmem:s4+$0xF0]  }
0x418: {  	[tilespmem:s0+$0xFFFFFFF0] =	vst v6;
	v61 =	vmul.f32 v55, v60  }
0x419: {  	[tilespmem:s17+$0xF0] =	vst v4;
	v4 =	vmul.f32 v58, v11  }
.Ltmp6:
0x41a: {  	v62 =	vbroadcast v28, $0xF;
	[tilespmem:s1+$0xFFFFFFF0] =	vst v61;
	v63 =	vmul.f32 v59, v17;
	(pc) =	sbr.rel @p1 .LBB2_16-.Ltmp6, $4  }
0x41b: {  	[tilespmem:s16+$0xF0] =	vst v4;
	v4 =	vmul.f32 v12, v25  }
0x41c: {  	[tilespmem:s24+$0xF0] =	vst v63;
	v5 =	vmul.f32 v5, v62  }
0x41d: {  	[tilespmem:s0+$0xF0] =	vst v4  }
0x41e: {  	[tilespmem:s1+$0xF0] =	vst v5  }
.Ltmp7:
0x41f: {  	s0 =	sshll.u32 s19, $0x7;
	(pc) =	sbr.rel .LBB2_6-.Ltmp7, $4  }
0x420: {  	s1 =	rddreg [dreg:$0x7];
	s4 =	simm.s32 $0x5000;
	s0 =	sand.u32 $0x3FFFFF80, s0  }
0x421: {  	[tilespmem:s4], [sflag:$0x2] =	stream.indirect.gather [hbm4b:s1+s31], $0x80, s0, s31, $0xb8;
	[tilespmem:$0x1ABC8] =	vst v63  }
0x422: {  	s24 =	rddreg [dreg:$0x4];
	s25 =	simm.s32 $0x9000;
	s18 =	sadd.s32 $0x1, s18  }
0x423: {  	[spmem:s24] =	stream.indirect.scatter.add.f32 [tilespmem:s25], [sflag:$0x4], $0x80, s20, s31, $0xb8;
	[tilespmem:$0x1ABC8] =	vst v63  }
.LBB2_16:
0x424: {  	s0 =	rddreg [dreg:$0x4];
	s1 =	simm.s32 $0x9000;
	s14 =	simm.s32 $0x3  }
0x425: {  	[spmem:s0] =	stream.indirect.scatter.add.f32 [tilespmem:s1], [sflag:$0x4], $0x80, s20, s31, $0xb8;
	[tilespmem:$0x1ABC8] =	vst v63  }
0x426: {  	_ =	swait.ge [sflag:s14], $0x400  }
0x427: {  	[sflag:s14] =	ssyncset.done $0x0  }
0x428: {  	s15 =	simm.s32 $0x4;
	[sflag:s14] =	ssyncadd.s32 $0xFFFFFC00  }
0x429: {  	_ =	swait.ge [sflag:s15], $0x4000  }
0x42a: {  	[sflag:s15] =	ssyncset.done $0x0  }
0x42b: {  	[sflag:s15] =	ssyncadd.s32 $0xFFFFC000  }
0x42c: {  	[bflag:$0x0] =	sbarrier.arrive $0xFFFF  }
0x42d: {  	s16 =	rddreg [dreg:$0xd]  }
0x42e: {  	s17 =	rddreg [dreg:$0x14]  }
0x42f: {  	s8 =	simm.s32 $0x5;
	s4 =	rddreg [dreg:$0x19];
	s0 =	sshrl.u32 s16, $0x3  }
0x430: {  	[hbm:s17], [sflag:s4] =	dma.local [spmem:s0], $0x1400  }
0x431: {  	_ =	swait.ge [sflag:s8], $0x1400  }
0x432: {  	s18 =	simm.s32 $0x8;
	[sflag:s8] =	ssyncset.done $0x0  }
0x433: {  	v6 =	vmov s18;
	s15 =	rddreg [dreg:$0x10];
	[sflag:s8] =	ssyncadd.s32 $0xFFFFEC00  }
0x434: {  	[tilespmem:s13], [sflag:$0x5] =	stream.linear.gather [spmem:s15], $0xA00, $0x38;
	[tilespmem:$0x1ABC8] =	vst v63  }
0x435: {  	_ =	swait.ge [sflag:s8], $0xA00  }
0x436: {  	s19 =	simm.s32 $0x0;
	[sflag:s8] =	ssyncset.done $0x0  }
0x437: {  	v7 =	vmov s19;
	[sflag:s8] =	ssyncadd.s32 $0xFFFFF600  }
0x438: {  	v4 =	vld.idx.msk [tilespmem:v6+s13+$0x0], $0xffff  }
0x439: {  	v5 =	vor.u32 $0x1, v6;
	_ =	sdelay $0x1  }
0x43a: {  	s20 =	simm.s32 $0x18  }
0x43b: {  	v9 =	vmov s20;
	s4 =	simm.s32 $0x5080;
	v8 =	vld.idx.msk [tilespmem:v7+s13+$0x0], $0xffff  }
0x43c: {  	v10 =	vor.u32 $0x1, v7;
	[tilespmem:s4+$0x0] =	vst v4  }
0x43d: {  	v4 =	vld.idx.msk [tilespmem:v5+s13+$0x0], $0xffff  }
0x43e: {  	v5 =	vor.u32 $0x2, v6  }
0x43f: {  	s21 =	simm.s32 $0x10  }
0x440: {  	v11 =	vld.idx.msk [tilespmem:v9+s13+$0x0], $0xffff;
	[tilespmem:s4+$0xFFFFFF80] =	vst v8;
	v8 =	vmov s21  }
0x441: {  	v12 =	vor.u32 $0x1, v9;
	v10 =	vld.idx.msk [tilespmem:v10+s13+$0x0], $0xffff  }
0x442: {  	v13 =	vor.u32 $0x2, v7;
	[tilespmem:s4+$0x10] =	vst v4  }
0x443: {  	v4 =	vld.idx.msk [tilespmem:v5+s13+$0x0], $0xffff  }
0x444: {  	s0 =	simm.s32 $0x5180;
	v5 =	vor.u32 $0x3, v6  }
0x445: {  	[tilespmem:s0+$0x0] =	vst v11;
	v14 =	vld.idx.msk [tilespmem:v8+s13+$0x0], $0xffff  }
0x446: {  	[tilespmem:s4+$0xFFFFFF90] =	vst v10;
	v10 =	vld.idx.msk [tilespmem:v12+s13+$0x0], $0xffff  }
0x447: {  	v12 =	vld.idx.msk [tilespmem:v13+s13+$0x0], $0xffff;
	v13 =	vor.u32 $0x2, v9  }
0x448: {  	s22 =	simm.s32 $0x28;
	v16 =	vor.u32 $0x3, v7;
	[tilespmem:s4+$0x20] =	vst v4  }
0x449: {  	v4 =	vld.idx.msk [tilespmem:v5+s13+$0x0], $0xffff;
	v5 =	vmov s22  }
0x44a: {  	v11 =	vor.u32 $0x4, v6;
	[tilespmem:s0+$0xFFFFFF80] =	vst v14  }
0x44b: {  	s5 =	simm.s32 $0x20;
	v15 =	vor.u32 $0x1, v8;
	[tilespmem:s0+$0x10] =	vst v10  }
0x44c: {  	v14 =	vmov s5;
	[tilespmem:s4+$0xFFFFFFA0] =	vst v12;
	v12 =	vld.idx.msk [tilespmem:v13+s13+$0x0], $0xffff  }
0x44d: {  	v13 =	vld.idx.msk [tilespmem:v16+s13+$0x0], $0xffff;
	v16 =	vor.u32 $0x3, v9  }
0x44e: {  	v17 =	vor.u32 $0x4, v7;
	[tilespmem:s4+$0x30] =	vst v4;
	v18 =	vld.idx.msk [tilespmem:v5+s13+$0x0], $0xffff  }
0x44f: {  	v20 =	vor.u32 $0x1, v5;
	v4 =	vld.idx.msk [tilespmem:v11+s13+$0x0], $0xffff  }
0x450: {  	v10 =	vor.u32 $0x5, v6;
	v11 =	vld.idx.msk [tilespmem:v15+s13+$0x0], $0xffff  }
0x451: {  	v19 =	vld.idx.msk [tilespmem:v14+s13+$0x0], $0xffff;
	[tilespmem:s0+$0x20] =	vst v12;
	v15 =	vor.u32 $0x2, v8  }
0x452: {  	s6 =	simm.s32 $0x40;
	s1 =	simm.s32 $0x5280;
	[tilespmem:s4+$0xFFFFFFB0] =	vst v13;
	v13 =	vld.idx.msk [tilespmem:v16+s13+$0x0], $0xffff  }
0x453: {  	v28 =	vmov s6;
	v16 =	vld.idx.msk [tilespmem:v17+s13+$0x0], $0xffff;
	[tilespmem:s1+$0x0] =	vst v18  }
0x454: {  	[tilespmem:s4+$0x40] =	vst v4;
	v4 =	vor.u32 $0x1, v14;
	v20 =	vld.idx.msk [tilespmem:v20+s13+$0x0], $0xffff  }
0x455: {  	v21 =	vor.u32 $0x2, v5;
	[tilespmem:s0+$0xFFFFFF90] =	vst v11;
	v10 =	vld.idx.msk [tilespmem:v10+s13+$0x0], $0xffff  }
0x456: {  	v12 =	vor.u32 $0x6, v6;
	v11 =	vld.idx.msk [tilespmem:v15+s13+$0x0], $0xffff  }
0x457: {  	[tilespmem:s1+$0xFFFFFF80] =	vst v19;
	v15 =	vor.u32 $0x3, v8  }
0x458: {  	v29 =	vld.idx.msk [tilespmem:v28+s13+$0x0], $0xffff;
	v18 =	vor.u32 $0x5, v7;
	[tilespmem:s4+$0xFFFFFFC0] =	vst v16  }
0x459: {  	s23 =	simm.s32 $0x30;
	v17 =	vor.u32 $0x4, v9;
	v19 =	vld.idx.msk [tilespmem:v4+s13+$0x0], $0xffff;
	[tilespmem:s1+$0x10] =	vst v20  }
0x45a: {  	s24 =	simm.s32 $0x38;
	v22 =	vmov s23;
	[tilespmem:s4+$0x50] =	vst v10;
	v16 =	vld.idx.msk [tilespmem:v21+s13+$0x0], $0xffff  }
0x45b: {  	v4 =	vmov s24;
	[tilespmem:s0+$0xFFFFFFA0] =	vst v11;
	v10 =	vld.idx.msk [tilespmem:v12+s13+$0x0], $0xffff  }
0x45c: {  	[tilespmem:s0+$0x30] =	vst v13;
	v13 =	vor.u32 $0x2, v14;
	v11 =	vld.idx.msk [tilespmem:v15+s13+$0x0], $0xffff  }
0x45d: {  	s10 =	simm.s32 $0x5480;
	v23 =	vor.u32 $0x3, v5;
	v15 =	vld.idx.msk [tilespmem:v18+s13+$0x0], $0xffff  }
0x45e: {  	[tilespmem:s10+$0xFFFFFF80] =	vst v29;
	v6 =	vor.u32 $0x7, v6;
	v12 =	vld.idx.msk [tilespmem:v17+s13+$0x0], $0xffff  }
0x45f: {  	v20 =	vld.idx.msk [tilespmem:v22+s13+$0x0], $0xffff;
	v17 =	vor.u32 $0x5, v9;
	[tilespmem:s1+$0xFFFFFF90] =	vst v19  }
0x460: {  	v18 =	vor.u32 $0x4, v8;
	v21 =	vld.idx.msk [tilespmem:v4+s13+$0x0], $0xffff;
	[tilespmem:s1+$0x20] =	vst v16  }
0x461: {  	v13 =	vld.idx.msk [tilespmem:v13+s13+$0x0], $0xffff;
	[tilespmem:s4+$0x60] =	vst v10  }
0x462: {  	v10 =	vor.u32 $0x6, v7;
	[tilespmem:s4+$0xFFFFFFD0] =	vst v15;
	v15 =	vld.idx.msk [tilespmem:v23+s13+$0x0], $0xffff  }
0x463: {  	[tilespmem:s0+$0x40] =	vst v12;
	v12 =	vor.u32 $0x1, v22;
	v19 =	vld.idx.msk [tilespmem:v6+s13+$0x0], $0xffff  }
0x464: {  	s5 =	simm.s32 $0x5380;
	[tilespmem:s0+$0xFFFFFFB0] =	vst v11;
	v6 =	vor.u32 $0x1, v4;
	v11 =	vld.idx.msk [tilespmem:v17+s13+$0x0], $0xffff  }
0x465: {  	[tilespmem:s5+$0xFFFFFF80] =	vst v20;
	v16 =	vld.idx.msk [tilespmem:v18+s13+$0x0], $0xffff;
	v18 =	vor.u32 $0x3, v14  }
0x466: {  	v17 =	vor.u32 $0x6, v9;
	[tilespmem:s5+$0x0] =	vst v21  }
0x467: {  	v21 =	vor.u32 $0x4, v5;
	[tilespmem:s1+$0xFFFFFFA0] =	vst v13;
	v10 =	vld.idx.msk [tilespmem:v10+s13+$0x0], $0xffff  }
0x468: {  	s25 =	simm.s32 $0x48;
	v23 =	vor.u32 $0x5, v8;
	v12 =	vld.idx.msk [tilespmem:v12+s13+$0x0], $0xffff;
	[tilespmem:s1+$0x30] =	vst v15  }
0x469: {  	v24 =	vld.idx.msk [tilespmem:v6+s13+$0x0], $0xffff;
	[tilespmem:s0+$0x50] =	vst v11;
	v6 =	vmov s25  }
0x46a: {  	v20 =	vor.u32 $0x2, v4;
	v13 =	vld.idx.msk [tilespmem:v18+s13+$0x0], $0xffff;
	[tilespmem:s0+$0xFFFFFFC0] =	vst v16  }
0x46b: {  	v16 =	vor.u32 $0x2, v22;
	[tilespmem:s4+$0x70] =	vst v19;
	v11 =	vld.idx.msk [tilespmem:v17+s13+$0x0], $0xffff  }
0x46c: {  	v9 =	vor.u32 $0x7, v9;
	v15 =	vld.idx.msk [tilespmem:v21+s13+$0x0], $0xffff;
	[tilespmem:s4+$0xFFFFFFE0] =	vst v10  }
0x46d: {  	v19 =	vor.u32 $0x5, v5;
	v18 =	vld.idx.msk [tilespmem:v23+s13+$0x0], $0xffff;
	[tilespmem:s5+$0xFFFFFF90] =	vst v12  }
0x46e: {  	v27 =	vor.u32 $0x6, v8;
	[tilespmem:s5+$0x10] =	vst v24;
	v25 =	vld.idx.msk [tilespmem:v6+s13+$0x0], $0xffff  }
0x46f: {  	[tilespmem:s1+$0xFFFFFFB0] =	vst v13;
	v17 =	vld.idx.msk [tilespmem:v20+s13+$0x0], $0xffff;
	v20 =	vor.u32 $0x4, v14  }
0x470: {  	v10 =	vor.u32 $0x3, v4;
	v23 =	vld.idx.msk [tilespmem:v16+s13+$0x0], $0xffff;
	[tilespmem:s0+$0x60] =	vst v11  }
0x471: {  	v30 =	vor.u32 $0x7, v7;
	v9 =	vld.idx.msk [tilespmem:v9+s13+$0x0], $0xffff;
	[tilespmem:s1+$0x40] =	vst v15  }
0x472: {  	v33 =	vor.u32 $0x1, v28;
	v12 =	vor.u32 $0x1, v6;
	[tilespmem:s0+$0xFFFFFFD0] =	vst v18;
	v32 =	vld.idx.msk [tilespmem:v19+s13+$0x0], $0xffff  }
0x473: {  	v31 =	vor.u32 $0x6, v5;
	v7 =	vor.u32 $0x7, v14;
	v29 =	vor.u32 $0x2, v6;
	[tilespmem:s10+$0x0] =	vst v25;
	v25 =	vld.idx.msk [tilespmem:v27+s13+$0x0], $0xffff  }
0x474: {  	v21 =	vor.u32 $0x3, v22;
	v11 =	vor.u32 $0x7, v8;
	v8 =	vor.u32 $0x7, v22;
	[tilespmem:s5+$0x20] =	vst v17;
	v24 =	vld.idx.msk [tilespmem:v20+s13+$0x0], $0xffff  }
0x475: {  	v15 =	vor.u32 $0x6, v14;
	v19 =	vor.u32 $0x5, v14;
	v14 =	vor.u32 $0x5, v22;
	v26 =	vld.idx.msk [tilespmem:v10+s13+$0x0], $0xffff  }
0x476: {  	v17 =	vor.u32 $0x4, v22;
	v10 =	vor.u32 $0x6, v22;
	v22 =	vld.idx.msk [tilespmem:v30+s13+$0x0], $0xffff;
	v30 =	vor.u32 $0x4, v4  }
0x477: {  	v16 =	vor.u32 $0x4, v28;
	v13 =	vor.u32 $0x5, v28;
	v18 =	vor.u32 $0x3, v28;
	v27 =	vld.idx.msk [tilespmem:v12+s13+$0x0], $0xffff;
	[tilespmem:s0+$0x70] =	vst v9  }
0x478: {  	s11 =	simm.s32 $0xC;
	s6 =	simm.s32 $0x5480;
	s14 =	simm.s32 $0x50;
	v20 =	vor.u32 $0x2, v28;
	v12 =	vor.u32 $0x6, v28;
	v9 =	vor.u32 $0x7, v28;
	v28 =	vld.idx.msk [tilespmem:v33+s13+$0x0], $0xffff;
	[tilespmem:s1+$0x50] =	vst v32  }
.LBB2_17:
0x479: {  	p1 =	slt.u32 s11, $0x7E;
	v32 =	vmov s14;
	s12 =	sadd.s32 $0x8, s14;
	[tilespmem:s5+$0xFFFFFFA0] =	vst v23;
	v23 =	vld.idx.msk [tilespmem:v31+s13+$0x0], $0xffff  }
0x47a: {  	v33 =	vor.u32 $0x1, v32;
	v31 =	vor.u32 $0x2, v32;
	v34 =	vmov s12;
	v35 =	vld.idx.msk [tilespmem:v21+s13+$0x0], $0xffff;
	[tilespmem:s5+$0x30] =	vst v26;
	v21 =	vmovc v18  }
0x47b: {  	v18 =	vor.u32 $0x3, v32;
	v26 =	vor.u32 $0x4, v32;
	v30 =	vld.idx.msk [tilespmem:v30+s13+$0x0], $0xffff;
	[tilespmem:s1+$0xFFFFFFC0] =	vst v24;
	v24 =	vor.u32 $0x7, v5;
	v5 =	vmovc v4;
	v4 =	vmovc v6  }
0x47c: {  	v36 =	vor.u32 $0x5, v32;
	v37 =	vor.u32 $0x6, v32;
	v38 =	vor.u32 $0x7, v32;
	v6 =	vmovc v34;
	[tilespmem:s10+$0x10] =	vst v27;
	v27 =	vld.idx.msk [tilespmem:v19+s13+$0x0], $0xffff;
	v19 =	vmovc v14  }
0x47d: {  	v39 =	vor.u32 $0x5, v5;
	v14 =	vmov v13;
	v13 =	vmov v36;
	v29 =	vld.idx.msk [tilespmem:v29+s13+$0x0], $0xffff;
	[tilespmem:s0+$0xFFFFFFE0] =	vst v25  }
0x47e: {  	v32 =	vld.idx.msk [tilespmem:v32+s13+$0x0], $0xffff;
	[tilespmem:s10+$0xFFFFFF90] =	vst v28  }
0x47f: {  	v28 =	vor.u32 $0x3, v4;
	v25 =	vld.idx.msk [tilespmem:v34+s13+$0x0], $0xffff;
	[tilespmem:s1+$0x60] =	vst v23  }
0x480: {  	[tilespmem:s5+$0xFFFFFFB0] =	vst v35;
	v34 =	vld.idx.msk [tilespmem:v24+s13+$0x0], $0xffff  }
0x481: {  	v35 =	vor.u32 $0x1, v6;
	v23 =	vld.idx.msk [tilespmem:v20+s13+$0x0], $0xffff;
	[tilespmem:s5+$0x40] =	vst v30;
	v20 =	vmov v31  }
0x482: {  	v36 =	vld.idx.msk [tilespmem:v39+s13+$0x0], $0xffff;
	[tilespmem:s1+$0xFFFFFFD0] =	vst v27  }
0x483: {  	[tilespmem:s10+$0x20] =	vst v29;
	v24 =	vld.idx.msk [tilespmem:v17+s13+$0x0], $0xffff;
	v17 =	vmov v16;
	v16 =	vmov v26  }
.Ltmp8:
0x484: {  	v31 =	vor.u32 $0x6, v5;
	s10 =	sadd.s32 $0x100, s10;
	v26 =	vld.idx.msk [tilespmem:v28+s13+$0x0], $0xffff;
	[tilespmem:s4+$0xFFFFFFF0] =	vst v22;
	s4 =	smov.u32 s0;
	(pc) =	sbr.rel @p1 .LBB2_17-.Ltmp8, $4  }
0x485: {  	s0 =	smov.u32 s1;
	s1 =	smov.u32 s5;
	s5 =	smov.u32 s6;
	[tilespmem:s10+$0x0] =	vst v25;
	v25 =	vld.idx.msk [tilespmem:v15+s13+$0x0], $0xffff;
	v15 =	vmov v10;
	v10 =	vmov v12;
	v12 =	vmov v37  }
0x486: {  	v30 =	vor.u32 $0x4, v4;
	s6 =	smov.u32 s10;
	v27 =	vld.idx.msk [tilespmem:v35+s13+$0x0], $0xffff;
	[tilespmem:s0+$0x70] =	vst v34  }
0x487: {  	[tilespmem:s10+$0xFFFFFF80] =	vst v32;
	v22 =	vld.idx.msk [tilespmem:v11+s13+$0x0], $0xffff;
	v11 =	vmovc v7;
	v7 =	vmov v8;
	v8 =	vmov v9;
	v9 =	vmov v38  }
0x488: {  	s14 =	sshll.u32 s11, $0x3;
	s11 =	sadd.s32 $0x2, s11;
	v29 =	vor.u32 $0x2, v6;
	v28 =	vld.idx.msk [tilespmem:v33+s13+$0x0], $0xffff;
	[tilespmem:s1+$0x50] =	vst v36  }
0x489: {  	s11 =	sadd.s32 $0x8, s14  }
0x48a: {  	v32 =	vmov s11  }
0x48b: {  	v33 =	vmov s14;
	_ =	sdelay $0x2  }
0x48c: {  	[tilespmem:s5+$0xFFFFFFA0] =	vst v23  }
0x48d: {  	[tilespmem:s5+$0x30] =	vst v26;
	v23 =	vld.idx.msk [tilespmem:v32+s13+$0x0], $0xffff  }
0x48e: {  	[tilespmem:s1+$0xFFFFFFC0] =	vst v24;
	v26 =	vor.u32 $0x1, v32;
	v24 =	vld.idx.msk [tilespmem:v33+s13+$0x0], $0xffff  }
0x48f: {  	v31 =	vld.idx.msk [tilespmem:v31+s13+$0x0], $0xffff;
	v34 =	vor.u32 $0x1, v33;
	[tilespmem:s0+$0xFFFFFFE0] =	vst v25  }
0x490: {  	v21 =	vld.idx.msk [tilespmem:v21+s13+$0x0], $0xffff;
	[tilespmem:s10+$0x10] =	vst v27  }
0x491: {  	s12 =	sadd.s32 $0x100, s10;
	v25 =	vld.idx.msk [tilespmem:v30+s13+$0x0], $0xffff;
	[tilespmem:s10+$0xFFFFFF90] =	vst v28  }
0x492: {  	v19 =	vld.idx.msk [tilespmem:v19+s13+$0x0], $0xffff;
	[tilespmem:s12+$0x0] =	vst v23  }
0x493: {  	v5 =	vor.u32 $0x7, v5;
	[tilespmem:s12+$0xFFFFFF80] =	vst v24;
	v23 =	vld.idx.msk [tilespmem:v26+s13+$0x0], $0xffff  }
0x494: {  	[tilespmem:s1+$0x60] =	vst v31;
	v24 =	vor.u32 $0x2, v32;
	v26 =	vld.idx.msk [tilespmem:v34+s13+$0x0], $0xffff  }
0x495: {  	v27 =	vor.u32 $0x2, v33;
	[tilespmem:s5+$0xFFFFFFB0] =	vst v21  }
0x496: {  	v20 =	vld.idx.msk [tilespmem:v20+s13+$0x0], $0xffff;
	v21 =	vor.u32 $0x5, v4;
	[tilespmem:s5+$0x40] =	vst v25  }
0x497: {  	v28 =	vld.idx.msk [tilespmem:v29+s13+$0x0], $0xffff;
	[tilespmem:s1+$0xFFFFFFD0] =	vst v19  }
0x498: {  	v25 =	vor.u32 $0x3, v6;
	v5 =	vld.idx.msk [tilespmem:v5+s13+$0x0], $0xffff;
	[tilespmem:s12+$0x10] =	vst v23  }
0x499: {  	[tilespmem:s12+$0xFFFFFF90] =	vst v26;
	v19 =	vld.idx.msk [tilespmem:v24+s13+$0x0], $0xffff  }
0x49a: {  	[tilespmem:s4+$0xFFFFFFF0] =	vst v22;
	v23 =	vor.u32 $0x3, v32;
	v24 =	vld.idx.msk [tilespmem:v27+s13+$0x0], $0xffff  }
0x49b: {  	[tilespmem:s6+$0xFFFFFFA0] =	vst v20;
	v21 =	vld.idx.msk [tilespmem:v21+s13+$0x0], $0xffff;
	v26 =	vor.u32 $0x3, v33  }
0x49c: {  	[tilespmem:s10+$0x20] =	vst v28;
	v18 =	vld.idx.msk [tilespmem:v18+s13+$0x0], $0xffff  }
0x49d: {  	v22 =	vld.idx.msk [tilespmem:v25+s13+$0x0], $0xffff;
	[tilespmem:s1+$0x70] =	vst v5  }
0x49e: {  	v5 =	vld.idx.msk [tilespmem:v17+s13+$0x0], $0xffff;
	v17 =	vor.u32 $0x4, v6;
	[tilespmem:s12+$0x20] =	vst v19  }
0x49f: {  	v19 =	vor.u32 $0x6, v4;
	[tilespmem:s12+$0xFFFFFFA0] =	vst v24;
	v20 =	vld.idx.msk [tilespmem:v23+s13+$0x0], $0xffff  }
0x4a0: {  	[tilespmem:s5+$0x50] =	vst v21;
	v23 =	vor.u32 $0x4, v32;
	v21 =	vld.idx.msk [tilespmem:v26+s13+$0x0], $0xffff  }
0x4a1: {  	v15 =	vld.idx.msk [tilespmem:v15+s13+$0x0], $0xffff;
	[tilespmem:s6+$0xFFFFFFB0] =	vst v18;
	v24 =	vor.u32 $0x4, v33  }
0x4a2: {  	[tilespmem:s6+$0x30] =	vst v22;
	v16 =	vld.idx.msk [tilespmem:v16+s13+$0x0], $0xffff  }
0x4a3: {  	[tilespmem:s5+$0xFFFFFFC0] =	vst v5;
	v17 =	vld.idx.msk [tilespmem:v17+s13+$0x0], $0xffff  }
0x4a4: {  	v5 =	vld.idx.msk [tilespmem:v19+s13+$0x0], $0xffff;
	v19 =	vor.u32 $0x5, v6;
	[tilespmem:s12+$0x30] =	vst v20  }
0x4a5: {  	[tilespmem:s12+$0xFFFFFFB0] =	vst v21;
	v18 =	vld.idx.msk [tilespmem:v23+s13+$0x0], $0xffff  }
0x4a6: {  	[tilespmem:s1+$0xFFFFFFE0] =	vst v15;
	v20 =	vor.u32 $0x5, v32;
	v15 =	vld.idx.msk [tilespmem:v24+s13+$0x0], $0xffff  }
0x4a7: {  	v14 =	vld.idx.msk [tilespmem:v14+s13+$0x0], $0xffff;
	[tilespmem:s6+$0xFFFFFFC0] =	vst v16;
	v21 =	vor.u32 $0x5, v33  }
0x4a8: {  	[tilespmem:s6+$0x40] =	vst v17;
	v4 =	vor.u32 $0x7, v4;
	v13 =	vld.idx.msk [tilespmem:v13+s13+$0x0], $0xffff  }
0x4a9: {  	[tilespmem:s5+$0x60] =	vst v5;
	v5 =	vld.idx.msk [tilespmem:v19+s13+$0x0], $0xffff  }
0x4aa: {  	v11 =	vld.idx.msk [tilespmem:v11+s13+$0x0], $0xffff;
	v17 =	vor.u32 $0x6, v6;
	[tilespmem:s12+$0x40] =	vst v18  }
0x4ab: {  	[tilespmem:s12+$0xFFFFFFC0] =	vst v15;
	v16 =	vld.idx.msk [tilespmem:v20+s13+$0x0], $0xffff  }
0x4ac: {  	[tilespmem:s5+$0xFFFFFFD0] =	vst v14;
	v18 =	vor.u32 $0x6, v32;
	v14 =	vld.idx.msk [tilespmem:v21+s13+$0x0], $0xffff  }
0x4ad: {  	[tilespmem:s6+$0xFFFFFFD0] =	vst v13;
	v4 =	vld.idx.msk [tilespmem:v4+s13+$0x0], $0xffff;
	v15 =	vor.u32 $0x6, v33  }
0x4ae: {  	v12 =	vld.idx.msk [tilespmem:v12+s13+$0x0], $0xffff;
	[tilespmem:s6+$0x50] =	vst v5  }
0x4af: {  	[tilespmem:s0+$0xFFFFFFF0] =	vst v11;
	v5 =	vld.idx.msk [tilespmem:v17+s13+$0x0], $0xffff  }
0x4b0: {  	v10 =	vld.idx.msk [tilespmem:v10+s13+$0x0], $0xffff;
	v6 =	vor.u32 $0x7, v6;
	[tilespmem:s12+$0x50] =	vst v16  }
0x4b1: {  	[tilespmem:s12+$0xFFFFFFD0] =	vst v14;
	v11 =	vld.idx.msk [tilespmem:v18+s13+$0x0], $0xffff  }
0x4b2: {  	v13 =	vor.u32 $0x7, v32;
	[tilespmem:s5+$0x70] =	vst v4;
	v4 =	vld.idx.msk [tilespmem:v15+s13+$0x0], $0xffff  }
0x4b3: {  	v7 =	vld.idx.msk [tilespmem:v7+s13+$0x0], $0xffff;
	[tilespmem:s6+$0xFFFFFFE0] =	vst v12;
	v14 =	vor.u32 $0x7, v33  }
0x4b4: {  	v9 =	vld.idx.msk [tilespmem:v9+s13+$0x0], $0xffff;
	[tilespmem:s6+$0x60] =	vst v5  }
0x4b5: {  	[tilespmem:s5+$0xFFFFFFE0] =	vst v10;
	v5 =	vld.idx.msk [tilespmem:v6+s13+$0x0], $0xffff  }
0x4b6: {  	v6 =	vld.idx.msk [tilespmem:v8+s13+$0x0], $0xffff;
	[tilespmem:s12+$0x60] =	vst v11  }
0x4b7: {  	[tilespmem:s12+$0xFFFFFFE0] =	vst v4;
	v8 =	vld.idx.msk [tilespmem:v13+s13+$0x0], $0xffff  }
0x4b8: {  	[tilespmem:s1+$0xFFFFFFF0] =	vst v7;
	v4 =	vld.idx.msk [tilespmem:v14+s13+$0x0], $0xffff  }
0x4b9: {  	[tilespmem:s6+$0xFFFFFFF0] =	vst v9  }
0x4ba: {  	[tilespmem:s6+$0x70] =	vst v5  }
0x4bb: {  	[tilespmem:s5+$0xFFFFFFF0] =	vst v6  }
0x4bc: {  	[tilespmem:s12+$0x70] =	vst v8  }
0x4bd: {  	s14 =	simm.s32 $0x408;
	[tilespmem:s12+$0xFFFFFFF0] =	vst v4  }
0x4be: {  	s20 =	simm.s32 $0x0;
	s17 =	simm.s32 $0x5000;
	v7 =	vmov s14;
	s16 =	rddreg [dreg:$0xa]  }
0x4bf: {  	[hbm4b:s16+s20] =	stream.linear.scatter [tilespmem:s17], [sflag:$0x5], $0x4000, $0x38;
	[tilespmem:$0x1ABC8] =	vst v63  }
0x4c0: {  	_ =	swait.ge [sflag:s8], $0x4000  }
0x4c1: {  	[sflag:s8] =	ssyncset.done $0x0  }
0x4c2: {  	s18 =	simm.s32 $0x400;
	[sflag:s8] =	ssyncadd.s32 $0xFFFFC000  }
0x4c3: {  	v8 =	vmov s18;
	v4 =	vld.idx.msk [tilespmem:v7+s13+$0x0], $0xffff;
	_ =	sdelay $0x1  }
0x4c4: {  	v5 =	vor.u32 $0x1, v7;
	_ =	sdelay $0x1  }
0x4c5: {  	s19 =	simm.s32 $0x418;
	s0 =	simm.s32 $0x5080  }
0x4c6: {  	v9 =	vld.idx.msk [tilespmem:v8+s13+$0x0], $0xffff;
	[tilespmem:s0+$0x0] =	vst v4;
	v4 =	vmov s19  }
0x4c7: {  	v10 =	vor.u32 $0x1, v8  }
0x4c8: {  	v5 =	vld.idx.msk [tilespmem:v5+s13+$0x0], $0xffff  }
0x4c9: {  	v6 =	vor.u32 $0x2, v7;
	_ =	sdelay $0x1  }
0x4ca: {  	[tilespmem:s0+$0xFFFFFF80] =	vst v9;
	v9 =	vld.idx.msk [tilespmem:v4+s13+$0x0], $0xffff  }
0x4cb: {  	v10 =	vld.idx.msk [tilespmem:v10+s13+$0x0], $0xffff;
	v12 =	vor.u32 $0x1, v4  }
0x4cc: {  	v13 =	vor.u32 $0x2, v8;
	[tilespmem:s0+$0x10] =	vst v5  }
0x4cd: {  	v5 =	vld.idx.msk [tilespmem:v6+s13+$0x0], $0xffff  }
0x4ce: {  	s21 =	simm.s32 $0x410;
	s1 =	simm.s32 $0x5180;
	v6 =	vor.u32 $0x3, v7  }
0x4cf: {  	v11 =	vmov s21;
	[tilespmem:s1+$0x0] =	vst v9  }
0x4d0: {  	[tilespmem:s0+$0xFFFFFF90] =	vst v10;
	v10 =	vld.idx.msk [tilespmem:v12+s13+$0x0], $0xffff  }
0x4d1: {  	v12 =	vld.idx.msk [tilespmem:v13+s13+$0x0], $0xffff;
	v13 =	vor.u32 $0x2, v4  }
0x4d2: {  	s22 =	simm.s32 $0x428;
	v16 =	vor.u32 $0x3, v8;
	[tilespmem:s0+$0x20] =	vst v5  }
0x4d3: {  	v5 =	vmov s22;
	v6 =	vld.idx.msk [tilespmem:v6+s13+$0x0], $0xffff  }
0x4d4: {  	v14 =	vld.idx.msk [tilespmem:v11+s13+$0x0], $0xffff;
	v9 =	vor.u32 $0x4, v7  }
0x4d5: {  	v15 =	vor.u32 $0x1, v11;
	[tilespmem:s1+$0x10] =	vst v10  }
0x4d6: {  	[tilespmem:s0+$0xFFFFFFA0] =	vst v12;
	v12 =	vld.idx.msk [tilespmem:v13+s13+$0x0], $0xffff  }
0x4d7: {  	s23 =	simm.s32 $0x420;
	v13 =	vld.idx.msk [tilespmem:v16+s13+$0x0], $0xffff  }
0x4d8: {  	v18 =	vmov s23;
	v17 =	vld.idx.msk [tilespmem:v5+s13+$0x0], $0xffff;
	[tilespmem:s0+$0x30] =	vst v6  }
0x4d9: {  	[tilespmem:s1+$0xFFFFFF80] =	vst v14;
	v20 =	vor.u32 $0x1, v5;
	v6 =	vld.idx.msk [tilespmem:v9+s13+$0x0], $0xffff  }
0x4da: {  	v9 =	vld.idx.msk [tilespmem:v15+s13+$0x0], $0xffff;
	v15 =	vor.u32 $0x3, v4  }
0x4db: {  	v16 =	vor.u32 $0x4, v8  }
0x4dc: {  	s4 =	simm.s32 $0x5280;
	v10 =	vor.u32 $0x5, v7  }
0x4dd: {  	v19 =	vld.idx.msk [tilespmem:v18+s13+$0x0], $0xffff;
	v14 =	vor.u32 $0x2, v11;
	[tilespmem:s4+$0x0] =	vst v17  }
0x4de: {  	[tilespmem:s1+$0x20] =	vst v12;
	v20 =	vld.idx.msk [tilespmem:v20+s13+$0x0], $0xffff  }
0x4df: {  	[tilespmem:s0+$0xFFFFFFB0] =	vst v13;
	v13 =	vld.idx.msk [tilespmem:v15+s13+$0x0], $0xffff  }
0x4e0: {  	[tilespmem:s0+$0x40] =	vst v6;
	v6 =	vor.u32 $0x1, v18;
	v15 =	vld.idx.msk [tilespmem:v16+s13+$0x0], $0xffff  }
0x4e1: {  	v21 =	vor.u32 $0x2, v5;
	[tilespmem:s1+$0xFFFFFF90] =	vst v9;
	v9 =	vld.idx.msk [tilespmem:v10+s13+$0x0], $0xffff  }
0x4e2: {  	v16 =	vor.u32 $0x4, v4;
	v10 =	vld.idx.msk [tilespmem:v14+s13+$0x0], $0xffff  }
0x4e3: {  	s25 =	simm.s32 $0x430;
	[tilespmem:s4+$0xFFFFFF80] =	vst v19;
	v12 =	vor.u32 $0x6, v7  }
0x4e4: {  	v26 =	vmov s25;
	[tilespmem:s4+$0x10] =	vst v20  }
0x4e5: {  	v17 =	vor.u32 $0x5, v8;
	v19 =	vld.idx.msk [tilespmem:v6+s13+$0x0], $0xffff;
	[tilespmem:s1+$0x30] =	vst v13  }
0x4e6: {  	s24 =	simm.s32 $0x438;
	v14 =	vor.u32 $0x3, v11;
	v20 =	vld.idx.msk [tilespmem:v21+s13+$0x0], $0xffff;
	[tilespmem:s0+$0x50] =	vst v9  }
0x4e7: {  	v6 =	vmov s24;
	[tilespmem:s1+$0xFFFFFFA0] =	vst v10;
	v10 =	vld.idx.msk [tilespmem:v16+s13+$0x0], $0xffff  }
0x4e8: {  	v16 =	vor.u32 $0x2, v18;
	v9 =	vld.idx.msk [tilespmem:v12+s13+$0x0], $0xffff  }
0x4e9: {  	v63 =	vld.idx.msk [tilespmem:v26+s13+$0x0], $0xffff;
	v7 =	vor.u32 $0x7, v7;
	[tilespmem:s0+$0xFFFFFFC0] =	vst v15  }
0x4ea: {  	v21 =	vor.u32 $0x3, v5;
	v13 =	vld.idx.msk [tilespmem:v17+s13+$0x0], $0xffff  }
0x4eb: {  	v15 =	vor.u32 $0x5, v4;
	v12 =	vld.idx.msk [tilespmem:v14+s13+$0x0], $0xffff;
	[tilespmem:s4+$0xFFFFFF90] =	vst v19  }
0x4ec: {  	v28 =	vor.u32 $0x4, v11;
	v25 =	vld.idx.msk [tilespmem:v6+s13+$0x0], $0xffff;
	[tilespmem:s4+$0x20] =	vst v20  }
0x4ed: {  	v22 =	vor.u32 $0x1, v26;
	v31 =	vor.u32 $0x6, v8;
	v27 =	vld.idx.msk [tilespmem:v16+s13+$0x0], $0xffff;
	[tilespmem:s0+$0x60] =	vst v9  }
0x4ee: {  	v29 =	vor.u32 $0x1, v6;
	v17 =	vor.u32 $0x4, v18;
	v14 =	vor.u32 $0x5, v11;
	[tilespmem:s1+$0x40] =	vst v10;
	v30 =	vld.idx.msk [tilespmem:v7+s13+$0x0], $0xffff  }
0x4ef: {  	v19 =	vor.u32 $0x3, v18;
	v20 =	vor.u32 $0x2, v26;
	v10 =	vor.u32 $0x7, v8;
	[tilespmem:s0+$0xFFFFFFD0] =	vst v13;
	v24 =	vld.idx.msk [tilespmem:v21+s13+$0x0], $0xffff  }
0x4f0: {  	s6 =	simm.s32 $0x5380;
	v8 =	vor.u32 $0x7, v18;
	v21 =	vor.u32 $0x3, v26;
	v16 =	vor.u32 $0x5, v26;
	[tilespmem:s1+$0xFFFFFFB0] =	vst v12;
	v23 =	vld.idx.msk [tilespmem:v15+s13+$0x0], $0xffff  }
0x4f1: {  	v13 =	vor.u32 $0x6, v26;
	v9 =	vor.u32 $0x6, v11;
	[tilespmem:s6+$0x0] =	vst v25;
	v25 =	vld.idx.msk [tilespmem:v28+s13+$0x0], $0xffff;
	v28 =	vor.u32 $0x6, v4  }
0x4f2: {  	v15 =	vor.u32 $0x5, v18;
	v12 =	vor.u32 $0x6, v18;
	v18 =	vor.u32 $0x4, v26  }
0x4f3: {  	v7 =	vor.u32 $0x7, v11;
	v11 =	vor.u32 $0x7, v26;
	v26 =	vld.idx.msk [tilespmem:v31+s13+$0x0], $0xffff;
	[tilespmem:s0+$0x70] =	vst v30;
	v30 =	vor.u32 $0x4, v5  }
0x4f4: {  	s10 =	simm.s32 $0x6;
	s5 =	simm.s32 $0x5380;
	[tilespmem:s6+$0xFFFFFF80] =	vst v63;
	v29 =	vld.idx.msk [tilespmem:v29+s13+$0x0], $0xffff  }
.LBB2_19:
0x4f5: {  	s11 =	sshll.u32 s10, $0x3;
	s10 =	sadd.s32 $0x2, s10;
	v31 =	vld.idx.msk [tilespmem:v22+s13+$0x0], $0xffff;
	v32 =	vor.u32 $0x2, v6;
	[tilespmem:s1+$0x50] =	vst v23  }
0x4f6: {  	s12 =	sadd.s32 $0x410, s11;
	s11 =	sadd.s32 $0x418, s11;
	p1 =	slt.u32 s10, $0x7E;
	[tilespmem:s4+$0xFFFFFFA0] =	vst v27;
	v23 =	vld.idx.msk [tilespmem:v28+s13+$0x0], $0xffff  }
0x4f7: {  	v27 =	vmov s12;
	v28 =	vmov s11;
	v33 =	vld.idx.msk [tilespmem:v19+s13+$0x0], $0xffff;
	[tilespmem:s4+$0x30] =	vst v24;
	v19 =	vmov v21  }
0x4f8: {  	v22 =	vor.u32 $0x1, v27;
	v24 =	vor.u32 $0x2, v27;
	v30 =	vld.idx.msk [tilespmem:v30+s13+$0x0], $0xffff;
	[tilespmem:s1+$0xFFFFFFC0] =	vst v25;
	v25 =	vor.u32 $0x7, v4;
	v4 =	vmovc v5;
	v5 =	vmovc v6  }
0x4f9: {  	v21 =	vor.u32 $0x3, v27;
	v34 =	vor.u32 $0x4, v27;
	v35 =	vor.u32 $0x5, v27;
	v6 =	vmovc v28;
	[tilespmem:s6+$0x10] =	vst v29;
	v29 =	vld.idx.msk [tilespmem:v14+s13+$0x0], $0xffff;
	v14 =	vmovc v15  }
0x4fa: {  	v36 =	vor.u32 $0x6, v27;
	v37 =	vor.u32 $0x7, v27;
	v38 =	vor.u32 $0x5, v4;
	v15 =	vmovc v16;
	v16 =	vmovc v35;
	v32 =	vld.idx.msk [tilespmem:v32+s13+$0x0], $0xffff;
	[tilespmem:s0+$0xFFFFFFE0] =	vst v26  }
0x4fb: {  	[tilespmem:s6+$0xFFFFFF90] =	vst v31;
	v26 =	vld.idx.msk [tilespmem:v10+s13+$0x0], $0xffff;
	v10 =	vmovc v7;
	v7 =	vmov v8;
	v8 =	vmov v11;
	v11 =	vmov v37  }
0x4fc: {  	v31 =	vld.idx.msk [tilespmem:v28+s13+$0x0], $0xffff;
	v28 =	vor.u32 $0x3, v5;
	[tilespmem:s1+$0x60] =	vst v23  }
0x4fd: {  	[tilespmem:s4+$0xFFFFFFB0] =	vst v33;
	v33 =	vld.idx.msk [tilespmem:v25+s13+$0x0], $0xffff  }
0x4fe: {  	v37 =	vor.u32 $0x1, v6;
	v35 =	vld.idx.msk [tilespmem:v27+s13+$0x0], $0xffff;
	[tilespmem:s4+$0x40] =	vst v30  }
0x4ff: {  	v23 =	vld.idx.msk [tilespmem:v38+s13+$0x0], $0xffff;
	[tilespmem:s1+$0xFFFFFFD0] =	vst v29  }
.Ltmp9:
0x500: {  	v27 =	vld.idx.msk [tilespmem:v20+s13+$0x0], $0xffff;
	[tilespmem:s6+$0x20] =	vst v32;
	v20 =	vmov v24;
	(pc) =	sbr.rel @p1 .LBB2_19-.Ltmp9, $4  }
0x501: {  	s6 =	sadd.s32 $0x100, s6;
	v24 =	vld.idx.msk [tilespmem:v28+s13+$0x0], $0xffff;
	v28 =	vor.u32 $0x6, v4;
	[tilespmem:s0+$0xFFFFFFF0] =	vst v26;
	s0 =	smov.u32 s1;
	s1 =	smov.u32 s4  }
0x502: {  	s4 =	smov.u32 s5;
	s5 =	smov.u32 s6;
	[tilespmem:s6+$0x0] =	vst v31;
	v25 =	vld.idx.msk [tilespmem:v17+s13+$0x0], $0xffff;
	v17 =	vmov v18;
	v18 =	vmov v34  }
0x503: {  	v30 =	vor.u32 $0x4, v5;
	v29 =	vld.idx.msk [tilespmem:v37+s13+$0x0], $0xffff;
	[tilespmem:s0+$0x70] =	vst v33  }
0x504: {  	[tilespmem:s6+$0xFFFFFF80] =	vst v35;
	v26 =	vld.idx.msk [tilespmem:v9+s13+$0x0], $0xffff;
	v9 =	vmov v12;
	v12 =	vmov v13;
	v13 =	vmov v36  }
0x505: {  	_ =	sdelay $0x3  }
0x506: {  	v22 =	vld.idx.msk [tilespmem:v22+s13+$0x0], $0xffff;
	v31 =	vor.u32 $0x2, v6;
	_ =	sdelay $0x3  }
0x507: {  	[tilespmem:s6+$0x10] =	vst v29  }
0x508: {  	v29 =	vld.idx.msk [tilespmem:v31+s13+$0x0], $0xffff;
	[tilespmem:s6+$0xFFFFFF90] =	vst v22  }
0x509: {  	v22 =	vor.u32 $0x3, v6;
	v20 =	vld.idx.msk [tilespmem:v20+s13+$0x0], $0xffff;
	_ =	sdelay $0x2  }
0x50a: {  	[tilespmem:s4+$0xFFFFFFA0] =	vst v27  }
0x50b: {  	v19 =	vld.idx.msk [tilespmem:v19+s13+$0x0], $0xffff;
	[tilespmem:s6+$0x20] =	vst v29  }
0x50c: {  	v22 =	vld.idx.msk [tilespmem:v22+s13+$0x0], $0xffff;
	[tilespmem:s5+$0xFFFFFFA0] =	vst v20  }
0x50d: {  	v20 =	vor.u32 $0x4, v6;
	v21 =	vld.idx.msk [tilespmem:v21+s13+$0x0], $0xffff  }
0x50e: {  	[tilespmem:s1+$0x50] =	vst v23  }
0x50f: {  	[tilespmem:s4+$0x30] =	vst v24  }
0x510: {  	v23 =	vld.idx.msk [tilespmem:v30+s13+$0x0], $0xffff;
	[tilespmem:s4+$0xFFFFFFB0] =	vst v19  }
0x511: {  	v19 =	vor.u32 $0x5, v5;
	v17 =	vld.idx.msk [tilespmem:v17+s13+$0x0], $0xffff;
	[tilespmem:s5+$0x30] =	vst v22  }
0x512: {  	v20 =	vld.idx.msk [tilespmem:v20+s13+$0x0], $0xffff;
	[tilespmem:s5+$0xFFFFFFB0] =	vst v21  }
0x513: {  	[tilespmem:s1+$0xFFFFFFC0] =	vst v25;
	v21 =	vor.u32 $0x5, v6;
	v18 =	vld.idx.msk [tilespmem:v18+s13+$0x0], $0xffff  }
0x514: {  	v14 =	vld.idx.msk [tilespmem:v14+s13+$0x0], $0xffff;
	[tilespmem:s0+$0xFFFFFFE0] =	vst v26  }
0x515: {  	v10 =	vld.idx.msk [tilespmem:v10+s13+$0x0], $0xffff;
	[tilespmem:s4+$0x40] =	vst v23  }
0x516: {  	v19 =	vld.idx.msk [tilespmem:v19+s13+$0x0], $0xffff;
	[tilespmem:s4+$0xFFFFFFC0] =	vst v17  }
0x517: {  	v17 =	vor.u32 $0x6, v5;
	v15 =	vld.idx.msk [tilespmem:v15+s13+$0x0], $0xffff;
	[tilespmem:s5+$0x40] =	vst v20  }
0x518: {  	v20 =	vld.idx.msk [tilespmem:v21+s13+$0x0], $0xffff;
	[tilespmem:s5+$0xFFFFFFC0] =	vst v18  }
0x519: {  	[tilespmem:s1+$0xFFFFFFD0] =	vst v14;
	v18 =	vor.u32 $0x6, v6;
	v16 =	vld.idx.msk [tilespmem:v16+s13+$0x0], $0xffff  }
0x51a: {  	[tilespmem:s0+$0xFFFFFFF0] =	vst v10;
	v22 =	vld.idx.msk [tilespmem:v28+s13+$0x0], $0xffff  }
0x51b: {  	v4 =	vor.u32 $0x7, v4;
	v9 =	vld.idx.msk [tilespmem:v9+s13+$0x0], $0xffff;
	[tilespmem:s4+$0x50] =	vst v19  }
0x51c: {  	v14 =	vld.idx.msk [tilespmem:v17+s13+$0x0], $0xffff;
	[tilespmem:s4+$0xFFFFFFD0] =	vst v15  }
0x51d: {  	v5 =	vor.u32 $0x7, v5;
	v12 =	vld.idx.msk [tilespmem:v12+s13+$0x0], $0xffff;
	[tilespmem:s5+$0x50] =	vst v20  }
0x51e: {  	v15 =	vld.idx.msk [tilespmem:v18+s13+$0x0], $0xffff;
	[tilespmem:s5+$0xFFFFFFD0] =	vst v16  }
0x51f: {  	[tilespmem:s1+$0x60] =	vst v22;
	v6 =	vor.u32 $0x7, v6;
	v10 =	vld.idx.msk [tilespmem:v13+s13+$0x0], $0xffff  }
0x520: {  	[tilespmem:s1+$0xFFFFFFE0] =	vst v9;
	v4 =	vld.idx.msk [tilespmem:v4+s13+$0x0], $0xffff  }
0x521: {  	v7 =	vld.idx.msk [tilespmem:v7+s13+$0x0], $0xffff;
	[tilespmem:s4+$0x60] =	vst v14  }
0x522: {  	v5 =	vld.idx.msk [tilespmem:v5+s13+$0x0], $0xffff;
	[tilespmem:s4+$0xFFFFFFE0] =	vst v12  }
0x523: {  	v8 =	vld.idx.msk [tilespmem:v8+s13+$0x0], $0xffff;
	[tilespmem:s5+$0x60] =	vst v15  }
0x524: {  	v6 =	vld.idx.msk [tilespmem:v6+s13+$0x0], $0xffff;
	[tilespmem:s5+$0xFFFFFFE0] =	vst v10  }
0x525: {  	[tilespmem:s1+$0x70] =	vst v4;
	v4 =	vld.idx.msk [tilespmem:v11+s13+$0x0], $0xffff  }
0x526: {  	[tilespmem:s1+$0xFFFFFFF0] =	vst v7  }
0x527: {  	[tilespmem:s4+$0x70] =	vst v5  }
0x528: {  	[tilespmem:s4+$0xFFFFFFF0] =	vst v8  }
0x529: {  	[tilespmem:s5+$0x70] =	vst v6  }
0x52a: {  	s14 =	simm.s32 $0x808;
	[tilespmem:s5+$0xFFFFFFF0] =	vst v4  }
0x52b: {  	s17 =	simm.s32 $0x5000;
	v7 =	vmov s14;
	s16 =	rddreg [dreg:$0xb]  }
0x52c: {  	[hbm4b:s16+s20] =	stream.linear.scatter [tilespmem:s17], [sflag:$0x5], $0x4000, $0x38;
	[tilespmem:$0x1ABC8] =	vst v63  }
0x52d: {  	_ =	swait.ge [sflag:s8], $0x4000  }
0x52e: {  	[sflag:s8] =	ssyncset.done $0x0  }
0x52f: {  	s18 =	simm.s32 $0x800;
	[sflag:s8] =	ssyncadd.s32 $0xFFFFC000  }
0x530: {  	v8 =	vmov s18;
	v4 =	vld.idx.msk [tilespmem:v7+s13+$0x0], $0xffff;
	_ =	sdelay $0x1  }
0x531: {  	v5 =	vor.u32 $0x1, v7;
	_ =	sdelay $0x1  }
0x532: {  	s19 =	simm.s32 $0x818;
	s0 =	simm.s32 $0x5080  }
0x533: {  	v9 =	vld.idx.msk [tilespmem:v8+s13+$0x0], $0xffff;
	[tilespmem:s0+$0x0] =	vst v4;
	v4 =	vmov s19  }
0x534: {  	v10 =	vor.u32 $0x1, v8  }
0x535: {  	v5 =	vld.idx.msk [tilespmem:v5+s13+$0x0], $0xffff  }
0x536: {  	v6 =	vor.u32 $0x2, v7;
	_ =	sdelay $0x1  }
0x537: {  	[tilespmem:s0+$0xFFFFFF80] =	vst v9;
	v9 =	vld.idx.msk [tilespmem:v4+s13+$0x0], $0xffff  }
0x538: {  	v10 =	vld.idx.msk [tilespmem:v10+s13+$0x0], $0xffff;
	v12 =	vor.u32 $0x1, v4  }
0x539: {  	v13 =	vor.u32 $0x2, v8;
	[tilespmem:s0+$0x10] =	vst v5  }
0x53a: {  	v5 =	vld.idx.msk [tilespmem:v6+s13+$0x0], $0xffff  }
0x53b: {  	s21 =	simm.s32 $0x810;
	s1 =	simm.s32 $0x5180;
	v6 =	vor.u32 $0x3, v7  }
0x53c: {  	v11 =	vmov s21;
	[tilespmem:s1+$0x0] =	vst v9  }
0x53d: {  	[tilespmem:s0+$0xFFFFFF90] =	vst v10;
	v10 =	vld.idx.msk [tilespmem:v12+s13+$0x0], $0xffff  }
0x53e: {  	v12 =	vld.idx.msk [tilespmem:v13+s13+$0x0], $0xffff;
	v13 =	vor.u32 $0x2, v4  }
0x53f: {  	s22 =	simm.s32 $0x828;
	v16 =	vor.u32 $0x3, v8;
	[tilespmem:s0+$0x20] =	vst v5  }
0x540: {  	v5 =	vmov s22;
	v6 =	vld.idx.msk [tilespmem:v6+s13+$0x0], $0xffff  }
0x541: {  	v14 =	vld.idx.msk [tilespmem:v11+s13+$0x0], $0xffff;
	v9 =	vor.u32 $0x4, v7  }
0x542: {  	v15 =	vor.u32 $0x1, v11;
	[tilespmem:s1+$0x10] =	vst v10  }
0x543: {  	[tilespmem:s0+$0xFFFFFFA0] =	vst v12;
	v12 =	vld.idx.msk [tilespmem:v13+s13+$0x0], $0xffff  }
0x544: {  	s23 =	simm.s32 $0x820;
	v13 =	vld.idx.msk [tilespmem:v16+s13+$0x0], $0xffff  }
0x545: {  	v18 =	vmov s23;
	v17 =	vld.idx.msk [tilespmem:v5+s13+$0x0], $0xffff;
	[tilespmem:s0+$0x30] =	vst v6  }
0x546: {  	[tilespmem:s1+$0xFFFFFF80] =	vst v14;
	v20 =	vor.u32 $0x1, v5;
	v6 =	vld.idx.msk [tilespmem:v9+s13+$0x0], $0xffff  }
0x547: {  	v9 =	vld.idx.msk [tilespmem:v15+s13+$0x0], $0xffff;
	v15 =	vor.u32 $0x3, v4  }
0x548: {  	v16 =	vor.u32 $0x4, v8  }
0x549: {  	s4 =	simm.s32 $0x5280;
	v10 =	vor.u32 $0x5, v7  }
0x54a: {  	v19 =	vld.idx.msk [tilespmem:v18+s13+$0x0], $0xffff;
	v14 =	vor.u32 $0x2, v11;
	[tilespmem:s4+$0x0] =	vst v17  }
0x54b: {  	[tilespmem:s1+$0x20] =	vst v12;
	v20 =	vld.idx.msk [tilespmem:v20+s13+$0x0], $0xffff  }
0x54c: {  	[tilespmem:s0+$0xFFFFFFB0] =	vst v13;
	v13 =	vld.idx.msk [tilespmem:v15+s13+$0x0], $0xffff  }
0x54d: {  	[tilespmem:s0+$0x40] =	vst v6;
	v6 =	vor.u32 $0x1, v18;
	v15 =	vld.idx.msk [tilespmem:v16+s13+$0x0], $0xffff  }
0x54e: {  	v21 =	vor.u32 $0x2, v5;
	[tilespmem:s1+$0xFFFFFF90] =	vst v9;
	v9 =	vld.idx.msk [tilespmem:v10+s13+$0x0], $0xffff  }
0x54f: {  	v16 =	vor.u32 $0x4, v4;
	v10 =	vld.idx.msk [tilespmem:v14+s13+$0x0], $0xffff  }
0x550: {  	s25 =	simm.s32 $0x830;
	[tilespmem:s4+$0xFFFFFF80] =	vst v19;
	v12 =	vor.u32 $0x6, v7  }
0x551: {  	v26 =	vmov s25;
	[tilespmem:s4+$0x10] =	vst v20  }
0x552: {  	v17 =	vor.u32 $0x5, v8;
	v19 =	vld.idx.msk [tilespmem:v6+s13+$0x0], $0xffff;
	[tilespmem:s1+$0x30] =	vst v13  }
0x553: {  	s24 =	simm.s32 $0x838;
	v14 =	vor.u32 $0x3, v11;
	v20 =	vld.idx.msk [tilespmem:v21+s13+$0x0], $0xffff;
	[tilespmem:s0+$0x50] =	vst v9  }
0x554: {  	v6 =	vmov s24;
	[tilespmem:s1+$0xFFFFFFA0] =	vst v10;
	v10 =	vld.idx.msk [tilespmem:v16+s13+$0x0], $0xffff  }
0x555: {  	v16 =	vor.u32 $0x2, v18;
	v9 =	vld.idx.msk [tilespmem:v12+s13+$0x0], $0xffff  }
0x556: {  	v32 =	vld.idx.msk [tilespmem:v26+s13+$0x0], $0xffff;
	v7 =	vor.u32 $0x7, v7;
	[tilespmem:s0+$0xFFFFFFC0] =	vst v15  }
0x557: {  	v21 =	vor.u32 $0x3, v5;
	v13 =	vld.idx.msk [tilespmem:v17+s13+$0x0], $0xffff  }
0x558: {  	v15 =	vor.u32 $0x5, v4;
	v12 =	vld.idx.msk [tilespmem:v14+s13+$0x0], $0xffff;
	[tilespmem:s4+$0xFFFFFF90] =	vst v19  }
0x559: {  	v28 =	vor.u32 $0x4, v11;
	v25 =	vld.idx.msk [tilespmem:v6+s13+$0x0], $0xffff;
	[tilespmem:s4+$0x20] =	vst v20  }
0x55a: {  	v22 =	vor.u32 $0x1, v26;
	v31 =	vor.u32 $0x6, v8;
	v27 =	vld.idx.msk [tilespmem:v16+s13+$0x0], $0xffff;
	[tilespmem:s0+$0x60] =	vst v9  }
0x55b: {  	v29 =	vor.u32 $0x1, v6;
	v17 =	vor.u32 $0x4, v18;
	v14 =	vor.u32 $0x5, v11;
	[tilespmem:s1+$0x40] =	vst v10;
	v30 =	vld.idx.msk [tilespmem:v7+s13+$0x0], $0xffff  }
0x55c: {  	v19 =	vor.u32 $0x3, v18;
	v20 =	vor.u32 $0x2, v26;
	v10 =	vor.u32 $0x7, v8;
	[tilespmem:s0+$0xFFFFFFD0] =	vst v13;
	v24 =	vld.idx.msk [tilespmem:v21+s13+$0x0], $0xffff  }
0x55d: {  	s6 =	simm.s32 $0x5380;
	v8 =	vor.u32 $0x7, v18;
	v21 =	vor.u32 $0x3, v26;
	v16 =	vor.u32 $0x5, v26;
	[tilespmem:s1+$0xFFFFFFB0] =	vst v12;
	v23 =	vld.idx.msk [tilespmem:v15+s13+$0x0], $0xffff  }
0x55e: {  	v13 =	vor.u32 $0x6, v26;
	v9 =	vor.u32 $0x6, v11;
	[tilespmem:s6+$0x0] =	vst v25;
	v25 =	vld.idx.msk [tilespmem:v28+s13+$0x0], $0xffff;
	v28 =	vor.u32 $0x6, v4  }
0x55f: {  	v15 =	vor.u32 $0x5, v18;
	v12 =	vor.u32 $0x6, v18;
	v18 =	vor.u32 $0x4, v26  }
0x560: {  	v7 =	vor.u32 $0x7, v11;
	v11 =	vor.u32 $0x7, v26;
	v26 =	vld.idx.msk [tilespmem:v31+s13+$0x0], $0xffff;
	[tilespmem:s0+$0x70] =	vst v30;
	v30 =	vor.u32 $0x4, v5  }
0x561: {  	s10 =	simm.s32 $0x6;
	s5 =	simm.s32 $0x5380;
	[tilespmem:s6+$0xFFFFFF80] =	vst v32;
	v29 =	vld.idx.msk [tilespmem:v29+s13+$0x0], $0xffff  }
.LBB2_21:
0x562: {  	s11 =	sshll.u32 s10, $0x3;
	s10 =	sadd.s32 $0x2, s10;
	v31 =	vld.idx.msk [tilespmem:v22+s13+$0x0], $0xffff;
	v32 =	vor.u32 $0x2, v6;
	[tilespmem:s1+$0x50] =	vst v23  }
0x563: {  	s12 =	sadd.s32 $0x810, s11;
	s11 =	sadd.s32 $0x818, s11;
	p1 =	slt.u32 s10, $0x3E;
	[tilespmem:s4+$0xFFFFFFA0] =	vst v27;
	v23 =	vld.idx.msk [tilespmem:v28+s13+$0x0], $0xffff  }
0x564: {  	v27 =	vmov s12;
	v28 =	vmov s11;
	v33 =	vld.idx.msk [tilespmem:v19+s13+$0x0], $0xffff;
	[tilespmem:s4+$0x30] =	vst v24;
	v19 =	vmov v21  }
0x565: {  	v22 =	vor.u32 $0x1, v27;
	v24 =	vor.u32 $0x2, v27;
	v30 =	vld.idx.msk [tilespmem:v30+s13+$0x0], $0xffff;
	[tilespmem:s1+$0xFFFFFFC0] =	vst v25;
	v25 =	vor.u32 $0x7, v4;
	v4 =	vmovc v5;
	v5 =	vmovc v6  }
0x566: {  	v21 =	vor.u32 $0x3, v27;
	v34 =	vor.u32 $0x4, v27;
	v35 =	vor.u32 $0x5, v27;
	v6 =	vmovc v28;
	[tilespmem:s6+$0x10] =	vst v29;
	v29 =	vld.idx.msk [tilespmem:v14+s13+$0x0], $0xffff;
	v14 =	vmovc v15  }
0x567: {  	v36 =	vor.u32 $0x6, v27;
	v37 =	vor.u32 $0x7, v27;
	v38 =	vor.u32 $0x5, v4;
	v15 =	vmovc v16;
	v16 =	vmovc v35;
	v32 =	vld.idx.msk [tilespmem:v32+s13+$0x0], $0xffff;
	[tilespmem:s0+$0xFFFFFFE0] =	vst v26  }
0x568: {  	[tilespmem:s6+$0xFFFFFF90] =	vst v31;
	v26 =	vld.idx.msk [tilespmem:v10+s13+$0x0], $0xffff;
	v10 =	vmovc v7;
	v7 =	vmov v8;
	v8 =	vmov v11;
	v11 =	vmov v37  }
0x569: {  	v31 =	vld.idx.msk [tilespmem:v28+s13+$0x0], $0xffff;
	v28 =	vor.u32 $0x3, v5;
	[tilespmem:s1+$0x60] =	vst v23  }
0x56a: {  	[tilespmem:s4+$0xFFFFFFB0] =	vst v33;
	v33 =	vld.idx.msk [tilespmem:v25+s13+$0x0], $0xffff  }
0x56b: {  	v37 =	vor.u32 $0x1, v6;
	v35 =	vld.idx.msk [tilespmem:v27+s13+$0x0], $0xffff;
	[tilespmem:s4+$0x40] =	vst v30  }
0x56c: {  	v23 =	vld.idx.msk [tilespmem:v38+s13+$0x0], $0xffff;
	[tilespmem:s1+$0xFFFFFFD0] =	vst v29  }
.Ltmp10:
0x56d: {  	v27 =	vld.idx.msk [tilespmem:v20+s13+$0x0], $0xffff;
	[tilespmem:s6+$0x20] =	vst v32;
	v20 =	vmov v24;
	(pc) =	sbr.rel @p1 .LBB2_21-.Ltmp10, $4  }
0x56e: {  	s6 =	sadd.s32 $0x100, s6;
	v24 =	vld.idx.msk [tilespmem:v28+s13+$0x0], $0xffff;
	v28 =	vor.u32 $0x6, v4;
	[tilespmem:s0+$0xFFFFFFF0] =	vst v26;
	s0 =	smov.u32 s1;
	s1 =	smov.u32 s4  }
0x56f: {  	s4 =	smov.u32 s5;
	s5 =	smov.u32 s6;
	[tilespmem:s6+$0x0] =	vst v31;
	v25 =	vld.idx.msk [tilespmem:v17+s13+$0x0], $0xffff;
	v17 =	vmov v18;
	v18 =	vmov v34  }
0x570: {  	v30 =	vor.u32 $0x4, v5;
	v29 =	vld.idx.msk [tilespmem:v37+s13+$0x0], $0xffff;
	[tilespmem:s0+$0x70] =	vst v33  }
0x571: {  	[tilespmem:s6+$0xFFFFFF80] =	vst v35;
	v26 =	vld.idx.msk [tilespmem:v9+s13+$0x0], $0xffff;
	v9 =	vmov v12;
	v12 =	vmov v13;
	v13 =	vmov v36  }
0x572: {  	_ =	sdelay $0x3  }
0x573: {  	v22 =	vld.idx.msk [tilespmem:v22+s13+$0x0], $0xffff;
	v31 =	vor.u32 $0x2, v6;
	_ =	sdelay $0x3  }
0x574: {  	[tilespmem:s6+$0x10] =	vst v29  }
0x575: {  	v29 =	vld.idx.msk [tilespmem:v31+s13+$0x0], $0xffff;
	[tilespmem:s6+$0xFFFFFF90] =	vst v22  }
0x576: {  	v52 =	vor.u32 $0x3, v6;
	v20 =	vld.idx.msk [tilespmem:v20+s13+$0x0], $0xffff;
	_ =	sdelay $0x2  }
0x577: {  	[tilespmem:s4+$0xFFFFFFA0] =	vst v27  }
0x578: {  	v19 =	vld.idx.msk [tilespmem:v19+s13+$0x0], $0xffff;
	[tilespmem:s6+$0x20] =	vst v29  }
0x579: {  	v22 =	vld.idx.msk [tilespmem:v52+s13+$0x0], $0xffff;
	[tilespmem:s5+$0xFFFFFFA0] =	vst v20  }
0x57a: {  	v53 =	vor.u32 $0x4, v6;
	v21 =	vld.idx.msk [tilespmem:v21+s13+$0x0], $0xffff  }
0x57b: {  	[tilespmem:s1+$0x50] =	vst v23  }
0x57c: {  	[tilespmem:s4+$0x30] =	vst v24  }
0x57d: {  	v54 =	vld.idx.msk [tilespmem:v30+s13+$0x0], $0xffff;
	[tilespmem:s4+$0xFFFFFFB0] =	vst v19  }
0x57e: {  	v55 =	vor.u32 $0x5, v5;
	v17 =	vld.idx.msk [tilespmem:v17+s13+$0x0], $0xffff;
	[tilespmem:s5+$0x30] =	vst v22  }
0x57f: {  	v20 =	vld.idx.msk [tilespmem:v53+s13+$0x0], $0xffff;
	[tilespmem:s5+$0xFFFFFFB0] =	vst v21  }
0x580: {  	v56 =	vor.u32 $0x5, v6;
	[tilespmem:s1+$0xFFFFFFC0] =	vst v25;
	v18 =	vld.idx.msk [tilespmem:v18+s13+$0x0], $0xffff  }
0x581: {  	v57 =	vld.idx.msk [tilespmem:v28+s13+$0x0], $0xffff;
	[tilespmem:s0+$0xFFFFFFE0] =	vst v26  }
0x582: {  	v14 =	vld.idx.msk [tilespmem:v14+s13+$0x0], $0xffff;
	[tilespmem:s4+$0x40] =	vst v54  }
0x583: {  	v19 =	vld.idx.msk [tilespmem:v55+s13+$0x0], $0xffff;
	[tilespmem:s4+$0xFFFFFFC0] =	vst v17  }
0x584: {  	v58 =	vor.u32 $0x6, v5;
	v15 =	vld.idx.msk [tilespmem:v15+s13+$0x0], $0xffff;
	[tilespmem:s5+$0x40] =	vst v20  }
0x585: {  	v20 =	vld.idx.msk [tilespmem:v56+s13+$0x0], $0xffff;
	[tilespmem:s5+$0xFFFFFFC0] =	vst v18  }
0x586: {  	v59 =	vor.u32 $0x6, v6;
	[tilespmem:s1+$0x60] =	vst v57;
	v16 =	vld.idx.msk [tilespmem:v16+s13+$0x0], $0xffff  }
0x587: {  	v10 =	vld.idx.msk [tilespmem:v10+s13+$0x0], $0xffff;
	[tilespmem:s1+$0xFFFFFFD0] =	vst v14  }
0x588: {  	v4 =	vor.u32 $0x7, v4;
	v9 =	vld.idx.msk [tilespmem:v9+s13+$0x0], $0xffff;
	[tilespmem:s4+$0x50] =	vst v19  }
0x589: {  	v60 =	vld.idx.msk [tilespmem:v58+s13+$0x0], $0xffff;
	[tilespmem:s4+$0xFFFFFFD0] =	vst v15  }
0x58a: {  	v5 =	vor.u32 $0x7, v5;
	v12 =	vld.idx.msk [tilespmem:v12+s13+$0x0], $0xffff;
	[tilespmem:s5+$0x50] =	vst v20  }
0x58b: {  	v61 =	vld.idx.msk [tilespmem:v59+s13+$0x0], $0xffff;
	[tilespmem:s5+$0xFFFFFFD0] =	vst v16  }
0x58c: {  	v62 =	vor.u32 $0x7, v6;
	[tilespmem:s0+$0xFFFFFFF0] =	vst v10;
	v63 =	vld.idx.msk [tilespmem:v13+s13+$0x0], $0xffff  }
0x58d: {  	v4 =	vld.idx.msk [tilespmem:v4+s13+$0x0], $0xffff;
	[tilespmem:s1+$0xFFFFFFE0] =	vst v9  }
0x58e: {  	v7 =	vld.idx.msk [tilespmem:v7+s13+$0x0], $0xffff;
	[tilespmem:s4+$0x60] =	vst v60  }
0x58f: {  	v5 =	vld.idx.msk [tilespmem:v5+s13+$0x0], $0xffff;
	[tilespmem:s4+$0xFFFFFFE0] =	vst v12  }
0x590: {  	v8 =	vld.idx.msk [tilespmem:v8+s13+$0x0], $0xffff;
	[tilespmem:s5+$0x60] =	vst v61  }
0x591: {  	v6 =	vld.idx.msk [tilespmem:v62+s13+$0x0], $0xffff;
	[tilespmem:s5+$0xFFFFFFE0] =	vst v63  }
0x592: {  	[tilespmem:s1+$0x70] =	vst v4;
	v4 =	vld.idx.msk [tilespmem:v11+s13+$0x0], $0xffff  }
0x593: {  	[tilespmem:s1+$0xFFFFFFF0] =	vst v7  }
0x594: {  	[tilespmem:s4+$0x70] =	vst v5  }
0x595: {  	[tilespmem:s4+$0xFFFFFFF0] =	vst v8  }
0x596: {  	[tilespmem:s5+$0x70] =	vst v6  }
0x597: {  	[tilespmem:s5+$0xFFFFFFF0] =	vst v4  }
0x598: {  	s23 =	simm.s32 $0x5000;
	s0 =	rddreg [dreg:$0xc]  }
0x599: {  	[hbm4b:s0+s20] =	stream.linear.scatter [tilespmem:s23], [sflag:$0x5], $0x2000, $0x38;
	[tilespmem:$0x1ABC8] =	vst v63  }
0x59a: {  	_ =	swait.ge [sflag:s8], $0x2000  }
0x59b: {  	s24 =	rddreg [dreg:$0x18]  }
0x59c: {  	s25 =	rddreg [dreg:$0x15];
	s1 =	sadd.s32 $0x1, s24  }
0x59d: {  	p1 =	sne.s32 s1, s25  }
.Ltmp11:
0x59e: {  	_ = 	snop;
	(pc) =	sbr.rel @p1 .LBB2_1-.Ltmp11, $3  }
0x59f: {  	_ =	sdelay $0x1  }
0x5a0: {  	[sflag:s8] =	ssyncset.done $0x0  }
0x5a1: {  	s10 =	simm.s32 $0x2800;
	[sflag:s8] =	ssyncadd.s32 $0xFFFFE000  }
0x5a2: {  	_ =	sfence.sel $0x180000  }
0x5a3: {  	[bflag:$0x0] =	sbarrier.arrive $0xFFFF  }
0x5a4: {  	_ =	strace $0x90000047  }
0x5a5: {  	s0 =	stileid.u32;
	[bflag:$0x2] =	sbarrier.arrive $0xFFFF  }
0x5a6: {  	p0 =	sne.s32 s0, $0x0;
	s0 =	rddreg [dreg:$0x6]  }
0x5a7: {  	s0 =	sadd.s32 @!p0 $0x100000, s0  }
0x5a8: {  	[sflag:s0] =	ssyncadd.tile.s32 @!p0 $0x1;
	_ =	shalt  }
.Lfunc_end2:
_tile_overlayer_lowered:
.L_overlay_start_2:
0x5a9: {  	(tag) =	ssettag $0x2  }
0x5aa: {  	s0 =	rddreg [dreg:$0x0];
	s2 =	stileid.u32  }
0x5ab: {  	s1 =	rddreg [dreg:$0x1];
	p0 =	sne.s32 s2, $0x0  }
0x5ac: {  	s3 =	rddreg [dreg:$0x2];
	[bflag:$0x3] =	sbarrier.arrive $0xFFFF;
	s2 =	simm.s32 @!p0 $0x1C05  }
0x5ad: {  	[timem:s3], [sflag:s2] =	dma.local @!p0 [hbm:s0], s1  }
0x5ae: {  	s0 =	simm.s32 @!p0 $0x5  }
0x5af: {  	_ =	swait.ge @!p0 [sflag:s0], s1  }
0x5b0: {  	s1 =	ssub.s32 @!p0 $0x0, s1;
	[sflag:s0] =	ssyncset.done @!p0 $0x0  }
0x5b1: {  	[sflag:s0] =	ssyncadd.s32 @!p0 s1  }
0x5b2: {  	[bflag:$0x3] =	sbarrier.arrive $0xFFFF  }
0x5b3: {  	_ =	shalt  }

</sc_bundles>
